<compile_context>
chip_gen: v7x
topology: tpu7x:2x2x1
jax: 0.10.2.dev20260603
libtpu: 0.0.44.dev20260713+nightly
codegen_flags: <defaults>
</compile_context>

<pallas_src>
import functools

import jax
import jax.numpy as jnp
from jax import lax
from jax.experimental import pallas as pl
from jax.experimental.pallas import tpu as pltpu
from jax.experimental.pallas import tpu_sc as plsc

DOUT = 64
BATCH = 16384
K = 36
ROWS = 769

NC = 2
NS = 16
NW = NC * NS
BPW = BATCH // NW
CB = 8
NCH = BPW // CB
NBUF = 4
DPAD = 64


def _table_body(tiles, coord, piece, row, col, tcol, out):
    shp = (12, 8, 8, DOUT)
    i0 = lax.broadcasted_iota(jnp.int32, shp, 0)
    i1 = lax.broadcasted_iota(jnp.int32, shp, 1)
    i2 = lax.broadcasted_iota(jnp.int32, shp, 2)
    special = ((i0 % 6) == 0) & ((i1 == 0) | (i1 == 7))
    white = ((i1 + i2) % 2) == 0
    f = coord[...] + piece[...] + row[...] + col[...] + jnp.where(
        white, tcol[...], jnp.float32(0.0))
    out[...] = jnp.where(special, jnp.float32(0.0), f) + tiles[...]


def _build_table(tiles, coord, piece, row, col, tilecolor):
    w4 = pl.pallas_call(
        _table_body,
        out_shape=jax.ShapeDtypeStruct((12, 8, 8, DOUT), jnp.float32),
    )(tiles, coord, piece, row, col, tilecolor)
    w = w4.reshape(768, DOUT)
    return jnp.zeros((ROWS, DPAD), jnp.float32).at[:768, :DOUT].set(w)


def _emb_body(w_hbm, x_hbm, out_hbm, idx_all,
              rows0, rows1, rows2, rows3,
              out0, out1, out2, out3,
              sem0, sem1, sem2, sem3):
    wid = lax.axis_index("s") * NC + lax.axis_index("c")
    base = wid * BPW
    rows = [rows0, rows1, rows2, rows3]
    outs = [out0, out1, out2, out3]
    sems = [sem0, sem1, sem2, sem3]
    pltpu.sync_copy(x_hbm.at[pl.ds(base * K, BPW * K)], idx_all)

    def fire(c, rows_v, sem):
        pltpu.async_copy(w_hbm.at[idx_all.at[pl.ds(c * CB * K, CB * K)]],
                         rows_v, sem)

    def drain(rows_v, sem):
        pltpu.make_async_copy(out_hbm.at[pl.ds(0, CB * K)], rows_v, sem).wait()

    def accum(c, rows_v, out_v):
        def bbody(b, carry):
            r0 = b * K
            accs = [rows_v[r0, pl.ds(16 * j, 16)] for j in range(4)]
            for k in range(1, K):
                for j in range(4):
                    accs[j] = accs[j] + rows_v[r0 + k, pl.ds(16 * j, 16)]
            for j in range(4):
                out_v[b, pl.ds(16 * j, 16)] = accs[j]
            return carry

        lax.fori_loop(0, CB, bbody, 0)
        pltpu.sync_copy(out_v, out_hbm.at[pl.ds(base + c * CB, CB)])

    for b in range(NBUF - 1):
        fire(b, rows[b], sems[b])

    def step(i, carry):
        c0 = NBUF * i
        for b in range(NBUF):
            c = c0 + b
            drain(rows[b], sems[b])
            nb = (b + NBUF - 1) % NBUF

            @pl.when(c + NBUF - 1 < NCH)
            def _():
                fire(c + NBUF - 1, rows[nb], sems[nb])

            accum(c, rows[b], outs[b])
        return carry

    lax.fori_loop(0, NCH // NBUF, step, 0)


@functools.cache
def _emb_lookup():
    return pl.kernel(
        _emb_body,
        out_type=jax.ShapeDtypeStruct((BATCH, DOUT), jnp.float32),
        mesh=plsc.VectorSubcoreMesh(core_axis_name="c", subcore_axis_name="s"),
        compiler_params=pltpu.CompilerParams(use_tc_tiling_on_sc=False),
        scratch_types=(
            [pltpu.VMEM((BPW * K,), jnp.int32)]
            + [pltpu.VMEM((CB * K, DPAD), jnp.float32)] * NBUF
            + [pltpu.VMEM((CB, DOUT), jnp.float32)] * NBUF
            + [pltpu.SemaphoreType.DMA] * NBUF
        ),
    )


def kernel(x, tiles, coord, piece, row, col, tilecolor):
    w = _build_table(tiles, coord, piece, row, col, tilecolor)
    return _emb_lookup()(w, x.astype(jnp.int32).reshape(-1))

# --- scband reference (transcript-rebuilt; emitter-appended) ---
"""Pipeline reference for scband-emb-1211180777780 (READ-ONLY COPY).

The authoritative reference and input builder live on the scoring server;
editing this copy changes nothing except your own understanding.
"""

import jax, jax.numpy as jnp
import numpy as np

DOUT = 64
BATCH = 16384
K_ONES = 36
_S = (1.0 / (36 * 6)) ** 0.5


def _masks():
    p = (jnp.arange(12) % 6 == 0)
    y = jnp.arange(8)
    ym = (y == 0) | (y == 7)
    special = (p[:, None, None, None] & ym[None, :, None, None]).astype(jnp.float32)  # (12,8,1,1), broadcasts over x and dout
    yy = jnp.arange(8)
    xx = jnp.arange(8)
    white = (((yy[:, None] + xx[None, :]) % 2) == 0).astype(jnp.float32)[None, :, :, None]  # (1,8,8,1)
    return special, white


def setup_inputs(seed: int = 0) -> dict:
    key = jax.random.key(seed)
    ks = jax.random.split(key, 7)
    x = jax.random.randint(ks[0], (BATCH, K_ONES), 0, 769, dtype=jnp.int32)
    tiles = jax.random.normal(ks[1], (12, 8, 8, DOUT), dtype=jnp.float32) * _S
    coord = jax.random.normal(ks[2], (1, 8, 8, DOUT), dtype=jnp.float32) * _S
    piece = jax.random.normal(ks[3], (12, 1, 1, DOUT), dtype=jnp.float32) * _S
    row = jax.random.normal(ks[4], (1, 8, 1, DOUT), dtype=jnp.float32) * _S
    col = jax.random.normal(ks[5], (1, 1, 8, DOUT), dtype=jnp.float32) * _S
    tilecolor = jax.random.normal(ks[6], (1, 1, 1, DOUT), dtype=jnp.float32) * _S
    return {"x": x, "tiles": tiles, "coord": coord, "piece": piece, "row": row, "col": col, "tilecolor": tilecolor}


def reference(x, tiles, coord, piece, row, col, tilecolor):
    special, white = _masks()
    tc = tilecolor * white
    factorized = (coord + piece + row + col + tc) * (1.0 - special)
    T = factorized + tiles  # (12,8,8,dout)
    dout = T.shape[-1]
    W = jnp.concatenate([T.reshape(768, dout), jnp.zeros((1, dout), dtype=T.dtype)], axis=0)  # (769,dout)
    return jnp.take(W, x.astype(jnp.int32), axis=0).sum(axis=1)  # (B,dout)

if __name__ == "__main__":
    import jax
    _d = setup_inputs()
    print(jax.jit(kernel)(*tuple(_d.values())))

</pallas_src>

<mosaic_0001>
#map = affine_map<(d0, d1) -> (0, 0)>
#map1 = affine_map<(d0, d1) -> (0)>
module attributes {stable_mosaic.version = 14 : i64} {
  func.func @_emb_body(%arg0: i32, %arg1: i32, %arg2: memref<769x64xf32, #tpu.memory_space<hbm>>, %arg3: memref<589824xi32, #tpu.memory_space<hbm>>, %arg4: memref<16384x64xf32, #tpu.memory_space<hbm>>, %arg5: memref<18432xi32, #tpu.memory_space<vmem>>, %arg6: memref<288x64xf32, #tpu.memory_space<vmem>>, %arg7: memref<288x64xf32, #tpu.memory_space<vmem>>, %arg8: memref<288x64xf32, #tpu.memory_space<vmem>>, %arg9: memref<288x64xf32, #tpu.memory_space<vmem>>, %arg10: memref<8x64xf32, #tpu.memory_space<vmem>>, %arg11: memref<8x64xf32, #tpu.memory_space<vmem>>, %arg12: memref<8x64xf32, #tpu.memory_space<vmem>>, %arg13: memref<8x64xf32, #tpu.memory_space<vmem>>, %arg14: memref<!tpu.dma_semaphore, #tpu.memory_space<semaphore_mem>>, %arg15: memref<!tpu.dma_semaphore, #tpu.memory_space<semaphore_mem>>, %arg16: memref<!tpu.dma_semaphore, #tpu.memory_space<semaphore_mem>>, %arg17: memref<!tpu.dma_semaphore, #tpu.memory_space<semaphore_mem>>) attributes {dimension_semantics = [#tpu.dimension_semantics<core_parallel>, #tpu.dimension_semantics<subcore_parallel>], iteration_bounds = array<i64: 2, 16>, scalar_prefetch = 0 : i64, scratch_operands = 13 : i64, tpu.core_type = #tpu.core_type<sc_vector_subcore>, window_params = [{transform_indices = #map}, {transform_indices = #map1}, {transform_indices = #map}]} {
    %mul3A = arith.constant 2 : i32
    %mul3A_0 = arith.muli %arg1, %mul3A : i32
    %add3A = arith.addi %mul3A_0, %arg0 : i32
    %mul3A_1 = arith.constant 512 : i32
    %mul3A_2 = arith.muli %add3A, %mul3A_1 : i32
    %mul3A_3 = arith.constant 36 : i32
    %mul3A_4 = arith.muli %mul3A_2, %mul3A_3 : i32
    "tpu.region"() ({
      %run_scoped3A = tpu.sem_alloc : memref<!tpu.dma_semaphore, #tpu.memory_space<semaphore_mem>>
      %dma_start3A_24 = tpu.memref_slice %arg3[%mul3A_4] : memref<589824xi32, #tpu.memory_space<hbm>> -> memref<18432xi32, #tpu.memory_space<hbm>>
      %dma_start3A_25 = tpu.memref_slice %arg3[%mul3A_4] : memref<589824xi32, #tpu.memory_space<hbm>> -> memref<18432xi32, #tpu.memory_space<hbm>>
      tpu.enqueue_dma source(%dma_start3A_25 : memref<18432xi32, #tpu.memory_space<hbm>>) target(%arg5 : memref<18432xi32, #tpu.memory_space<vmem>>) target_semaphore(%run_scoped3A : memref<!tpu.dma_semaphore, #tpu.memory_space<semaphore_mem>>)
      %dma_wait3A = tpu.memref_slice %arg3[%mul3A_4] : memref<589824xi32, #tpu.memory_space<hbm>> -> memref<18432xi32, #tpu.memory_space<hbm>>
      %dma_wait3A_26 = tpu.memref_slice %arg3[%mul3A_4] : memref<589824xi32, #tpu.memory_space<hbm>> -> memref<18432xi32, #tpu.memory_space<hbm>>
      tpu.wait_dma2 semaphore(%run_scoped3A : memref<!tpu.dma_semaphore, #tpu.memory_space<semaphore_mem>>) src(%dma_wait3A_26 : memref<18432xi32, #tpu.memory_space<hbm>>) dst(%arg5 : memref<18432xi32, #tpu.memory_space<vmem>>)
      tpu.yield
    }) : () -> ()
    %dma_start3A = arith.constant 0 : i32
    %dma_start3A_5 = tpu.memref_slice %arg5[%dma_start3A] : memref<18432xi32, #tpu.memory_space<vmem>> -> memref<288xi32, #tpu.memory_space<vmem>>
    %dma_start3A_6 = arith.constant 0 : i32
    %dma_start3A_7 = arith.constant 0 : i32
    %dma_start3A_8 = tpu.memref_slice %arg2[%dma_start3A_6, %dma_start3A_7] : memref<769x64xf32, #tpu.memory_space<hbm>> -> memref<769x64xf32, #tpu.memory_space<hbm>>
    tpu.enqueue_indirect_dma source(%dma_start3A_8 : memref<769x64xf32, #tpu.memory_space<hbm>>) target(%arg6 : memref<288x64xf32, #tpu.memory_space<vmem>>) offsets(%dma_start3A_5 : memref<288xi32, #tpu.memory_space<vmem>>) semaphore(%arg14 : memref<!tpu.dma_semaphore, #tpu.memory_space<semaphore_mem>>)
    %dma_start3A_9 = arith.constant 288 : i32
    %dma_start3A_10 = tpu.memref_slice %arg5[%dma_start3A_9] : memref<18432xi32, #tpu.memory_space<vmem>> -> memref<288xi32, #tpu.memory_space<vmem>>
    %dma_start3A_11 = arith.constant 0 : i32
    %dma_start3A_12 = arith.constant 0 : i32
    %dma_start3A_13 = tpu.memref_slice %arg2[%dma_start3A_11, %dma_start3A_12] : memref<769x64xf32, #tpu.memory_space<hbm>> -> memref<769x64xf32, #tpu.memory_space<hbm>>
    tpu.enqueue_indirect_dma source(%dma_start3A_13 : memref<769x64xf32, #tpu.memory_space<hbm>>) target(%arg7 : memref<288x64xf32, #tpu.memory_space<vmem>>) offsets(%dma_start3A_10 : memref<288xi32, #tpu.memory_space<vmem>>) semaphore(%arg15 : memref<!tpu.dma_semaphore, #tpu.memory_space<semaphore_mem>>)
    %dma_start3A_14 = arith.constant 576 : i32
    %dma_start3A_15 = tpu.memref_slice %arg5[%dma_start3A_14] : memref<18432xi32, #tpu.memory_space<vmem>> -> memref<288xi32, #tpu.memory_space<vmem>>
    %dma_start3A_16 = arith.constant 0 : i32
    %dma_start3A_17 = arith.constant 0 : i32
    %dma_start3A_18 = tpu.memref_slice %arg2[%dma_start3A_16, %dma_start3A_17] : memref<769x64xf32, #tpu.memory_space<hbm>> -> memref<769x64xf32, #tpu.memory_space<hbm>>
    tpu.enqueue_indirect_dma source(%dma_start3A_18 : memref<769x64xf32, #tpu.memory_space<hbm>>) target(%arg8 : memref<288x64xf32, #tpu.memory_space<vmem>>) offsets(%dma_start3A_15 : memref<288xi32, #tpu.memory_space<vmem>>) semaphore(%arg16 : memref<!tpu.dma_semaphore, #tpu.memory_space<semaphore_mem>>)
    %scan3A = arith.constant 0 : i32
    %scan3A_19 = arith.constant 0 : i32
    %scan3A_20 = arith.constant 16 : i32
    %scan3A_21 = arith.addi %scan3A_19, %scan3A_20 : i32
    %scan3A_22 = arith.constant 1 : i32
    scf.for %scan3A_24 = %scan3A_19 to %scan3A_21 step %scan3A_22  : i32 {
      %mul3A_25 = arith.constant 4 : i32
      %mul3A_26 = arith.muli %mul3A_25, %scan3A_24 : i32
      %add3A_27 = arith.constant 0 : i32
      %add3A_28 = arith.addi %mul3A_26, %add3A_27 : i32
      %dma_wait3A = arith.constant 0 : i32
      %dma_wait3A_29 = arith.constant 0 : i32
      %dma_wait3A_30 = tpu.memref_slice %arg4[%dma_wait3A, %dma_wait3A_29] : memref<16384x64xf32, #tpu.memory_space<hbm>> -> memref<288x64xf32, #tpu.memory_space<hbm>>
      %dma_wait3A_31 = arith.constant 0 : i32
      %dma_wait3A_32 = arith.constant 0 : i32
      %dma_wait3A_33 = tpu.memref_slice %arg4[%dma_wait3A_31, %dma_wait3A_32] : memref<16384x64xf32, #tpu.memory_space<hbm>> -> memref<288x64xf32, #tpu.memory_space<hbm>>
      tpu.wait_dma2 semaphore(%arg14 : memref<!tpu.dma_semaphore, #tpu.memory_space<semaphore_mem>>) src(%dma_wait3A_33 : memref<288x64xf32, #tpu.memory_space<hbm>>) dst(%arg6 : memref<288x64xf32, #tpu.memory_space<vmem>>)
      %add3A_34 = arith.constant 4 : i32
      %add3A_35 = arith.addi %add3A_28, %add3A_34 : i32
      %sub3A = arith.constant 1 : i32
      %sub3A_36 = arith.subi %add3A_35, %sub3A : i32
      %lt3A = arith.constant 64 : i32
      %lt3A_37 = arith.cmpi slt, %sub3A_36, %lt3A : i32
      %convert_element_type3A = arith.extui %lt3A_37 : i1 to i32
      %cond3A = arith.constant 0 : i32
      %cond3A_38 = arith.cmpi ne, %convert_element_type3A, %cond3A : i32
      scf.if %cond3A_38 {
        %add3A_126 = arith.constant 4 : i32
        %add3A_127 = arith.addi %add3A_28, %add3A_126 : i32
        %sub3A_128 = arith.constant 1 : i32
        %sub3A_129 = arith.subi %add3A_127, %sub3A_128 : i32
        %mul3A_130 = arith.constant 8 : i32
        %mul3A_131 = arith.muli %sub3A_129, %mul3A_130 : i32
        %mul3A_132 = arith.constant 36 : i32
        %mul3A_133 = arith.muli %mul3A_131, %mul3A_132 : i32
        %dma_start3A_134 = tpu.memref_slice %arg5[%mul3A_133] : memref<18432xi32, #tpu.memory_space<vmem>> -> memref<288xi32, #tpu.memory_space<vmem>>
        %dma_start3A_135 = arith.constant 0 : i32
        %dma_start3A_136 = arith.constant 0 : i32
        %dma_start3A_137 = tpu.memref_slice %arg2[%dma_start3A_135, %dma_start3A_136] : memref<769x64xf32, #tpu.memory_space<hbm>> -> memref<769x64xf32, #tpu.memory_space<hbm>>
        tpu.enqueue_indirect_dma source(%dma_start3A_137 : memref<769x64xf32, #tpu.memory_space<hbm>>) target(%arg9 : memref<288x64xf32, #tpu.memory_space<vmem>>) offsets(%dma_start3A_134 : memref<288xi32, #tpu.memory_space<vmem>>) semaphore(%arg17 : memref<!tpu.dma_semaphore, #tpu.memory_space<semaphore_mem>>)
      } else {
      }
      %scan3A_39 = arith.constant 0 : i32
      %scan3A_40 = arith.constant 0 : i32
      %scan3A_41 = arith.constant 8 : i32
      %scan3A_42 = arith.addi %scan3A_40, %scan3A_41 : i32
      %scan3A_43 = arith.constant 1 : i32
      scf.for %scan3A_126 = %scan3A_40 to %scan3A_42 step %scan3A_43  : i32 {
        %mul3A_127 = arith.constant 36 : i32
        %mul3A_128 = arith.muli %scan3A_126, %mul3A_127 : i32
        %get3A = arith.index_cast %mul3A_128 : i32 to index
        %get3A_129 = arith.constant 0 : index
        %get3A_130 = tpu.vector_load %arg6[%get3A, %get3A_129] {strides = array<i32>} : memref<288x64xf32, #tpu.memory_space<vmem>>, vector<1x16xf32>,
        %get3A_131 = vector.shape_cast %get3A_130 : vector<1x16xf32> to vector<16xf32>
        %get3A_132 = arith.index_cast %mul3A_128 : i32 to index
        %get3A_133 = arith.constant 16 : index
        %get3A_134 = tpu.vector_load %arg6[%get3A_132, %get3A_133] {strides = array<i32>} : memref<288x64xf32, #tpu.memory_space<vmem>>, vector<1x16xf32>,
        %get3A_135 = vector.shape_cast %get3A_134 : vector<1x16xf32> to vector<16xf32>
        %get3A_136 = arith.index_cast %mul3A_128 : i32 to index
        %get3A_137 = arith.constant 32 : index
        %get3A_138 = tpu.vector_load %arg6[%get3A_136, %get3A_137] {strides = array<i32>} : memref<288x64xf32, #tpu.memory_space<vmem>>, vector<1x16xf32>,
        %get3A_139 = vector.shape_cast %get3A_138 : vector<1x16xf32> to vector<16xf32>
        %get3A_140 = arith.index_cast %mul3A_128 : i32 to index
        %get3A_141 = arith.constant 48 : index
        %get3A_142 = tpu.vector_load %arg6[%get3A_140, %get3A_141] {strides = array<i32>} : memref<288x64xf32, #tpu.memory_space<vmem>>, vector<1x16xf32>,
        %get3A_143 = vector.shape_cast %get3A_142 : vector<1x16xf32> to vector<16xf32>
        %add3A_144 = arith.constant 1 : i32
        %add3A_145 = arith.addi %mul3A_128, %add3A_144 : i32
        %get3A_146 = arith.index_cast %add3A_145 : i32 to index
        %get3A_147 = arith.constant 0 : index
        %get3A_148 = tpu.vector_load %arg6[%get3A_146, %get3A_147] {strides = array<i32>} : memref<288x64xf32, #tpu.memory_space<vmem>>, vector<1x16xf32>,
        %get3A_149 = vector.shape_cast %get3A_148 : vector<1x16xf32> to vector<16xf32>
        %add3A_150 = arith.addf %get3A_131, %get3A_149 : vector<16xf32>
        %add3A_151 = arith.constant 1 : i32
        %add3A_152 = arith.addi %mul3A_128, %add3A_151 : i32
        %get3A_153 = arith.index_cast %add3A_152 : i32 to index
        %get3A_154 = arith.constant 16 : index
        %get3A_155 = tpu.vector_load %arg6[%get3A_153, %get3A_154] {strides = array<i32>} : memref<288x64xf32, #tpu.memory_space<vmem>>, vector<1x16xf32>,
        %get3A_156 = vector.shape_cast %get3A_155 : vector<1x16xf32> to vector<16xf32>
        %add3A_157 = arith.addf %get3A_135, %get3A_156 : vector<16xf32>
        %add3A_158 = arith.constant 1 : i32
        %add3A_159 = arith.addi %mul3A_128, %add3A_158 : i32
        %get3A_160 = arith.index_cast %add3A_159 : i32 to index
        %get3A_161 = arith.constant 32 : index
        %get3A_162 = tpu.vector_load %arg6[%get3A_160, %get3A_161] {strides = array<i32>} : memref<288x64xf32, #tpu.memory_space<vmem>>, vector<1x16xf32>,
        %get3A_163 = vector.shape_cast %get3A_162 : vector<1x16xf32> to vector<16xf32>
        %add3A_164 = arith.addf %get3A_139, %get3A_163 : vector<16xf32>
        %add3A_165 = arith.constant 1 : i32
        %add3A_166 = arith.addi %mul3A_128, %add3A_165 : i32
        %get3A_167 = arith.index_cast %add3A_166 : i32 to index
        %get3A_168 = arith.constant 48 : index
        %get3A_169 = tpu.vector_load %arg6[%get3A_167, %get3A_168] {strides = array<i32>} : memref<288x64xf32, #tpu.memory_space<vmem>>, vector<1x16xf32>,
        %get3A_170 = vector.shape_cast %get3A_169 : vector<1x16xf32> to vector<16xf32>
        %add3A_171 = arith.addf %get3A_143, %get3A_170 : vector<16xf32>
        %add3A_172 = arith.constant 2 : i32
        %add3A_173 = arith.addi %mul3A_128, %add3A_172 : i32
        %get3A_174 = arith.index_cast %add3A_173 : i32 to index
        %get3A_175 = arith.constant 0 : index
        %get3A_176 = tpu.vector_load %arg6[%get3A_174, %get3A_175] {strides = array<i32>} : memref<288x64xf32, #tpu.memory_space<vmem>>, vector<1x16xf32>,
        %get3A_177 = vector.shape_cast %get3A_176 : vector<1x16xf32> to vector<16xf32>
        %add3A_178 = arith.addf %add3A_150, %get3A_177 : vector<16xf32>
        %add3A_179 = arith.constant 2 : i32
        %add3A_180 = arith.addi %mul3A_128, %add3A_179 : i32
        %get3A_181 = arith.index_cast %add3A_180 : i32 to index
        %get3A_182 = arith.constant 16 : index
        %get3A_183 = tpu.vector_load %arg6[%get3A_181, %get3A_182] {strides = array<i32>} : memref<288x64xf32, #tpu.memory_space<vmem>>, vector<1x16xf32>,
        %get3A_184 = vector.shape_cast %get3A_183 : vector<1x16xf32> to vector<16xf32>
        %add3A_185 = arith.addf %add3A_157, %get3A_184 : vector<16xf32>
        %add3A_186 = arith.constant 2 : i32
        %add3A_187 = arith.addi %mul3A_128, %add3A_186 : i32
        %get3A_188 = arith.index_cast %add3A_187 : i32 to index
        %get3A_189 = arith.constant 32 : index
        %get3A_190 = tpu.vector_load %arg6[%get3A_188, %get3A_189] {strides = array<i32>} : memref<288x64xf32, #tpu.memory_space<vmem>>, vector<1x16xf32>,
        %get3A_191 = vector.shape_cast %get3A_190 : vector<1x16xf32> to vector<16xf32>
        %add3A_192 = arith.addf %add3A_164, %get3A_191 : vector<16xf32>
        %add3A_193 = arith.constant 2 : i32
        %add3A_194 = arith.addi %mul3A_128, %add3A_193 : i32
        %get3A_195 = arith.index_cast %add3A_194 : i32 to index
        %get3A_196 = arith.constant 48 : index
        %get3A_197 = tpu.vector_load %arg6[%get3A_195, %get3A_196] {strides = array<i32>} : memref<288x64xf32, #tpu.memory_space<vmem>>, vector<1x16xf32>,
        %get3A_198 = vector.shape_cast %get3A_197 : vector<1x16xf32> to vector<16xf32>
        %add3A_199 = arith.addf %add3A_171, %get3A_198 : vector<16xf32>
        %add3A_200 = arith.constant 3 : i32
        %add3A_201 = arith.addi %mul3A_128, %add3A_200 : i32
        %get3A_202 = arith.index_cast %add3A_201 : i32 to index
        %get3A_203 = arith.constant 0 : index
        %get3A_204 = tpu.vector_load %arg6[%get3A_202, %get3A_203] {strides = array<i32>} : memref<288x64xf32, #tpu.memory_space<vmem>>, vector<1x16xf32>,
        %get3A_205 = vector.shape_cast %get3A_204 : vector<1x16xf32> to vector<16xf32>
        %add3A_206 = arith.addf %add3A_178, %get3A_205 : vector<16xf32>
        %add3A_207 = arith.constant 3 : i32
        %add3A_208 = arith.addi %mul3A_128, %add3A_207 : i32
        %get3A_209 = arith.index_cast %add3A_208 : i32 to index
        %get3A_210 = arith.constant 16 : index
        %get3A_211 = tpu.vector_load %arg6[%get3A_209, %get3A_210] {strides = array<i32>} : memref<288x64xf32, #tpu.memory_space<vmem>>, vector<1x16xf32>,
        %get3A_212 = vector.shape_cast %get3A_211 : vector<1x16xf32> to vector<16xf32>
        %add3A_213 = arith.addf %add3A_185, %get3A_212 : vector<16xf32>
        %add3A_214 = arith.constant 3 : i32
        %add3A_215 = arith.addi %mul3A_128, %add3A_214 : i32
        %get3A_216 = arith.index_cast %add3A_215 : i32 to index
        %get3A_217 = arith.constant 32 : index
        %get3A_218 = tpu.vector_load %arg6[%get3A_216, %get3A_217] {strides = array<i32>} : memref<288x64xf32, #tpu.memory_space<vmem>>, vector<1x16xf32>,
        %get3A_219 = vector.shape_cast %get3A_218 : vector<1x16xf32> to vector<16xf32>
        %add3A_220 = arith.addf %add3A_192, %get3A_219 : vector<16xf32>
        %add3A_221 = arith.constant 3 : i32
        %add3A_222 = arith.addi %mul3A_128, %add3A_221 : i32
        %get3A_223 = arith.index_cast %add3A_222 : i32 to index
        %get3A_224 = arith.constant 48 : index
        %get3A_225 = tpu.vector_load %arg6[%get3A_223, %get3A_224] {strides = array<i32>} : memref<288x64xf32, #tpu.memory_space<vmem>>, vector<1x16xf32>,
        %get3A_226 = vector.shape_cast %get3A_225 : vector<1x16xf32> to vector<16xf32>
        %add3A_227 = arith.addf %add3A_199, %get3A_226 : vector<16xf32>
        %add3A_228 = arith.constant 4 : i32
        %add3A_229 = arith.addi %mul3A_128, %add3A_228 : i32
        %get3A_230 = arith.index_cast %add3A_229 : i32 to index
        %get3A_231 = arith.constant 0 : index
        %get3A_232 = tpu.vector_load %arg6[%get3A_230, %get3A_231] {strides = array<i32>} : memref<288x64xf32, #tpu.memory_space<vmem>>, vector<1x16xf32>,
        %get3A_233 = vector.shape_cast %get3A_232 : vector<1x16xf32> to vector<16xf32>
        %add3A_234 = arith.addf %add3A_206, %get3A_233 : vector<16xf32>
        %add3A_235 = arith.constant 4 : i32
        %add3A_236 = arith.addi %mul3A_128, %add3A_235 : i32
        %get3A_237 = arith.index_cast %add3A_236 : i32 to index
        %get3A_238 = arith.constant 16 : index
        %get3A_239 = tpu.vector_load %arg6[%get3A_237, %get3A_238] {strides = array<i32>} : memref<288x64xf32, #tpu.memory_space<vmem>>, vector<1x16xf32>,
        %get3A_240 = vector.shape_cast %get3A_239 : vector<1x16xf32> to vector<16xf32>
        %add3A_241 = arith.addf %add3A_213, %get3A_240 : vector<16xf32>
        %add3A_242 = arith.constant 4 : i32
        %add3A_243 = arith.addi %mul3A_128, %add3A_242 : i32
        %get3A_244 = arith.index_cast %add3A_243 : i32 to index
        %get3A_245 = arith.constant 32 : index
        %get3A_246 = tpu.vector_load %arg6[%get3A_244, %get3A_245] {strides = array<i32>} : memref<288x64xf32, #tpu.memory_space<vmem>>, vector<1x16xf32>,
        %get3A_247 = vector.shape_cast %get3A_246 : vector<1x16xf32> to vector<16xf32>
        %add3A_248 = arith.addf %add3A_220, %get3A_247 : vector<16xf32>
        %add3A_249 = arith.constant 4 : i32
        %add3A_250 = arith.addi %mul3A_128, %add3A_249 : i32
        %get3A_251 = arith.index_cast %add3A_250 : i32 to index
        %get3A_252 = arith.constant 48 : index
        %get3A_253 = tpu.vector_load %arg6[%get3A_251, %get3A_252] {strides = array<i32>} : memref<288x64xf32, #tpu.memory_space<vmem>>, vector<1x16xf32>,
        %get3A_254 = vector.shape_cast %get3A_253 : vector<1x16xf32> to vector<16xf32>
        %add3A_255 = arith.addf %add3A_227, %get3A_254 : vector<16xf32>
        %add3A_256 = arith.constant 5 : i32
        %add3A_257 = arith.addi %mul3A_128, %add3A_256 : i32
        %get3A_258 = arith.index_cast %add3A_257 : i32 to index
        %get3A_259 = arith.constant 0 : index
        %get3A_260 = tpu.vector_load %arg6[%get3A_258, %get3A_259] {strides = array<i32>} : memref<288x64xf32, #tpu.memory_space<vmem>>, vector<1x16xf32>,
        %get3A_261 = vector.shape_cast %get3A_260 : vector<1x16xf32> to vector<16xf32>
        %add3A_262 = arith.addf %add3A_234, %get3A_261 : vector<16xf32>
        %add3A_263 = arith.constant 5 : i32
        %add3A_264 = arith.addi %mul3A_128, %add3A_263 : i32
        %get3A_265 = arith.index_cast %add3A_264 : i32 to index
        %get3A_266 = arith.constant 16 : index
        %get3A_267 = tpu.vector_load %arg6[%get3A_265, %get3A_266] {strides = array<i32>} : memref<288x64xf32, #tpu.memory_space<vmem>>, vector<1x16xf32>,
        %get3A_268 = vector.shape_cast %get3A_267 : vector<1x16xf32> to vector<16xf32>
        %add3A_269 = arith.addf %add3A_241, %get3A_268 : vector<16xf32>
        %add3A_270 = arith.constant 5 : i32
        %add3A_271 = arith.addi %mul3A_128, %add3A_270 : i32
        %get3A_272 = arith.index_cast %add3A_271 : i32 to index
        %get3A_273 = arith.constant 32 : index
        %get3A_274 = tpu.vector_load %arg6[%get3A_272, %get3A_273] {strides = array<i32>} : memref<288x64xf32, #tpu.memory_space<vmem>>, vector<1x16xf32>,
        %get3A_275 = vector.shape_cast %get3A_274 : vector<1x16xf32> to vector<16xf32>
        %add3A_276 = arith.addf %add3A_248, %get3A_275 : vector<16xf32>
        %add3A_277 = arith.constant 5 : i32
        %add3A_278 = arith.addi %mul3A_128, %add3A_277 : i32
        %get3A_279 = arith.index_cast %add3A_278 : i32 to index
        %get3A_280 = arith.constant 48 : index
        %get3A_281 = tpu.vector_load %arg6[%get3A_279, %get3A_280] {strides = array<i32>} : memref<288x64xf32, #tpu.memory_space<vmem>>, vector<1x16xf32>,
        %get3A_282 = vector.shape_cast %get3A_281 : vector<1x16xf32> to vector<16xf32>
        %add3A_283 = arith.addf %add3A_255, %get3A_282 : vector<16xf32>
        %add3A_284 = arith.constant 6 : i32
        %add3A_285 = arith.addi %mul3A_128, %add3A_284 : i32
        %get3A_286 = arith.index_cast %add3A_285 : i32 to index
        %get3A_287 = arith.constant 0 : index
        %get3A_288 = tpu.vector_load %arg6[%get3A_286, %get3A_287] {strides = array<i32>} : memref<288x64xf32, #tpu.memory_space<vmem>>, vector<1x16xf32>,
        %get3A_289 = vector.shape_cast %get3A_288 : vector<1x16xf32> to vector<16xf32>
        %add3A_290 = arith.addf %add3A_262, %get3A_289 : vector<16xf32>
        %add3A_291 = arith.constant 6 : i32
        %add3A_292 = arith.addi %mul3A_128, %add3A_291 : i32
        %get3A_293 = arith.index_cast %add3A_292 : i32 to index
        %get3A_294 = arith.constant 16 : index
        %get3A_295 = tpu.vector_load %arg6[%get3A_293, %get3A_294] {strides = array<i32>} : memref<288x64xf32, #tpu.memory_space<vmem>>, vector<1x16xf32>,
        %get3A_296 = vector.shape_cast %get3A_295 : vector<1x16xf32> to vector<16xf32>
        %add3A_297 = arith.addf %add3A_269, %get3A_296 : vector<16xf32>
        %add3A_298 = arith.constant 6 : i32
        %add3A_299 = arith.addi %mul3A_128, %add3A_298 : i32
        %get3A_300 = arith.index_cast %add3A_299 : i32 to index
        %get3A_301 = arith.constant 32 : index
        %get3A_302 = tpu.vector_load %arg6[%get3A_300, %get3A_301] {strides = array<i32>} : memref<288x64xf32, #tpu.memory_space<vmem>>, vector<1x16xf32>,
        %get3A_303 = vector.shape_cast %get3A_302 : vector<1x16xf32> to vector<16xf32>
        %add3A_304 = arith.addf %add3A_276, %get3A_303 : vector<16xf32>
        %add3A_305 = arith.constant 6 : i32
        %add3A_306 = arith.addi %mul3A_128, %add3A_305 : i32
        %get3A_307 = arith.index_cast %add3A_306 : i32 to index
        %get3A_308 = arith.constant 48 : index
        %get3A_309 = tpu.vector_load %arg6[%get3A_307, %get3A_308] {strides = array<i32>} : memref<288x64xf32, #tpu.memory_space<vmem>>, vector<1x16xf32>,
        %get3A_310 = vector.shape_cast %get3A_309 : vector<1x16xf32> to vector<16xf32>
        %add3A_311 = arith.addf %add3A_283, %get3A_310 : vector<16xf32>
        %add3A_312 = arith.constant 7 : i32
        %add3A_313 = arith.addi %mul3A_128, %add3A_312 : i32
        %get3A_314 = arith.index_cast %add3A_313 : i32 to index
        %get3A_315 = arith.constant 0 : index
        %get3A_316 = tpu.vector_load %arg6[%get3A_314, %get3A_315] {strides = array<i32>} : memref<288x64xf32, #tpu.memory_space<vmem>>, vector<1x16xf32>,
        %get3A_317 = vector.shape_cast %get3A_316 : vector<1x16xf32> to vector<16xf32>
        %add3A_318 = arith.addf %add3A_290, %get3A_317 : vector<16xf32>
        %add3A_319 = arith.constant 7 : i32
        %add3A_320 = arith.addi %mul3A_128, %add3A_319 : i32
        %get3A_321 = arith.index_cast %add3A_320 : i32 to index
        %get3A_322 = arith.constant 16 : index
        %get3A_323 = tpu.vector_load %arg6[%get3A_321, %get3A_322] {strides = array<i32>} : memref<288x64xf32, #tpu.memory_space<vmem>>, vector<1x16xf32>,
        %get3A_324 = vector.shape_cast %get3A_323 : vector<1x16xf32> to vector<16xf32>
        %add3A_325 = arith.addf %add3A_297, %get3A_324 : vector<16xf32>
        %add3A_326 = arith.constant 7 : i32
        %add3A_327 = arith.addi %mul3A_128, %add3A_326 : i32
        %get3A_328 = arith.index_cast %add3A_327 : i32 to index
        %get3A_329 = arith.constant 32 : index
        %get3A_330 = tpu.vector_load %arg6[%get3A_328, %get3A_329] {strides = array<i32>} : memref<288x64xf32, #tpu.memory_space<vmem>>, vector<1x16xf32>,
        %get3A_331 = vector.shape_cast %get3A_330 : vector<1x16xf32> to vector<16xf32>
        %add3A_332 = arith.addf %add3A_304, %get3A_331 : vector<16xf32>
        %add3A_333 = arith.constant 7 : i32
        %add3A_334 = arith.addi %mul3A_128, %add3A_333 : i32
        %get3A_335 = arith.index_cast %add3A_334 : i32 to index
        %get3A_336 = arith.constant 48 : index
        %get3A_337 = tpu.vector_load %arg6[%get3A_335, %get3A_336] {strides = array<i32>} : memref<288x64xf32, #tpu.memory_space<vmem>>, vector<1x16xf32>,
        %get3A_338 = vector.shape_cast %get3A_337 : vector<1x16xf32> to vector<16xf32>
        %add3A_339 = arith.addf %add3A_311, %get3A_338 : vector<16xf32>
        %add3A_340 = arith.constant 8 : i32
        %add3A_341 = arith.addi %mul3A_128, %add3A_340 : i32
        %get3A_342 = arith.index_cast %add3A_341 : i32 to index
        %get3A_343 = arith.constant 0 : index
        %get3A_344 = tpu.vector_load %arg6[%get3A_342, %get3A_343] {strides = array<i32>} : memref<288x64xf32, #tpu.memory_space<vmem>>, vector<1x16xf32>,
        %get3A_345 = vector.shape_cast %get3A_344 : vector<1x16xf32> to vector<16xf32>
        %add3A_346 = arith.addf %add3A_318, %get3A_345 : vector<16xf32>
        %add3A_347 = arith.constant 8 : i32
        %add3A_348 = arith.addi %mul3A_128, %add3A_347 : i32
        %get3A_349 = arith.index_cast %add3A_348 : i32 to index
        %get3A_350 = arith.constant 16 : index
        %get3A_351 = tpu.vector_load %arg6[%get3A_349, %get3A_350] {strides = array<i32>} : memref<288x64xf32, #tpu.memory_space<vmem>>, vector<1x16xf32>,
        %get3A_352 = vector.shape_cast %get3A_351 : vector<1x16xf32> to vector<16xf32>
        %add3A_353 = arith.addf %add3A_325, %get3A_352 : vector<16xf32>
        %add3A_354 = arith.constant 8 : i32
        %add3A_355 = arith.addi %mul3A_128, %add3A_354 : i32
        %get3A_356 = arith.index_cast %add3A_355 : i32 to index
        %get3A_357 = arith.constant 32 : index
        %get3A_358 = tpu.vector_load %arg6[%get3A_356, %get3A_357] {strides = array<i32>} : memref<288x64xf32, #tpu.memory_space<vmem>>, vector<1x16xf32>,
        %get3A_359 = vector.shape_cast %get3A_358 : vector<1x16xf32> to vector<16xf32>
        %add3A_360 = arith.addf %add3A_332, %get3A_359 : vector<16xf32>
        %add3A_361 = arith.constant 8 : i32
        %add3A_362 = arith.addi %mul3A_128, %add3A_361 : i32
        %get3A_363 = arith.index_cast %add3A_362 : i32 to index
        %get3A_364 = arith.constant 48 : index
        %get3A_365 = tpu.vector_load %arg6[%get3A_363, %get3A_364] {strides = array<i32>} : memref<288x64xf32, #tpu.memory_space<vmem>>, vector<1x16xf32>,
        %get3A_366 = vector.shape_cast %get3A_365 : vector<1x16xf32> to vector<16xf32>
        %add3A_367 = arith.addf %add3A_339, %get3A_366 : vector<16xf32>
        %add3A_368 = arith.constant 9 : i32
        %add3A_369 = arith.addi %mul3A_128, %add3A_368 : i32
        %get3A_370 = arith.index_cast %add3A_369 : i32 to index
        %get3A_371 = arith.constant 0 : index
        %get3A_372 = tpu.vector_load %arg6[%get3A_370, %get3A_371] {strides = array<i32>} : memref<288x64xf32, #tpu.memory_space<vmem>>, vector<1x16xf32>,
        %get3A_373 = vector.shape_cast %get3A_372 : vector<1x16xf32> to vector<16xf32>
        %add3A_374 = arith.addf %add3A_346, %get3A_373 : vector<16xf32>
        %add3A_375 = arith.constant 9 : i32
        %add3A_376 = arith.addi %mul3A_128, %add3A_375 : i32
        %get3A_377 = arith.index_cast %add3A_376 : i32 to index
        %get3A_378 = arith.constant 16 : index
        %get3A_379 = tpu.vector_load %arg6[%get3A_377, %get3A_378] {strides = array<i32>} : memref<288x64xf32, #tpu.memory_space<vmem>>, vector<1x16xf32>,
        %get3A_380 = vector.shape_cast %get3A_379 : vector<1x16xf32> to vector<16xf32>
        %add3A_381 = arith.addf %add3A_353, %get3A_380 : vector<16xf32>
        %add3A_382 = arith.constant 9 : i32
        %add3A_383 = arith.addi %mul3A_128, %add3A_382 : i32
        %get3A_384 = arith.index_cast %add3A_383 : i32 to index
        %get3A_385 = arith.constant 32 : index
        %get3A_386 = tpu.vector_load %arg6[%get3A_384, %get3A_385] {strides = array<i32>} : memref<288x64xf32, #tpu.memory_space<vmem>>, vector<1x16xf32>,
        %get3A_387 = vector.shape_cast %get3A_386 : vector<1x16xf32> to vector<16xf32>
        %add3A_388 = arith.addf %add3A_360, %get3A_387 : vector<16xf32>
        %add3A_389 = arith.constant 9 : i32
        %add3A_390 = arith.addi %mul3A_128, %add3A_389 : i32
        %get3A_391 = arith.index_cast %add3A_390 : i32 to index
        %get3A_392 = arith.constant 48 : index
        %get3A_393 = tpu.vector_load %arg6[%get3A_391, %get3A_392] {strides = array<i32>} : memref<288x64xf32, #tpu.memory_space<vmem>>, vector<1x16xf32>,
        %get3A_394 = vector.shape_cast %get3A_393 : vector<1x16xf32> to vector<16xf32>
        %add3A_395 = arith.addf %add3A_367, %get3A_394 : vector<16xf32>
        %add3A_396 = arith.constant 10 : i32
        %add3A_397 = arith.addi %mul3A_128, %add3A_396 : i32
        %get3A_398 = arith.index_cast %add3A_397 : i32 to index
        %get3A_399 = arith.constant 0 : index
        %get3A_400 = tpu.vector_load %arg6[%get3A_398, %get3A_399] {strides = array<i32>} : memref<288x64xf32, #tpu.memory_space<vmem>>, vector<1x16xf32>,
        %get3A_401 = vector.shape_cast %get3A_400 : vector<1x16xf32> to vector<16xf32>
        %add3A_402 = arith.addf %add3A_374, %get3A_401 : vector<16xf32>
        %add3A_403 = arith.constant 10 : i32
        %add3A_404 = arith.addi %mul3A_128, %add3A_403 : i32
        %get3A_405 = arith.index_cast %add3A_404 : i32 to index
        %get3A_406 = arith.constant 16 : index
        %get3A_407 = tpu.vector_load %arg6[%get3A_405, %get3A_406] {strides = array<i32>} : memref<288x64xf32, #tpu.memory_space<vmem>>, vector<1x16xf32>,
        %get3A_408 = vector.shape_cast %get3A_407 : vector<1x16xf32> to vector<16xf32>
        %add3A_409 = arith.addf %add3A_381, %get3A_408 : vector<16xf32>
        %add3A_410 = arith.constant 10 : i32
        %add3A_411 = arith.addi %mul3A_128, %add3A_410 : i32
        %get3A_412 = arith.index_cast %add3A_411 : i32 to index
        %get3A_413 = arith.constant 32 : index
        %get3A_414 = tpu.vector_load %arg6[%get3A_412, %get3A_413] {strides = array<i32>} : memref<288x64xf32, #tpu.memory_space<vmem>>, vector<1x16xf32>,
        %get3A_415 = vector.shape_cast %get3A_414 : vector<1x16xf32> to vector<16xf32>
        %add3A_416 = arith.addf %add3A_388, %get3A_415 : vector<16xf32>
        %add3A_417 = arith.constant 10 : i32
        %add3A_418 = arith.addi %mul3A_128, %add3A_417 : i32
        %get3A_419 = arith.index_cast %add3A_418 : i32 to index
        %get3A_420 = arith.constant 48 : index
        %get3A_421 = tpu.vector_load %arg6[%get3A_419, %get3A_420] {strides = array<i32>} : memref<288x64xf32, #tpu.memory_space<vmem>>, vector<1x16xf32>,
        %get3A_422 = vector.shape_cast %get3A_421 : vector<1x16xf32> to vector<16xf32>
        %add3A_423 = arith.addf %add3A_395, %get3A_422 : vector<16xf32>
        %add3A_424 = arith.constant 11 : i32
        %add3A_425 = arith.addi %mul3A_128, %add3A_424 : i32
        %get3A_426 = arith.index_cast %add3A_425 : i32 to index
        %get3A_427 = arith.constant 0 : index
        %get3A_428 = tpu.vector_load %arg6[%get3A_426, %get3A_427] {strides = array<i32>} : memref<288x64xf32, #tpu.memory_space<vmem>>, vector<1x16xf32>,
        %get3A_429 = vector.shape_cast %get3A_428 : vector<1x16xf32> to vector<16xf32>
        %add3A_430 = arith.addf %add3A_402, %get3A_429 : vector<16xf32>
        %add3A_431 = arith.constant 11 : i32
        %add3A_432 = arith.addi %mul3A_128, %add3A_431 : i32
        %get3A_433 = arith.index_cast %add3A_432 : i32 to index
        %get3A_434 = arith.constant 16 : index
        %get3A_435 = tpu.vector_load %arg6[%get3A_433, %get3A_434] {strides = array<i32>} : memref<288x64xf32, #tpu.memory_space<vmem>>, vector<1x16xf32>,
        %get3A_436 = vector.shape_cast %get3A_435 : vector<1x16xf32> to vector<16xf32>
        %add3A_437 = arith.addf %add3A_409, %get3A_436 : vector<16xf32>
        %add3A_438 = arith.constant 11 : i32
        %add3A_439 = arith.addi %mul3A_128, %add3A_438 : i32
        %get3A_440 = arith.index_cast %add3A_439 : i32 to index
        %get3A_441 = arith.constant 32 : index
        %get3A_442 = tpu.vector_load %arg6[%get3A_440, %get3A_441] {strides = array<i32>} : memref<288x64xf32, #tpu.memory_space<vmem>>, vector<1x16xf32>,
        %get3A_443 = vector.shape_cast %get3A_442 : vector<1x16xf32> to vector<16xf32>
        %add3A_444 = arith.addf %add3A_416, %get3A_443 : vector<16xf32>
        %add3A_445 = arith.constant 11 : i32
        %add3A_446 = arith.addi %mul3A_128, %add3A_445 : i32
        %get3A_447 = arith.index_cast %add3A_446 : i32 to index
        %get3A_448 = arith.constant 48 : index
        %get3A_449 = tpu.vector_load %arg6[%get3A_447, %get3A_448] {strides = array<i32>} : memref<288x64xf32, #tpu.memory_space<vmem>>, vector<1x16xf32>,
        %get3A_450 = vector.shape_cast %get3A_449 : vector<1x16xf32> to vector<16xf32>
        %add3A_451 = arith.addf %add3A_423, %get3A_450 : vector<16xf32>
        %add3A_452 = arith.constant 12 : i32
        %add3A_453 = arith.addi %mul3A_128, %add3A_452 : i32
        %get3A_454 = arith.index_cast %add3A_453 : i32 to index
        %get3A_455 = arith.constant 0 : index
        %get3A_456 = tpu.vector_load %arg6[%get3A_454, %get3A_455] {strides = array<i32>} : memref<288x64xf32, #tpu.memory_space<vmem>>, vector<1x16xf32>,
        %get3A_457 = vector.shape_cast %get3A_456 : vector<1x16xf32> to vector<16xf32>
        %add3A_458 = arith.addf %add3A_430, %get3A_457 : vector<16xf32>
        %add3A_459 = arith.constant 12 : i32
        %add3A_460 = arith.addi %mul3A_128, %add3A_459 : i32
        %get3A_461 = arith.index_cast %add3A_460 : i32 to index
        %get3A_462 = arith.constant 16 : index
        %get3A_463 = tpu.vector_load %arg6[%get3A_461, %get3A_462] {strides = array<i32>} : memref<288x64xf32, #tpu.memory_space<vmem>>, vector<1x16xf32>,
        %get3A_464 = vector.shape_cast %get3A_463 : vector<1x16xf32> to vector<16xf32>
        %add3A_465 = arith.addf %add3A_437, %get3A_464 : vector<16xf32>
        %add3A_466 = arith.constant 12 : i32
        %add3A_467 = arith.addi %mul3A_128, %add3A_466 : i32
        %get3A_468 = arith.index_cast %add3A_467 : i32 to index
        %get3A_469 = arith.constant 32 : index
        %get3A_470 = tpu.vector_load %arg6[%get3A_468, %get3A_469] {strides = array<i32>} : memref<288x64xf32, #tpu.memory_space<vmem>>, vector<1x16xf32>,
        %get3A_471 = vector.shape_cast %get3A_470 : vector<1x16xf32> to vector<16xf32>
        %add3A_472 = arith.addf %add3A_444, %get3A_471 : vector<16xf32>
        %add3A_473 = arith.constant 12 : i32
        %add3A_474 = arith.addi %mul3A_128, %add3A_473 : i32
        %get3A_475 = arith.index_cast %add3A_474 : i32 to index
        %get3A_476 = arith.constant 48 : index
        %get3A_477 = tpu.vector_load %arg6[%get3A_475, %get3A_476] {strides = array<i32>} : memref<288x64xf32, #tpu.memory_space<vmem>>, vector<1x16xf32>,
        %get3A_478 = vector.shape_cast %get3A_477 : vector<1x16xf32> to vector<16xf32>
        %add3A_479 = arith.addf %add3A_451, %get3A_478 : vector<16xf32>
        %add3A_480 = arith.constant 13 : i32
        %add3A_481 = arith.addi %mul3A_128, %add3A_480 : i32
        %get3A_482 = arith.index_cast %add3A_481 : i32 to index
        %get3A_483 = arith.constant 0 : index
        %get3A_484 = tpu.vector_load %arg6[%get3A_482, %get3A_483] {strides = array<i32>} : memref<288x64xf32, #tpu.memory_space<vmem>>, vector<1x16xf32>,
        %get3A_485 = vector.shape_cast %get3A_484 : vector<1x16xf32> to vector<16xf32>
        %add3A_486 = arith.addf %add3A_458, %get3A_485 : vector<16xf32>
        %add3A_487 = arith.constant 13 : i32
        %add3A_488 = arith.addi %mul3A_128, %add3A_487 : i32
        %get3A_489 = arith.index_cast %add3A_488 : i32 to index
        %get3A_490 = arith.constant 16 : index
        %get3A_491 = tpu.vector_load %arg6[%get3A_489, %get3A_490] {strides = array<i32>} : memref<288x64xf32, #tpu.memory_space<vmem>>, vector<1x16xf32>,
        %get3A_492 = vector.shape_cast %get3A_491 : vector<1x16xf32> to vector<16xf32>
        %add3A_493 = arith.addf %add3A_465, %get3A_492 : vector<16xf32>
        %add3A_494 = arith.constant 13 : i32
        %add3A_495 = arith.addi %mul3A_128, %add3A_494 : i32
        %get3A_496 = arith.index_cast %add3A_495 : i32 to index
        %get3A_497 = arith.constant 32 : index
        %get3A_498 = tpu.vector_load %arg6[%get3A_496, %get3A_497] {strides = array<i32>} : memref<288x64xf32, #tpu.memory_space<vmem>>, vector<1x16xf32>,
        %get3A_499 = vector.shape_cast %get3A_498 : vector<1x16xf32> to vector<16xf32>
        %add3A_500 = arith.addf %add3A_472, %get3A_499 : vector<16xf32>
        %add3A_501 = arith.constant 13 : i32
        %add3A_502 = arith.addi %mul3A_128, %add3A_501 : i32
        %get3A_503 = arith.index_cast %add3A_502 : i32 to index
        %get3A_504 = arith.constant 48 : index
        %get3A_505 = tpu.vector_load %arg6[%get3A_503, %get3A_504] {strides = array<i32>} : memref<288x64xf32, #tpu.memory_space<vmem>>, vector<1x16xf32>,
        %get3A_506 = vector.shape_cast %get3A_505 : vector<1x16xf32> to vector<16xf32>
        %add3A_507 = arith.addf %add3A_479, %get3A_506 : vector<16xf32>
        %add3A_508 = arith.constant 14 : i32
        %add3A_509 = arith.addi %mul3A_128, %add3A_508 : i32
        %get3A_510 = arith.index_cast %add3A_509 : i32 to index
        %get3A_511 = arith.constant 0 : index
        %get3A_512 = tpu.vector_load %arg6[%get3A_510, %get3A_511] {strides = array<i32>} : memref<288x64xf32, #tpu.memory_space<vmem>>, vector<1x16xf32>,
        %get3A_513 = vector.shape_cast %get3A_512 : vector<1x16xf32> to vector<16xf32>
        %add3A_514 = arith.addf %add3A_486, %get3A_513 : vector<16xf32>
        %add3A_515 = arith.constant 14 : i32
        %add3A_516 = arith.addi %mul3A_128, %add3A_515 : i32
        %get3A_517 = arith.index_cast %add3A_516 : i32 to index
        %get3A_518 = arith.constant 16 : index
        %get3A_519 = tpu.vector_load %arg6[%get3A_517, %get3A_518] {strides = array<i32>} : memref<288x64xf32, #tpu.memory_space<vmem>>, vector<1x16xf32>,
        %get3A_520 = vector.shape_cast %get3A_519 : vector<1x16xf32> to vector<16xf32>
        %add3A_521 = arith.addf %add3A_493, %get3A_520 : vector<16xf32>
        %add3A_522 = arith.constant 14 : i32
        %add3A_523 = arith.addi %mul3A_128, %add3A_522 : i32
        %get3A_524 = arith.index_cast %add3A_523 : i32 to index
        %get3A_525 = arith.constant 32 : index
        %get3A_526 = tpu.vector_load %arg6[%get3A_524, %get3A_525] {strides = array<i32>} : memref<288x64xf32, #tpu.memory_space<vmem>>, vector<1x16xf32>,
        %get3A_527 = vector.shape_cast %get3A_526 : vector<1x16xf32> to vector<16xf32>
        %add3A_528 = arith.addf %add3A_500, %get3A_527 : vector<16xf32>
        %add3A_529 = arith.constant 14 : i32
        %add3A_530 = arith.addi %mul3A_128, %add3A_529 : i32
        %get3A_531 = arith.index_cast %add3A_530 : i32 to index
        %get3A_532 = arith.constant 48 : index
        %get3A_533 = tpu.vector_load %arg6[%get3A_531, %get3A_532] {strides = array<i32>} : memref<288x64xf32, #tpu.memory_space<vmem>>, vector<1x16xf32>,
        %get3A_534 = vector.shape_cast %get3A_533 : vector<1x16xf32> to vector<16xf32>
        %add3A_535 = arith.addf %add3A_507, %get3A_534 : vector<16xf32>
        %add3A_536 = arith.constant 15 : i32
        %add3A_537 = arith.addi %mul3A_128, %add3A_536 : i32
        %get3A_538 = arith.index_cast %add3A_537 : i32 to index
        %get3A_539 = arith.constant 0 : index
        %get3A_540 = tpu.vector_load %arg6[%get3A_538, %get3A_539] {strides = array<i32>} : memref<288x64xf32, #tpu.memory_space<vmem>>, vector<1x16xf32>,
        %get3A_541 = vector.shape_cast %get3A_540 : vector<1x16xf32> to vector<16xf32>
        %add3A_542 = arith.addf %add3A_514, %get3A_541 : vector<16xf32>
        %add3A_543 = arith.constant 15 : i32
        %add3A_544 = arith.addi %mul3A_128, %add3A_543 : i32
        %get3A_545 = arith.index_cast %add3A_544 : i32 to index
        %get3A_546 = arith.constant 16 : index
        %get3A_547 = tpu.vector_load %arg6[%get3A_545, %get3A_546] {strides = array<i32>} : memref<288x64xf32, #tpu.memory_space<vmem>>, vector<1x16xf32>,
        %get3A_548 = vector.shape_cast %get3A_547 : vector<1x16xf32> to vector<16xf32>
        %add3A_549 = arith.addf %add3A_521, %get3A_548 : vector<16xf32>
        %add3A_550 = arith.constant 15 : i32
        %add3A_551 = arith.addi %mul3A_128, %add3A_550 : i32
        %get3A_552 = arith.index_cast %add3A_551 : i32 to index
        %get3A_553 = arith.constant 32 : index
        %get3A_554 = tpu.vector_load %arg6[%get3A_552, %get3A_553] {strides = array<i32>} : memref<288x64xf32, #tpu.memory_space<vmem>>, vector<1x16xf32>,
        %get3A_555 = vector.shape_cast %get3A_554 : vector<1x16xf32> to vector<16xf32>
        %add3A_556 = arith.addf %add3A_528, %get3A_555 : vector<16xf32>
        %add3A_557 = arith.constant 15 : i32
        %add3A_558 = arith.addi %mul3A_128, %add3A_557 : i32
        %get3A_559 = arith.index_cast %add3A_558 : i32 to index
        %get3A_560 = arith.constant 48 : index
        %get3A_561 = tpu.vector_load %arg6[%get3A_559, %get3A_560] {strides = array<i32>} : memref<288x64xf32, #tpu.memory_space<vmem>>, vector<1x16xf32>,
        %get3A_562 = vector.shape_cast %get3A_561 : vector<1x16xf32> to vector<16xf32>
        %add3A_563 = arith.addf %add3A_535, %get3A_562 : vector<16xf32>
        %add3A_564 = arith.constant 16 : i32
        %add3A_565 = arith.addi %mul3A_128, %add3A_564 : i32
        %get3A_566 = arith.index_cast %add3A_565 : i32 to index
        %get3A_567 = arith.constant 0 : index
        %get3A_568 = tpu.vector_load %arg6[%get3A_566, %get3A_567] {strides = array<i32>} : memref<288x64xf32, #tpu.memory_space<vmem>>, vector<1x16xf32>,
        %get3A_569 = vector.shape_cast %get3A_568 : vector<1x16xf32> to vector<16xf32>
        %add3A_570 = arith.addf %add3A_542, %get3A_569 : vector<16xf32>
        %add3A_571 = arith.constant 16 : i32
        %add3A_572 = arith.addi %mul3A_128, %add3A_571 : i32
        %get3A_573 = arith.index_cast %add3A_572 : i32 to index
        %get3A_574 = arith.constant 16 : index
        %get3A_575 = tpu.vector_load %arg6[%get3A_573, %get3A_574] {strides = array<i32>} : memref<288x64xf32, #tpu.memory_space<vmem>>, vector<1x16xf32>,
        %get3A_576 = vector.shape_cast %get3A_575 : vector<1x16xf32> to vector<16xf32>
        %add3A_577 = arith.addf %add3A_549, %get3A_576 : vector<16xf32>
        %add3A_578 = arith.constant 16 : i32
        %add3A_579 = arith.addi %mul3A_128, %add3A_578 : i32
        %get3A_580 = arith.index_cast %add3A_579 : i32 to index
        %get3A_581 = arith.constant 32 : index
        %get3A_582 = tpu.vector_load %arg6[%get3A_580, %get3A_581] {strides = array<i32>} : memref<288x64xf32, #tpu.memory_space<vmem>>, vector<1x16xf32>,
        %get3A_583 = vector.shape_cast %get3A_582 : vector<1x16xf32> to vector<16xf32>
        %add3A_584 = arith.addf %add3A_556, %get3A_583 : vector<16xf32>
        %add3A_585 = arith.constant 16 : i32
        %add3A_586 = arith.addi %mul3A_128, %add3A_585 : i32
        %get3A_587 = arith.index_cast %add3A_586 : i32 to index
        %get3A_588 = arith.constant 48 : index
        %get3A_589 = tpu.vector_load %arg6[%get3A_587, %get3A_588] {strides = array<i32>} : memref<288x64xf32, #tpu.memory_space<vmem>>, vector<1x16xf32>,
        %get3A_590 = vector.shape_cast %get3A_589 : vector<1x16xf32> to vector<16xf32>
        %add3A_591 = arith.addf %add3A_563, %get3A_590 : vector<16xf32>
        %add3A_592 = arith.constant 17 : i32
        %add3A_593 = arith.addi %mul3A_128, %add3A_592 : i32
        %get3A_594 = arith.index_cast %add3A_593 : i32 to index
        %get3A_595 = arith.constant 0 : index
        %get3A_596 = tpu.vector_load %arg6[%get3A_594, %get3A_595] {strides = array<i32>} : memref<288x64xf32, #tpu.memory_space<vmem>>, vector<1x16xf32>,
        %get3A_597 = vector.shape_cast %get3A_596 : vector<1x16xf32> to vector<16xf32>
        %add3A_598 = arith.addf %add3A_570, %get3A_597 : vector<16xf32>
        %add3A_599 = arith.constant 17 : i32
        %add3A_600 = arith.addi %mul3A_128, %add3A_599 : i32
        %get3A_601 = arith.index_cast %add3A_600 : i32 to index
        %get3A_602 = arith.constant 16 : index
        %get3A_603 = tpu.vector_load %arg6[%get3A_601, %get3A_602] {strides = array<i32>} : memref<288x64xf32, #tpu.memory_space<vmem>>, vector<1x16xf32>,
        %get3A_604 = vector.shape_cast %get3A_603 : vector<1x16xf32> to vector<16xf32>
        %add3A_605 = arith.addf %add3A_577, %get3A_604 : vector<16xf32>
        %add3A_606 = arith.constant 17 : i32
        %add3A_607 = arith.addi %mul3A_128, %add3A_606 : i32
        %get3A_608 = arith.index_cast %add3A_607 : i32 to index
        %get3A_609 = arith.constant 32 : index
        %get3A_610 = tpu.vector_load %arg6[%get3A_608, %get3A_609] {strides = array<i32>} : memref<288x64xf32, #tpu.memory_space<vmem>>, vector<1x16xf32>,
        %get3A_611 = vector.shape_cast %get3A_610 : vector<1x16xf32> to vector<16xf32>
        %add3A_612 = arith.addf %add3A_584, %get3A_611 : vector<16xf32>
        %add3A_613 = arith.constant 17 : i32
        %add3A_614 = arith.addi %mul3A_128, %add3A_613 : i32
        %get3A_615 = arith.index_cast %add3A_614 : i32 to index
        %get3A_616 = arith.constant 48 : index
        %get3A_617 = tpu.vector_load %arg6[%get3A_615, %get3A_616] {strides = array<i32>} : memref<288x64xf32, #tpu.memory_space<vmem>>, vector<1x16xf32>,
        %get3A_618 = vector.shape_cast %get3A_617 : vector<1x16xf32> to vector<16xf32>
        %add3A_619 = arith.addf %add3A_591, %get3A_618 : vector<16xf32>
        %add3A_620 = arith.constant 18 : i32
        %add3A_621 = arith.addi %mul3A_128, %add3A_620 : i32
        %get3A_622 = arith.index_cast %add3A_621 : i32 to index
        %get3A_623 = arith.constant 0 : index
        %get3A_624 = tpu.vector_load %arg6[%get3A_622, %get3A_623] {strides = array<i32>} : memref<288x64xf32, #tpu.memory_space<vmem>>, vector<1x16xf32>,
        %get3A_625 = vector.shape_cast %get3A_624 : vector<1x16xf32> to vector<16xf32>
        %add3A_626 = arith.addf %add3A_598, %get3A_625 : vector<16xf32>
        %add3A_627 = arith.constant 18 : i32
        %add3A_628 = arith.addi %mul3A_128, %add3A_627 : i32
        %get3A_629 = arith.index_cast %add3A_628 : i32 to index
        %get3A_630 = arith.constant 16 : index
        %get3A_631 = tpu.vector_load %arg6[%get3A_629, %get3A_630] {strides = array<i32>} : memref<288x64xf32, #tpu.memory_space<vmem>>, vector<1x16xf32>,
        %get3A_632 = vector.shape_cast %get3A_631 : vector<1x16xf32> to vector<16xf32>
        %add3A_633 = arith.addf %add3A_605, %get3A_632 : vector<16xf32>
        %add3A_634 = arith.constant 18 : i32
        %add3A_635 = arith.addi %mul3A_128, %add3A_634 : i32
        %get3A_636 = arith.index_cast %add3A_635 : i32 to index
        %get3A_637 = arith.constant 32 : index
        %get3A_638 = tpu.vector_load %arg6[%get3A_636, %get3A_637] {strides = array<i32>} : memref<288x64xf32, #tpu.memory_space<vmem>>, vector<1x16xf32>,
        %get3A_639 = vector.shape_cast %get3A_638 : vector<1x16xf32> to vector<16xf32>
        %add3A_640 = arith.addf %add3A_612, %get3A_639 : vector<16xf32>
        %add3A_641 = arith.constant 18 : i32
        %add3A_642 = arith.addi %mul3A_128, %add3A_641 : i32
        %get3A_643 = arith.index_cast %add3A_642 : i32 to index
        %get3A_644 = arith.constant 48 : index
        %get3A_645 = tpu.vector_load %arg6[%get3A_643, %get3A_644] {strides = array<i32>} : memref<288x64xf32, #tpu.memory_space<vmem>>, vector<1x16xf32>,
        %get3A_646 = vector.shape_cast %get3A_645 : vector<1x16xf32> to vector<16xf32>
        %add3A_647 = arith.addf %add3A_619, %get3A_646 : vector<16xf32>
        %add3A_648 = arith.constant 19 : i32
        %add3A_649 = arith.addi %mul3A_128, %add3A_648 : i32
        %get3A_650 = arith.index_cast %add3A_649 : i32 to index
        %get3A_651 = arith.constant 0 : index
        %get3A_652 = tpu.vector_load %arg6[%get3A_650, %get3A_651] {strides = array<i32>} : memref<288x64xf32, #tpu.memory_space<vmem>>, vector<1x16xf32>,
        %get3A_653 = vector.shape_cast %get3A_652 : vector<1x16xf32> to vector<16xf32>
        %add3A_654 = arith.addf %add3A_626, %get3A_653 : vector<16xf32>
        %add3A_655 = arith.constant 19 : i32
        %add3A_656 = arith.addi %mul3A_128, %add3A_655 : i32
        %get3A_657 = arith.index_cast %add3A_656 : i32 to index
        %get3A_658 = arith.constant 16 : index
        %get3A_659 = tpu.vector_load %arg6[%get3A_657, %get3A_658] {strides = array<i32>} : memref<288x64xf32, #tpu.memory_space<vmem>>, vector<1x16xf32>,
        %get3A_660 = vector.shape_cast %get3A_659 : vector<1x16xf32> to vector<16xf32>
        %add3A_661 = arith.addf %add3A_633, %get3A_660 : vector<16xf32>
        %add3A_662 = arith.constant 19 : i32
        %add3A_663 = arith.addi %mul3A_128, %add3A_662 : i32
        %get3A_664 = arith.index_cast %add3A_663 : i32 to index
        %get3A_665 = arith.constant 32 : index
        %get3A_666 = tpu.vector_load %arg6[%get3A_664, %get3A_665] {strides = array<i32>} : memref<288x64xf32, #tpu.memory_space<vmem>>, vector<1x16xf32>,
        %get3A_667 = vector.shape_cast %get3A_666 : vector<1x16xf32> to vector<16xf32>
        %add3A_668 = arith.addf %add3A_640, %get3A_667 : vector<16xf32>
        %add3A_669 = arith.constant 19 : i32
        %add3A_670 = arith.addi %mul3A_128, %add3A_669 : i32
        %get3A_671 = arith.index_cast %add3A_670 : i32 to index
        %get3A_672 = arith.constant 48 : index
        %get3A_673 = tpu.vector_load %arg6[%get3A_671, %get3A_672] {strides = array<i32>} : memref<288x64xf32, #tpu.memory_space<vmem>>, vector<1x16xf32>,
        %get3A_674 = vector.shape_cast %get3A_673 : vector<1x16xf32> to vector<16xf32>
        %add3A_675 = arith.addf %add3A_647, %get3A_674 : vector<16xf32>
        %add3A_676 = arith.constant 20 : i32
        %add3A_677 = arith.addi %mul3A_128, %add3A_676 : i32
        %get3A_678 = arith.index_cast %add3A_677 : i32 to index
        %get3A_679 = arith.constant 0 : index
        %get3A_680 = tpu.vector_load %arg6[%get3A_678, %get3A_679] {strides = array<i32>} : memref<288x64xf32, #tpu.memory_space<vmem>>, vector<1x16xf32>,
        %get3A_681 = vector.shape_cast %get3A_680 : vector<1x16xf32> to vector<16xf32>
        %add3A_682 = arith.addf %add3A_654, %get3A_681 : vector<16xf32>
        %add3A_683 = arith.constant 20 : i32
        %add3A_684 = arith.addi %mul3A_128, %add3A_683 : i32
        %get3A_685 = arith.index_cast %add3A_684 : i32 to index
        %get3A_686 = arith.constant 16 : index
        %get3A_687 = tpu.vector_load %arg6[%get3A_685, %get3A_686] {strides = array<i32>} : memref<288x64xf32, #tpu.memory_space<vmem>>, vector<1x16xf32>,
        %get3A_688 = vector.shape_cast %get3A_687 : vector<1x16xf32> to vector<16xf32>
        %add3A_689 = arith.addf %add3A_661, %get3A_688 : vector<16xf32>
        %add3A_690 = arith.constant 20 : i32
        %add3A_691 = arith.addi %mul3A_128, %add3A_690 : i32
        %get3A_692 = arith.index_cast %add3A_691 : i32 to index
        %get3A_693 = arith.constant 32 : index
        %get3A_694 = tpu.vector_load %arg6[%get3A_692, %get3A_693] {strides = array<i32>} : memref<288x64xf32, #tpu.memory_space<vmem>>, vector<1x16xf32>,
        %get3A_695 = vector.shape_cast %get3A_694 : vector<1x16xf32> to vector<16xf32>
        %add3A_696 = arith.addf %add3A_668, %get3A_695 : vector<16xf32>
        %add3A_697 = arith.constant 20 : i32
        %add3A_698 = arith.addi %mul3A_128, %add3A_697 : i32
        %get3A_699 = arith.index_cast %add3A_698 : i32 to index
        %get3A_700 = arith.constant 48 : index
        %get3A_701 = tpu.vector_load %arg6[%get3A_699, %get3A_700] {strides = array<i32>} : memref<288x64xf32, #tpu.memory_space<vmem>>, vector<1x16xf32>,
        %get3A_702 = vector.shape_cast %get3A_701 : vector<1x16xf32> to vector<16xf32>
        %add3A_703 = arith.addf %add3A_675, %get3A_702 : vector<16xf32>
        %add3A_704 = arith.constant 21 : i32
        %add3A_705 = arith.addi %mul3A_128, %add3A_704 : i32
        %get3A_706 = arith.index_cast %add3A_705 : i32 to index
        %get3A_707 = arith.constant 0 : index
        %get3A_708 = tpu.vector_load %arg6[%get3A_706, %get3A_707] {strides = array<i32>} : memref<288x64xf32, #tpu.memory_space<vmem>>, vector<1x16xf32>,
        %get3A_709 = vector.shape_cast %get3A_708 : vector<1x16xf32> to vector<16xf32>
        %add3A_710 = arith.addf %add3A_682, %get3A_709 : vector<16xf32>
        %add3A_711 = arith.constant 21 : i32
        %add3A_712 = arith.addi %mul3A_128, %add3A_711 : i32
        %get3A_713 = arith.index_cast %add3A_712 : i32 to index
        %get3A_714 = arith.constant 16 : index
        %get3A_715 = tpu.vector_load %arg6[%get3A_713, %get3A_714] {strides = array<i32>} : memref<288x64xf32, #tpu.memory_space<vmem>>, vector<1x16xf32>,
        %get3A_716 = vector.shape_cast %get3A_715 : vector<1x16xf32> to vector<16xf32>
        %add3A_717 = arith.addf %add3A_689, %get3A_716 : vector<16xf32>
        %add3A_718 = arith.constant 21 : i32
        %add3A_719 = arith.addi %mul3A_128, %add3A_718 : i32
        %get3A_720 = arith.index_cast %add3A_719 : i32 to index
        %get3A_721 = arith.constant 32 : index
        %get3A_722 = tpu.vector_load %arg6[%get3A_720, %get3A_721] {strides = array<i32>} : memref<288x64xf32, #tpu.memory_space<vmem>>, vector<1x16xf32>,
        %get3A_723 = vector.shape_cast %get3A_722 : vector<1x16xf32> to vector<16xf32>
        %add3A_724 = arith.addf %add3A_696, %get3A_723 : vector<16xf32>
        %add3A_725 = arith.constant 21 : i32
        %add3A_726 = arith.addi %mul3A_128, %add3A_725 : i32
        %get3A_727 = arith.index_cast %add3A_726 : i32 to index
        %get3A_728 = arith.constant 48 : index
        %get3A_729 = tpu.vector_load %arg6[%get3A_727, %get3A_728] {strides = array<i32>} : memref<288x64xf32, #tpu.memory_space<vmem>>, vector<1x16xf32>,
        %get3A_730 = vector.shape_cast %get3A_729 : vector<1x16xf32> to vector<16xf32>
        %add3A_731 = arith.addf %add3A_703, %get3A_730 : vector<16xf32>
        %add3A_732 = arith.constant 22 : i32
        %add3A_733 = arith.addi %mul3A_128, %add3A_732 : i32
        %get3A_734 = arith.index_cast %add3A_733 : i32 to index
        %get3A_735 = arith.constant 0 : index
        %get3A_736 = tpu.vector_load %arg6[%get3A_734, %get3A_735] {strides = array<i32>} : memref<288x64xf32, #tpu.memory_space<vmem>>, vector<1x16xf32>,
        %get3A_737 = vector.shape_cast %get3A_736 : vector<1x16xf32> to vector<16xf32>
        %add3A_738 = arith.addf %add3A_710, %get3A_737 : vector<16xf32>
        %add3A_739 = arith.constant 22 : i32
        %add3A_740 = arith.addi %mul3A_128, %add3A_739 : i32
        %get3A_741 = arith.index_cast %add3A_740 : i32 to index
        %get3A_742 = arith.constant 16 : index
        %get3A_743 = tpu.vector_load %arg6[%get3A_741, %get3A_742] {strides = array<i32>} : memref<288x64xf32, #tpu.memory_space<vmem>>, vector<1x16xf32>,
        %get3A_744 = vector.shape_cast %get3A_743 : vector<1x16xf32> to vector<16xf32>
        %add3A_745 = arith.addf %add3A_717, %get3A_744 : vector<16xf32>
        %add3A_746 = arith.constant 22 : i32
        %add3A_747 = arith.addi %mul3A_128, %add3A_746 : i32
        %get3A_748 = arith.index_cast %add3A_747 : i32 to index
        %get3A_749 = arith.constant 32 : index
        %get3A_750 = tpu.vector_load %arg6[%get3A_748, %get3A_749] {strides = array<i32>} : memref<288x64xf32, #tpu.memory_space<vmem>>, vector<1x16xf32>,
        %get3A_751 = vector.shape_cast %get3A_750 : vector<1x16xf32> to vector<16xf32>
        %add3A_752 = arith.addf %add3A_724, %get3A_751 : vector<16xf32>
        %add3A_753 = arith.constant 22 : i32
        %add3A_754 = arith.addi %mul3A_128, %add3A_753 : i32
        %get3A_755 = arith.index_cast %add3A_754 : i32 to index
        %get3A_756 = arith.constant 48 : index
        %get3A_757 = tpu.vector_load %arg6[%get3A_755, %get3A_756] {strides = array<i32>} : memref<288x64xf32, #tpu.memory_space<vmem>>, vector<1x16xf32>,
        %get3A_758 = vector.shape_cast %get3A_757 : vector<1x16xf32> to vector<16xf32>
        %add3A_759 = arith.addf %add3A_731, %get3A_758 : vector<16xf32>
        %add3A_760 = arith.constant 23 : i32
        %add3A_761 = arith.addi %mul3A_128, %add3A_760 : i32
        %get3A_762 = arith.index_cast %add3A_761 : i32 to index
        %get3A_763 = arith.constant 0 : index
        %get3A_764 = tpu.vector_load %arg6[%get3A_762, %get3A_763] {strides = array<i32>} : memref<288x64xf32, #tpu.memory_space<vmem>>, vector<1x16xf32>,
        %get3A_765 = vector.shape_cast %get3A_764 : vector<1x16xf32> to vector<16xf32>
        %add3A_766 = arith.addf %add3A_738, %get3A_765 : vector<16xf32>
        %add3A_767 = arith.constant 23 : i32
        %add3A_768 = arith.addi %mul3A_128, %add3A_767 : i32
        %get3A_769 = arith.index_cast %add3A_768 : i32 to index
        %get3A_770 = arith.constant 16 : index
        %get3A_771 = tpu.vector_load %arg6[%get3A_769, %get3A_770] {strides = array<i32>} : memref<288x64xf32, #tpu.memory_space<vmem>>, vector<1x16xf32>,
        %get3A_772 = vector.shape_cast %get3A_771 : vector<1x16xf32> to vector<16xf32>
        %add3A_773 = arith.addf %add3A_745, %get3A_772 : vector<16xf32>
        %add3A_774 = arith.constant 23 : i32
        %add3A_775 = arith.addi %mul3A_128, %add3A_774 : i32
        %get3A_776 = arith.index_cast %add3A_775 : i32 to index
        %get3A_777 = arith.constant 32 : index
        %get3A_778 = tpu.vector_load %arg6[%get3A_776, %get3A_777] {strides = array<i32>} : memref<288x64xf32, #tpu.memory_space<vmem>>, vector<1x16xf32>,
        %get3A_779 = vector.shape_cast %get3A_778 : vector<1x16xf32> to vector<16xf32>
        %add3A_780 = arith.addf %add3A_752, %get3A_779 : vector<16xf32>
        %add3A_781 = arith.constant 23 : i32
        %add3A_782 = arith.addi %mul3A_128, %add3A_781 : i32
        %get3A_783 = arith.index_cast %add3A_782 : i32 to index
        %get3A_784 = arith.constant 48 : index
        %get3A_785 = tpu.vector_load %arg6[%get3A_783, %get3A_784] {strides = array<i32>} : memref<288x64xf32, #tpu.memory_space<vmem>>, vector<1x16xf32>,
        %get3A_786 = vector.shape_cast %get3A_785 : vector<1x16xf32> to vector<16xf32>
        %add3A_787 = arith.addf %add3A_759, %get3A_786 : vector<16xf32>
        %add3A_788 = arith.constant 24 : i32
        %add3A_789 = arith.addi %mul3A_128, %add3A_788 : i32
        %get3A_790 = arith.index_cast %add3A_789 : i32 to index
        %get3A_791 = arith.constant 0 : index
        %get3A_792 = tpu.vector_load %arg6[%get3A_790, %get3A_791] {strides = array<i32>} : memref<288x64xf32, #tpu.memory_space<vmem>>, vector<1x16xf32>,
        %get3A_793 = vector.shape_cast %get3A_792 : vector<1x16xf32> to vector<16xf32>
        %add3A_794 = arith.addf %add3A_766, %get3A_793 : vector<16xf32>
        %add3A_795 = arith.constant 24 : i32
        %add3A_796 = arith.addi %mul3A_128, %add3A_795 : i32
        %get3A_797 = arith.index_cast %add3A_796 : i32 to index
        %get3A_798 = arith.constant 16 : index
        %get3A_799 = tpu.vector_load %arg6[%get3A_797, %get3A_798] {strides = array<i32>} : memref<288x64xf32, #tpu.memory_space<vmem>>, vector<1x16xf32>,
        %get3A_800 = vector.shape_cast %get3A_799 : vector<1x16xf32> to vector<16xf32>
        %add3A_801 = arith.addf %add3A_773, %get3A_800 : vector<16xf32>
        %add3A_802 = arith.constant 24 : i32
        %add3A_803 = arith.addi %mul3A_128, %add3A_802 : i32
        %get3A_804 = arith.index_cast %add3A_803 : i32 to index
        %get3A_805 = arith.constant 32 : index
        %get3A_806 = tpu.vector_load %arg6[%get3A_804, %get3A_805] {strides = array<i32>} : memref<288x64xf32, #tpu.memory_space<vmem>>, vector<1x16xf32>,
        %get3A_807 = vector.shape_cast %get3A_806 : vector<1x16xf32> to vector<16xf32>
        %add3A_808 = arith.addf %add3A_780, %get3A_807 : vector<16xf32>
        %add3A_809 = arith.constant 24 : i32
        %add3A_810 = arith.addi %mul3A_128, %add3A_809 : i32
        %get3A_811 = arith.index_cast %add3A_810 : i32 to index
        %get3A_812 = arith.constant 48 : index
        %get3A_813 = tpu.vector_load %arg6[%get3A_811, %get3A_812] {strides = array<i32>} : memref<288x64xf32, #tpu.memory_space<vmem>>, vector<1x16xf32>,
        %get3A_814 = vector.shape_cast %get3A_813 : vector<1x16xf32> to vector<16xf32>
        %add3A_815 = arith.addf %add3A_787, %get3A_814 : vector<16xf32>
        %add3A_816 = arith.constant 25 : i32
        %add3A_817 = arith.addi %mul3A_128, %add3A_816 : i32
        %get3A_818 = arith.index_cast %add3A_817 : i32 to index
        %get3A_819 = arith.constant 0 : index
        %get3A_820 = tpu.vector_load %arg6[%get3A_818, %get3A_819] {strides = array<i32>} : memref<288x64xf32, #tpu.memory_space<vmem>>, vector<1x16xf32>,
        %get3A_821 = vector.shape_cast %get3A_820 : vector<1x16xf32> to vector<16xf32>
        %add3A_822 = arith.addf %add3A_794, %get3A_821 : vector<16xf32>
        %add3A_823 = arith.constant 25 : i32
        %add3A_824 = arith.addi %mul3A_128, %add3A_823 : i32
        %get3A_825 = arith.index_cast %add3A_824 : i32 to index
        %get3A_826 = arith.constant 16 : index
        %get3A_827 = tpu.vector_load %arg6[%get3A_825, %get3A_826] {strides = array<i32>} : memref<288x64xf32, #tpu.memory_space<vmem>>, vector<1x16xf32>,
        %get3A_828 = vector.shape_cast %get3A_827 : vector<1x16xf32> to vector<16xf32>
        %add3A_829 = arith.addf %add3A_801, %get3A_828 : vector<16xf32>
        %add3A_830 = arith.constant 25 : i32
        %add3A_831 = arith.addi %mul3A_128, %add3A_830 : i32
        %get3A_832 = arith.index_cast %add3A_831 : i32 to index
        %get3A_833 = arith.constant 32 : index
        %get3A_834 = tpu.vector_load %arg6[%get3A_832, %get3A_833] {strides = array<i32>} : memref<288x64xf32, #tpu.memory_space<vmem>>, vector<1x16xf32>,
        %get3A_835 = vector.shape_cast %get3A_834 : vector<1x16xf32> to vector<16xf32>
        %add3A_836 = arith.addf %add3A_808, %get3A_835 : vector<16xf32>
        %add3A_837 = arith.constant 25 : i32
        %add3A_838 = arith.addi %mul3A_128, %add3A_837 : i32
        %get3A_839 = arith.index_cast %add3A_838 : i32 to index
        %get3A_840 = arith.constant 48 : index
        %get3A_841 = tpu.vector_load %arg6[%get3A_839, %get3A_840] {strides = array<i32>} : memref<288x64xf32, #tpu.memory_space<vmem>>, vector<1x16xf32>,
        %get3A_842 = vector.shape_cast %get3A_841 : vector<1x16xf32> to vector<16xf32>
        %add3A_843 = arith.addf %add3A_815, %get3A_842 : vector<16xf32>
        %add3A_844 = arith.constant 26 : i32
        %add3A_845 = arith.addi %mul3A_128, %add3A_844 : i32
        %get3A_846 = arith.index_cast %add3A_845 : i32 to index
        %get3A_847 = arith.constant 0 : index
        %get3A_848 = tpu.vector_load %arg6[%get3A_846, %get3A_847] {strides = array<i32>} : memref<288x64xf32, #tpu.memory_space<vmem>>, vector<1x16xf32>,
        %get3A_849 = vector.shape_cast %get3A_848 : vector<1x16xf32> to vector<16xf32>
        %add3A_850 = arith.addf %add3A_822, %get3A_849 : vector<16xf32>
        %add3A_851 = arith.constant 26 : i32
        %add3A_852 = arith.addi %mul3A_128, %add3A_851 : i32
        %get3A_853 = arith.index_cast %add3A_852 : i32 to index
        %get3A_854 = arith.constant 16 : index
        %get3A_855 = tpu.vector_load %arg6[%get3A_853, %get3A_854] {strides = array<i32>} : memref<288x64xf32, #tpu.memory_space<vmem>>, vector<1x16xf32>,
        %get3A_856 = vector.shape_cast %get3A_855 : vector<1x16xf32> to vector<16xf32>
        %add3A_857 = arith.addf %add3A_829, %get3A_856 : vector<16xf32>
        %add3A_858 = arith.constant 26 : i32
        %add3A_859 = arith.addi %mul3A_128, %add3A_858 : i32
        %get3A_860 = arith.index_cast %add3A_859 : i32 to index
        %get3A_861 = arith.constant 32 : index
        %get3A_862 = tpu.vector_load %arg6[%get3A_860, %get3A_861] {strides = array<i32>} : memref<288x64xf32, #tpu.memory_space<vmem>>, vector<1x16xf32>,
        %get3A_863 = vector.shape_cast %get3A_862 : vector<1x16xf32> to vector<16xf32>
        %add3A_864 = arith.addf %add3A_836, %get3A_863 : vector<16xf32>
        %add3A_865 = arith.constant 26 : i32
        %add3A_866 = arith.addi %mul3A_128, %add3A_865 : i32
        %get3A_867 = arith.index_cast %add3A_866 : i32 to index
        %get3A_868 = arith.constant 48 : index
        %get3A_869 = tpu.vector_load %arg6[%get3A_867, %get3A_868] {strides = array<i32>} : memref<288x64xf32, #tpu.memory_space<vmem>>, vector<1x16xf32>,
        %get3A_870 = vector.shape_cast %get3A_869 : vector<1x16xf32> to vector<16xf32>
        %add3A_871 = arith.addf %add3A_843, %get3A_870 : vector<16xf32>
        %add3A_872 = arith.constant 27 : i32
        %add3A_873 = arith.addi %mul3A_128, %add3A_872 : i32
        %get3A_874 = arith.index_cast %add3A_873 : i32 to index
        %get3A_875 = arith.constant 0 : index
        %get3A_876 = tpu.vector_load %arg6[%get3A_874, %get3A_875] {strides = array<i32>} : memref<288x64xf32, #tpu.memory_space<vmem>>, vector<1x16xf32>,
        %get3A_877 = vector.shape_cast %get3A_876 : vector<1x16xf32> to vector<16xf32>
        %add3A_878 = arith.addf %add3A_850, %get3A_877 : vector<16xf32>
        %add3A_879 = arith.constant 27 : i32
        %add3A_880 = arith.addi %mul3A_128, %add3A_879 : i32
        %get3A_881 = arith.index_cast %add3A_880 : i32 to index
        %get3A_882 = arith.constant 16 : index
        %get3A_883 = tpu.vector_load %arg6[%get3A_881, %get3A_882] {strides = array<i32>} : memref<288x64xf32, #tpu.memory_space<vmem>>, vector<1x16xf32>,
        %get3A_884 = vector.shape_cast %get3A_883 : vector<1x16xf32> to vector<16xf32>
        %add3A_885 = arith.addf %add3A_857, %get3A_884 : vector<16xf32>
        %add3A_886 = arith.constant 27 : i32
        %add3A_887 = arith.addi %mul3A_128, %add3A_886 : i32
        %get3A_888 = arith.index_cast %add3A_887 : i32 to index
        %get3A_889 = arith.constant 32 : index
        %get3A_890 = tpu.vector_load %arg6[%get3A_888, %get3A_889] {strides = array<i32>} : memref<288x64xf32, #tpu.memory_space<vmem>>, vector<1x16xf32>,
        %get3A_891 = vector.shape_cast %get3A_890 : vector<1x16xf32> to vector<16xf32>
        %add3A_892 = arith.addf %add3A_864, %get3A_891 : vector<16xf32>
        %add3A_893 = arith.constant 27 : i32
        %add3A_894 = arith.addi %mul3A_128, %add3A_893 : i32
        %get3A_895 = arith.index_cast %add3A_894 : i32 to index
        %get3A_896 = arith.constant 48 : index
        %get3A_897 = tpu.vector_load %arg6[%get3A_895, %get3A_896] {strides = array<i32>} : memref<288x64xf32, #tpu.memory_space<vmem>>, vector<1x16xf32>,
        %get3A_898 = vector.shape_cast %get3A_897 : vector<1x16xf32> to vector<16xf32>
        %add3A_899 = arith.addf %add3A_871, %get3A_898 : vector<16xf32>
        %add3A_900 = arith.constant 28 : i32
        %add3A_901 = arith.addi %mul3A_128, %add3A_900 : i32
        %get3A_902 = arith.index_cast %add3A_901 : i32 to index
        %get3A_903 = arith.constant 0 : index
        %get3A_904 = tpu.vector_load %arg6[%get3A_902, %get3A_903] {strides = array<i32>} : memref<288x64xf32, #tpu.memory_space<vmem>>, vector<1x16xf32>,
        %get3A_905 = vector.shape_cast %get3A_904 : vector<1x16xf32> to vector<16xf32>
        %add3A_906 = arith.addf %add3A_878, %get3A_905 : vector<16xf32>
        %add3A_907 = arith.constant 28 : i32
        %add3A_908 = arith.addi %mul3A_128, %add3A_907 : i32
        %get3A_909 = arith.index_cast %add3A_908 : i32 to index
        %get3A_910 = arith.constant 16 : index
        %get3A_911 = tpu.vector_load %arg6[%get3A_909, %get3A_910] {strides = array<i32>} : memref<288x64xf32, #tpu.memory_space<vmem>>, vector<1x16xf32>,
        %get3A_912 = vector.shape_cast %get3A_911 : vector<1x16xf32> to vector<16xf32>
        %add3A_913 = arith.addf %add3A_885, %get3A_912 : vector<16xf32>
        %add3A_914 = arith.constant 28 : i32
        %add3A_915 = arith.addi %mul3A_128, %add3A_914 : i32
        %get3A_916 = arith.index_cast %add3A_915 : i32 to index
        %get3A_917 = arith.constant 32 : index
        %get3A_918 = tpu.vector_load %arg6[%get3A_916, %get3A_917] {strides = array<i32>} : memref<288x64xf32, #tpu.memory_space<vmem>>, vector<1x16xf32>,
        %get3A_919 = vector.shape_cast %get3A_918 : vector<1x16xf32> to vector<16xf32>
        %add3A_920 = arith.addf %add3A_892, %get3A_919 : vector<16xf32>
        %add3A_921 = arith.constant 28 : i32
        %add3A_922 = arith.addi %mul3A_128, %add3A_921 : i32
        %get3A_923 = arith.index_cast %add3A_922 : i32 to index
        %get3A_924 = arith.constant 48 : index
        %get3A_925 = tpu.vector_load %arg6[%get3A_923, %get3A_924] {strides = array<i32>} : memref<288x64xf32, #tpu.memory_space<vmem>>, vector<1x16xf32>,
        %get3A_926 = vector.shape_cast %get3A_925 : vector<1x16xf32> to vector<16xf32>
        %add3A_927 = arith.addf %add3A_899, %get3A_926 : vector<16xf32>
        %add3A_928 = arith.constant 29 : i32
        %add3A_929 = arith.addi %mul3A_128, %add3A_928 : i32
        %get3A_930 = arith.index_cast %add3A_929 : i32 to index
        %get3A_931 = arith.constant 0 : index
        %get3A_932 = tpu.vector_load %arg6[%get3A_930, %get3A_931] {strides = array<i32>} : memref<288x64xf32, #tpu.memory_space<vmem>>, vector<1x16xf32>,
        %get3A_933 = vector.shape_cast %get3A_932 : vector<1x16xf32> to vector<16xf32>
        %add3A_934 = arith.addf %add3A_906, %get3A_933 : vector<16xf32>
        %add3A_935 = arith.constant 29 : i32
        %add3A_936 = arith.addi %mul3A_128, %add3A_935 : i32
        %get3A_937 = arith.index_cast %add3A_936 : i32 to index
        %get3A_938 = arith.constant 16 : index
        %get3A_939 = tpu.vector_load %arg6[%get3A_937, %get3A_938] {strides = array<i32>} : memref<288x64xf32, #tpu.memory_space<vmem>>, vector<1x16xf32>,
        %get3A_940 = vector.shape_cast %get3A_939 : vector<1x16xf32> to vector<16xf32>
        %add3A_941 = arith.addf %add3A_913, %get3A_940 : vector<16xf32>
        %add3A_942 = arith.constant 29 : i32
        %add3A_943 = arith.addi %mul3A_128, %add3A_942 : i32
        %get3A_944 = arith.index_cast %add3A_943 : i32 to index
        %get3A_945 = arith.constant 32 : index
        %get3A_946 = tpu.vector_load %arg6[%get3A_944, %get3A_945] {strides = array<i32>} : memref<288x64xf32, #tpu.memory_space<vmem>>, vector<1x16xf32>,
        %get3A_947 = vector.shape_cast %get3A_946 : vector<1x16xf32> to vector<16xf32>
        %add3A_948 = arith.addf %add3A_920, %get3A_947 : vector<16xf32>
        %add3A_949 = arith.constant 29 : i32
        %add3A_950 = arith.addi %mul3A_128, %add3A_949 : i32
        %get3A_951 = arith.index_cast %add3A_950 : i32 to index
        %get3A_952 = arith.constant 48 : index
        %get3A_953 = tpu.vector_load %arg6[%get3A_951, %get3A_952] {strides = array<i32>} : memref<288x64xf32, #tpu.memory_space<vmem>>, vector<1x16xf32>,
        %get3A_954 = vector.shape_cast %get3A_953 : vector<1x16xf32> to vector<16xf32>
        %add3A_955 = arith.addf %add3A_927, %get3A_954 : vector<16xf32>
        %add3A_956 = arith.constant 30 : i32
        %add3A_957 = arith.addi %mul3A_128, %add3A_956 : i32
        %get3A_958 = arith.index_cast %add3A_957 : i32 to index
        %get3A_959 = arith.constant 0 : index
        %get3A_960 = tpu.vector_load %arg6[%get3A_958, %get3A_959] {strides = array<i32>} : memref<288x64xf32, #tpu.memory_space<vmem>>, vector<1x16xf32>,
        %get3A_961 = vector.shape_cast %get3A_960 : vector<1x16xf32> to vector<16xf32>
        %add3A_962 = arith.addf %add3A_934, %get3A_961 : vector<16xf32>
        %add3A_963 = arith.constant 30 : i32
        %add3A_964 = arith.addi %mul3A_128, %add3A_963 : i32
        %get3A_965 = arith.index_cast %add3A_964 : i32 to index
        %get3A_966 = arith.constant 16 : index
        %get3A_967 = tpu.vector_load %arg6[%get3A_965, %get3A_966] {strides = array<i32>} : memref<288x64xf32, #tpu.memory_space<vmem>>, vector<1x16xf32>,
        %get3A_968 = vector.shape_cast %get3A_967 : vector<1x16xf32> to vector<16xf32>
        %add3A_969 = arith.addf %add3A_941, %get3A_968 : vector<16xf32>
        %add3A_970 = arith.constant 30 : i32
        %add3A_971 = arith.addi %mul3A_128, %add3A_970 : i32
        %get3A_972 = arith.index_cast %add3A_971 : i32 to index
        %get3A_973 = arith.constant 32 : index
        %get3A_974 = tpu.vector_load %arg6[%get3A_972, %get3A_973] {strides = array<i32>} : memref<288x64xf32, #tpu.memory_space<vmem>>, vector<1x16xf32>,
        %get3A_975 = vector.shape_cast %get3A_974 : vector<1x16xf32> to vector<16xf32>
        %add3A_976 = arith.addf %add3A_948, %get3A_975 : vector<16xf32>
        %add3A_977 = arith.constant 30 : i32
        %add3A_978 = arith.addi %mul3A_128, %add3A_977 : i32
        %get3A_979 = arith.index_cast %add3A_978 : i32 to index
        %get3A_980 = arith.constant 48 : index
        %get3A_981 = tpu.vector_load %arg6[%get3A_979, %get3A_980] {strides = array<i32>} : memref<288x64xf32, #tpu.memory_space<vmem>>, vector<1x16xf32>,
        %get3A_982 = vector.shape_cast %get3A_981 : vector<1x16xf32> to vector<16xf32>
        %add3A_983 = arith.addf %add3A_955, %get3A_982 : vector<16xf32>
        %add3A_984 = arith.constant 31 : i32
        %add3A_985 = arith.addi %mul3A_128, %add3A_984 : i32
        %get3A_986 = arith.index_cast %add3A_985 : i32 to index
        %get3A_987 = arith.constant 0 : index
        %get3A_988 = tpu.vector_load %arg6[%get3A_986, %get3A_987] {strides = array<i32>} : memref<288x64xf32, #tpu.memory_space<vmem>>, vector<1x16xf32>,
        %get3A_989 = vector.shape_cast %get3A_988 : vector<1x16xf32> to vector<16xf32>
        %add3A_990 = arith.addf %add3A_962, %get3A_989 : vector<16xf32>
        %add3A_991 = arith.constant 31 : i32
        %add3A_992 = arith.addi %mul3A_128, %add3A_991 : i32
        %get3A_993 = arith.index_cast %add3A_992 : i32 to index
        %get3A_994 = arith.constant 16 : index
        %get3A_995 = tpu.vector_load %arg6[%get3A_993, %get3A_994] {strides = array<i32>} : memref<288x64xf32, #tpu.memory_space<vmem>>, vector<1x16xf32>,
        %get3A_996 = vector.shape_cast %get3A_995 : vector<1x16xf32> to vector<16xf32>
        %add3A_997 = arith.addf %add3A_969, %get3A_996 : vector<16xf32>
        %add3A_998 = arith.constant 31 : i32
        %add3A_999 = arith.addi %mul3A_128, %add3A_998 : i32
        %get3A_1000 = arith.index_cast %add3A_999 : i32 to index
        %get3A_1001 = arith.constant 32 : index
        %get3A_1002 = tpu.vector_load %arg6[%get3A_1000, %get3A_1001] {strides = array<i32>} : memref<288x64xf32, #tpu.memory_space<vmem>>, vector<1x16xf32>,
        %get3A_1003 = vector.shape_cast %get3A_1002 : vector<1x16xf32> to vector<16xf32>
        %add3A_1004 = arith.addf %add3A_976, %get3A_1003 : vector<16xf32>
        %add3A_1005 = arith.constant 31 : i32
        %add3A_1006 = arith.addi %mul3A_128, %add3A_1005 : i32
        %get3A_1007 = arith.index_cast %add3A_1006 : i32 to index
        %get3A_1008 = arith.constant 48 : index
        %get3A_1009 = tpu.vector_load %arg6[%get3A_1007, %get3A_1008] {strides = array<i32>} : memref<288x64xf32, #tpu.memory_space<vmem>>, vector<1x16xf32>,
        %get3A_1010 = vector.shape_cast %get3A_1009 : vector<1x16xf32> to vector<16xf32>
        %add3A_1011 = arith.addf %add3A_983, %get3A_1010 : vector<16xf32>
        %add3A_1012 = arith.constant 32 : i32
        %add3A_1013 = arith.addi %mul3A_128, %add3A_1012 : i32
        %get3A_1014 = arith.index_cast %add3A_1013 : i32 to index
        %get3A_1015 = arith.constant 0 : index
        %get3A_1016 = tpu.vector_load %arg6[%get3A_1014, %get3A_1015] {strides = array<i32>} : memref<288x64xf32, #tpu.memory_space<vmem>>, vector<1x16xf32>,
        %get3A_1017 = vector.shape_cast %get3A_1016 : vector<1x16xf32> to vector<16xf32>
        %add3A_1018 = arith.addf %add3A_990, %get3A_1017 : vector<16xf32>
        %add3A_1019 = arith.constant 32 : i32
        %add3A_1020 = arith.addi %mul3A_128, %add3A_1019 : i32
        %get3A_1021 = arith.index_cast %add3A_1020 : i32 to index
        %get3A_1022 = arith.constant 16 : index
        %get3A_1023 = tpu.vector_load %arg6[%get3A_1021, %get3A_1022] {strides = array<i32>} : memref<288x64xf32, #tpu.memory_space<vmem>>, vector<1x16xf32>,
        %get3A_1024 = vector.shape_cast %get3A_1023 : vector<1x16xf32> to vector<16xf32>
        %add3A_1025 = arith.addf %add3A_997, %get3A_1024 : vector<16xf32>
        %add3A_1026 = arith.constant 32 : i32
        %add3A_1027 = arith.addi %mul3A_128, %add3A_1026 : i32
        %get3A_1028 = arith.index_cast %add3A_1027 : i32 to index
        %get3A_1029 = arith.constant 32 : index
        %get3A_1030 = tpu.vector_load %arg6[%get3A_1028, %get3A_1029] {strides = array<i32>} : memref<288x64xf32, #tpu.memory_space<vmem>>, vector<1x16xf32>,
        %get3A_1031 = vector.shape_cast %get3A_1030 : vector<1x16xf32> to vector<16xf32>
        %add3A_1032 = arith.addf %add3A_1004, %get3A_1031 : vector<16xf32>
        %add3A_1033 = arith.constant 32 : i32
        %add3A_1034 = arith.addi %mul3A_128, %add3A_1033 : i32
        %get3A_1035 = arith.index_cast %add3A_1034 : i32 to index
        %get3A_1036 = arith.constant 48 : index
        %get3A_1037 = tpu.vector_load %arg6[%get3A_1035, %get3A_1036] {strides = array<i32>} : memref<288x64xf32, #tpu.memory_space<vmem>>, vector<1x16xf32>,
        %get3A_1038 = vector.shape_cast %get3A_1037 : vector<1x16xf32> to vector<16xf32>
        %add3A_1039 = arith.addf %add3A_1011, %get3A_1038 : vector<16xf32>
        %add3A_1040 = arith.constant 33 : i32
        %add3A_1041 = arith.addi %mul3A_128, %add3A_1040 : i32
        %get3A_1042 = arith.index_cast %add3A_1041 : i32 to index
        %get3A_1043 = arith.constant 0 : index
        %get3A_1044 = tpu.vector_load %arg6[%get3A_1042, %get3A_1043] {strides = array<i32>} : memref<288x64xf32, #tpu.memory_space<vmem>>, vector<1x16xf32>,
        %get3A_1045 = vector.shape_cast %get3A_1044 : vector<1x16xf32> to vector<16xf32>
        %add3A_1046 = arith.addf %add3A_1018, %get3A_1045 : vector<16xf32>
        %add3A_1047 = arith.constant 33 : i32
        %add3A_1048 = arith.addi %mul3A_128, %add3A_1047 : i32
        %get3A_1049 = arith.index_cast %add3A_1048 : i32 to index
        %get3A_1050 = arith.constant 16 : index
        %get3A_1051 = tpu.vector_load %arg6[%get3A_1049, %get3A_1050] {strides = array<i32>} : memref<288x64xf32, #tpu.memory_space<vmem>>, vector<1x16xf32>,
        %get3A_1052 = vector.shape_cast %get3A_1051 : vector<1x16xf32> to vector<16xf32>
        %add3A_1053 = arith.addf %add3A_1025, %get3A_1052 : vector<16xf32>
        %add3A_1054 = arith.constant 33 : i32
        %add3A_1055 = arith.addi %mul3A_128, %add3A_1054 : i32
        %get3A_1056 = arith.index_cast %add3A_1055 : i32 to index
        %get3A_1057 = arith.constant 32 : index
        %get3A_1058 = tpu.vector_load %arg6[%get3A_1056, %get3A_1057] {strides = array<i32>} : memref<288x64xf32, #tpu.memory_space<vmem>>, vector<1x16xf32>,
        %get3A_1059 = vector.shape_cast %get3A_1058 : vector<1x16xf32> to vector<16xf32>
        %add3A_1060 = arith.addf %add3A_1032, %get3A_1059 : vector<16xf32>
        %add3A_1061 = arith.constant 33 : i32
        %add3A_1062 = arith.addi %mul3A_128, %add3A_1061 : i32
        %get3A_1063 = arith.index_cast %add3A_1062 : i32 to index
        %get3A_1064 = arith.constant 48 : index
        %get3A_1065 = tpu.vector_load %arg6[%get3A_1063, %get3A_1064] {strides = array<i32>} : memref<288x64xf32, #tpu.memory_space<vmem>>, vector<1x16xf32>,
        %get3A_1066 = vector.shape_cast %get3A_1065 : vector<1x16xf32> to vector<16xf32>
        %add3A_1067 = arith.addf %add3A_1039, %get3A_1066 : vector<16xf32>
        %add3A_1068 = arith.constant 34 : i32
        %add3A_1069 = arith.addi %mul3A_128, %add3A_1068 : i32
        %get3A_1070 = arith.index_cast %add3A_1069 : i32 to index
        %get3A_1071 = arith.constant 0 : index
        %get3A_1072 = tpu.vector_load %arg6[%get3A_1070, %get3A_1071] {strides = array<i32>} : memref<288x64xf32, #tpu.memory_space<vmem>>, vector<1x16xf32>,
        %get3A_1073 = vector.shape_cast %get3A_1072 : vector<1x16xf32> to vector<16xf32>
        %add3A_1074 = arith.addf %add3A_1046, %get3A_1073 : vector<16xf32>
        %add3A_1075 = arith.constant 34 : i32
        %add3A_1076 = arith.addi %mul3A_128, %add3A_1075 : i32
        %get3A_1077 = arith.index_cast %add3A_1076 : i32 to index
        %get3A_1078 = arith.constant 16 : index
        %get3A_1079 = tpu.vector_load %arg6[%get3A_1077, %get3A_1078] {strides = array<i32>} : memref<288x64xf32, #tpu.memory_space<vmem>>, vector<1x16xf32>,
        %get3A_1080 = vector.shape_cast %get3A_1079 : vector<1x16xf32> to vector<16xf32>
        %add3A_1081 = arith.addf %add3A_1053, %get3A_1080 : vector<16xf32>
        %add3A_1082 = arith.constant 34 : i32
        %add3A_1083 = arith.addi %mul3A_128, %add3A_1082 : i32
        %get3A_1084 = arith.index_cast %add3A_1083 : i32 to index
        %get3A_1085 = arith.constant 32 : index
        %get3A_1086 = tpu.vector_load %arg6[%get3A_1084, %get3A_1085] {strides = array<i32>} : memref<288x64xf32, #tpu.memory_space<vmem>>, vector<1x16xf32>,
        %get3A_1087 = vector.shape_cast %get3A_1086 : vector<1x16xf32> to vector<16xf32>
        %add3A_1088 = arith.addf %add3A_1060, %get3A_1087 : vector<16xf32>
        %add3A_1089 = arith.constant 34 : i32
        %add3A_1090 = arith.addi %mul3A_128, %add3A_1089 : i32
        %get3A_1091 = arith.index_cast %add3A_1090 : i32 to index
        %get3A_1092 = arith.constant 48 : index
        %get3A_1093 = tpu.vector_load %arg6[%get3A_1091, %get3A_1092] {strides = array<i32>} : memref<288x64xf32, #tpu.memory_space<vmem>>, vector<1x16xf32>,
        %get3A_1094 = vector.shape_cast %get3A_1093 : vector<1x16xf32> to vector<16xf32>
        %add3A_1095 = arith.addf %add3A_1067, %get3A_1094 : vector<16xf32>
        %add3A_1096 = arith.constant 35 : i32
        %add3A_1097 = arith.addi %mul3A_128, %add3A_1096 : i32
        %get3A_1098 = arith.index_cast %add3A_1097 : i32 to index
        %get3A_1099 = arith.constant 0 : index
        %get3A_1100 = tpu.vector_load %arg6[%get3A_1098, %get3A_1099] {strides = array<i32>} : memref<288x64xf32, #tpu.memory_space<vmem>>, vector<1x16xf32>,
        %get3A_1101 = vector.shape_cast %get3A_1100 : vector<1x16xf32> to vector<16xf32>
        %add3A_1102 = arith.addf %add3A_1074, %get3A_1101 : vector<16xf32>
        %add3A_1103 = arith.constant 35 : i32
        %add3A_1104 = arith.addi %mul3A_128, %add3A_1103 : i32
        %get3A_1105 = arith.index_cast %add3A_1104 : i32 to index
        %get3A_1106 = arith.constant 16 : index
        %get3A_1107 = tpu.vector_load %arg6[%get3A_1105, %get3A_1106] {strides = array<i32>} : memref<288x64xf32, #tpu.memory_space<vmem>>, vector<1x16xf32>,
        %get3A_1108 = vector.shape_cast %get3A_1107 : vector<1x16xf32> to vector<16xf32>
        %add3A_1109 = arith.addf %add3A_1081, %get3A_1108 : vector<16xf32>
        %add3A_1110 = arith.constant 35 : i32
        %add3A_1111 = arith.addi %mul3A_128, %add3A_1110 : i32
        %get3A_1112 = arith.index_cast %add3A_1111 : i32 to index
        %get3A_1113 = arith.constant 32 : index
        %get3A_1114 = tpu.vector_load %arg6[%get3A_1112, %get3A_1113] {strides = array<i32>} : memref<288x64xf32, #tpu.memory_space<vmem>>, vector<1x16xf32>,
        %get3A_1115 = vector.shape_cast %get3A_1114 : vector<1x16xf32> to vector<16xf32>
        %add3A_1116 = arith.addf %add3A_1088, %get3A_1115 : vector<16xf32>
        %add3A_1117 = arith.constant 35 : i32
        %add3A_1118 = arith.addi %mul3A_128, %add3A_1117 : i32
        %get3A_1119 = arith.index_cast %add3A_1118 : i32 to index
        %get3A_1120 = arith.constant 48 : index
        %get3A_1121 = tpu.vector_load %arg6[%get3A_1119, %get3A_1120] {strides = array<i32>} : memref<288x64xf32, #tpu.memory_space<vmem>>, vector<1x16xf32>,
        %get3A_1122 = vector.shape_cast %get3A_1121 : vector<1x16xf32> to vector<16xf32>
        %add3A_1123 = arith.addf %add3A_1095, %get3A_1122 : vector<16xf32>
        %swap3A = arith.index_cast %scan3A_126 : i32 to index
        %swap3A_1124 = arith.constant 0 : index
        %swap3A_1125 = tpu.vector_load %arg10[%swap3A, %swap3A_1124] {strides = array<i32>} : memref<8x64xf32, #tpu.memory_space<vmem>>, vector<1x16xf32>,
        %swap3A_1126 = vector.shape_cast %swap3A_1125 : vector<1x16xf32> to vector<16xf32>
        %swap3A_1127 = vector.shape_cast %add3A_1102 : vector<16xf32> to vector<1x16xf32>
        tpu.vector_store %arg10[%swap3A, %swap3A_1124], %swap3A_1127 {strides = array<i32>} : memref<8x64xf32, #tpu.memory_space<vmem>>, vector<1x16xf32>,
        %swap3A_1128 = arith.index_cast %scan3A_126 : i32 to index
        %swap3A_1129 = arith.constant 16 : index
        %swap3A_1130 = tpu.vector_load %arg10[%swap3A_1128, %swap3A_1129] {strides = array<i32>} : memref<8x64xf32, #tpu.memory_space<vmem>>, vector<1x16xf32>,
        %swap3A_1131 = vector.shape_cast %swap3A_1130 : vector<1x16xf32> to vector<16xf32>
        %swap3A_1132 = vector.shape_cast %add3A_1109 : vector<16xf32> to vector<1x16xf32>
        tpu.vector_store %arg10[%swap3A_1128, %swap3A_1129], %swap3A_1132 {strides = array<i32>} : memref<8x64xf32, #tpu.memory_space<vmem>>, vector<1x16xf32>,
        %swap3A_1133 = arith.index_cast %scan3A_126 : i32 to index
        %swap3A_1134 = arith.constant 32 : index
        %swap3A_1135 = tpu.vector_load %arg10[%swap3A_1133, %swap3A_1134] {strides = array<i32>} : memref<8x64xf32, #tpu.memory_space<vmem>>, vector<1x16xf32>,
        %swap3A_1136 = vector.shape_cast %swap3A_1135 : vector<1x16xf32> to vector<16xf32>
        %swap3A_1137 = vector.shape_cast %add3A_1116 : vector<16xf32> to vector<1x16xf32>
        tpu.vector_store %arg10[%swap3A_1133, %swap3A_1134], %swap3A_1137 {strides = array<i32>} : memref<8x64xf32, #tpu.memory_space<vmem>>, vector<1x16xf32>,
        %swap3A_1138 = arith.index_cast %scan3A_126 : i32 to index
        %swap3A_1139 = arith.constant 48 : index
        %swap3A_1140 = tpu.vector_load %arg10[%swap3A_1138, %swap3A_1139] {strides = array<i32>} : memref<8x64xf32, #tpu.memory_space<vmem>>, vector<1x16xf32>,
        %swap3A_1141 = vector.shape_cast %swap3A_1140 : vector<1x16xf32> to vector<16xf32>
        %swap3A_1142 = vector.shape_cast %add3A_1123 : vector<16xf32> to vector<1x16xf32>
        tpu.vector_store %arg10[%swap3A_1138, %swap3A_1139], %swap3A_1142 {strides = array<i32>} : memref<8x64xf32, #tpu.memory_space<vmem>>, vector<1x16xf32>,
      }
      %scan3A_44 = arith.constant 8 : i32
      %mul3A_45 = arith.constant 8 : i32
      %mul3A_46 = arith.muli %add3A_28, %mul3A_45 : i32
      %add3A_47 = arith.addi %mul3A_2, %mul3A_46 : i32
      "tpu.region"() ({
        %run_scoped3A = tpu.sem_alloc : memref<!tpu.dma_semaphore, #tpu.memory_space<semaphore_mem>>
        %dma_start3A_126 = arith.constant 0 : i32
        %dma_start3A_127 = tpu.memref_slice %arg4[%add3A_47, %dma_start3A_126] : memref<16384x64xf32, #tpu.memory_space<hbm>> -> memref<8x64xf32, #tpu.memory_space<hbm>>
        %dma_start3A_128 = arith.constant 0 : i32
        %dma_start3A_129 = tpu.memref_slice %arg4[%add3A_47, %dma_start3A_128] : memref<16384x64xf32, #tpu.memory_space<hbm>> -> memref<8x64xf32, #tpu.memory_space<hbm>>
        tpu.enqueue_dma source(%arg10 : memref<8x64xf32, #tpu.memory_space<vmem>>) target(%dma_start3A_129 : memref<8x64xf32, #tpu.memory_space<hbm>>) target_semaphore(%run_scoped3A : memref<!tpu.dma_semaphore, #tpu.memory_space<semaphore_mem>>)
        %dma_wait3A_130 = arith.constant 0 : i32
        %dma_wait3A_131 = tpu.memref_slice %arg4[%add3A_47, %dma_wait3A_130] : memref<16384x64xf32, #tpu.memory_space<hbm>> -> memref<8x64xf32, #tpu.memory_space<hbm>>
        %dma_wait3A_132 = arith.constant 0 : i32
        %dma_wait3A_133 = tpu.memref_slice %arg4[%add3A_47, %dma_wait3A_132] : memref<16384x64xf32, #tpu.memory_space<hbm>> -> memref<8x64xf32, #tpu.memory_space<hbm>>
        tpu.wait_dma2 semaphore(%run_scoped3A : memref<!tpu.dma_semaphore, #tpu.memory_space<semaphore_mem>>) src(%arg10 : memref<8x64xf32, #tpu.memory_space<vmem>>) dst(%dma_wait3A_133 : memref<8x64xf32, #tpu.memory_space<hbm>>)
        tpu.yield
      }) : () -> ()
      %add3A_48 = arith.constant 1 : i32
      %add3A_49 = arith.addi %mul3A_26, %add3A_48 : i32
      %dma_wait3A_50 = arith.constant 0 : i32
      %dma_wait3A_51 = arith.constant 0 : i32
      %dma_wait3A_52 = tpu.memref_slice %arg4[%dma_wait3A_50, %dma_wait3A_51] : memref<16384x64xf32, #tpu.memory_space<hbm>> -> memref<288x64xf32, #tpu.memory_space<hbm>>
      %dma_wait3A_53 = arith.constant 0 : i32
      %dma_wait3A_54 = arith.constant 0 : i32
      %dma_wait3A_55 = tpu.memref_slice %arg4[%dma_wait3A_53, %dma_wait3A_54] : memref<16384x64xf32, #tpu.memory_space<hbm>> -> memref<288x64xf32, #tpu.memory_space<hbm>>
      tpu.wait_dma2 semaphore(%arg15 : memref<!tpu.dma_semaphore, #tpu.memory_space<semaphore_mem>>) src(%dma_wait3A_55 : memref<288x64xf32, #tpu.memory_space<hbm>>) dst(%arg7 : memref<288x64xf32, #tpu.memory_space<vmem>>)
      %add3A_56 = arith.constant 4 : i32
      %add3A_57 = arith.addi %add3A_49, %add3A_56 : i32
      %sub3A_58 = arith.constant 1 : i32
      %sub3A_59 = arith.subi %add3A_57, %sub3A_58 : i32
      %lt3A_60 = arith.constant 64 : i32
      %lt3A_61 = arith.cmpi slt, %sub3A_59, %lt3A_60 : i32
      %convert_element_type3A_62 = arith.extui %lt3A_61 : i1 to i32
      %cond3A_63 = arith.constant 0 : i32
      %cond3A_64 = arith.cmpi ne, %convert_element_type3A_62, %cond3A_63 : i32
      scf.if %cond3A_64 {
        %add3A_126 = arith.constant 4 : i32
        %add3A_127 = arith.addi %add3A_49, %add3A_126 : i32
        %sub3A_128 = arith.constant 1 : i32
        %sub3A_129 = arith.subi %add3A_127, %sub3A_128 : i32
        %mul3A_130 = arith.constant 8 : i32
        %mul3A_131 = arith.muli %sub3A_129, %mul3A_130 : i32
        %mul3A_132 = arith.constant 36 : i32
        %mul3A_133 = arith.muli %mul3A_131, %mul3A_132 : i32
        %dma_start3A_134 = tpu.memref_slice %arg5[%mul3A_133] : memref<18432xi32, #tpu.memory_space<vmem>> -> memref<288xi32, #tpu.memory_space<vmem>>
        %dma_start3A_135 = arith.constant 0 : i32
        %dma_start3A_136 = arith.constant 0 : i32
        %dma_start3A_137 = tpu.memref_slice %arg2[%dma_start3A_135, %dma_start3A_136] : memref<769x64xf32, #tpu.memory_space<hbm>> -> memref<769x64xf32, #tpu.memory_space<hbm>>
        tpu.enqueue_indirect_dma source(%dma_start3A_137 : memref<769x64xf32, #tpu.memory_space<hbm>>) target(%arg6 : memref<288x64xf32, #tpu.memory_space<vmem>>) offsets(%dma_start3A_134 : memref<288xi32, #tpu.memory_space<vmem>>) semaphore(%arg14 : memref<!tpu.dma_semaphore, #tpu.memory_space<semaphore_mem>>)
      } else {
      }
      %scan3A_65 = arith.constant 0 : i32
      %scan3A_66 = arith.constant 0 : i32
      %scan3A_67 = arith.constant 8 : i32
      %scan3A_68 = arith.addi %scan3A_66, %scan3A_67 : i32
      %scan3A_69 = arith.constant 1 : i32
      scf.for %scan3A_126 = %scan3A_66 to %scan3A_68 step %scan3A_69  : i32 {
        %mul3A_127 = arith.constant 36 : i32
        %mul3A_128 = arith.muli %scan3A_126, %mul3A_127 : i32
        %get3A = arith.index_cast %mul3A_128 : i32 to index
        %get3A_129 = arith.constant 0 : index
        %get3A_130 = tpu.vector_load %arg7[%get3A, %get3A_129] {strides = array<i32>} : memref<288x64xf32, #tpu.memory_space<vmem>>, vector<1x16xf32>,
        %get3A_131 = vector.shape_cast %get3A_130 : vector<1x16xf32> to vector<16xf32>
        %get3A_132 = arith.index_cast %mul3A_128 : i32 to index
        %get3A_133 = arith.constant 16 : index
        %get3A_134 = tpu.vector_load %arg7[%get3A_132, %get3A_133] {strides = array<i32>} : memref<288x64xf32, #tpu.memory_space<vmem>>, vector<1x16xf32>,
        %get3A_135 = vector.shape_cast %get3A_134 : vector<1x16xf32> to vector<16xf32>
        %get3A_136 = arith.index_cast %mul3A_128 : i32 to index
        %get3A_137 = arith.constant 32 : index
        %get3A_138 = tpu.vector_load %arg7[%get3A_136, %get3A_137] {strides = array<i32>} : memref<288x64xf32, #tpu.memory_space<vmem>>, vector<1x16xf32>,
        %get3A_139 = vector.shape_cast %get3A_138 : vector<1x16xf32> to vector<16xf32>
        %get3A_140 = arith.index_cast %mul3A_128 : i32 to index
        %get3A_141 = arith.constant 48 : index
        %get3A_142 = tpu.vector_load %arg7[%get3A_140, %get3A_141] {strides = array<i32>} : memref<288x64xf32, #tpu.memory_space<vmem>>, vector<1x16xf32>,
        %get3A_143 = vector.shape_cast %get3A_142 : vector<1x16xf32> to vector<16xf32>
        %add3A_144 = arith.constant 1 : i32
        %add3A_145 = arith.addi %mul3A_128, %add3A_144 : i32
        %get3A_146 = arith.index_cast %add3A_145 : i32 to index
        %get3A_147 = arith.constant 0 : index
        %get3A_148 = tpu.vector_load %arg7[%get3A_146, %get3A_147] {strides = array<i32>} : memref<288x64xf32, #tpu.memory_space<vmem>>, vector<1x16xf32>,
        %get3A_149 = vector.shape_cast %get3A_148 : vector<1x16xf32> to vector<16xf32>
        %add3A_150 = arith.addf %get3A_131, %get3A_149 : vector<16xf32>
        %add3A_151 = arith.constant 1 : i32
        %add3A_152 = arith.addi %mul3A_128, %add3A_151 : i32
        %get3A_153 = arith.index_cast %add3A_152 : i32 to index
        %get3A_154 = arith.constant 16 : index
        %get3A_155 = tpu.vector_load %arg7[%get3A_153, %get3A_154] {strides = array<i32>} : memref<288x64xf32, #tpu.memory_space<vmem>>, vector<1x16xf32>,
        %get3A_156 = vector.shape_cast %get3A_155 : vector<1x16xf32> to vector<16xf32>
        %add3A_157 = arith.addf %get3A_135, %get3A_156 : vector<16xf32>
        %add3A_158 = arith.constant 1 : i32
        %add3A_159 = arith.addi %mul3A_128, %add3A_158 : i32
        %get3A_160 = arith.index_cast %add3A_159 : i32 to index
        %get3A_161 = arith.constant 32 : index
        %get3A_162 = tpu.vector_load %arg7[%get3A_160, %get3A_161] {strides = array<i32>} : memref<288x64xf32, #tpu.memory_space<vmem>>, vector<1x16xf32>,
        %get3A_163 = vector.shape_cast %get3A_162 : vector<1x16xf32> to vector<16xf32>
        %add3A_164 = arith.addf %get3A_139, %get3A_163 : vector<16xf32>
        %add3A_165 = arith.constant 1 : i32
        %add3A_166 = arith.addi %mul3A_128, %add3A_165 : i32
        %get3A_167 = arith.index_cast %add3A_166 : i32 to index
        %get3A_168 = arith.constant 48 : index
        %get3A_169 = tpu.vector_load %arg7[%get3A_167, %get3A_168] {strides = array<i32>} : memref<288x64xf32, #tpu.memory_space<vmem>>, vector<1x16xf32>,
        %get3A_170 = vector.shape_cast %get3A_169 : vector<1x16xf32> to vector<16xf32>
        %add3A_171 = arith.addf %get3A_143, %get3A_170 : vector<16xf32>
        %add3A_172 = arith.constant 2 : i32
        %add3A_173 = arith.addi %mul3A_128, %add3A_172 : i32
        %get3A_174 = arith.index_cast %add3A_173 : i32 to index
        %get3A_175 = arith.constant 0 : index
        %get3A_176 = tpu.vector_load %arg7[%get3A_174, %get3A_175] {strides = array<i32>} : memref<288x64xf32, #tpu.memory_space<vmem>>, vector<1x16xf32>,
        %get3A_177 = vector.shape_cast %get3A_176 : vector<1x16xf32> to vector<16xf32>
        %add3A_178 = arith.addf %add3A_150, %get3A_177 : vector<16xf32>
        %add3A_179 = arith.constant 2 : i32
        %add3A_180 = arith.addi %mul3A_128, %add3A_179 : i32
        %get3A_181 = arith.index_cast %add3A_180 : i32 to index
        %get3A_182 = arith.constant 16 : index
        %get3A_183 = tpu.vector_load %arg7[%get3A_181, %get3A_182] {strides = array<i32>} : memref<288x64xf32, #tpu.memory_space<vmem>>, vector<1x16xf32>,
        %get3A_184 = vector.shape_cast %get3A_183 : vector<1x16xf32> to vector<16xf32>
        %add3A_185 = arith.addf %add3A_157, %get3A_184 : vector<16xf32>
        %add3A_186 = arith.constant 2 : i32
        %add3A_187 = arith.addi %mul3A_128, %add3A_186 : i32
        %get3A_188 = arith.index_cast %add3A_187 : i32 to index
        %get3A_189 = arith.constant 32 : index
        %get3A_190 = tpu.vector_load %arg7[%get3A_188, %get3A_189] {strides = array<i32>} : memref<288x64xf32, #tpu.memory_space<vmem>>, vector<1x16xf32>,
        %get3A_191 = vector.shape_cast %get3A_190 : vector<1x16xf32> to vector<16xf32>
        %add3A_192 = arith.addf %add3A_164, %get3A_191 : vector<16xf32>
        %add3A_193 = arith.constant 2 : i32
        %add3A_194 = arith.addi %mul3A_128, %add3A_193 : i32
        %get3A_195 = arith.index_cast %add3A_194 : i32 to index
        %get3A_196 = arith.constant 48 : index
        %get3A_197 = tpu.vector_load %arg7[%get3A_195, %get3A_196] {strides = array<i32>} : memref<288x64xf32, #tpu.memory_space<vmem>>, vector<1x16xf32>,
        %get3A_198 = vector.shape_cast %get3A_197 : vector<1x16xf32> to vector<16xf32>
        %add3A_199 = arith.addf %add3A_171, %get3A_198 : vector<16xf32>
        %add3A_200 = arith.constant 3 : i32
        %add3A_201 = arith.addi %mul3A_128, %add3A_200 : i32
        %get3A_202 = arith.index_cast %add3A_201 : i32 to index
        %get3A_203 = arith.constant 0 : index
        %get3A_204 = tpu.vector_load %arg7[%get3A_202, %get3A_203] {strides = array<i32>} : memref<288x64xf32, #tpu.memory_space<vmem>>, vector<1x16xf32>,
        %get3A_205 = vector.shape_cast %get3A_204 : vector<1x16xf32> to vector<16xf32>
        %add3A_206 = arith.addf %add3A_178, %get3A_205 : vector<16xf32>
        %add3A_207 = arith.constant 3 : i32
        %add3A_208 = arith.addi %mul3A_128, %add3A_207 : i32
        %get3A_209 = arith.index_cast %add3A_208 : i32 to index
        %get3A_210 = arith.constant 16 : index
        %get3A_211 = tpu.vector_load %arg7[%get3A_209, %get3A_210] {strides = array<i32>} : memref<288x64xf32, #tpu.memory_space<vmem>>, vector<1x16xf32>,
        %get3A_212 = vector.shape_cast %get3A_211 : vector<1x16xf32> to vector<16xf32>
        %add3A_213 = arith.addf %add3A_185, %get3A_212 : vector<16xf32>
        %add3A_214 = arith.constant 3 : i32
        %add3A_215 = arith.addi %mul3A_128, %add3A_214 : i32
        %get3A_216 = arith.index_cast %add3A_215 : i32 to index
        %get3A_217 = arith.constant 32 : index
        %get3A_218 = tpu.vector_load %arg7[%get3A_216, %get3A_217] {strides = array<i32>} : memref<288x64xf32, #tpu.memory_space<vmem>>, vector<1x16xf32>,
        %get3A_219 = vector.shape_cast %get3A_218 : vector<1x16xf32> to vector<16xf32>
        %add3A_220 = arith.addf %add3A_192, %get3A_219 : vector<16xf32>
        %add3A_221 = arith.constant 3 : i32
        %add3A_222 = arith.addi %mul3A_128, %add3A_221 : i32
        %get3A_223 = arith.index_cast %add3A_222 : i32 to index
        %get3A_224 = arith.constant 48 : index
        %get3A_225 = tpu.vector_load %arg7[%get3A_223, %get3A_224] {strides = array<i32>} : memref<288x64xf32, #tpu.memory_space<vmem>>, vector<1x16xf32>,
        %get3A_226 = vector.shape_cast %get3A_225 : vector<1x16xf32> to vector<16xf32>
        %add3A_227 = arith.addf %add3A_199, %get3A_226 : vector<16xf32>
        %add3A_228 = arith.constant 4 : i32
        %add3A_229 = arith.addi %mul3A_128, %add3A_228 : i32
        %get3A_230 = arith.index_cast %add3A_229 : i32 to index
        %get3A_231 = arith.constant 0 : index
        %get3A_232 = tpu.vector_load %arg7[%get3A_230, %get3A_231] {strides = array<i32>} : memref<288x64xf32, #tpu.memory_space<vmem>>, vector<1x16xf32>,
        %get3A_233 = vector.shape_cast %get3A_232 : vector<1x16xf32> to vector<16xf32>
        %add3A_234 = arith.addf %add3A_206, %get3A_233 : vector<16xf32>
        %add3A_235 = arith.constant 4 : i32
        %add3A_236 = arith.addi %mul3A_128, %add3A_235 : i32
        %get3A_237 = arith.index_cast %add3A_236 : i32 to index
        %get3A_238 = arith.constant 16 : index
        %get3A_239 = tpu.vector_load %arg7[%get3A_237, %get3A_238] {strides = array<i32>} : memref<288x64xf32, #tpu.memory_space<vmem>>, vector<1x16xf32>,
        %get3A_240 = vector.shape_cast %get3A_239 : vector<1x16xf32> to vector<16xf32>
        %add3A_241 = arith.addf %add3A_213, %get3A_240 : vector<16xf32>
        %add3A_242 = arith.constant 4 : i32
        %add3A_243 = arith.addi %mul3A_128, %add3A_242 : i32
        %get3A_244 = arith.index_cast %add3A_243 : i32 to index
        %get3A_245 = arith.constant 32 : index
        %get3A_246 = tpu.vector_load %arg7[%get3A_244, %get3A_245] {strides = array<i32>} : memref<288x64xf32, #tpu.memory_space<vmem>>, vector<1x16xf32>,
        %get3A_247 = vector.shape_cast %get3A_246 : vector<1x16xf32> to vector<16xf32>
        %add3A_248 = arith.addf %add3A_220, %get3A_247 : vector<16xf32>
        %add3A_249 = arith.constant 4 : i32
        %add3A_250 = arith.addi %mul3A_128, %add3A_249 : i32
        %get3A_251 = arith.index_cast %add3A_250 : i32 to index
        %get3A_252 = arith.constant 48 : index
        %get3A_253 = tpu.vector_load %arg7[%get3A_251, %get3A_252] {strides = array<i32>} : memref<288x64xf32, #tpu.memory_space<vmem>>, vector<1x16xf32>,
        %get3A_254 = vector.shape_cast %get3A_253 : vector<1x16xf32> to vector<16xf32>
        %add3A_255 = arith.addf %add3A_227, %get3A_254 : vector<16xf32>
        %add3A_256 = arith.constant 5 : i32
        %add3A_257 = arith.addi %mul3A_128, %add3A_256 : i32
        %get3A_258 = arith.index_cast %add3A_257 : i32 to index
        %get3A_259 = arith.constant 0 : index
        %get3A_260 = tpu.vector_load %arg7[%get3A_258, %get3A_259] {strides = array<i32>} : memref<288x64xf32, #tpu.memory_space<vmem>>, vector<1x16xf32>,
        %get3A_261 = vector.shape_cast %get3A_260 : vector<1x16xf32> to vector<16xf32>
        %add3A_262 = arith.addf %add3A_234, %get3A_261 : vector<16xf32>
        %add3A_263 = arith.constant 5 : i32
        %add3A_264 = arith.addi %mul3A_128, %add3A_263 : i32
        %get3A_265 = arith.index_cast %add3A_264 : i32 to index
        %get3A_266 = arith.constant 16 : index
        %get3A_267 = tpu.vector_load %arg7[%get3A_265, %get3A_266] {strides = array<i32>} : memref<288x64xf32, #tpu.memory_space<vmem>>, vector<1x16xf32>,
        %get3A_268 = vector.shape_cast %get3A_267 : vector<1x16xf32> to vector<16xf32>
        %add3A_269 = arith.addf %add3A_241, %get3A_268 : vector<16xf32>
        %add3A_270 = arith.constant 5 : i32
        %add3A_271 = arith.addi %mul3A_128, %add3A_270 : i32
        %get3A_272 = arith.index_cast %add3A_271 : i32 to index
        %get3A_273 = arith.constant 32 : index
        %get3A_274 = tpu.vector_load %arg7[%get3A_272, %get3A_273] {strides = array<i32>} : memref<288x64xf32, #tpu.memory_space<vmem>>, vector<1x16xf32>,
        %get3A_275 = vector.shape_cast %get3A_274 : vector<1x16xf32> to vector<16xf32>
        %add3A_276 = arith.addf %add3A_248, %get3A_275 : vector<16xf32>
        %add3A_277 = arith.constant 5 : i32
        %add3A_278 = arith.addi %mul3A_128, %add3A_277 : i32
        %get3A_279 = arith.index_cast %add3A_278 : i32 to index
        %get3A_280 = arith.constant 48 : index
        %get3A_281 = tpu.vector_load %arg7[%get3A_279, %get3A_280] {strides = array<i32>} : memref<288x64xf32, #tpu.memory_space<vmem>>, vector<1x16xf32>,
        %get3A_282 = vector.shape_cast %get3A_281 : vector<1x16xf32> to vector<16xf32>
        %add3A_283 = arith.addf %add3A_255, %get3A_282 : vector<16xf32>
        %add3A_284 = arith.constant 6 : i32
        %add3A_285 = arith.addi %mul3A_128, %add3A_284 : i32
        %get3A_286 = arith.index_cast %add3A_285 : i32 to index
        %get3A_287 = arith.constant 0 : index
        %get3A_288 = tpu.vector_load %arg7[%get3A_286, %get3A_287] {strides = array<i32>} : memref<288x64xf32, #tpu.memory_space<vmem>>, vector<1x16xf32>,
        %get3A_289 = vector.shape_cast %get3A_288 : vector<1x16xf32> to vector<16xf32>
        %add3A_290 = arith.addf %add3A_262, %get3A_289 : vector<16xf32>
        %add3A_291 = arith.constant 6 : i32
        %add3A_292 = arith.addi %mul3A_128, %add3A_291 : i32
        %get3A_293 = arith.index_cast %add3A_292 : i32 to index
        %get3A_294 = arith.constant 16 : index
        %get3A_295 = tpu.vector_load %arg7[%get3A_293, %get3A_294] {strides = array<i32>} : memref<288x64xf32, #tpu.memory_space<vmem>>, vector<1x16xf32>,
        %get3A_296 = vector.shape_cast %get3A_295 : vector<1x16xf32> to vector<16xf32>
        %add3A_297 = arith.addf %add3A_269, %get3A_296 : vector<16xf32>
        %add3A_298 = arith.constant 6 : i32
        %add3A_299 = arith.addi %mul3A_128, %add3A_298 : i32
        %get3A_300 = arith.index_cast %add3A_299 : i32 to index
        %get3A_301 = arith.constant 32 : index
        %get3A_302 = tpu.vector_load %arg7[%get3A_300, %get3A_301] {strides = array<i32>} : memref<288x64xf32, #tpu.memory_space<vmem>>, vector<1x16xf32>,
        %get3A_303 = vector.shape_cast %get3A_302 : vector<1x16xf32> to vector<16xf32>
        %add3A_304 = arith.addf %add3A_276, %get3A_303 : vector<16xf32>
        %add3A_305 = arith.constant 6 : i32
        %add3A_306 = arith.addi %mul3A_128, %add3A_305 : i32
        %get3A_307 = arith.index_cast %add3A_306 : i32 to index
        %get3A_308 = arith.constant 48 : index
        %get3A_309 = tpu.vector_load %arg7[%get3A_307, %get3A_308] {strides = array<i32>} : memref<288x64xf32, #tpu.memory_space<vmem>>, vector<1x16xf32>,
        %get3A_310 = vector.shape_cast %get3A_309 : vector<1x16xf32> to vector<16xf32>
        %add3A_311 = arith.addf %add3A_283, %get3A_310 : vector<16xf32>
        %add3A_312 = arith.constant 7 : i32
        %add3A_313 = arith.addi %mul3A_128, %add3A_312 : i32
        %get3A_314 = arith.index_cast %add3A_313 : i32 to index
        %get3A_315 = arith.constant 0 : index
        %get3A_316 = tpu.vector_load %arg7[%get3A_314, %get3A_315] {strides = array<i32>} : memref<288x64xf32, #tpu.memory_space<vmem>>, vector<1x16xf32>,
        %get3A_317 = vector.shape_cast %get3A_316 : vector<1x16xf32> to vector<16xf32>
        %add3A_318 = arith.addf %add3A_290, %get3A_317 : vector<16xf32>
        %add3A_319 = arith.constant 7 : i32
        %add3A_320 = arith.addi %mul3A_128, %add3A_319 : i32
        %get3A_321 = arith.index_cast %add3A_320 : i32 to index
        %get3A_322 = arith.constant 16 : index
        %get3A_323 = tpu.vector_load %arg7[%get3A_321, %get3A_322] {strides = array<i32>} : memref<288x64xf32, #tpu.memory_space<vmem>>, vector<1x16xf32>,
        %get3A_324 = vector.shape_cast %get3A_323 : vector<1x16xf32> to vector<16xf32>
        %add3A_325 = arith.addf %add3A_297, %get3A_324 : vector<16xf32>
        %add3A_326 = arith.constant 7 : i32
        %add3A_327 = arith.addi %mul3A_128, %add3A_326 : i32
        %get3A_328 = arith.index_cast %add3A_327 : i32 to index
        %get3A_329 = arith.constant 32 : index
        %get3A_330 = tpu.vector_load %arg7[%get3A_328, %get3A_329] {strides = array<i32>} : memref<288x64xf32, #tpu.memory_space<vmem>>, vector<1x16xf32>,
        %get3A_331 = vector.shape_cast %get3A_330 : vector<1x16xf32> to vector<16xf32>
        %add3A_332 = arith.addf %add3A_304, %get3A_331 : vector<16xf32>
        %add3A_333 = arith.constant 7 : i32
        %add3A_334 = arith.addi %mul3A_128, %add3A_333 : i32
        %get3A_335 = arith.index_cast %add3A_334 : i32 to index
        %get3A_336 = arith.constant 48 : index
        %get3A_337 = tpu.vector_load %arg7[%get3A_335, %get3A_336] {strides = array<i32>} : memref<288x64xf32, #tpu.memory_space<vmem>>, vector<1x16xf32>,
        %get3A_338 = vector.shape_cast %get3A_337 : vector<1x16xf32> to vector<16xf32>
        %add3A_339 = arith.addf %add3A_311, %get3A_338 : vector<16xf32>
        %add3A_340 = arith.constant 8 : i32
        %add3A_341 = arith.addi %mul3A_128, %add3A_340 : i32
        %get3A_342 = arith.index_cast %add3A_341 : i32 to index
        %get3A_343 = arith.constant 0 : index
        %get3A_344 = tpu.vector_load %arg7[%get3A_342, %get3A_343] {strides = array<i32>} : memref<288x64xf32, #tpu.memory_space<vmem>>, vector<1x16xf32>,
        %get3A_345 = vector.shape_cast %get3A_344 : vector<1x16xf32> to vector<16xf32>
        %add3A_346 = arith.addf %add3A_318, %get3A_345 : vector<16xf32>
        %add3A_347 = arith.constant 8 : i32
        %add3A_348 = arith.addi %mul3A_128, %add3A_347 : i32
        %get3A_349 = arith.index_cast %add3A_348 : i32 to index
        %get3A_350 = arith.constant 16 : index
        %get3A_351 = tpu.vector_load %arg7[%get3A_349, %get3A_350] {strides = array<i32>} : memref<288x64xf32, #tpu.memory_space<vmem>>, vector<1x16xf32>,
        %get3A_352 = vector.shape_cast %get3A_351 : vector<1x16xf32> to vector<16xf32>
        %add3A_353 = arith.addf %add3A_325, %get3A_352 : vector<16xf32>
        %add3A_354 = arith.constant 8 : i32
        %add3A_355 = arith.addi %mul3A_128, %add3A_354 : i32
        %get3A_356 = arith.index_cast %add3A_355 : i32 to index
        %get3A_357 = arith.constant 32 : index
        %get3A_358 = tpu.vector_load %arg7[%get3A_356, %get3A_357] {strides = array<i32>} : memref<288x64xf32, #tpu.memory_space<vmem>>, vector<1x16xf32>,
        %get3A_359 = vector.shape_cast %get3A_358 : vector<1x16xf32> to vector<16xf32>
        %add3A_360 = arith.addf %add3A_332, %get3A_359 : vector<16xf32>
        %add3A_361 = arith.constant 8 : i32
        %add3A_362 = arith.addi %mul3A_128, %add3A_361 : i32
        %get3A_363 = arith.index_cast %add3A_362 : i32 to index
        %get3A_364 = arith.constant 48 : index
        %get3A_365 = tpu.vector_load %arg7[%get3A_363, %get3A_364] {strides = array<i32>} : memref<288x64xf32, #tpu.memory_space<vmem>>, vector<1x16xf32>,
        %get3A_366 = vector.shape_cast %get3A_365 : vector<1x16xf32> to vector<16xf32>
        %add3A_367 = arith.addf %add3A_339, %get3A_366 : vector<16xf32>
        %add3A_368 = arith.constant 9 : i32
        %add3A_369 = arith.addi %mul3A_128, %add3A_368 : i32
        %get3A_370 = arith.index_cast %add3A_369 : i32 to index
        %get3A_371 = arith.constant 0 : index
        %get3A_372 = tpu.vector_load %arg7[%get3A_370, %get3A_371] {strides = array<i32>} : memref<288x64xf32, #tpu.memory_space<vmem>>, vector<1x16xf32>,
        %get3A_373 = vector.shape_cast %get3A_372 : vector<1x16xf32> to vector<16xf32>
        %add3A_374 = arith.addf %add3A_346, %get3A_373 : vector<16xf32>
        %add3A_375 = arith.constant 9 : i32
        %add3A_376 = arith.addi %mul3A_128, %add3A_375 : i32
        %get3A_377 = arith.index_cast %add3A_376 : i32 to index
        %get3A_378 = arith.constant 16 : index
        %get3A_379 = tpu.vector_load %arg7[%get3A_377, %get3A_378] {strides = array<i32>} : memref<288x64xf32, #tpu.memory_space<vmem>>, vector<1x16xf32>,
        %get3A_380 = vector.shape_cast %get3A_379 : vector<1x16xf32> to vector<16xf32>
        %add3A_381 = arith.addf %add3A_353, %get3A_380 : vector<16xf32>
        %add3A_382 = arith.constant 9 : i32
        %add3A_383 = arith.addi %mul3A_128, %add3A_382 : i32
        %get3A_384 = arith.index_cast %add3A_383 : i32 to index
        %get3A_385 = arith.constant 32 : index
        %get3A_386 = tpu.vector_load %arg7[%get3A_384, %get3A_385] {strides = array<i32>} : memref<288x64xf32, #tpu.memory_space<vmem>>, vector<1x16xf32>,
        %get3A_387 = vector.shape_cast %get3A_386 : vector<1x16xf32> to vector<16xf32>
        %add3A_388 = arith.addf %add3A_360, %get3A_387 : vector<16xf32>
        %add3A_389 = arith.constant 9 : i32
        %add3A_390 = arith.addi %mul3A_128, %add3A_389 : i32
        %get3A_391 = arith.index_cast %add3A_390 : i32 to index
        %get3A_392 = arith.constant 48 : index
        %get3A_393 = tpu.vector_load %arg7[%get3A_391, %get3A_392] {strides = array<i32>} : memref<288x64xf32, #tpu.memory_space<vmem>>, vector<1x16xf32>,
        %get3A_394 = vector.shape_cast %get3A_393 : vector<1x16xf32> to vector<16xf32>
        %add3A_395 = arith.addf %add3A_367, %get3A_394 : vector<16xf32>
        %add3A_396 = arith.constant 10 : i32
        %add3A_397 = arith.addi %mul3A_128, %add3A_396 : i32
        %get3A_398 = arith.index_cast %add3A_397 : i32 to index
        %get3A_399 = arith.constant 0 : index
        %get3A_400 = tpu.vector_load %arg7[%get3A_398, %get3A_399] {strides = array<i32>} : memref<288x64xf32, #tpu.memory_space<vmem>>, vector<1x16xf32>,
        %get3A_401 = vector.shape_cast %get3A_400 : vector<1x16xf32> to vector<16xf32>
        %add3A_402 = arith.addf %add3A_374, %get3A_401 : vector<16xf32>
        %add3A_403 = arith.constant 10 : i32
        %add3A_404 = arith.addi %mul3A_128, %add3A_403 : i32
        %get3A_405 = arith.index_cast %add3A_404 : i32 to index
        %get3A_406 = arith.constant 16 : index
        %get3A_407 = tpu.vector_load %arg7[%get3A_405, %get3A_406] {strides = array<i32>} : memref<288x64xf32, #tpu.memory_space<vmem>>, vector<1x16xf32>,
        %get3A_408 = vector.shape_cast %get3A_407 : vector<1x16xf32> to vector<16xf32>
        %add3A_409 = arith.addf %add3A_381, %get3A_408 : vector<16xf32>
        %add3A_410 = arith.constant 10 : i32
        %add3A_411 = arith.addi %mul3A_128, %add3A_410 : i32
        %get3A_412 = arith.index_cast %add3A_411 : i32 to index
        %get3A_413 = arith.constant 32 : index
        %get3A_414 = tpu.vector_load %arg7[%get3A_412, %get3A_413] {strides = array<i32>} : memref<288x64xf32, #tpu.memory_space<vmem>>, vector<1x16xf32>,
        %get3A_415 = vector.shape_cast %get3A_414 : vector<1x16xf32> to vector<16xf32>
        %add3A_416 = arith.addf %add3A_388, %get3A_415 : vector<16xf32>
        %add3A_417 = arith.constant 10 : i32
        %add3A_418 = arith.addi %mul3A_128, %add3A_417 : i32
        %get3A_419 = arith.index_cast %add3A_418 : i32 to index
        %get3A_420 = arith.constant 48 : index
        %get3A_421 = tpu.vector_load %arg7[%get3A_419, %get3A_420] {strides = array<i32>} : memref<288x64xf32, #tpu.memory_space<vmem>>, vector<1x16xf32>,
        %get3A_422 = vector.shape_cast %get3A_421 : vector<1x16xf32> to vector<16xf32>
        %add3A_423 = arith.addf %add3A_395, %get3A_422 : vector<16xf32>
        %add3A_424 = arith.constant 11 : i32
        %add3A_425 = arith.addi %mul3A_128, %add3A_424 : i32
        %get3A_426 = arith.index_cast %add3A_425 : i32 to index
        %get3A_427 = arith.constant 0 : index
        %get3A_428 = tpu.vector_load %arg7[%get3A_426, %get3A_427] {strides = array<i32>} : memref<288x64xf32, #tpu.memory_space<vmem>>, vector<1x16xf32>,
        %get3A_429 = vector.shape_cast %get3A_428 : vector<1x16xf32> to vector<16xf32>
        %add3A_430 = arith.addf %add3A_402, %get3A_429 : vector<16xf32>
        %add3A_431 = arith.constant 11 : i32
        %add3A_432 = arith.addi %mul3A_128, %add3A_431 : i32
        %get3A_433 = arith.index_cast %add3A_432 : i32 to index
        %get3A_434 = arith.constant 16 : index
        %get3A_435 = tpu.vector_load %arg7[%get3A_433, %get3A_434] {strides = array<i32>} : memref<288x64xf32, #tpu.memory_space<vmem>>, vector<1x16xf32>,
        %get3A_436 = vector.shape_cast %get3A_435 : vector<1x16xf32> to vector<16xf32>
        %add3A_437 = arith.addf %add3A_409, %get3A_436 : vector<16xf32>
        %add3A_438 = arith.constant 11 : i32
        %add3A_439 = arith.addi %mul3A_128, %add3A_438 : i32
        %get3A_440 = arith.index_cast %add3A_439 : i32 to index
        %get3A_441 = arith.constant 32 : index
        %get3A_442 = tpu.vector_load %arg7[%get3A_440, %get3A_441] {strides = array<i32>} : memref<288x64xf32, #tpu.memory_space<vmem>>, vector<1x16xf32>,
        %get3A_443 = vector.shape_cast %get3A_442 : vector<1x16xf32> to vector<16xf32>
        %add3A_444 = arith.addf %add3A_416, %get3A_443 : vector<16xf32>
        %add3A_445 = arith.constant 11 : i32
        %add3A_446 = arith.addi %mul3A_128, %add3A_445 : i32
        %get3A_447 = arith.index_cast %add3A_446 : i32 to index
        %get3A_448 = arith.constant 48 : index
        %get3A_449 = tpu.vector_load %arg7[%get3A_447, %get3A_448] {strides = array<i32>} : memref<288x64xf32, #tpu.memory_space<vmem>>, vector<1x16xf32>,
        %get3A_450 = vector.shape_cast %get3A_449 : vector<1x16xf32> to vector<16xf32>
        %add3A_451 = arith.addf %add3A_423, %get3A_450 : vector<16xf32>
        %add3A_452 = arith.constant 12 : i32
        %add3A_453 = arith.addi %mul3A_128, %add3A_452 : i32
        %get3A_454 = arith.index_cast %add3A_453 : i32 to index
        %get3A_455 = arith.constant 0 : index
        %get3A_456 = tpu.vector_load %arg7[%get3A_454, %get3A_455] {strides = array<i32>} : memref<288x64xf32, #tpu.memory_space<vmem>>, vector<1x16xf32>,
        %get3A_457 = vector.shape_cast %get3A_456 : vector<1x16xf32> to vector<16xf32>
        %add3A_458 = arith.addf %add3A_430, %get3A_457 : vector<16xf32>
        %add3A_459 = arith.constant 12 : i32
        %add3A_460 = arith.addi %mul3A_128, %add3A_459 : i32
        %get3A_461 = arith.index_cast %add3A_460 : i32 to index
        %get3A_462 = arith.constant 16 : index
        %get3A_463 = tpu.vector_load %arg7[%get3A_461, %get3A_462] {strides = array<i32>} : memref<288x64xf32, #tpu.memory_space<vmem>>, vector<1x16xf32>,
        %get3A_464 = vector.shape_cast %get3A_463 : vector<1x16xf32> to vector<16xf32>
        %add3A_465 = arith.addf %add3A_437, %get3A_464 : vector<16xf32>
        %add3A_466 = arith.constant 12 : i32
        %add3A_467 = arith.addi %mul3A_128, %add3A_466 : i32
        %get3A_468 = arith.index_cast %add3A_467 : i32 to index
        %get3A_469 = arith.constant 32 : index
        %get3A_470 = tpu.vector_load %arg7[%get3A_468, %get3A_469] {strides = array<i32>} : memref<288x64xf32, #tpu.memory_space<vmem>>, vector<1x16xf32>,
        %get3A_471 = vector.shape_cast %get3A_470 : vector<1x16xf32> to vector<16xf32>
        %add3A_472 = arith.addf %add3A_444, %get3A_471 : vector<16xf32>
        %add3A_473 = arith.constant 12 : i32
        %add3A_474 = arith.addi %mul3A_128, %add3A_473 : i32
        %get3A_475 = arith.index_cast %add3A_474 : i32 to index
        %get3A_476 = arith.constant 48 : index
        %get3A_477 = tpu.vector_load %arg7[%get3A_475, %get3A_476] {strides = array<i32>} : memref<288x64xf32, #tpu.memory_space<vmem>>, vector<1x16xf32>,
        %get3A_478 = vector.shape_cast %get3A_477 : vector<1x16xf32> to vector<16xf32>
        %add3A_479 = arith.addf %add3A_451, %get3A_478 : vector<16xf32>
        %add3A_480 = arith.constant 13 : i32
        %add3A_481 = arith.addi %mul3A_128, %add3A_480 : i32
        %get3A_482 = arith.index_cast %add3A_481 : i32 to index
        %get3A_483 = arith.constant 0 : index
        %get3A_484 = tpu.vector_load %arg7[%get3A_482, %get3A_483] {strides = array<i32>} : memref<288x64xf32, #tpu.memory_space<vmem>>, vector<1x16xf32>,
        %get3A_485 = vector.shape_cast %get3A_484 : vector<1x16xf32> to vector<16xf32>
        %add3A_486 = arith.addf %add3A_458, %get3A_485 : vector<16xf32>
        %add3A_487 = arith.constant 13 : i32
        %add3A_488 = arith.addi %mul3A_128, %add3A_487 : i32
        %get3A_489 = arith.index_cast %add3A_488 : i32 to index
        %get3A_490 = arith.constant 16 : index
        %get3A_491 = tpu.vector_load %arg7[%get3A_489, %get3A_490] {strides = array<i32>} : memref<288x64xf32, #tpu.memory_space<vmem>>, vector<1x16xf32>,
        %get3A_492 = vector.shape_cast %get3A_491 : vector<1x16xf32> to vector<16xf32>
        %add3A_493 = arith.addf %add3A_465, %get3A_492 : vector<16xf32>
        %add3A_494 = arith.constant 13 : i32
        %add3A_495 = arith.addi %mul3A_128, %add3A_494 : i32
        %get3A_496 = arith.index_cast %add3A_495 : i32 to index
        %get3A_497 = arith.constant 32 : index
        %get3A_498 = tpu.vector_load %arg7[%get3A_496, %get3A_497] {strides = array<i32>} : memref<288x64xf32, #tpu.memory_space<vmem>>, vector<1x16xf32>,
        %get3A_499 = vector.shape_cast %get3A_498 : vector<1x16xf32> to vector<16xf32>
        %add3A_500 = arith.addf %add3A_472, %get3A_499 : vector<16xf32>
        %add3A_501 = arith.constant 13 : i32
        %add3A_502 = arith.addi %mul3A_128, %add3A_501 : i32
        %get3A_503 = arith.index_cast %add3A_502 : i32 to index
        %get3A_504 = arith.constant 48 : index
        %get3A_505 = tpu.vector_load %arg7[%get3A_503, %get3A_504] {strides = array<i32>} : memref<288x64xf32, #tpu.memory_space<vmem>>, vector<1x16xf32>,
        %get3A_506 = vector.shape_cast %get3A_505 : vector<1x16xf32> to vector<16xf32>
        %add3A_507 = arith.addf %add3A_479, %get3A_506 : vector<16xf32>
        %add3A_508 = arith.constant 14 : i32
        %add3A_509 = arith.addi %mul3A_128, %add3A_508 : i32
        %get3A_510 = arith.index_cast %add3A_509 : i32 to index
        %get3A_511 = arith.constant 0 : index
        %get3A_512 = tpu.vector_load %arg7[%get3A_510, %get3A_511] {strides = array<i32>} : memref<288x64xf32, #tpu.memory_space<vmem>>, vector<1x16xf32>,
        %get3A_513 = vector.shape_cast %get3A_512 : vector<1x16xf32> to vector<16xf32>
        %add3A_514 = arith.addf %add3A_486, %get3A_513 : vector<16xf32>
        %add3A_515 = arith.constant 14 : i32
        %add3A_516 = arith.addi %mul3A_128, %add3A_515 : i32
        %get3A_517 = arith.index_cast %add3A_516 : i32 to index
        %get3A_518 = arith.constant 16 : index
        %get3A_519 = tpu.vector_load %arg7[%get3A_517, %get3A_518] {strides = array<i32>} : memref<288x64xf32, #tpu.memory_space<vmem>>, vector<1x16xf32>,
        %get3A_520 = vector.shape_cast %get3A_519 : vector<1x16xf32> to vector<16xf32>
        %add3A_521 = arith.addf %add3A_493, %get3A_520 : vector<16xf32>
        %add3A_522 = arith.constant 14 : i32
        %add3A_523 = arith.addi %mul3A_128, %add3A_522 : i32
        %get3A_524 = arith.index_cast %add3A_523 : i32 to index
        %get3A_525 = arith.constant 32 : index
        %get3A_526 = tpu.vector_load %arg7[%get3A_524, %get3A_525] {strides = array<i32>} : memref<288x64xf32, #tpu.memory_space<vmem>>, vector<1x16xf32>,
        %get3A_527 = vector.shape_cast %get3A_526 : vector<1x16xf32> to vector<16xf32>
        %add3A_528 = arith.addf %add3A_500, %get3A_527 : vector<16xf32>
        %add3A_529 = arith.constant 14 : i32
        %add3A_530 = arith.addi %mul3A_128, %add3A_529 : i32
        %get3A_531 = arith.index_cast %add3A_530 : i32 to index
        %get3A_532 = arith.constant 48 : index
        %get3A_533 = tpu.vector_load %arg7[%get3A_531, %get3A_532] {strides = array<i32>} : memref<288x64xf32, #tpu.memory_space<vmem>>, vector<1x16xf32>,
        %get3A_534 = vector.shape_cast %get3A_533 : vector<1x16xf32> to vector<16xf32>
        %add3A_535 = arith.addf %add3A_507, %get3A_534 : vector<16xf32>
        %add3A_536 = arith.constant 15 : i32
        %add3A_537 = arith.addi %mul3A_128, %add3A_536 : i32
        %get3A_538 = arith.index_cast %add3A_537 : i32 to index
        %get3A_539 = arith.constant 0 : index
        %get3A_540 = tpu.vector_load %arg7[%get3A_538, %get3A_539] {strides = array<i32>} : memref<288x64xf32, #tpu.memory_space<vmem>>, vector<1x16xf32>,
        %get3A_541 = vector.shape_cast %get3A_540 : vector<1x16xf32> to vector<16xf32>
        %add3A_542 = arith.addf %add3A_514, %get3A_541 : vector<16xf32>
        %add3A_543 = arith.constant 15 : i32
        %add3A_544 = arith.addi %mul3A_128, %add3A_543 : i32
        %get3A_545 = arith.index_cast %add3A_544 : i32 to index
        %get3A_546 = arith.constant 16 : index
        %get3A_547 = tpu.vector_load %arg7[%get3A_545, %get3A_546] {strides = array<i32>} : memref<288x64xf32, #tpu.memory_space<vmem>>, vector<1x16xf32>,
        %get3A_548 = vector.shape_cast %get3A_547 : vector<1x16xf32> to vector<16xf32>
        %add3A_549 = arith.addf %add3A_521, %get3A_548 : vector<16xf32>
        %add3A_550 = arith.constant 15 : i32
        %add3A_551 = arith.addi %mul3A_128, %add3A_550 : i32
        %get3A_552 = arith.index_cast %add3A_551 : i32 to index
        %get3A_553 = arith.constant 32 : index
        %get3A_554 = tpu.vector_load %arg7[%get3A_552, %get3A_553] {strides = array<i32>} : memref<288x64xf32, #tpu.memory_space<vmem>>, vector<1x16xf32>,
        %get3A_555 = vector.shape_cast %get3A_554 : vector<1x16xf32> to vector<16xf32>
        %add3A_556 = arith.addf %add3A_528, %get3A_555 : vector<16xf32>
        %add3A_557 = arith.constant 15 : i32
        %add3A_558 = arith.addi %mul3A_128, %add3A_557 : i32
        %get3A_559 = arith.index_cast %add3A_558 : i32 to index
        %get3A_560 = arith.constant 48 : index
        %get3A_561 = tpu.vector_load %arg7[%get3A_559, %get3A_560] {strides = array<i32>} : memref<288x64xf32, #tpu.memory_space<vmem>>, vector<1x16xf32>,
        %get3A_562 = vector.shape_cast %get3A_561 : vector<1x16xf32> to vector<16xf32>
        %add3A_563 = arith.addf %add3A_535, %get3A_562 : vector<16xf32>
        %add3A_564 = arith.constant 16 : i32
        %add3A_565 = arith.addi %mul3A_128, %add3A_564 : i32
        %get3A_566 = arith.index_cast %add3A_565 : i32 to index
        %get3A_567 = arith.constant 0 : index
        %get3A_568 = tpu.vector_load %arg7[%get3A_566, %get3A_567] {strides = array<i32>} : memref<288x64xf32, #tpu.memory_space<vmem>>, vector<1x16xf32>,
        %get3A_569 = vector.shape_cast %get3A_568 : vector<1x16xf32> to vector<16xf32>
        %add3A_570 = arith.addf %add3A_542, %get3A_569 : vector<16xf32>
        %add3A_571 = arith.constant 16 : i32
        %add3A_572 = arith.addi %mul3A_128, %add3A_571 : i32
        %get3A_573 = arith.index_cast %add3A_572 : i32 to index
        %get3A_574 = arith.constant 16 : index
        %get3A_575 = tpu.vector_load %arg7[%get3A_573, %get3A_574] {strides = array<i32>} : memref<288x64xf32, #tpu.memory_space<vmem>>, vector<1x16xf32>,
        %get3A_576 = vector.shape_cast %get3A_575 : vector<1x16xf32> to vector<16xf32>
        %add3A_577 = arith.addf %add3A_549, %get3A_576 : vector<16xf32>
        %add3A_578 = arith.constant 16 : i32
        %add3A_579 = arith.addi %mul3A_128, %add3A_578 : i32
        %get3A_580 = arith.index_cast %add3A_579 : i32 to index
        %get3A_581 = arith.constant 32 : index
        %get3A_582 = tpu.vector_load %arg7[%get3A_580, %get3A_581] {strides = array<i32>} : memref<288x64xf32, #tpu.memory_space<vmem>>, vector<1x16xf32>,
        %get3A_583 = vector.shape_cast %get3A_582 : vector<1x16xf32> to vector<16xf32>
        %add3A_584 = arith.addf %add3A_556, %get3A_583 : vector<16xf32>
        %add3A_585 = arith.constant 16 : i32
        %add3A_586 = arith.addi %mul3A_128, %add3A_585 : i32
        %get3A_587 = arith.index_cast %add3A_586 : i32 to index
        %get3A_588 = arith.constant 48 : index
        %get3A_589 = tpu.vector_load %arg7[%get3A_587, %get3A_588] {strides = array<i32>} : memref<288x64xf32, #tpu.memory_space<vmem>>, vector<1x16xf32>,
        %get3A_590 = vector.shape_cast %get3A_589 : vector<1x16xf32> to vector<16xf32>
        %add3A_591 = arith.addf %add3A_563, %get3A_590 : vector<16xf32>
        %add3A_592 = arith.constant 17 : i32
        %add3A_593 = arith.addi %mul3A_128, %add3A_592 : i32
        %get3A_594 = arith.index_cast %add3A_593 : i32 to index
        %get3A_595 = arith.constant 0 : index
        %get3A_596 = tpu.vector_load %arg7[%get3A_594, %get3A_595] {strides = array<i32>} : memref<288x64xf32, #tpu.memory_space<vmem>>, vector<1x16xf32>,
        %get3A_597 = vector.shape_cast %get3A_596 : vector<1x16xf32> to vector<16xf32>
        %add3A_598 = arith.addf %add3A_570, %get3A_597 : vector<16xf32>
        %add3A_599 = arith.constant 17 : i32
        %add3A_600 = arith.addi %mul3A_128, %add3A_599 : i32
        %get3A_601 = arith.index_cast %add3A_600 : i32 to index
        %get3A_602 = arith.constant 16 : index
        %get3A_603 = tpu.vector_load %arg7[%get3A_601, %get3A_602] {strides = array<i32>} : memref<288x64xf32, #tpu.memory_space<vmem>>, vector<1x16xf32>,
        %get3A_604 = vector.shape_cast %get3A_603 : vector<1x16xf32> to vector<16xf32>
        %add3A_605 = arith.addf %add3A_577, %get3A_604 : vector<16xf32>
        %add3A_606 = arith.constant 17 : i32
        %add3A_607 = arith.addi %mul3A_128, %add3A_606 : i32
        %get3A_608 = arith.index_cast %add3A_607 : i32 to index
        %get3A_609 = arith.constant 32 : index
        %get3A_610 = tpu.vector_load %arg7[%get3A_608, %get3A_609] {strides = array<i32>} : memref<288x64xf32, #tpu.memory_space<vmem>>, vector<1x16xf32>,
        %get3A_611 = vector.shape_cast %get3A_610 : vector<1x16xf32> to vector<16xf32>
        %add3A_612 = arith.addf %add3A_584, %get3A_611 : vector<16xf32>
        %add3A_613 = arith.constant 17 : i32
        %add3A_614 = arith.addi %mul3A_128, %add3A_613 : i32
        %get3A_615 = arith.index_cast %add3A_614 : i32 to index
        %get3A_616 = arith.constant 48 : index
        %get3A_617 = tpu.vector_load %arg7[%get3A_615, %get3A_616] {strides = array<i32>} : memref<288x64xf32, #tpu.memory_space<vmem>>, vector<1x16xf32>,
        %get3A_618 = vector.shape_cast %get3A_617 : vector<1x16xf32> to vector<16xf32>
        %add3A_619 = arith.addf %add3A_591, %get3A_618 : vector<16xf32>
        %add3A_620 = arith.constant 18 : i32
        %add3A_621 = arith.addi %mul3A_128, %add3A_620 : i32
        %get3A_622 = arith.index_cast %add3A_621 : i32 to index
        %get3A_623 = arith.constant 0 : index
        %get3A_624 = tpu.vector_load %arg7[%get3A_622, %get3A_623] {strides = array<i32>} : memref<288x64xf32, #tpu.memory_space<vmem>>, vector<1x16xf32>,
        %get3A_625 = vector.shape_cast %get3A_624 : vector<1x16xf32> to vector<16xf32>
        %add3A_626 = arith.addf %add3A_598, %get3A_625 : vector<16xf32>
        %add3A_627 = arith.constant 18 : i32
        %add3A_628 = arith.addi %mul3A_128, %add3A_627 : i32
        %get3A_629 = arith.index_cast %add3A_628 : i32 to index
        %get3A_630 = arith.constant 16 : index
        %get3A_631 = tpu.vector_load %arg7[%get3A_629, %get3A_630] {strides = array<i32>} : memref<288x64xf32, #tpu.memory_space<vmem>>, vector<1x16xf32>,
        %get3A_632 = vector.shape_cast %get3A_631 : vector<1x16xf32> to vector<16xf32>
        %add3A_633 = arith.addf %add3A_605, %get3A_632 : vector<16xf32>
        %add3A_634 = arith.constant 18 : i32
        %add3A_635 = arith.addi %mul3A_128, %add3A_634 : i32
        %get3A_636 = arith.index_cast %add3A_635 : i32 to index
        %get3A_637 = arith.constant 32 : index
        %get3A_638 = tpu.vector_load %arg7[%get3A_636, %get3A_637] {strides = array<i32>} : memref<288x64xf32, #tpu.memory_space<vmem>>, vector<1x16xf32>,
        %get3A_639 = vector.shape_cast %get3A_638 : vector<1x16xf32> to vector<16xf32>
        %add3A_640 = arith.addf %add3A_612, %get3A_639 : vector<16xf32>
        %add3A_641 = arith.constant 18 : i32
        %add3A_642 = arith.addi %mul3A_128, %add3A_641 : i32
        %get3A_643 = arith.index_cast %add3A_642 : i32 to index
        %get3A_644 = arith.constant 48 : index
        %get3A_645 = tpu.vector_load %arg7[%get3A_643, %get3A_644] {strides = array<i32>} : memref<288x64xf32, #tpu.memory_space<vmem>>, vector<1x16xf32>,
        %get3A_646 = vector.shape_cast %get3A_645 : vector<1x16xf32> to vector<16xf32>
        %add3A_647 = arith.addf %add3A_619, %get3A_646 : vector<16xf32>
        %add3A_648 = arith.constant 19 : i32
        %add3A_649 = arith.addi %mul3A_128, %add3A_648 : i32
        %get3A_650 = arith.index_cast %add3A_649 : i32 to index
        %get3A_651 = arith.constant 0 : index
        %get3A_652 = tpu.vector_load %arg7[%get3A_650, %get3A_651] {strides = array<i32>} : memref<288x64xf32, #tpu.memory_space<vmem>>, vector<1x16xf32>,
        %get3A_653 = vector.shape_cast %get3A_652 : vector<1x16xf32> to vector<16xf32>
        %add3A_654 = arith.addf %add3A_626, %get3A_653 : vector<16xf32>
        %add3A_655 = arith.constant 19 : i32
        %add3A_656 = arith.addi %mul3A_128, %add3A_655 : i32
        %get3A_657 = arith.index_cast %add3A_656 : i32 to index
        %get3A_658 = arith.constant 16 : index
        %get3A_659 = tpu.vector_load %arg7[%get3A_657, %get3A_658] {strides = array<i32>} : memref<288x64xf32, #tpu.memory_space<vmem>>, vector<1x16xf32>,
        %get3A_660 = vector.shape_cast %get3A_659 : vector<1x16xf32> to vector<16xf32>
        %add3A_661 = arith.addf %add3A_633, %get3A_660 : vector<16xf32>
        %add3A_662 = arith.constant 19 : i32
        %add3A_663 = arith.addi %mul3A_128, %add3A_662 : i32
        %get3A_664 = arith.index_cast %add3A_663 : i32 to index
        %get3A_665 = arith.constant 32 : index
        %get3A_666 = tpu.vector_load %arg7[%get3A_664, %get3A_665] {strides = array<i32>} : memref<288x64xf32, #tpu.memory_space<vmem>>, vector<1x16xf32>,
        %get3A_667 = vector.shape_cast %get3A_666 : vector<1x16xf32> to vector<16xf32>
        %add3A_668 = arith.addf %add3A_640, %get3A_667 : vector<16xf32>
        %add3A_669 = arith.constant 19 : i32
        %add3A_670 = arith.addi %mul3A_128, %add3A_669 : i32
        %get3A_671 = arith.index_cast %add3A_670 : i32 to index
        %get3A_672 = arith.constant 48 : index
        %get3A_673 = tpu.vector_load %arg7[%get3A_671, %get3A_672] {strides = array<i32>} : memref<288x64xf32, #tpu.memory_space<vmem>>, vector<1x16xf32>,
        %get3A_674 = vector.shape_cast %get3A_673 : vector<1x16xf32> to vector<16xf32>
        %add3A_675 = arith.addf %add3A_647, %get3A_674 : vector<16xf32>
        %add3A_676 = arith.constant 20 : i32
        %add3A_677 = arith.addi %mul3A_128, %add3A_676 : i32
        %get3A_678 = arith.index_cast %add3A_677 : i32 to index
        %get3A_679 = arith.constant 0 : index
        %get3A_680 = tpu.vector_load %arg7[%get3A_678, %get3A_679] {strides = array<i32>} : memref<288x64xf32, #tpu.memory_space<vmem>>, vector<1x16xf32>,
        %get3A_681 = vector.shape_cast %get3A_680 : vector<1x16xf32> to vector<16xf32>
        %add3A_682 = arith.addf %add3A_654, %get3A_681 : vector<16xf32>
        %add3A_683 = arith.constant 20 : i32
        %add3A_684 = arith.addi %mul3A_128, %add3A_683 : i32
        %get3A_685 = arith.index_cast %add3A_684 : i32 to index
        %get3A_686 = arith.constant 16 : index
        %get3A_687 = tpu.vector_load %arg7[%get3A_685, %get3A_686] {strides = array<i32>} : memref<288x64xf32, #tpu.memory_space<vmem>>, vector<1x16xf32>,
        %get3A_688 = vector.shape_cast %get3A_687 : vector<1x16xf32> to vector<16xf32>
        %add3A_689 = arith.addf %add3A_661, %get3A_688 : vector<16xf32>
        %add3A_690 = arith.constant 20 : i32
        %add3A_691 = arith.addi %mul3A_128, %add3A_690 : i32
        %get3A_692 = arith.index_cast %add3A_691 : i32 to index
        %get3A_693 = arith.constant 32 : index
        %get3A_694 = tpu.vector_load %arg7[%get3A_692, %get3A_693] {strides = array<i32>} : memref<288x64xf32, #tpu.memory_space<vmem>>, vector<1x16xf32>,
        %get3A_695 = vector.shape_cast %get3A_694 : vector<1x16xf32> to vector<16xf32>
        %add3A_696 = arith.addf %add3A_668, %get3A_695 : vector<16xf32>
        %add3A_697 = arith.constant 20 : i32
        %add3A_698 = arith.addi %mul3A_128, %add3A_697 : i32
        %get3A_699 = arith.index_cast %add3A_698 : i32 to index
        %get3A_700 = arith.constant 48 : index
        %get3A_701 = tpu.vector_load %arg7[%get3A_699, %get3A_700] {strides = array<i32>} : memref<288x64xf32, #tpu.memory_space<vmem>>, vector<1x16xf32>,
        %get3A_702 = vector.shape_cast %get3A_701 : vector<1x16xf32> to vector<16xf32>
        %add3A_703 = arith.addf %add3A_675, %get3A_702 : vector<16xf32>
        %add3A_704 = arith.constant 21 : i32
        %add3A_705 = arith.addi %mul3A_128, %add3A_704 : i32
        %get3A_706 = arith.index_cast %add3A_705 : i32 to index
        %get3A_707 = arith.constant 0 : index
        %get3A_708 = tpu.vector_load %arg7[%get3A_706, %get3A_707] {strides = array<i32>} : memref<288x64xf32, #tpu.memory_space<vmem>>, vector<1x16xf32>,
        %get3A_709 = vector.shape_cast %get3A_708 : vector<1x16xf32> to vector<16xf32>
        %add3A_710 = arith.addf %add3A_682, %get3A_709 : vector<16xf32>
        %add3A_711 = arith.constant 21 : i32
        %add3A_712 = arith.addi %mul3A_128, %add3A_711 : i32
        %get3A_713 = arith.index_cast %add3A_712 : i32 to index
        %get3A_714 = arith.constant 16 : index
        %get3A_715 = tpu.vector_load %arg7[%get3A_713, %get3A_714] {strides = array<i32>} : memref<288x64xf32, #tpu.memory_space<vmem>>, vector<1x16xf32>,
        %get3A_716 = vector.shape_cast %get3A_715 : vector<1x16xf32> to vector<16xf32>
        %add3A_717 = arith.addf %add3A_689, %get3A_716 : vector<16xf32>
        %add3A_718 = arith.constant 21 : i32
        %add3A_719 = arith.addi %mul3A_128, %add3A_718 : i32
        %get3A_720 = arith.index_cast %add3A_719 : i32 to index
        %get3A_721 = arith.constant 32 : index
        %get3A_722 = tpu.vector_load %arg7[%get3A_720, %get3A_721] {strides = array<i32>} : memref<288x64xf32, #tpu.memory_space<vmem>>, vector<1x16xf32>,
        %get3A_723 = vector.shape_cast %get3A_722 : vector<1x16xf32> to vector<16xf32>
        %add3A_724 = arith.addf %add3A_696, %get3A_723 : vector<16xf32>
        %add3A_725 = arith.constant 21 : i32
        %add3A_726 = arith.addi %mul3A_128, %add3A_725 : i32
        %get3A_727 = arith.index_cast %add3A_726 : i32 to index
        %get3A_728 = arith.constant 48 : index
        %get3A_729 = tpu.vector_load %arg7[%get3A_727, %get3A_728] {strides = array<i32>} : memref<288x64xf32, #tpu.memory_space<vmem>>, vector<1x16xf32>,
        %get3A_730 = vector.shape_cast %get3A_729 : vector<1x16xf32> to vector<16xf32>
        %add3A_731 = arith.addf %add3A_703, %get3A_730 : vector<16xf32>
        %add3A_732 = arith.constant 22 : i32
        %add3A_733 = arith.addi %mul3A_128, %add3A_732 : i32
        %get3A_734 = arith.index_cast %add3A_733 : i32 to index
        %get3A_735 = arith.constant 0 : index
        %get3A_736 = tpu.vector_load %arg7[%get3A_734, %get3A_735] {strides = array<i32>} : memref<288x64xf32, #tpu.memory_space<vmem>>, vector<1x16xf32>,
        %get3A_737 = vector.shape_cast %get3A_736 : vector<1x16xf32> to vector<16xf32>
        %add3A_738 = arith.addf %add3A_710, %get3A_737 : vector<16xf32>
        %add3A_739 = arith.constant 22 : i32
        %add3A_740 = arith.addi %mul3A_128, %add3A_739 : i32
        %get3A_741 = arith.index_cast %add3A_740 : i32 to index
        %get3A_742 = arith.constant 16 : index
        %get3A_743 = tpu.vector_load %arg7[%get3A_741, %get3A_742] {strides = array<i32>} : memref<288x64xf32, #tpu.memory_space<vmem>>, vector<1x16xf32>,
        %get3A_744 = vector.shape_cast %get3A_743 : vector<1x16xf32> to vector<16xf32>
        %add3A_745 = arith.addf %add3A_717, %get3A_744 : vector<16xf32>
        %add3A_746 = arith.constant 22 : i32
        %add3A_747 = arith.addi %mul3A_128, %add3A_746 : i32
        %get3A_748 = arith.index_cast %add3A_747 : i32 to index
        %get3A_749 = arith.constant 32 : index
        %get3A_750 = tpu.vector_load %arg7[%get3A_748, %get3A_749] {strides = array<i32>} : memref<288x64xf32, #tpu.memory_space<vmem>>, vector<1x16xf32>,
        %get3A_751 = vector.shape_cast %get3A_750 : vector<1x16xf32> to vector<16xf32>
        %add3A_752 = arith.addf %add3A_724, %get3A_751 : vector<16xf32>
        %add3A_753 = arith.constant 22 : i32
        %add3A_754 = arith.addi %mul3A_128, %add3A_753 : i32
        %get3A_755 = arith.index_cast %add3A_754 : i32 to index
        %get3A_756 = arith.constant 48 : index
        %get3A_757 = tpu.vector_load %arg7[%get3A_755, %get3A_756] {strides = array<i32>} : memref<288x64xf32, #tpu.memory_space<vmem>>, vector<1x16xf32>,
        %get3A_758 = vector.shape_cast %get3A_757 : vector<1x16xf32> to vector<16xf32>
        %add3A_759 = arith.addf %add3A_731, %get3A_758 : vector<16xf32>
        %add3A_760 = arith.constant 23 : i32
        %add3A_761 = arith.addi %mul3A_128, %add3A_760 : i32
        %get3A_762 = arith.index_cast %add3A_761 : i32 to index
        %get3A_763 = arith.constant 0 : index
        %get3A_764 = tpu.vector_load %arg7[%get3A_762, %get3A_763] {strides = array<i32>} : memref<288x64xf32, #tpu.memory_space<vmem>>, vector<1x16xf32>,
        %get3A_765 = vector.shape_cast %get3A_764 : vector<1x16xf32> to vector<16xf32>
        %add3A_766 = arith.addf %add3A_738, %get3A_765 : vector<16xf32>
        %add3A_767 = arith.constant 23 : i32
        %add3A_768 = arith.addi %mul3A_128, %add3A_767 : i32
        %get3A_769 = arith.index_cast %add3A_768 : i32 to index
        %get3A_770 = arith.constant 16 : index
        %get3A_771 = tpu.vector_load %arg7[%get3A_769, %get3A_770] {strides = array<i32>} : memref<288x64xf32, #tpu.memory_space<vmem>>, vector<1x16xf32>,
        %get3A_772 = vector.shape_cast %get3A_771 : vector<1x16xf32> to vector<16xf32>
        %add3A_773 = arith.addf %add3A_745, %get3A_772 : vector<16xf32>
        %add3A_774 = arith.constant 23 : i32
        %add3A_775 = arith.addi %mul3A_128, %add3A_774 : i32
        %get3A_776 = arith.index_cast %add3A_775 : i32 to index
        %get3A_777 = arith.constant 32 : index
        %get3A_778 = tpu.vector_load %arg7[%get3A_776, %get3A_777] {strides = array<i32>} : memref<288x64xf32, #tpu.memory_space<vmem>>, vector<1x16xf32>,
        %get3A_779 = vector.shape_cast %get3A_778 : vector<1x16xf32> to vector<16xf32>
        %add3A_780 = arith.addf %add3A_752, %get3A_779 : vector<16xf32>
        %add3A_781 = arith.constant 23 : i32
        %add3A_782 = arith.addi %mul3A_128, %add3A_781 : i32
        %get3A_783 = arith.index_cast %add3A_782 : i32 to index
        %get3A_784 = arith.constant 48 : index
        %get3A_785 = tpu.vector_load %arg7[%get3A_783, %get3A_784] {strides = array<i32>} : memref<288x64xf32, #tpu.memory_space<vmem>>, vector<1x16xf32>,
        %get3A_786 = vector.shape_cast %get3A_785 : vector<1x16xf32> to vector<16xf32>
        %add3A_787 = arith.addf %add3A_759, %get3A_786 : vector<16xf32>
        %add3A_788 = arith.constant 24 : i32
        %add3A_789 = arith.addi %mul3A_128, %add3A_788 : i32
        %get3A_790 = arith.index_cast %add3A_789 : i32 to index
        %get3A_791 = arith.constant 0 : index
        %get3A_792 = tpu.vector_load %arg7[%get3A_790, %get3A_791] {strides = array<i32>} : memref<288x64xf32, #tpu.memory_space<vmem>>, vector<1x16xf32>,
        %get3A_793 = vector.shape_cast %get3A_792 : vector<1x16xf32> to vector<16xf32>
        %add3A_794 = arith.addf %add3A_766, %get3A_793 : vector<16xf32>
        %add3A_795 = arith.constant 24 : i32
        %add3A_796 = arith.addi %mul3A_128, %add3A_795 : i32
        %get3A_797 = arith.index_cast %add3A_796 : i32 to index
        %get3A_798 = arith.constant 16 : index
        %get3A_799 = tpu.vector_load %arg7[%get3A_797, %get3A_798] {strides = array<i32>} : memref<288x64xf32, #tpu.memory_space<vmem>>, vector<1x16xf32>,
        %get3A_800 = vector.shape_cast %get3A_799 : vector<1x16xf32> to vector<16xf32>
        %add3A_801 = arith.addf %add3A_773, %get3A_800 : vector<16xf32>
        %add3A_802 = arith.constant 24 : i32
        %add3A_803 = arith.addi %mul3A_128, %add3A_802 : i32
        %get3A_804 = arith.index_cast %add3A_803 : i32 to index
        %get3A_805 = arith.constant 32 : index
        %get3A_806 = tpu.vector_load %arg7[%get3A_804, %get3A_805] {strides = array<i32>} : memref<288x64xf32, #tpu.memory_space<vmem>>, vector<1x16xf32>,
        %get3A_807 = vector.shape_cast %get3A_806 : vector<1x16xf32> to vector<16xf32>
        %add3A_808 = arith.addf %add3A_780, %get3A_807 : vector<16xf32>
        %add3A_809 = arith.constant 24 : i32
        %add3A_810 = arith.addi %mul3A_128, %add3A_809 : i32
        %get3A_811 = arith.index_cast %add3A_810 : i32 to index
        %get3A_812 = arith.constant 48 : index
        %get3A_813 = tpu.vector_load %arg7[%get3A_811, %get3A_812] {strides = array<i32>} : memref<288x64xf32, #tpu.memory_space<vmem>>, vector<1x16xf32>,
        %get3A_814 = vector.shape_cast %get3A_813 : vector<1x16xf32> to vector<16xf32>
        %add3A_815 = arith.addf %add3A_787, %get3A_814 : vector<16xf32>
        %add3A_816 = arith.constant 25 : i32
        %add3A_817 = arith.addi %mul3A_128, %add3A_816 : i32
        %get3A_818 = arith.index_cast %add3A_817 : i32 to index
        %get3A_819 = arith.constant 0 : index
        %get3A_820 = tpu.vector_load %arg7[%get3A_818, %get3A_819] {strides = array<i32>} : memref<288x64xf32, #tpu.memory_space<vmem>>, vector<1x16xf32>,
        %get3A_821 = vector.shape_cast %get3A_820 : vector<1x16xf32> to vector<16xf32>
        %add3A_822 = arith.addf %add3A_794, %get3A_821 : vector<16xf32>
        %add3A_823 = arith.constant 25 : i32
        %add3A_824 = arith.addi %mul3A_128, %add3A_823 : i32
        %get3A_825 = arith.index_cast %add3A_824 : i32 to index
        %get3A_826 = arith.constant 16 : index
        %get3A_827 = tpu.vector_load %arg7[%get3A_825, %get3A_826] {strides = array<i32>} : memref<288x64xf32, #tpu.memory_space<vmem>>, vector<1x16xf32>,
        %get3A_828 = vector.shape_cast %get3A_827 : vector<1x16xf32> to vector<16xf32>
        %add3A_829 = arith.addf %add3A_801, %get3A_828 : vector<16xf32>
        %add3A_830 = arith.constant 25 : i32
        %add3A_831 = arith.addi %mul3A_128, %add3A_830 : i32
        %get3A_832 = arith.index_cast %add3A_831 : i32 to index
        %get3A_833 = arith.constant 32 : index
        %get3A_834 = tpu.vector_load %arg7[%get3A_832, %get3A_833] {strides = array<i32>} : memref<288x64xf32, #tpu.memory_space<vmem>>, vector<1x16xf32>,
        %get3A_835 = vector.shape_cast %get3A_834 : vector<1x16xf32> to vector<16xf32>
        %add3A_836 = arith.addf %add3A_808, %get3A_835 : vector<16xf32>
        %add3A_837 = arith.constant 25 : i32
        %add3A_838 = arith.addi %mul3A_128, %add3A_837 : i32
        %get3A_839 = arith.index_cast %add3A_838 : i32 to index
        %get3A_840 = arith.constant 48 : index
        %get3A_841 = tpu.vector_load %arg7[%get3A_839, %get3A_840] {strides = array<i32>} : memref<288x64xf32, #tpu.memory_space<vmem>>, vector<1x16xf32>,
        %get3A_842 = vector.shape_cast %get3A_841 : vector<1x16xf32> to vector<16xf32>
        %add3A_843 = arith.addf %add3A_815, %get3A_842 : vector<16xf32>
        %add3A_844 = arith.constant 26 : i32
        %add3A_845 = arith.addi %mul3A_128, %add3A_844 : i32
        %get3A_846 = arith.index_cast %add3A_845 : i32 to index
        %get3A_847 = arith.constant 0 : index
        %get3A_848 = tpu.vector_load %arg7[%get3A_846, %get3A_847] {strides = array<i32>} : memref<288x64xf32, #tpu.memory_space<vmem>>, vector<1x16xf32>,
        %get3A_849 = vector.shape_cast %get3A_848 : vector<1x16xf32> to vector<16xf32>
        %add3A_850 = arith.addf %add3A_822, %get3A_849 : vector<16xf32>
        %add3A_851 = arith.constant 26 : i32
        %add3A_852 = arith.addi %mul3A_128, %add3A_851 : i32
        %get3A_853 = arith.index_cast %add3A_852 : i32 to index
        %get3A_854 = arith.constant 16 : index
        %get3A_855 = tpu.vector_load %arg7[%get3A_853, %get3A_854] {strides = array<i32>} : memref<288x64xf32, #tpu.memory_space<vmem>>, vector<1x16xf32>,
        %get3A_856 = vector.shape_cast %get3A_855 : vector<1x16xf32> to vector<16xf32>
        %add3A_857 = arith.addf %add3A_829, %get3A_856 : vector<16xf32>
        %add3A_858 = arith.constant 26 : i32
        %add3A_859 = arith.addi %mul3A_128, %add3A_858 : i32
        %get3A_860 = arith.index_cast %add3A_859 : i32 to index
        %get3A_861 = arith.constant 32 : index
        %get3A_862 = tpu.vector_load %arg7[%get3A_860, %get3A_861] {strides = array<i32>} : memref<288x64xf32, #tpu.memory_space<vmem>>, vector<1x16xf32>,
        %get3A_863 = vector.shape_cast %get3A_862 : vector<1x16xf32> to vector<16xf32>
        %add3A_864 = arith.addf %add3A_836, %get3A_863 : vector<16xf32>
        %add3A_865 = arith.constant 26 : i32
        %add3A_866 = arith.addi %mul3A_128, %add3A_865 : i32
        %get3A_867 = arith.index_cast %add3A_866 : i32 to index
        %get3A_868 = arith.constant 48 : index
        %get3A_869 = tpu.vector_load %arg7[%get3A_867, %get3A_868] {strides = array<i32>} : memref<288x64xf32, #tpu.memory_space<vmem>>, vector<1x16xf32>,
        %get3A_870 = vector.shape_cast %get3A_869 : vector<1x16xf32> to vector<16xf32>
        %add3A_871 = arith.addf %add3A_843, %get3A_870 : vector<16xf32>
        %add3A_872 = arith.constant 27 : i32
        %add3A_873 = arith.addi %mul3A_128, %add3A_872 : i32
        %get3A_874 = arith.index_cast %add3A_873 : i32 to index
        %get3A_875 = arith.constant 0 : index
        %get3A_876 = tpu.vector_load %arg7[%get3A_874, %get3A_875] {strides = array<i32>} : memref<288x64xf32, #tpu.memory_space<vmem>>, vector<1x16xf32>,
        %get3A_877 = vector.shape_cast %get3A_876 : vector<1x16xf32> to vector<16xf32>
        %add3A_878 = arith.addf %add3A_850, %get3A_877 : vector<16xf32>
        %add3A_879 = arith.constant 27 : i32
        %add3A_880 = arith.addi %mul3A_128, %add3A_879 : i32
        %get3A_881 = arith.index_cast %add3A_880 : i32 to index
        %get3A_882 = arith.constant 16 : index
        %get3A_883 = tpu.vector_load %arg7[%get3A_881, %get3A_882] {strides = array<i32>} : memref<288x64xf32, #tpu.memory_space<vmem>>, vector<1x16xf32>,
        %get3A_884 = vector.shape_cast %get3A_883 : vector<1x16xf32> to vector<16xf32>
        %add3A_885 = arith.addf %add3A_857, %get3A_884 : vector<16xf32>
        %add3A_886 = arith.constant 27 : i32
        %add3A_887 = arith.addi %mul3A_128, %add3A_886 : i32
        %get3A_888 = arith.index_cast %add3A_887 : i32 to index
        %get3A_889 = arith.constant 32 : index
        %get3A_890 = tpu.vector_load %arg7[%get3A_888, %get3A_889] {strides = array<i32>} : memref<288x64xf32, #tpu.memory_space<vmem>>, vector<1x16xf32>,
        %get3A_891 = vector.shape_cast %get3A_890 : vector<1x16xf32> to vector<16xf32>
        %add3A_892 = arith.addf %add3A_864, %get3A_891 : vector<16xf32>
        %add3A_893 = arith.constant 27 : i32
        %add3A_894 = arith.addi %mul3A_128, %add3A_893 : i32
        %get3A_895 = arith.index_cast %add3A_894 : i32 to index
        %get3A_896 = arith.constant 48 : index
        %get3A_897 = tpu.vector_load %arg7[%get3A_895, %get3A_896] {strides = array<i32>} : memref<288x64xf32, #tpu.memory_space<vmem>>, vector<1x16xf32>,
        %get3A_898 = vector.shape_cast %get3A_897 : vector<1x16xf32> to vector<16xf32>
        %add3A_899 = arith.addf %add3A_871, %get3A_898 : vector<16xf32>
        %add3A_900 = arith.constant 28 : i32
        %add3A_901 = arith.addi %mul3A_128, %add3A_900 : i32
        %get3A_902 = arith.index_cast %add3A_901 : i32 to index
        %get3A_903 = arith.constant 0 : index
        %get3A_904 = tpu.vector_load %arg7[%get3A_902, %get3A_903] {strides = array<i32>} : memref<288x64xf32, #tpu.memory_space<vmem>>, vector<1x16xf32>,
        %get3A_905 = vector.shape_cast %get3A_904 : vector<1x16xf32> to vector<16xf32>
        %add3A_906 = arith.addf %add3A_878, %get3A_905 : vector<16xf32>
        %add3A_907 = arith.constant 28 : i32
        %add3A_908 = arith.addi %mul3A_128, %add3A_907 : i32
        %get3A_909 = arith.index_cast %add3A_908 : i32 to index
        %get3A_910 = arith.constant 16 : index
        %get3A_911 = tpu.vector_load %arg7[%get3A_909, %get3A_910] {strides = array<i32>} : memref<288x64xf32, #tpu.memory_space<vmem>>, vector<1x16xf32>,
        %get3A_912 = vector.shape_cast %get3A_911 : vector<1x16xf32> to vector<16xf32>
        %add3A_913 = arith.addf %add3A_885, %get3A_912 : vector<16xf32>
        %add3A_914 = arith.constant 28 : i32
        %add3A_915 = arith.addi %mul3A_128, %add3A_914 : i32
        %get3A_916 = arith.index_cast %add3A_915 : i32 to index
        %get3A_917 = arith.constant 32 : index
        %get3A_918 = tpu.vector_load %arg7[%get3A_916, %get3A_917] {strides = array<i32>} : memref<288x64xf32, #tpu.memory_space<vmem>>, vector<1x16xf32>,
        %get3A_919 = vector.shape_cast %get3A_918 : vector<1x16xf32> to vector<16xf32>
        %add3A_920 = arith.addf %add3A_892, %get3A_919 : vector<16xf32>
        %add3A_921 = arith.constant 28 : i32
        %add3A_922 = arith.addi %mul3A_128, %add3A_921 : i32
        %get3A_923 = arith.index_cast %add3A_922 : i32 to index
        %get3A_924 = arith.constant 48 : index
        %get3A_925 = tpu.vector_load %arg7[%get3A_923, %get3A_924] {strides = array<i32>} : memref<288x64xf32, #tpu.memory_space<vmem>>, vector<1x16xf32>,
        %get3A_926 = vector.shape_cast %get3A_925 : vector<1x16xf32> to vector<16xf32>
        %add3A_927 = arith.addf %add3A_899, %get3A_926 : vector<16xf32>
        %add3A_928 = arith.constant 29 : i32
        %add3A_929 = arith.addi %mul3A_128, %add3A_928 : i32
        %get3A_930 = arith.index_cast %add3A_929 : i32 to index
        %get3A_931 = arith.constant 0 : index
        %get3A_932 = tpu.vector_load %arg7[%get3A_930, %get3A_931] {strides = array<i32>} : memref<288x64xf32, #tpu.memory_space<vmem>>, vector<1x16xf32>,
        %get3A_933 = vector.shape_cast %get3A_932 : vector<1x16xf32> to vector<16xf32>
        %add3A_934 = arith.addf %add3A_906, %get3A_933 : vector<16xf32>
        %add3A_935 = arith.constant 29 : i32
        %add3A_936 = arith.addi %mul3A_128, %add3A_935 : i32
        %get3A_937 = arith.index_cast %add3A_936 : i32 to index
        %get3A_938 = arith.constant 16 : index
        %get3A_939 = tpu.vector_load %arg7[%get3A_937, %get3A_938] {strides = array<i32>} : memref<288x64xf32, #tpu.memory_space<vmem>>, vector<1x16xf32>,
        %get3A_940 = vector.shape_cast %get3A_939 : vector<1x16xf32> to vector<16xf32>
        %add3A_941 = arith.addf %add3A_913, %get3A_940 : vector<16xf32>
        %add3A_942 = arith.constant 29 : i32
        %add3A_943 = arith.addi %mul3A_128, %add3A_942 : i32
        %get3A_944 = arith.index_cast %add3A_943 : i32 to index
        %get3A_945 = arith.constant 32 : index
        %get3A_946 = tpu.vector_load %arg7[%get3A_944, %get3A_945] {strides = array<i32>} : memref<288x64xf32, #tpu.memory_space<vmem>>, vector<1x16xf32>,
        %get3A_947 = vector.shape_cast %get3A_946 : vector<1x16xf32> to vector<16xf32>
        %add3A_948 = arith.addf %add3A_920, %get3A_947 : vector<16xf32>
        %add3A_949 = arith.constant 29 : i32
        %add3A_950 = arith.addi %mul3A_128, %add3A_949 : i32
        %get3A_951 = arith.index_cast %add3A_950 : i32 to index
        %get3A_952 = arith.constant 48 : index
        %get3A_953 = tpu.vector_load %arg7[%get3A_951, %get3A_952] {strides = array<i32>} : memref<288x64xf32, #tpu.memory_space<vmem>>, vector<1x16xf32>,
        %get3A_954 = vector.shape_cast %get3A_953 : vector<1x16xf32> to vector<16xf32>
        %add3A_955 = arith.addf %add3A_927, %get3A_954 : vector<16xf32>
        %add3A_956 = arith.constant 30 : i32
        %add3A_957 = arith.addi %mul3A_128, %add3A_956 : i32
        %get3A_958 = arith.index_cast %add3A_957 : i32 to index
        %get3A_959 = arith.constant 0 : index
        %get3A_960 = tpu.vector_load %arg7[%get3A_958, %get3A_959] {strides = array<i32>} : memref<288x64xf32, #tpu.memory_space<vmem>>, vector<1x16xf32>,
        %get3A_961 = vector.shape_cast %get3A_960 : vector<1x16xf32> to vector<16xf32>
        %add3A_962 = arith.addf %add3A_934, %get3A_961 : vector<16xf32>
        %add3A_963 = arith.constant 30 : i32
        %add3A_964 = arith.addi %mul3A_128, %add3A_963 : i32
        %get3A_965 = arith.index_cast %add3A_964 : i32 to index
        %get3A_966 = arith.constant 16 : index
        %get3A_967 = tpu.vector_load %arg7[%get3A_965, %get3A_966] {strides = array<i32>} : memref<288x64xf32, #tpu.memory_space<vmem>>, vector<1x16xf32>,
        %get3A_968 = vector.shape_cast %get3A_967 : vector<1x16xf32> to vector<16xf32>
        %add3A_969 = arith.addf %add3A_941, %get3A_968 : vector<16xf32>
        %add3A_970 = arith.constant 30 : i32
        %add3A_971 = arith.addi %mul3A_128, %add3A_970 : i32
        %get3A_972 = arith.index_cast %add3A_971 : i32 to index
        %get3A_973 = arith.constant 32 : index
        %get3A_974 = tpu.vector_load %arg7[%get3A_972, %get3A_973] {strides = array<i32>} : memref<288x64xf32, #tpu.memory_space<vmem>>, vector<1x16xf32>,
        %get3A_975 = vector.shape_cast %get3A_974 : vector<1x16xf32> to vector<16xf32>
        %add3A_976 = arith.addf %add3A_948, %get3A_975 : vector<16xf32>
        %add3A_977 = arith.constant 30 : i32
        %add3A_978 = arith.addi %mul3A_128, %add3A_977 : i32
        %get3A_979 = arith.index_cast %add3A_978 : i32 to index
        %get3A_980 = arith.constant 48 : index
        %get3A_981 = tpu.vector_load %arg7[%get3A_979, %get3A_980] {strides = array<i32>} : memref<288x64xf32, #tpu.memory_space<vmem>>, vector<1x16xf32>,
        %get3A_982 = vector.shape_cast %get3A_981 : vector<1x16xf32> to vector<16xf32>
        %add3A_983 = arith.addf %add3A_955, %get3A_982 : vector<16xf32>
        %add3A_984 = arith.constant 31 : i32
        %add3A_985 = arith.addi %mul3A_128, %add3A_984 : i32
        %get3A_986 = arith.index_cast %add3A_985 : i32 to index
        %get3A_987 = arith.constant 0 : index
        %get3A_988 = tpu.vector_load %arg7[%get3A_986, %get3A_987] {strides = array<i32>} : memref<288x64xf32, #tpu.memory_space<vmem>>, vector<1x16xf32>,
        %get3A_989 = vector.shape_cast %get3A_988 : vector<1x16xf32> to vector<16xf32>
        %add3A_990 = arith.addf %add3A_962, %get3A_989 : vector<16xf32>
        %add3A_991 = arith.constant 31 : i32
        %add3A_992 = arith.addi %mul3A_128, %add3A_991 : i32
        %get3A_993 = arith.index_cast %add3A_992 : i32 to index
        %get3A_994 = arith.constant 16 : index
        %get3A_995 = tpu.vector_load %arg7[%get3A_993, %get3A_994] {strides = array<i32>} : memref<288x64xf32, #tpu.memory_space<vmem>>, vector<1x16xf32>,
        %get3A_996 = vector.shape_cast %get3A_995 : vector<1x16xf32> to vector<16xf32>
        %add3A_997 = arith.addf %add3A_969, %get3A_996 : vector<16xf32>
        %add3A_998 = arith.constant 31 : i32
        %add3A_999 = arith.addi %mul3A_128, %add3A_998 : i32
        %get3A_1000 = arith.index_cast %add3A_999 : i32 to index
        %get3A_1001 = arith.constant 32 : index
        %get3A_1002 = tpu.vector_load %arg7[%get3A_1000, %get3A_1001] {strides = array<i32>} : memref<288x64xf32, #tpu.memory_space<vmem>>, vector<1x16xf32>,
        %get3A_1003 = vector.shape_cast %get3A_1002 : vector<1x16xf32> to vector<16xf32>
        %add3A_1004 = arith.addf %add3A_976, %get3A_1003 : vector<16xf32>
        %add3A_1005 = arith.constant 31 : i32
        %add3A_1006 = arith.addi %mul3A_128, %add3A_1005 : i32
        %get3A_1007 = arith.index_cast %add3A_1006 : i32 to index
        %get3A_1008 = arith.constant 48 : index
        %get3A_1009 = tpu.vector_load %arg7[%get3A_1007, %get3A_1008] {strides = array<i32>} : memref<288x64xf32, #tpu.memory_space<vmem>>, vector<1x16xf32>,
        %get3A_1010 = vector.shape_cast %get3A_1009 : vector<1x16xf32> to vector<16xf32>
        %add3A_1011 = arith.addf %add3A_983, %get3A_1010 : vector<16xf32>
        %add3A_1012 = arith.constant 32 : i32
        %add3A_1013 = arith.addi %mul3A_128, %add3A_1012 : i32
        %get3A_1014 = arith.index_cast %add3A_1013 : i32 to index
        %get3A_1015 = arith.constant 0 : index
        %get3A_1016 = tpu.vector_load %arg7[%get3A_1014, %get3A_1015] {strides = array<i32>} : memref<288x64xf32, #tpu.memory_space<vmem>>, vector<1x16xf32>,
        %get3A_1017 = vector.shape_cast %get3A_1016 : vector<1x16xf32> to vector<16xf32>
        %add3A_1018 = arith.addf %add3A_990, %get3A_1017 : vector<16xf32>
        %add3A_1019 = arith.constant 32 : i32
        %add3A_1020 = arith.addi %mul3A_128, %add3A_1019 : i32
        %get3A_1021 = arith.index_cast %add3A_1020 : i32 to index
        %get3A_1022 = arith.constant 16 : index
        %get3A_1023 = tpu.vector_load %arg7[%get3A_1021, %get3A_1022] {strides = array<i32>} : memref<288x64xf32, #tpu.memory_space<vmem>>, vector<1x16xf32>,
        %get3A_1024 = vector.shape_cast %get3A_1023 : vector<1x16xf32> to vector<16xf32>
        %add3A_1025 = arith.addf %add3A_997, %get3A_1024 : vector<16xf32>
        %add3A_1026 = arith.constant 32 : i32
        %add3A_1027 = arith.addi %mul3A_128, %add3A_1026 : i32
        %get3A_1028 = arith.index_cast %add3A_1027 : i32 to index
        %get3A_1029 = arith.constant 32 : index
        %get3A_1030 = tpu.vector_load %arg7[%get3A_1028, %get3A_1029] {strides = array<i32>} : memref<288x64xf32, #tpu.memory_space<vmem>>, vector<1x16xf32>,
        %get3A_1031 = vector.shape_cast %get3A_1030 : vector<1x16xf32> to vector<16xf32>
        %add3A_1032 = arith.addf %add3A_1004, %get3A_1031 : vector<16xf32>
        %add3A_1033 = arith.constant 32 : i32
        %add3A_1034 = arith.addi %mul3A_128, %add3A_1033 : i32
        %get3A_1035 = arith.index_cast %add3A_1034 : i32 to index
        %get3A_1036 = arith.constant 48 : index
        %get3A_1037 = tpu.vector_load %arg7[%get3A_1035, %get3A_1036] {strides = array<i32>} : memref<288x64xf32, #tpu.memory_space<vmem>>, vector<1x16xf32>,
        %get3A_1038 = vector.shape_cast %get3A_1037 : vector<1x16xf32> to vector<16xf32>
        %add3A_1039 = arith.addf %add3A_1011, %get3A_1038 : vector<16xf32>
        %add3A_1040 = arith.constant 33 : i32
        %add3A_1041 = arith.addi %mul3A_128, %add3A_1040 : i32
        %get3A_1042 = arith.index_cast %add3A_1041 : i32 to index
        %get3A_1043 = arith.constant 0 : index
        %get3A_1044 = tpu.vector_load %arg7[%get3A_1042, %get3A_1043] {strides = array<i32>} : memref<288x64xf32, #tpu.memory_space<vmem>>, vector<1x16xf32>,
        %get3A_1045 = vector.shape_cast %get3A_1044 : vector<1x16xf32> to vector<16xf32>
        %add3A_1046 = arith.addf %add3A_1018, %get3A_1045 : vector<16xf32>
        %add3A_1047 = arith.constant 33 : i32
        %add3A_1048 = arith.addi %mul3A_128, %add3A_1047 : i32
        %get3A_1049 = arith.index_cast %add3A_1048 : i32 to index
        %get3A_1050 = arith.constant 16 : index
        %get3A_1051 = tpu.vector_load %arg7[%get3A_1049, %get3A_1050] {strides = array<i32>} : memref<288x64xf32, #tpu.memory_space<vmem>>, vector<1x16xf32>,
        %get3A_1052 = vector.shape_cast %get3A_1051 : vector<1x16xf32> to vector<16xf32>
        %add3A_1053 = arith.addf %add3A_1025, %get3A_1052 : vector<16xf32>
        %add3A_1054 = arith.constant 33 : i32
        %add3A_1055 = arith.addi %mul3A_128, %add3A_1054 : i32
        %get3A_1056 = arith.index_cast %add3A_1055 : i32 to index
        %get3A_1057 = arith.constant 32 : index
        %get3A_1058 = tpu.vector_load %arg7[%get3A_1056, %get3A_1057] {strides = array<i32>} : memref<288x64xf32, #tpu.memory_space<vmem>>, vector<1x16xf32>,
        %get3A_1059 = vector.shape_cast %get3A_1058 : vector<1x16xf32> to vector<16xf32>
        %add3A_1060 = arith.addf %add3A_1032, %get3A_1059 : vector<16xf32>
        %add3A_1061 = arith.constant 33 : i32
        %add3A_1062 = arith.addi %mul3A_128, %add3A_1061 : i32
        %get3A_1063 = arith.index_cast %add3A_1062 : i32 to index
        %get3A_1064 = arith.constant 48 : index
        %get3A_1065 = tpu.vector_load %arg7[%get3A_1063, %get3A_1064] {strides = array<i32>} : memref<288x64xf32, #tpu.memory_space<vmem>>, vector<1x16xf32>,
        %get3A_1066 = vector.shape_cast %get3A_1065 : vector<1x16xf32> to vector<16xf32>
        %add3A_1067 = arith.addf %add3A_1039, %get3A_1066 : vector<16xf32>
        %add3A_1068 = arith.constant 34 : i32
        %add3A_1069 = arith.addi %mul3A_128, %add3A_1068 : i32
        %get3A_1070 = arith.index_cast %add3A_1069 : i32 to index
        %get3A_1071 = arith.constant 0 : index
        %get3A_1072 = tpu.vector_load %arg7[%get3A_1070, %get3A_1071] {strides = array<i32>} : memref<288x64xf32, #tpu.memory_space<vmem>>, vector<1x16xf32>,
        %get3A_1073 = vector.shape_cast %get3A_1072 : vector<1x16xf32> to vector<16xf32>
        %add3A_1074 = arith.addf %add3A_1046, %get3A_1073 : vector<16xf32>
        %add3A_1075 = arith.constant 34 : i32
        %add3A_1076 = arith.addi %mul3A_128, %add3A_1075 : i32
        %get3A_1077 = arith.index_cast %add3A_1076 : i32 to index
        %get3A_1078 = arith.constant 16 : index
        %get3A_1079 = tpu.vector_load %arg7[%get3A_1077, %get3A_1078] {strides = array<i32>} : memref<288x64xf32, #tpu.memory_space<vmem>>, vector<1x16xf32>,
        %get3A_1080 = vector.shape_cast %get3A_1079 : vector<1x16xf32> to vector<16xf32>
        %add3A_1081 = arith.addf %add3A_1053, %get3A_1080 : vector<16xf32>
        %add3A_1082 = arith.constant 34 : i32
        %add3A_1083 = arith.addi %mul3A_128, %add3A_1082 : i32
        %get3A_1084 = arith.index_cast %add3A_1083 : i32 to index
        %get3A_1085 = arith.constant 32 : index
        %get3A_1086 = tpu.vector_load %arg7[%get3A_1084, %get3A_1085] {strides = array<i32>} : memref<288x64xf32, #tpu.memory_space<vmem>>, vector<1x16xf32>,
        %get3A_1087 = vector.shape_cast %get3A_1086 : vector<1x16xf32> to vector<16xf32>
        %add3A_1088 = arith.addf %add3A_1060, %get3A_1087 : vector<16xf32>
        %add3A_1089 = arith.constant 34 : i32
        %add3A_1090 = arith.addi %mul3A_128, %add3A_1089 : i32
        %get3A_1091 = arith.index_cast %add3A_1090 : i32 to index
        %get3A_1092 = arith.constant 48 : index
        %get3A_1093 = tpu.vector_load %arg7[%get3A_1091, %get3A_1092] {strides = array<i32>} : memref<288x64xf32, #tpu.memory_space<vmem>>, vector<1x16xf32>,
        %get3A_1094 = vector.shape_cast %get3A_1093 : vector<1x16xf32> to vector<16xf32>
        %add3A_1095 = arith.addf %add3A_1067, %get3A_1094 : vector<16xf32>
        %add3A_1096 = arith.constant 35 : i32
        %add3A_1097 = arith.addi %mul3A_128, %add3A_1096 : i32
        %get3A_1098 = arith.index_cast %add3A_1097 : i32 to index
        %get3A_1099 = arith.constant 0 : index
        %get3A_1100 = tpu.vector_load %arg7[%get3A_1098, %get3A_1099] {strides = array<i32>} : memref<288x64xf32, #tpu.memory_space<vmem>>, vector<1x16xf32>,
        %get3A_1101 = vector.shape_cast %get3A_1100 : vector<1x16xf32> to vector<16xf32>
        %add3A_1102 = arith.addf %add3A_1074, %get3A_1101 : vector<16xf32>
        %add3A_1103 = arith.constant 35 : i32
        %add3A_1104 = arith.addi %mul3A_128, %add3A_1103 : i32
        %get3A_1105 = arith.index_cast %add3A_1104 : i32 to index
        %get3A_1106 = arith.constant 16 : index
        %get3A_1107 = tpu.vector_load %arg7[%get3A_1105, %get3A_1106] {strides = array<i32>} : memref<288x64xf32, #tpu.memory_space<vmem>>, vector<1x16xf32>,
        %get3A_1108 = vector.shape_cast %get3A_1107 : vector<1x16xf32> to vector<16xf32>
        %add3A_1109 = arith.addf %add3A_1081, %get3A_1108 : vector<16xf32>
        %add3A_1110 = arith.constant 35 : i32
        %add3A_1111 = arith.addi %mul3A_128, %add3A_1110 : i32
        %get3A_1112 = arith.index_cast %add3A_1111 : i32 to index
        %get3A_1113 = arith.constant 32 : index
        %get3A_1114 = tpu.vector_load %arg7[%get3A_1112, %get3A_1113] {strides = array<i32>} : memref<288x64xf32, #tpu.memory_space<vmem>>, vector<1x16xf32>,
        %get3A_1115 = vector.shape_cast %get3A_1114 : vector<1x16xf32> to vector<16xf32>
        %add3A_1116 = arith.addf %add3A_1088, %get3A_1115 : vector<16xf32>
        %add3A_1117 = arith.constant 35 : i32
        %add3A_1118 = arith.addi %mul3A_128, %add3A_1117 : i32
        %get3A_1119 = arith.index_cast %add3A_1118 : i32 to index
        %get3A_1120 = arith.constant 48 : index
        %get3A_1121 = tpu.vector_load %arg7[%get3A_1119, %get3A_1120] {strides = array<i32>} : memref<288x64xf32, #tpu.memory_space<vmem>>, vector<1x16xf32>,
        %get3A_1122 = vector.shape_cast %get3A_1121 : vector<1x16xf32> to vector<16xf32>
        %add3A_1123 = arith.addf %add3A_1095, %get3A_1122 : vector<16xf32>
        %swap3A = arith.index_cast %scan3A_126 : i32 to index
        %swap3A_1124 = arith.constant 0 : index
        %swap3A_1125 = tpu.vector_load %arg11[%swap3A, %swap3A_1124] {strides = array<i32>} : memref<8x64xf32, #tpu.memory_space<vmem>>, vector<1x16xf32>,
        %swap3A_1126 = vector.shape_cast %swap3A_1125 : vector<1x16xf32> to vector<16xf32>
        %swap3A_1127 = vector.shape_cast %add3A_1102 : vector<16xf32> to vector<1x16xf32>
        tpu.vector_store %arg11[%swap3A, %swap3A_1124], %swap3A_1127 {strides = array<i32>} : memref<8x64xf32, #tpu.memory_space<vmem>>, vector<1x16xf32>,
        %swap3A_1128 = arith.index_cast %scan3A_126 : i32 to index
        %swap3A_1129 = arith.constant 16 : index
        %swap3A_1130 = tpu.vector_load %arg11[%swap3A_1128, %swap3A_1129] {strides = array<i32>} : memref<8x64xf32, #tpu.memory_space<vmem>>, vector<1x16xf32>,
        %swap3A_1131 = vector.shape_cast %swap3A_1130 : vector<1x16xf32> to vector<16xf32>
        %swap3A_1132 = vector.shape_cast %add3A_1109 : vector<16xf32> to vector<1x16xf32>
        tpu.vector_store %arg11[%swap3A_1128, %swap3A_1129], %swap3A_1132 {strides = array<i32>} : memref<8x64xf32, #tpu.memory_space<vmem>>, vector<1x16xf32>,
        %swap3A_1133 = arith.index_cast %scan3A_126 : i32 to index
        %swap3A_1134 = arith.constant 32 : index
        %swap3A_1135 = tpu.vector_load %arg11[%swap3A_1133, %swap3A_1134] {strides = array<i32>} : memref<8x64xf32, #tpu.memory_space<vmem>>, vector<1x16xf32>,
        %swap3A_1136 = vector.shape_cast %swap3A_1135 : vector<1x16xf32> to vector<16xf32>
        %swap3A_1137 = vector.shape_cast %add3A_1116 : vector<16xf32> to vector<1x16xf32>
        tpu.vector_store %arg11[%swap3A_1133, %swap3A_1134], %swap3A_1137 {strides = array<i32>} : memref<8x64xf32, #tpu.memory_space<vmem>>, vector<1x16xf32>,
        %swap3A_1138 = arith.index_cast %scan3A_126 : i32 to index
        %swap3A_1139 = arith.constant 48 : index
        %swap3A_1140 = tpu.vector_load %arg11[%swap3A_1138, %swap3A_1139] {strides = array<i32>} : memref<8x64xf32, #tpu.memory_space<vmem>>, vector<1x16xf32>,
        %swap3A_1141 = vector.shape_cast %swap3A_1140 : vector<1x16xf32> to vector<16xf32>
        %swap3A_1142 = vector.shape_cast %add3A_1123 : vector<16xf32> to vector<1x16xf32>
        tpu.vector_store %arg11[%swap3A_1138, %swap3A_1139], %swap3A_1142 {strides = array<i32>} : memref<8x64xf32, #tpu.memory_space<vmem>>, vector<1x16xf32>,
      }
      %scan3A_70 = arith.constant 8 : i32
      %mul3A_71 = arith.constant 8 : i32
      %mul3A_72 = arith.muli %add3A_49, %mul3A_71 : i32
      %add3A_73 = arith.addi %mul3A_2, %mul3A_72 : i32
      "tpu.region"() ({
        %run_scoped3A = tpu.sem_alloc : memref<!tpu.dma_semaphore, #tpu.memory_space<semaphore_mem>>
        %dma_start3A_126 = arith.constant 0 : i32
        %dma_start3A_127 = tpu.memref_slice %arg4[%add3A_73, %dma_start3A_126] : memref<16384x64xf32, #tpu.memory_space<hbm>> -> memref<8x64xf32, #tpu.memory_space<hbm>>
        %dma_start3A_128 = arith.constant 0 : i32
        %dma_start3A_129 = tpu.memref_slice %arg4[%add3A_73, %dma_start3A_128] : memref<16384x64xf32, #tpu.memory_space<hbm>> -> memref<8x64xf32, #tpu.memory_space<hbm>>
        tpu.enqueue_dma source(%arg11 : memref<8x64xf32, #tpu.memory_space<vmem>>) target(%dma_start3A_129 : memref<8x64xf32, #tpu.memory_space<hbm>>) target_semaphore(%run_scoped3A : memref<!tpu.dma_semaphore, #tpu.memory_space<semaphore_mem>>)
        %dma_wait3A_130 = arith.constant 0 : i32
        %dma_wait3A_131 = tpu.memref_slice %arg4[%add3A_73, %dma_wait3A_130] : memref<16384x64xf32, #tpu.memory_space<hbm>> -> memref<8x64xf32, #tpu.memory_space<hbm>>
        %dma_wait3A_132 = arith.constant 0 : i32
        %dma_wait3A_133 = tpu.memref_slice %arg4[%add3A_73, %dma_wait3A_132] : memref<16384x64xf32, #tpu.memory_space<hbm>> -> memref<8x64xf32, #tpu.memory_space<hbm>>
        tpu.wait_dma2 semaphore(%run_scoped3A : memref<!tpu.dma_semaphore, #tpu.memory_space<semaphore_mem>>) src(%arg11 : memref<8x64xf32, #tpu.memory_space<vmem>>) dst(%dma_wait3A_133 : memref<8x64xf32, #tpu.memory_space<hbm>>)
        tpu.yield
      }) : () -> ()
      %add3A_74 = arith.constant 2 : i32
      %add3A_75 = arith.addi %mul3A_26, %add3A_74 : i32
      %dma_wait3A_76 = arith.constant 0 : i32
      %dma_wait3A_77 = arith.constant 0 : i32
      %dma_wait3A_78 = tpu.memref_slice %arg4[%dma_wait3A_76, %dma_wait3A_77] : memref<16384x64xf32, #tpu.memory_space<hbm>> -> memref<288x64xf32, #tpu.memory_space<hbm>>
      %dma_wait3A_79 = arith.constant 0 : i32
      %dma_wait3A_80 = arith.constant 0 : i32
      %dma_wait3A_81 = tpu.memref_slice %arg4[%dma_wait3A_79, %dma_wait3A_80] : memref<16384x64xf32, #tpu.memory_space<hbm>> -> memref<288x64xf32, #tpu.memory_space<hbm>>
      tpu.wait_dma2 semaphore(%arg16 : memref<!tpu.dma_semaphore, #tpu.memory_space<semaphore_mem>>) src(%dma_wait3A_81 : memref<288x64xf32, #tpu.memory_space<hbm>>) dst(%arg8 : memref<288x64xf32, #tpu.memory_space<vmem>>)
      %add3A_82 = arith.constant 4 : i32
      %add3A_83 = arith.addi %add3A_75, %add3A_82 : i32
      %sub3A_84 = arith.constant 1 : i32
      %sub3A_85 = arith.subi %add3A_83, %sub3A_84 : i32
      %lt3A_86 = arith.constant 64 : i32
      %lt3A_87 = arith.cmpi slt, %sub3A_85, %lt3A_86 : i32
      %convert_element_type3A_88 = arith.extui %lt3A_87 : i1 to i32
      %cond3A_89 = arith.constant 0 : i32
      %cond3A_90 = arith.cmpi ne, %convert_element_type3A_88, %cond3A_89 : i32
      scf.if %cond3A_90 {
        %add3A_126 = arith.constant 4 : i32
        %add3A_127 = arith.addi %add3A_75, %add3A_126 : i32
        %sub3A_128 = arith.constant 1 : i32
        %sub3A_129 = arith.subi %add3A_127, %sub3A_128 : i32
        %mul3A_130 = arith.constant 8 : i32
        %mul3A_131 = arith.muli %sub3A_129, %mul3A_130 : i32
        %mul3A_132 = arith.constant 36 : i32
        %mul3A_133 = arith.muli %mul3A_131, %mul3A_132 : i32
        %dma_start3A_134 = tpu.memref_slice %arg5[%mul3A_133] : memref<18432xi32, #tpu.memory_space<vmem>> -> memref<288xi32, #tpu.memory_space<vmem>>
        %dma_start3A_135 = arith.constant 0 : i32
        %dma_start3A_136 = arith.constant 0 : i32
        %dma_start3A_137 = tpu.memref_slice %arg2[%dma_start3A_135, %dma_start3A_136] : memref<769x64xf32, #tpu.memory_space<hbm>> -> memref<769x64xf32, #tpu.memory_space<hbm>>
        tpu.enqueue_indirect_dma source(%dma_start3A_137 : memref<769x64xf32, #tpu.memory_space<hbm>>) target(%arg7 : memref<288x64xf32, #tpu.memory_space<vmem>>) offsets(%dma_start3A_134 : memref<288xi32, #tpu.memory_space<vmem>>) semaphore(%arg15 : memref<!tpu.dma_semaphore, #tpu.memory_space<semaphore_mem>>)
      } else {
      }
      %scan3A_91 = arith.constant 0 : i32
      %scan3A_92 = arith.constant 0 : i32
      %scan3A_93 = arith.constant 8 : i32
      %scan3A_94 = arith.addi %scan3A_92, %scan3A_93 : i32
      %scan3A_95 = arith.constant 1 : i32
      scf.for %scan3A_126 = %scan3A_92 to %scan3A_94 step %scan3A_95  : i32 {
        %mul3A_127 = arith.constant 36 : i32
        %mul3A_128 = arith.muli %scan3A_126, %mul3A_127 : i32
        %get3A = arith.index_cast %mul3A_128 : i32 to index
        %get3A_129 = arith.constant 0 : index
        %get3A_130 = tpu.vector_load %arg8[%get3A, %get3A_129] {strides = array<i32>} : memref<288x64xf32, #tpu.memory_space<vmem>>, vector<1x16xf32>,
        %get3A_131 = vector.shape_cast %get3A_130 : vector<1x16xf32> to vector<16xf32>
        %get3A_132 = arith.index_cast %mul3A_128 : i32 to index
        %get3A_133 = arith.constant 16 : index
        %get3A_134 = tpu.vector_load %arg8[%get3A_132, %get3A_133] {strides = array<i32>} : memref<288x64xf32, #tpu.memory_space<vmem>>, vector<1x16xf32>,
        %get3A_135 = vector.shape_cast %get3A_134 : vector<1x16xf32> to vector<16xf32>
        %get3A_136 = arith.index_cast %mul3A_128 : i32 to index
        %get3A_137 = arith.constant 32 : index
        %get3A_138 = tpu.vector_load %arg8[%get3A_136, %get3A_137] {strides = array<i32>} : memref<288x64xf32, #tpu.memory_space<vmem>>, vector<1x16xf32>,
        %get3A_139 = vector.shape_cast %get3A_138 : vector<1x16xf32> to vector<16xf32>
        %get3A_140 = arith.index_cast %mul3A_128 : i32 to index
        %get3A_141 = arith.constant 48 : index
        %get3A_142 = tpu.vector_load %arg8[%get3A_140, %get3A_141] {strides = array<i32>} : memref<288x64xf32, #tpu.memory_space<vmem>>, vector<1x16xf32>,
        %get3A_143 = vector.shape_cast %get3A_142 : vector<1x16xf32> to vector<16xf32>
        %add3A_144 = arith.constant 1 : i32
        %add3A_145 = arith.addi %mul3A_128, %add3A_144 : i32
        %get3A_146 = arith.index_cast %add3A_145 : i32 to index
        %get3A_147 = arith.constant 0 : index
        %get3A_148 = tpu.vector_load %arg8[%get3A_146, %get3A_147] {strides = array<i32>} : memref<288x64xf32, #tpu.memory_space<vmem>>, vector<1x16xf32>,
        %get3A_149 = vector.shape_cast %get3A_148 : vector<1x16xf32> to vector<16xf32>
        %add3A_150 = arith.addf %get3A_131, %get3A_149 : vector<16xf32>
        %add3A_151 = arith.constant 1 : i32
        %add3A_152 = arith.addi %mul3A_128, %add3A_151 : i32
        %get3A_153 = arith.index_cast %add3A_152 : i32 to index
        %get3A_154 = arith.constant 16 : index
        %get3A_155 = tpu.vector_load %arg8[%get3A_153, %get3A_154] {strides = array<i32>} : memref<288x64xf32, #tpu.memory_space<vmem>>, vector<1x16xf32>,
        %get3A_156 = vector.shape_cast %get3A_155 : vector<1x16xf32> to vector<16xf32>
        %add3A_157 = arith.addf %get3A_135, %get3A_156 : vector<16xf32>
        %add3A_158 = arith.constant 1 : i32
        %add3A_159 = arith.addi %mul3A_128, %add3A_158 : i32
        %get3A_160 = arith.index_cast %add3A_159 : i32 to index
        %get3A_161 = arith.constant 32 : index
        %get3A_162 = tpu.vector_load %arg8[%get3A_160, %get3A_161] {strides = array<i32>} : memref<288x64xf32, #tpu.memory_space<vmem>>, vector<1x16xf32>,
        %get3A_163 = vector.shape_cast %get3A_162 : vector<1x16xf32> to vector<16xf32>
        %add3A_164 = arith.addf %get3A_139, %get3A_163 : vector<16xf32>
        %add3A_165 = arith.constant 1 : i32
        %add3A_166 = arith.addi %mul3A_128, %add3A_165 : i32
        %get3A_167 = arith.index_cast %add3A_166 : i32 to index
        %get3A_168 = arith.constant 48 : index
        %get3A_169 = tpu.vector_load %arg8[%get3A_167, %get3A_168] {strides = array<i32>} : memref<288x64xf32, #tpu.memory_space<vmem>>, vector<1x16xf32>,
        %get3A_170 = vector.shape_cast %get3A_169 : vector<1x16xf32> to vector<16xf32>
        %add3A_171 = arith.addf %get3A_143, %get3A_170 : vector<16xf32>
        %add3A_172 = arith.constant 2 : i32
        %add3A_173 = arith.addi %mul3A_128, %add3A_172 : i32
        %get3A_174 = arith.index_cast %add3A_173 : i32 to index
        %get3A_175 = arith.constant 0 : index
        %get3A_176 = tpu.vector_load %arg8[%get3A_174, %get3A_175] {strides = array<i32>} : memref<288x64xf32, #tpu.memory_space<vmem>>, vector<1x16xf32>,
        %get3A_177 = vector.shape_cast %get3A_176 : vector<1x16xf32> to vector<16xf32>
        %add3A_178 = arith.addf %add3A_150, %get3A_177 : vector<16xf32>
        %add3A_179 = arith.constant 2 : i32
        %add3A_180 = arith.addi %mul3A_128, %add3A_179 : i32
        %get3A_181 = arith.index_cast %add3A_180 : i32 to index
        %get3A_182 = arith.constant 16 : index
        %get3A_183 = tpu.vector_load %arg8[%get3A_181, %get3A_182] {strides = array<i32>} : memref<288x64xf32, #tpu.memory_space<vmem>>, vector<1x16xf32>,
        %get3A_184 = vector.shape_cast %get3A_183 : vector<1x16xf32> to vector<16xf32>
        %add3A_185 = arith.addf %add3A_157, %get3A_184 : vector<16xf32>
        %add3A_186 = arith.constant 2 : i32
        %add3A_187 = arith.addi %mul3A_128, %add3A_186 : i32
        %get3A_188 = arith.index_cast %add3A_187 : i32 to index
        %get3A_189 = arith.constant 32 : index
        %get3A_190 = tpu.vector_load %arg8[%get3A_188, %get3A_189] {strides = array<i32>} : memref<288x64xf32, #tpu.memory_space<vmem>>, vector<1x16xf32>,
        %get3A_191 = vector.shape_cast %get3A_190 : vector<1x16xf32> to vector<16xf32>
        %add3A_192 = arith.addf %add3A_164, %get3A_191 : vector<16xf32>
        %add3A_193 = arith.constant 2 : i32
        %add3A_194 = arith.addi %mul3A_128, %add3A_193 : i32
        %get3A_195 = arith.index_cast %add3A_194 : i32 to index
        %get3A_196 = arith.constant 48 : index
        %get3A_197 = tpu.vector_load %arg8[%get3A_195, %get3A_196] {strides = array<i32>} : memref<288x64xf32, #tpu.memory_space<vmem>>, vector<1x16xf32>,
        %get3A_198 = vector.shape_cast %get3A_197 : vector<1x16xf32> to vector<16xf32>
        %add3A_199 = arith.addf %add3A_171, %get3A_198 : vector<16xf32>
        %add3A_200 = arith.constant 3 : i32
        %add3A_201 = arith.addi %mul3A_128, %add3A_200 : i32
        %get3A_202 = arith.index_cast %add3A_201 : i32 to index
        %get3A_203 = arith.constant 0 : index
        %get3A_204 = tpu.vector_load %arg8[%get3A_202, %get3A_203] {strides = array<i32>} : memref<288x64xf32, #tpu.memory_space<vmem>>, vector<1x16xf32>,
        %get3A_205 = vector.shape_cast %get3A_204 : vector<1x16xf32> to vector<16xf32>
        %add3A_206 = arith.addf %add3A_178, %get3A_205 : vector<16xf32>
        %add3A_207 = arith.constant 3 : i32
        %add3A_208 = arith.addi %mul3A_128, %add3A_207 : i32
        %get3A_209 = arith.index_cast %add3A_208 : i32 to index
        %get3A_210 = arith.constant 16 : index
        %get3A_211 = tpu.vector_load %arg8[%get3A_209, %get3A_210] {strides = array<i32>} : memref<288x64xf32, #tpu.memory_space<vmem>>, vector<1x16xf32>,
        %get3A_212 = vector.shape_cast %get3A_211 : vector<1x16xf32> to vector<16xf32>
        %add3A_213 = arith.addf %add3A_185, %get3A_212 : vector<16xf32>
        %add3A_214 = arith.constant 3 : i32
        %add3A_215 = arith.addi %mul3A_128, %add3A_214 : i32
        %get3A_216 = arith.index_cast %add3A_215 : i32 to index
        %get3A_217 = arith.constant 32 : index
        %get3A_218 = tpu.vector_load %arg8[%get3A_216, %get3A_217] {strides = array<i32>} : memref<288x64xf32, #tpu.memory_space<vmem>>, vector<1x16xf32>,
        %get3A_219 = vector.shape_cast %get3A_218 : vector<1x16xf32> to vector<16xf32>
        %add3A_220 = arith.addf %add3A_192, %get3A_219 : vector<16xf32>
        %add3A_221 = arith.constant 3 : i32
        %add3A_222 = arith.addi %mul3A_128, %add3A_221 : i32
        %get3A_223 = arith.index_cast %add3A_222 : i32 to index
        %get3A_224 = arith.constant 48 : index
        %get3A_225 = tpu.vector_load %arg8[%get3A_223, %get3A_224] {strides = array<i32>} : memref<288x64xf32, #tpu.memory_space<vmem>>, vector<1x16xf32>,
        %get3A_226 = vector.shape_cast %get3A_225 : vector<1x16xf32> to vector<16xf32>
        %add3A_227 = arith.addf %add3A_199, %get3A_226 : vector<16xf32>
        %add3A_228 = arith.constant 4 : i32
        %add3A_229 = arith.addi %mul3A_128, %add3A_228 : i32
        %get3A_230 = arith.index_cast %add3A_229 : i32 to index
        %get3A_231 = arith.constant 0 : index
        %get3A_232 = tpu.vector_load %arg8[%get3A_230, %get3A_231] {strides = array<i32>} : memref<288x64xf32, #tpu.memory_space<vmem>>, vector<1x16xf32>,
        %get3A_233 = vector.shape_cast %get3A_232 : vector<1x16xf32> to vector<16xf32>
        %add3A_234 = arith.addf %add3A_206, %get3A_233 : vector<16xf32>
        %add3A_235 = arith.constant 4 : i32
        %add3A_236 = arith.addi %mul3A_128, %add3A_235 : i32
        %get3A_237 = arith.index_cast %add3A_236 : i32 to index
        %get3A_238 = arith.constant 16 : index
        %get3A_239 = tpu.vector_load %arg8[%get3A_237, %get3A_238] {strides = array<i32>} : memref<288x64xf32, #tpu.memory_space<vmem>>, vector<1x16xf32>,
        %get3A_240 = vector.shape_cast %get3A_239 : vector<1x16xf32> to vector<16xf32>
        %add3A_241 = arith.addf %add3A_213, %get3A_240 : vector<16xf32>
        %add3A_242 = arith.constant 4 : i32
        %add3A_243 = arith.addi %mul3A_128, %add3A_242 : i32
        %get3A_244 = arith.index_cast %add3A_243 : i32 to index
        %get3A_245 = arith.constant 32 : index
        %get3A_246 = tpu.vector_load %arg8[%get3A_244, %get3A_245] {strides = array<i32>} : memref<288x64xf32, #tpu.memory_space<vmem>>, vector<1x16xf32>,
        %get3A_247 = vector.shape_cast %get3A_246 : vector<1x16xf32> to vector<16xf32>
        %add3A_248 = arith.addf %add3A_220, %get3A_247 : vector<16xf32>
        %add3A_249 = arith.constant 4 : i32
        %add3A_250 = arith.addi %mul3A_128, %add3A_249 : i32
        %get3A_251 = arith.index_cast %add3A_250 : i32 to index
        %get3A_252 = arith.constant 48 : index
        %get3A_253 = tpu.vector_load %arg8[%get3A_251, %get3A_252] {strides = array<i32>} : memref<288x64xf32, #tpu.memory_space<vmem>>, vector<1x16xf32>,
        %get3A_254 = vector.shape_cast %get3A_253 : vector<1x16xf32> to vector<16xf32>
        %add3A_255 = arith.addf %add3A_227, %get3A_254 : vector<16xf32>
        %add3A_256 = arith.constant 5 : i32
        %add3A_257 = arith.addi %mul3A_128, %add3A_256 : i32
        %get3A_258 = arith.index_cast %add3A_257 : i32 to index
        %get3A_259 = arith.constant 0 : index
        %get3A_260 = tpu.vector_load %arg8[%get3A_258, %get3A_259] {strides = array<i32>} : memref<288x64xf32, #tpu.memory_space<vmem>>, vector<1x16xf32>,
        %get3A_261 = vector.shape_cast %get3A_260 : vector<1x16xf32> to vector<16xf32>
        %add3A_262 = arith.addf %add3A_234, %get3A_261 : vector<16xf32>
        %add3A_263 = arith.constant 5 : i32
        %add3A_264 = arith.addi %mul3A_128, %add3A_263 : i32
        %get3A_265 = arith.index_cast %add3A_264 : i32 to index
        %get3A_266 = arith.constant 16 : index
        %get3A_267 = tpu.vector_load %arg8[%get3A_265, %get3A_266] {strides = array<i32>} : memref<288x64xf32, #tpu.memory_space<vmem>>, vector<1x16xf32>,
        %get3A_268 = vector.shape_cast %get3A_267 : vector<1x16xf32> to vector<16xf32>
        %add3A_269 = arith.addf %add3A_241, %get3A_268 : vector<16xf32>
        %add3A_270 = arith.constant 5 : i32
        %add3A_271 = arith.addi %mul3A_128, %add3A_270 : i32
        %get3A_272 = arith.index_cast %add3A_271 : i32 to index
        %get3A_273 = arith.constant 32 : index
        %get3A_274 = tpu.vector_load %arg8[%get3A_272, %get3A_273] {strides = array<i32>} : memref<288x64xf32, #tpu.memory_space<vmem>>, vector<1x16xf32>,
        %get3A_275 = vector.shape_cast %get3A_274 : vector<1x16xf32> to vector<16xf32>
        %add3A_276 = arith.addf %add3A_248, %get3A_275 : vector<16xf32>
        %add3A_277 = arith.constant 5 : i32
        %add3A_278 = arith.addi %mul3A_128, %add3A_277 : i32
        %get3A_279 = arith.index_cast %add3A_278 : i32 to index
        %get3A_280 = arith.constant 48 : index
        %get3A_281 = tpu.vector_load %arg8[%get3A_279, %get3A_280] {strides = array<i32>} : memref<288x64xf32, #tpu.memory_space<vmem>>, vector<1x16xf32>,
        %get3A_282 = vector.shape_cast %get3A_281 : vector<1x16xf32> to vector<16xf32>
        %add3A_283 = arith.addf %add3A_255, %get3A_282 : vector<16xf32>
        %add3A_284 = arith.constant 6 : i32
        %add3A_285 = arith.addi %mul3A_128, %add3A_284 : i32
        %get3A_286 = arith.index_cast %add3A_285 : i32 to index
        %get3A_287 = arith.constant 0 : index
        %get3A_288 = tpu.vector_load %arg8[%get3A_286, %get3A_287] {strides = array<i32>} : memref<288x64xf32, #tpu.memory_space<vmem>>, vector<1x16xf32>,
        %get3A_289 = vector.shape_cast %get3A_288 : vector<1x16xf32> to vector<16xf32>
        %add3A_290 = arith.addf %add3A_262, %get3A_289 : vector<16xf32>
        %add3A_291 = arith.constant 6 : i32
        %add3A_292 = arith.addi %mul3A_128, %add3A_291 : i32
        %get3A_293 = arith.index_cast %add3A_292 : i32 to index
        %get3A_294 = arith.constant 16 : index
        %get3A_295 = tpu.vector_load %arg8[%get3A_293, %get3A_294] {strides = array<i32>} : memref<288x64xf32, #tpu.memory_space<vmem>>, vector<1x16xf32>,
        %get3A_296 = vector.shape_cast %get3A_295 : vector<1x16xf32> to vector<16xf32>
        %add3A_297 = arith.addf %add3A_269, %get3A_296 : vector<16xf32>
        %add3A_298 = arith.constant 6 : i32
        %add3A_299 = arith.addi %mul3A_128, %add3A_298 : i32
        %get3A_300 = arith.index_cast %add3A_299 : i32 to index
        %get3A_301 = arith.constant 32 : index
        %get3A_302 = tpu.vector_load %arg8[%get3A_300, %get3A_301] {strides = array<i32>} : memref<288x64xf32, #tpu.memory_space<vmem>>, vector<1x16xf32>,
        %get3A_303 = vector.shape_cast %get3A_302 : vector<1x16xf32> to vector<16xf32>
        %add3A_304 = arith.addf %add3A_276, %get3A_303 : vector<16xf32>
        %add3A_305 = arith.constant 6 : i32
        %add3A_306 = arith.addi %mul3A_128, %add3A_305 : i32
        %get3A_307 = arith.index_cast %add3A_306 : i32 to index
        %get3A_308 = arith.constant 48 : index
        %get3A_309 = tpu.vector_load %arg8[%get3A_307, %get3A_308] {strides = array<i32>} : memref<288x64xf32, #tpu.memory_space<vmem>>, vector<1x16xf32>,
        %get3A_310 = vector.shape_cast %get3A_309 : vector<1x16xf32> to vector<16xf32>
        %add3A_311 = arith.addf %add3A_283, %get3A_310 : vector<16xf32>
        %add3A_312 = arith.constant 7 : i32
        %add3A_313 = arith.addi %mul3A_128, %add3A_312 : i32
        %get3A_314 = arith.index_cast %add3A_313 : i32 to index
        %get3A_315 = arith.constant 0 : index
        %get3A_316 = tpu.vector_load %arg8[%get3A_314, %get3A_315] {strides = array<i32>} : memref<288x64xf32, #tpu.memory_space<vmem>>, vector<1x16xf32>,
        %get3A_317 = vector.shape_cast %get3A_316 : vector<1x16xf32> to vector<16xf32>
        %add3A_318 = arith.addf %add3A_290, %get3A_317 : vector<16xf32>
        %add3A_319 = arith.constant 7 : i32
        %add3A_320 = arith.addi %mul3A_128, %add3A_319 : i32
        %get3A_321 = arith.index_cast %add3A_320 : i32 to index
        %get3A_322 = arith.constant 16 : index
        %get3A_323 = tpu.vector_load %arg8[%get3A_321, %get3A_322] {strides = array<i32>} : memref<288x64xf32, #tpu.memory_space<vmem>>, vector<1x16xf32>,
        %get3A_324 = vector.shape_cast %get3A_323 : vector<1x16xf32> to vector<16xf32>
        %add3A_325 = arith.addf %add3A_297, %get3A_324 : vector<16xf32>
        %add3A_326 = arith.constant 7 : i32
        %add3A_327 = arith.addi %mul3A_128, %add3A_326 : i32
        %get3A_328 = arith.index_cast %add3A_327 : i32 to index
        %get3A_329 = arith.constant 32 : index
        %get3A_330 = tpu.vector_load %arg8[%get3A_328, %get3A_329] {strides = array<i32>} : memref<288x64xf32, #tpu.memory_space<vmem>>, vector<1x16xf32>,
        %get3A_331 = vector.shape_cast %get3A_330 : vector<1x16xf32> to vector<16xf32>
        %add3A_332 = arith.addf %add3A_304, %get3A_331 : vector<16xf32>
        %add3A_333 = arith.constant 7 : i32
        %add3A_334 = arith.addi %mul3A_128, %add3A_333 : i32
        %get3A_335 = arith.index_cast %add3A_334 : i32 to index
        %get3A_336 = arith.constant 48 : index
        %get3A_337 = tpu.vector_load %arg8[%get3A_335, %get3A_336] {strides = array<i32>} : memref<288x64xf32, #tpu.memory_space<vmem>>, vector<1x16xf32>,
        %get3A_338 = vector.shape_cast %get3A_337 : vector<1x16xf32> to vector<16xf32>
        %add3A_339 = arith.addf %add3A_311, %get3A_338 : vector<16xf32>
        %add3A_340 = arith.constant 8 : i32
        %add3A_341 = arith.addi %mul3A_128, %add3A_340 : i32
        %get3A_342 = arith.index_cast %add3A_341 : i32 to index
        %get3A_343 = arith.constant 0 : index
        %get3A_344 = tpu.vector_load %arg8[%get3A_342, %get3A_343] {strides = array<i32>} : memref<288x64xf32, #tpu.memory_space<vmem>>, vector<1x16xf32>,
        %get3A_345 = vector.shape_cast %get3A_344 : vector<1x16xf32> to vector<16xf32>
        %add3A_346 = arith.addf %add3A_318, %get3A_345 : vector<16xf32>
        %add3A_347 = arith.constant 8 : i32
        %add3A_348 = arith.addi %mul3A_128, %add3A_347 : i32
        %get3A_349 = arith.index_cast %add3A_348 : i32 to index
        %get3A_350 = arith.constant 16 : index
        %get3A_351 = tpu.vector_load %arg8[%get3A_349, %get3A_350] {strides = array<i32>} : memref<288x64xf32, #tpu.memory_space<vmem>>, vector<1x16xf32>,
        %get3A_352 = vector.shape_cast %get3A_351 : vector<1x16xf32> to vector<16xf32>
        %add3A_353 = arith.addf %add3A_325, %get3A_352 : vector<16xf32>
        %add3A_354 = arith.constant 8 : i32
        %add3A_355 = arith.addi %mul3A_128, %add3A_354 : i32
        %get3A_356 = arith.index_cast %add3A_355 : i32 to index
        %get3A_357 = arith.constant 32 : index
        %get3A_358 = tpu.vector_load %arg8[%get3A_356, %get3A_357] {strides = array<i32>} : memref<288x64xf32, #tpu.memory_space<vmem>>, vector<1x16xf32>,
        %get3A_359 = vector.shape_cast %get3A_358 : vector<1x16xf32> to vector<16xf32>
        %add3A_360 = arith.addf %add3A_332, %get3A_359 : vector<16xf32>
        %add3A_361 = arith.constant 8 : i32
        %add3A_362 = arith.addi %mul3A_128, %add3A_361 : i32
        %get3A_363 = arith.index_cast %add3A_362 : i32 to index
        %get3A_364 = arith.constant 48 : index
        %get3A_365 = tpu.vector_load %arg8[%get3A_363, %get3A_364] {strides = array<i32>} : memref<288x64xf32, #tpu.memory_space<vmem>>, vector<1x16xf32>,
        %get3A_366 = vector.shape_cast %get3A_365 : vector<1x16xf32> to vector<16xf32>
        %add3A_367 = arith.addf %add3A_339, %get3A_366 : vector<16xf32>
        %add3A_368 = arith.constant 9 : i32
        %add3A_369 = arith.addi %mul3A_128, %add3A_368 : i32
        %get3A_370 = arith.index_cast %add3A_369 : i32 to index
        %get3A_371 = arith.constant 0 : index
        %get3A_372 = tpu.vector_load %arg8[%get3A_370, %get3A_371] {strides = array<i32>} : memref<288x64xf32, #tpu.memory_space<vmem>>, vector<1x16xf32>,
        %get3A_373 = vector.shape_cast %get3A_372 : vector<1x16xf32> to vector<16xf32>
        %add3A_374 = arith.addf %add3A_346, %get3A_373 : vector<16xf32>
        %add3A_375 = arith.constant 9 : i32
        %add3A_376 = arith.addi %mul3A_128, %add3A_375 : i32
        %get3A_377 = arith.index_cast %add3A_376 : i32 to index
        %get3A_378 = arith.constant 16 : index
        %get3A_379 = tpu.vector_load %arg8[%get3A_377, %get3A_378] {strides = array<i32>} : memref<288x64xf32, #tpu.memory_space<vmem>>, vector<1x16xf32>,
        %get3A_380 = vector.shape_cast %get3A_379 : vector<1x16xf32> to vector<16xf32>
        %add3A_381 = arith.addf %add3A_353, %get3A_380 : vector<16xf32>
        %add3A_382 = arith.constant 9 : i32
        %add3A_383 = arith.addi %mul3A_128, %add3A_382 : i32
        %get3A_384 = arith.index_cast %add3A_383 : i32 to index
        %get3A_385 = arith.constant 32 : index
        %get3A_386 = tpu.vector_load %arg8[%get3A_384, %get3A_385] {strides = array<i32>} : memref<288x64xf32, #tpu.memory_space<vmem>>, vector<1x16xf32>,
        %get3A_387 = vector.shape_cast %get3A_386 : vector<1x16xf32> to vector<16xf32>
        %add3A_388 = arith.addf %add3A_360, %get3A_387 : vector<16xf32>
        %add3A_389 = arith.constant 9 : i32
        %add3A_390 = arith.addi %mul3A_128, %add3A_389 : i32
        %get3A_391 = arith.index_cast %add3A_390 : i32 to index
        %get3A_392 = arith.constant 48 : index
        %get3A_393 = tpu.vector_load %arg8[%get3A_391, %get3A_392] {strides = array<i32>} : memref<288x64xf32, #tpu.memory_space<vmem>>, vector<1x16xf32>,
        %get3A_394 = vector.shape_cast %get3A_393 : vector<1x16xf32> to vector<16xf32>
        %add3A_395 = arith.addf %add3A_367, %get3A_394 : vector<16xf32>
        %add3A_396 = arith.constant 10 : i32
        %add3A_397 = arith.addi %mul3A_128, %add3A_396 : i32
        %get3A_398 = arith.index_cast %add3A_397 : i32 to index
        %get3A_399 = arith.constant 0 : index
        %get3A_400 = tpu.vector_load %arg8[%get3A_398, %get3A_399] {strides = array<i32>} : memref<288x64xf32, #tpu.memory_space<vmem>>, vector<1x16xf32>,
        %get3A_401 = vector.shape_cast %get3A_400 : vector<1x16xf32> to vector<16xf32>
        %add3A_402 = arith.addf %add3A_374, %get3A_401 : vector<16xf32>
        %add3A_403 = arith.constant 10 : i32
        %add3A_404 = arith.addi %mul3A_128, %add3A_403 : i32
        %get3A_405 = arith.index_cast %add3A_404 : i32 to index
        %get3A_406 = arith.constant 16 : index
        %get3A_407 = tpu.vector_load %arg8[%get3A_405, %get3A_406] {strides = array<i32>} : memref<288x64xf32, #tpu.memory_space<vmem>>, vector<1x16xf32>,
        %get3A_408 = vector.shape_cast %get3A_407 : vector<1x16xf32> to vector<16xf32>
        %add3A_409 = arith.addf %add3A_381, %get3A_408 : vector<16xf32>
        %add3A_410 = arith.constant 10 : i32
        %add3A_411 = arith.addi %mul3A_128, %add3A_410 : i32
        %get3A_412 = arith.index_cast %add3A_411 : i32 to index
        %get3A_413 = arith.constant 32 : index
        %get3A_414 = tpu.vector_load %arg8[%get3A_412, %get3A_413] {strides = array<i32>} : memref<288x64xf32, #tpu.memory_space<vmem>>, vector<1x16xf32>,
        %get3A_415 = vector.shape_cast %get3A_414 : vector<1x16xf32> to vector<16xf32>
        %add3A_416 = arith.addf %add3A_388, %get3A_415 : vector<16xf32>
        %add3A_417 = arith.constant 10 : i32
        %add3A_418 = arith.addi %mul3A_128, %add3A_417 : i32
        %get3A_419 = arith.index_cast %add3A_418 : i32 to index
        %get3A_420 = arith.constant 48 : index
        %get3A_421 = tpu.vector_load %arg8[%get3A_419, %get3A_420] {strides = array<i32>} : memref<288x64xf32, #tpu.memory_space<vmem>>, vector<1x16xf32>,
        %get3A_422 = vector.shape_cast %get3A_421 : vector<1x16xf32> to vector<16xf32>
        %add3A_423 = arith.addf %add3A_395, %get3A_422 : vector<16xf32>
        %add3A_424 = arith.constant 11 : i32
        %add3A_425 = arith.addi %mul3A_128, %add3A_424 : i32
        %get3A_426 = arith.index_cast %add3A_425 : i32 to index
        %get3A_427 = arith.constant 0 : index
        %get3A_428 = tpu.vector_load %arg8[%get3A_426, %get3A_427] {strides = array<i32>} : memref<288x64xf32, #tpu.memory_space<vmem>>, vector<1x16xf32>,
        %get3A_429 = vector.shape_cast %get3A_428 : vector<1x16xf32> to vector<16xf32>
        %add3A_430 = arith.addf %add3A_402, %get3A_429 : vector<16xf32>
        %add3A_431 = arith.constant 11 : i32
        %add3A_432 = arith.addi %mul3A_128, %add3A_431 : i32
        %get3A_433 = arith.index_cast %add3A_432 : i32 to index
        %get3A_434 = arith.constant 16 : index
        %get3A_435 = tpu.vector_load %arg8[%get3A_433, %get3A_434] {strides = array<i32>} : memref<288x64xf32, #tpu.memory_space<vmem>>, vector<1x16xf32>,
        %get3A_436 = vector.shape_cast %get3A_435 : vector<1x16xf32> to vector<16xf32>
        %add3A_437 = arith.addf %add3A_409, %get3A_436 : vector<16xf32>
        %add3A_438 = arith.constant 11 : i32
        %add3A_439 = arith.addi %mul3A_128, %add3A_438 : i32
        %get3A_440 = arith.index_cast %add3A_439 : i32 to index
        %get3A_441 = arith.constant 32 : index
        %get3A_442 = tpu.vector_load %arg8[%get3A_440, %get3A_441] {strides = array<i32>} : memref<288x64xf32, #tpu.memory_space<vmem>>, vector<1x16xf32>,
        %get3A_443 = vector.shape_cast %get3A_442 : vector<1x16xf32> to vector<16xf32>
        %add3A_444 = arith.addf %add3A_416, %get3A_443 : vector<16xf32>
        %add3A_445 = arith.constant 11 : i32
        %add3A_446 = arith.addi %mul3A_128, %add3A_445 : i32
        %get3A_447 = arith.index_cast %add3A_446 : i32 to index
        %get3A_448 = arith.constant 48 : index
        %get3A_449 = tpu.vector_load %arg8[%get3A_447, %get3A_448] {strides = array<i32>} : memref<288x64xf32, #tpu.memory_space<vmem>>, vector<1x16xf32>,
        %get3A_450 = vector.shape_cast %get3A_449 : vector<1x16xf32> to vector<16xf32>
        %add3A_451 = arith.addf %add3A_423, %get3A_450 : vector<16xf32>
        %add3A_452 = arith.constant 12 : i32
        %add3A_453 = arith.addi %mul3A_128, %add3A_452 : i32
        %get3A_454 = arith.index_cast %add3A_453 : i32 to index
        %get3A_455 = arith.constant 0 : index
        %get3A_456 = tpu.vector_load %arg8[%get3A_454, %get3A_455] {strides = array<i32>} : memref<288x64xf32, #tpu.memory_space<vmem>>, vector<1x16xf32>,
        %get3A_457 = vector.shape_cast %get3A_456 : vector<1x16xf32> to vector<16xf32>
        %add3A_458 = arith.addf %add3A_430, %get3A_457 : vector<16xf32>
        %add3A_459 = arith.constant 12 : i32
        %add3A_460 = arith.addi %mul3A_128, %add3A_459 : i32
        %get3A_461 = arith.index_cast %add3A_460 : i32 to index
        %get3A_462 = arith.constant 16 : index
        %get3A_463 = tpu.vector_load %arg8[%get3A_461, %get3A_462] {strides = array<i32>} : memref<288x64xf32, #tpu.memory_space<vmem>>, vector<1x16xf32>,
        %get3A_464 = vector.shape_cast %get3A_463 : vector<1x16xf32> to vector<16xf32>
        %add3A_465 = arith.addf %add3A_437, %get3A_464 : vector<16xf32>
        %add3A_466 = arith.constant 12 : i32
        %add3A_467 = arith.addi %mul3A_128, %add3A_466 : i32
        %get3A_468 = arith.index_cast %add3A_467 : i32 to index
        %get3A_469 = arith.constant 32 : index
        %get3A_470 = tpu.vector_load %arg8[%get3A_468, %get3A_469] {strides = array<i32>} : memref<288x64xf32, #tpu.memory_space<vmem>>, vector<1x16xf32>,
        %get3A_471 = vector.shape_cast %get3A_470 : vector<1x16xf32> to vector<16xf32>
        %add3A_472 = arith.addf %add3A_444, %get3A_471 : vector<16xf32>
        %add3A_473 = arith.constant 12 : i32
        %add3A_474 = arith.addi %mul3A_128, %add3A_473 : i32
        %get3A_475 = arith.index_cast %add3A_474 : i32 to index
        %get3A_476 = arith.constant 48 : index
        %get3A_477 = tpu.vector_load %arg8[%get3A_475, %get3A_476] {strides = array<i32>} : memref<288x64xf32, #tpu.memory_space<vmem>>, vector<1x16xf32>,
        %get3A_478 = vector.shape_cast %get3A_477 : vector<1x16xf32> to vector<16xf32>
        %add3A_479 = arith.addf %add3A_451, %get3A_478 : vector<16xf32>
        %add3A_480 = arith.constant 13 : i32
        %add3A_481 = arith.addi %mul3A_128, %add3A_480 : i32
        %get3A_482 = arith.index_cast %add3A_481 : i32 to index
        %get3A_483 = arith.constant 0 : index
        %get3A_484 = tpu.vector_load %arg8[%get3A_482, %get3A_483] {strides = array<i32>} : memref<288x64xf32, #tpu.memory_space<vmem>>, vector<1x16xf32>,
        %get3A_485 = vector.shape_cast %get3A_484 : vector<1x16xf32> to vector<16xf32>
        %add3A_486 = arith.addf %add3A_458, %get3A_485 : vector<16xf32>
        %add3A_487 = arith.constant 13 : i32
        %add3A_488 = arith.addi %mul3A_128, %add3A_487 : i32
        %get3A_489 = arith.index_cast %add3A_488 : i32 to index
        %get3A_490 = arith.constant 16 : index
        %get3A_491 = tpu.vector_load %arg8[%get3A_489, %get3A_490] {strides = array<i32>} : memref<288x64xf32, #tpu.memory_space<vmem>>, vector<1x16xf32>,
        %get3A_492 = vector.shape_cast %get3A_491 : vector<1x16xf32> to vector<16xf32>
        %add3A_493 = arith.addf %add3A_465, %get3A_492 : vector<16xf32>
        %add3A_494 = arith.constant 13 : i32
        %add3A_495 = arith.addi %mul3A_128, %add3A_494 : i32
        %get3A_496 = arith.index_cast %add3A_495 : i32 to index
        %get3A_497 = arith.constant 32 : index
        %get3A_498 = tpu.vector_load %arg8[%get3A_496, %get3A_497] {strides = array<i32>} : memref<288x64xf32, #tpu.memory_space<vmem>>, vector<1x16xf32>,
        %get3A_499 = vector.shape_cast %get3A_498 : vector<1x16xf32> to vector<16xf32>
        %add3A_500 = arith.addf %add3A_472, %get3A_499 : vector<16xf32>
        %add3A_501 = arith.constant 13 : i32
        %add3A_502 = arith.addi %mul3A_128, %add3A_501 : i32
        %get3A_503 = arith.index_cast %add3A_502 : i32 to index
        %get3A_504 = arith.constant 48 : index
        %get3A_505 = tpu.vector_load %arg8[%get3A_503, %get3A_504] {strides = array<i32>} : memref<288x64xf32, #tpu.memory_space<vmem>>, vector<1x16xf32>,
        %get3A_506 = vector.shape_cast %get3A_505 : vector<1x16xf32> to vector<16xf32>
        %add3A_507 = arith.addf %add3A_479, %get3A_506 : vector<16xf32>
        %add3A_508 = arith.constant 14 : i32
        %add3A_509 = arith.addi %mul3A_128, %add3A_508 : i32
        %get3A_510 = arith.index_cast %add3A_509 : i32 to index
        %get3A_511 = arith.constant 0 : index
        %get3A_512 = tpu.vector_load %arg8[%get3A_510, %get3A_511] {strides = array<i32>} : memref<288x64xf32, #tpu.memory_space<vmem>>, vector<1x16xf32>,
        %get3A_513 = vector.shape_cast %get3A_512 : vector<1x16xf32> to vector<16xf32>
        %add3A_514 = arith.addf %add3A_486, %get3A_513 : vector<16xf32>
        %add3A_515 = arith.constant 14 : i32
        %add3A_516 = arith.addi %mul3A_128, %add3A_515 : i32
        %get3A_517 = arith.index_cast %add3A_516 : i32 to index
        %get3A_518 = arith.constant 16 : index
        %get3A_519 = tpu.vector_load %arg8[%get3A_517, %get3A_518] {strides = array<i32>} : memref<288x64xf32, #tpu.memory_space<vmem>>, vector<1x16xf32>,
        %get3A_520 = vector.shape_cast %get3A_519 : vector<1x16xf32> to vector<16xf32>
        %add3A_521 = arith.addf %add3A_493, %get3A_520 : vector<16xf32>
        %add3A_522 = arith.constant 14 : i32
        %add3A_523 = arith.addi %mul3A_128, %add3A_522 : i32
        %get3A_524 = arith.index_cast %add3A_523 : i32 to index
        %get3A_525 = arith.constant 32 : index
        %get3A_526 = tpu.vector_load %arg8[%get3A_524, %get3A_525] {strides = array<i32>} : memref<288x64xf32, #tpu.memory_space<vmem>>, vector<1x16xf32>,
        %get3A_527 = vector.shape_cast %get3A_526 : vector<1x16xf32> to vector<16xf32>
        %add3A_528 = arith.addf %add3A_500, %get3A_527 : vector<16xf32>
        %add3A_529 = arith.constant 14 : i32
        %add3A_530 = arith.addi %mul3A_128, %add3A_529 : i32
        %get3A_531 = arith.index_cast %add3A_530 : i32 to index
        %get3A_532 = arith.constant 48 : index
        %get3A_533 = tpu.vector_load %arg8[%get3A_531, %get3A_532] {strides = array<i32>} : memref<288x64xf32, #tpu.memory_space<vmem>>, vector<1x16xf32>,
        %get3A_534 = vector.shape_cast %get3A_533 : vector<1x16xf32> to vector<16xf32>
        %add3A_535 = arith.addf %add3A_507, %get3A_534 : vector<16xf32>
        %add3A_536 = arith.constant 15 : i32
        %add3A_537 = arith.addi %mul3A_128, %add3A_536 : i32
        %get3A_538 = arith.index_cast %add3A_537 : i32 to index
        %get3A_539 = arith.constant 0 : index
        %get3A_540 = tpu.vector_load %arg8[%get3A_538, %get3A_539] {strides = array<i32>} : memref<288x64xf32, #tpu.memory_space<vmem>>, vector<1x16xf32>,
        %get3A_541 = vector.shape_cast %get3A_540 : vector<1x16xf32> to vector<16xf32>
        %add3A_542 = arith.addf %add3A_514, %get3A_541 : vector<16xf32>
        %add3A_543 = arith.constant 15 : i32
        %add3A_544 = arith.addi %mul3A_128, %add3A_543 : i32
        %get3A_545 = arith.index_cast %add3A_544 : i32 to index
        %get3A_546 = arith.constant 16 : index
        %get3A_547 = tpu.vector_load %arg8[%get3A_545, %get3A_546] {strides = array<i32>} : memref<288x64xf32, #tpu.memory_space<vmem>>, vector<1x16xf32>,
        %get3A_548 = vector.shape_cast %get3A_547 : vector<1x16xf32> to vector<16xf32>
        %add3A_549 = arith.addf %add3A_521, %get3A_548 : vector<16xf32>
        %add3A_550 = arith.constant 15 : i32
        %add3A_551 = arith.addi %mul3A_128, %add3A_550 : i32
        %get3A_552 = arith.index_cast %add3A_551 : i32 to index
        %get3A_553 = arith.constant 32 : index
        %get3A_554 = tpu.vector_load %arg8[%get3A_552, %get3A_553] {strides = array<i32>} : memref<288x64xf32, #tpu.memory_space<vmem>>, vector<1x16xf32>,
        %get3A_555 = vector.shape_cast %get3A_554 : vector<1x16xf32> to vector<16xf32>
        %add3A_556 = arith.addf %add3A_528, %get3A_555 : vector<16xf32>
        %add3A_557 = arith.constant 15 : i32
        %add3A_558 = arith.addi %mul3A_128, %add3A_557 : i32
        %get3A_559 = arith.index_cast %add3A_558 : i32 to index
        %get3A_560 = arith.constant 48 : index
        %get3A_561 = tpu.vector_load %arg8[%get3A_559, %get3A_560] {strides = array<i32>} : memref<288x64xf32, #tpu.memory_space<vmem>>, vector<1x16xf32>,
        %get3A_562 = vector.shape_cast %get3A_561 : vector<1x16xf32> to vector<16xf32>
        %add3A_563 = arith.addf %add3A_535, %get3A_562 : vector<16xf32>
        %add3A_564 = arith.constant 16 : i32
        %add3A_565 = arith.addi %mul3A_128, %add3A_564 : i32
        %get3A_566 = arith.index_cast %add3A_565 : i32 to index
        %get3A_567 = arith.constant 0 : index
        %get3A_568 = tpu.vector_load %arg8[%get3A_566, %get3A_567] {strides = array<i32>} : memref<288x64xf32, #tpu.memory_space<vmem>>, vector<1x16xf32>,
        %get3A_569 = vector.shape_cast %get3A_568 : vector<1x16xf32> to vector<16xf32>
        %add3A_570 = arith.addf %add3A_542, %get3A_569 : vector<16xf32>
        %add3A_571 = arith.constant 16 : i32
        %add3A_572 = arith.addi %mul3A_128, %add3A_571 : i32
        %get3A_573 = arith.index_cast %add3A_572 : i32 to index
        %get3A_574 = arith.constant 16 : index
        %get3A_575 = tpu.vector_load %arg8[%get3A_573, %get3A_574] {strides = array<i32>} : memref<288x64xf32, #tpu.memory_space<vmem>>, vector<1x16xf32>,
        %get3A_576 = vector.shape_cast %get3A_575 : vector<1x16xf32> to vector<16xf32>
        %add3A_577 = arith.addf %add3A_549, %get3A_576 : vector<16xf32>
        %add3A_578 = arith.constant 16 : i32
        %add3A_579 = arith.addi %mul3A_128, %add3A_578 : i32
        %get3A_580 = arith.index_cast %add3A_579 : i32 to index
        %get3A_581 = arith.constant 32 : index
        %get3A_582 = tpu.vector_load %arg8[%get3A_580, %get3A_581] {strides = array<i32>} : memref<288x64xf32, #tpu.memory_space<vmem>>, vector<1x16xf32>,
        %get3A_583 = vector.shape_cast %get3A_582 : vector<1x16xf32> to vector<16xf32>
        %add3A_584 = arith.addf %add3A_556, %get3A_583 : vector<16xf32>
        %add3A_585 = arith.constant 16 : i32
        %add3A_586 = arith.addi %mul3A_128, %add3A_585 : i32
        %get3A_587 = arith.index_cast %add3A_586 : i32 to index
        %get3A_588 = arith.constant 48 : index
        %get3A_589 = tpu.vector_load %arg8[%get3A_587, %get3A_588] {strides = array<i32>} : memref<288x64xf32, #tpu.memory_space<vmem>>, vector<1x16xf32>,
        %get3A_590 = vector.shape_cast %get3A_589 : vector<1x16xf32> to vector<16xf32>
        %add3A_591 = arith.addf %add3A_563, %get3A_590 : vector<16xf32>
        %add3A_592 = arith.constant 17 : i32
        %add3A_593 = arith.addi %mul3A_128, %add3A_592 : i32
        %get3A_594 = arith.index_cast %add3A_593 : i32 to index
        %get3A_595 = arith.constant 0 : index
        %get3A_596 = tpu.vector_load %arg8[%get3A_594, %get3A_595] {strides = array<i32>} : memref<288x64xf32, #tpu.memory_space<vmem>>, vector<1x16xf32>,
        %get3A_597 = vector.shape_cast %get3A_596 : vector<1x16xf32> to vector<16xf32>
        %add3A_598 = arith.addf %add3A_570, %get3A_597 : vector<16xf32>
        %add3A_599 = arith.constant 17 : i32
        %add3A_600 = arith.addi %mul3A_128, %add3A_599 : i32
        %get3A_601 = arith.index_cast %add3A_600 : i32 to index
        %get3A_602 = arith.constant 16 : index
        %get3A_603 = tpu.vector_load %arg8[%get3A_601, %get3A_602] {strides = array<i32>} : memref<288x64xf32, #tpu.memory_space<vmem>>, vector<1x16xf32>,
        %get3A_604 = vector.shape_cast %get3A_603 : vector<1x16xf32> to vector<16xf32>
        %add3A_605 = arith.addf %add3A_577, %get3A_604 : vector<16xf32>
        %add3A_606 = arith.constant 17 : i32
        %add3A_607 = arith.addi %mul3A_128, %add3A_606 : i32
        %get3A_608 = arith.index_cast %add3A_607 : i32 to index
        %get3A_609 = arith.constant 32 : index
        %get3A_610 = tpu.vector_load %arg8[%get3A_608, %get3A_609] {strides = array<i32>} : memref<288x64xf32, #tpu.memory_space<vmem>>, vector<1x16xf32>,
        %get3A_611 = vector.shape_cast %get3A_610 : vector<1x16xf32> to vector<16xf32>
        %add3A_612 = arith.addf %add3A_584, %get3A_611 : vector<16xf32>
        %add3A_613 = arith.constant 17 : i32
        %add3A_614 = arith.addi %mul3A_128, %add3A_613 : i32
        %get3A_615 = arith.index_cast %add3A_614 : i32 to index
        %get3A_616 = arith.constant 48 : index
        %get3A_617 = tpu.vector_load %arg8[%get3A_615, %get3A_616] {strides = array<i32>} : memref<288x64xf32, #tpu.memory_space<vmem>>, vector<1x16xf32>,
        %get3A_618 = vector.shape_cast %get3A_617 : vector<1x16xf32> to vector<16xf32>
        %add3A_619 = arith.addf %add3A_591, %get3A_618 : vector<16xf32>
        %add3A_620 = arith.constant 18 : i32
        %add3A_621 = arith.addi %mul3A_128, %add3A_620 : i32
        %get3A_622 = arith.index_cast %add3A_621 : i32 to index
        %get3A_623 = arith.constant 0 : index
        %get3A_624 = tpu.vector_load %arg8[%get3A_622, %get3A_623] {strides = array<i32>} : memref<288x64xf32, #tpu.memory_space<vmem>>, vector<1x16xf32>,
        %get3A_625 = vector.shape_cast %get3A_624 : vector<1x16xf32> to vector<16xf32>
        %add3A_626 = arith.addf %add3A_598, %get3A_625 : vector<16xf32>
        %add3A_627 = arith.constant 18 : i32
        %add3A_628 = arith.addi %mul3A_128, %add3A_627 : i32
        %get3A_629 = arith.index_cast %add3A_628 : i32 to index
        %get3A_630 = arith.constant 16 : index
        %get3A_631 = tpu.vector_load %arg8[%get3A_629, %get3A_630] {strides = array<i32>} : memref<288x64xf32, #tpu.memory_space<vmem>>, vector<1x16xf32>,
        %get3A_632 = vector.shape_cast %get3A_631 : vector<1x16xf32> to vector<16xf32>
        %add3A_633 = arith.addf %add3A_605, %get3A_632 : vector<16xf32>
        %add3A_634 = arith.constant 18 : i32
        %add3A_635 = arith.addi %mul3A_128, %add3A_634 : i32
        %get3A_636 = arith.index_cast %add3A_635 : i32 to index
        %get3A_637 = arith.constant 32 : index
        %get3A_638 = tpu.vector_load %arg8[%get3A_636, %get3A_637] {strides = array<i32>} : memref<288x64xf32, #tpu.memory_space<vmem>>, vector<1x16xf32>,
        %get3A_639 = vector.shape_cast %get3A_638 : vector<1x16xf32> to vector<16xf32>
        %add3A_640 = arith.addf %add3A_612, %get3A_639 : vector<16xf32>
        %add3A_641 = arith.constant 18 : i32
        %add3A_642 = arith.addi %mul3A_128, %add3A_641 : i32
        %get3A_643 = arith.index_cast %add3A_642 : i32 to index
        %get3A_644 = arith.constant 48 : index
        %get3A_645 = tpu.vector_load %arg8[%get3A_643, %get3A_644] {strides = array<i32>} : memref<288x64xf32, #tpu.memory_space<vmem>>, vector<1x16xf32>,
        %get3A_646 = vector.shape_cast %get3A_645 : vector<1x16xf32> to vector<16xf32>
        %add3A_647 = arith.addf %add3A_619, %get3A_646 : vector<16xf32>
        %add3A_648 = arith.constant 19 : i32
        %add3A_649 = arith.addi %mul3A_128, %add3A_648 : i32
        %get3A_650 = arith.index_cast %add3A_649 : i32 to index
        %get3A_651 = arith.constant 0 : index
        %get3A_652 = tpu.vector_load %arg8[%get3A_650, %get3A_651] {strides = array<i32>} : memref<288x64xf32, #tpu.memory_space<vmem>>, vector<1x16xf32>,
        %get3A_653 = vector.shape_cast %get3A_652 : vector<1x16xf32> to vector<16xf32>
        %add3A_654 = arith.addf %add3A_626, %get3A_653 : vector<16xf32>
        %add3A_655 = arith.constant 19 : i32
        %add3A_656 = arith.addi %mul3A_128, %add3A_655 : i32
        %get3A_657 = arith.index_cast %add3A_656 : i32 to index
        %get3A_658 = arith.constant 16 : index
        %get3A_659 = tpu.vector_load %arg8[%get3A_657, %get3A_658] {strides = array<i32>} : memref<288x64xf32, #tpu.memory_space<vmem>>, vector<1x16xf32>,
        %get3A_660 = vector.shape_cast %get3A_659 : vector<1x16xf32> to vector<16xf32>
        %add3A_661 = arith.addf %add3A_633, %get3A_660 : vector<16xf32>
        %add3A_662 = arith.constant 19 : i32
        %add3A_663 = arith.addi %mul3A_128, %add3A_662 : i32
        %get3A_664 = arith.index_cast %add3A_663 : i32 to index
        %get3A_665 = arith.constant 32 : index
        %get3A_666 = tpu.vector_load %arg8[%get3A_664, %get3A_665] {strides = array<i32>} : memref<288x64xf32, #tpu.memory_space<vmem>>, vector<1x16xf32>,
        %get3A_667 = vector.shape_cast %get3A_666 : vector<1x16xf32> to vector<16xf32>
        %add3A_668 = arith.addf %add3A_640, %get3A_667 : vector<16xf32>
        %add3A_669 = arith.constant 19 : i32
        %add3A_670 = arith.addi %mul3A_128, %add3A_669 : i32
        %get3A_671 = arith.index_cast %add3A_670 : i32 to index
        %get3A_672 = arith.constant 48 : index
        %get3A_673 = tpu.vector_load %arg8[%get3A_671, %get3A_672] {strides = array<i32>} : memref<288x64xf32, #tpu.memory_space<vmem>>, vector<1x16xf32>,
        %get3A_674 = vector.shape_cast %get3A_673 : vector<1x16xf32> to vector<16xf32>
        %add3A_675 = arith.addf %add3A_647, %get3A_674 : vector<16xf32>
        %add3A_676 = arith.constant 20 : i32
        %add3A_677 = arith.addi %mul3A_128, %add3A_676 : i32
        %get3A_678 = arith.index_cast %add3A_677 : i32 to index
        %get3A_679 = arith.constant 0 : index
        %get3A_680 = tpu.vector_load %arg8[%get3A_678, %get3A_679] {strides = array<i32>} : memref<288x64xf32, #tpu.memory_space<vmem>>, vector<1x16xf32>,
        %get3A_681 = vector.shape_cast %get3A_680 : vector<1x16xf32> to vector<16xf32>
        %add3A_682 = arith.addf %add3A_654, %get3A_681 : vector<16xf32>
        %add3A_683 = arith.constant 20 : i32
        %add3A_684 = arith.addi %mul3A_128, %add3A_683 : i32
        %get3A_685 = arith.index_cast %add3A_684 : i32 to index
        %get3A_686 = arith.constant 16 : index
        %get3A_687 = tpu.vector_load %arg8[%get3A_685, %get3A_686] {strides = array<i32>} : memref<288x64xf32, #tpu.memory_space<vmem>>, vector<1x16xf32>,
        %get3A_688 = vector.shape_cast %get3A_687 : vector<1x16xf32> to vector<16xf32>
        %add3A_689 = arith.addf %add3A_661, %get3A_688 : vector<16xf32>
        %add3A_690 = arith.constant 20 : i32
        %add3A_691 = arith.addi %mul3A_128, %add3A_690 : i32
        %get3A_692 = arith.index_cast %add3A_691 : i32 to index
        %get3A_693 = arith.constant 32 : index
        %get3A_694 = tpu.vector_load %arg8[%get3A_692, %get3A_693] {strides = array<i32>} : memref<288x64xf32, #tpu.memory_space<vmem>>, vector<1x16xf32>,
        %get3A_695 = vector.shape_cast %get3A_694 : vector<1x16xf32> to vector<16xf32>
        %add3A_696 = arith.addf %add3A_668, %get3A_695 : vector<16xf32>
        %add3A_697 = arith.constant 20 : i32
        %add3A_698 = arith.addi %mul3A_128, %add3A_697 : i32
        %get3A_699 = arith.index_cast %add3A_698 : i32 to index
        %get3A_700 = arith.constant 48 : index
        %get3A_701 = tpu.vector_load %arg8[%get3A_699, %get3A_700] {strides = array<i32>} : memref<288x64xf32, #tpu.memory_space<vmem>>, vector<1x16xf32>,
        %get3A_702 = vector.shape_cast %get3A_701 : vector<1x16xf32> to vector<16xf32>
        %add3A_703 = arith.addf %add3A_675, %get3A_702 : vector<16xf32>
        %add3A_704 = arith.constant 21 : i32
        %add3A_705 = arith.addi %mul3A_128, %add3A_704 : i32
        %get3A_706 = arith.index_cast %add3A_705 : i32 to index
        %get3A_707 = arith.constant 0 : index
        %get3A_708 = tpu.vector_load %arg8[%get3A_706, %get3A_707] {strides = array<i32>} : memref<288x64xf32, #tpu.memory_space<vmem>>, vector<1x16xf32>,
        %get3A_709 = vector.shape_cast %get3A_708 : vector<1x16xf32> to vector<16xf32>
        %add3A_710 = arith.addf %add3A_682, %get3A_709 : vector<16xf32>
        %add3A_711 = arith.constant 21 : i32
        %add3A_712 = arith.addi %mul3A_128, %add3A_711 : i32
        %get3A_713 = arith.index_cast %add3A_712 : i32 to index
        %get3A_714 = arith.constant 16 : index
        %get3A_715 = tpu.vector_load %arg8[%get3A_713, %get3A_714] {strides = array<i32>} : memref<288x64xf32, #tpu.memory_space<vmem>>, vector<1x16xf32>,
        %get3A_716 = vector.shape_cast %get3A_715 : vector<1x16xf32> to vector<16xf32>
        %add3A_717 = arith.addf %add3A_689, %get3A_716 : vector<16xf32>
        %add3A_718 = arith.constant 21 : i32
        %add3A_719 = arith.addi %mul3A_128, %add3A_718 : i32
        %get3A_720 = arith.index_cast %add3A_719 : i32 to index
        %get3A_721 = arith.constant 32 : index
        %get3A_722 = tpu.vector_load %arg8[%get3A_720, %get3A_721] {strides = array<i32>} : memref<288x64xf32, #tpu.memory_space<vmem>>, vector<1x16xf32>,
        %get3A_723 = vector.shape_cast %get3A_722 : vector<1x16xf32> to vector<16xf32>
        %add3A_724 = arith.addf %add3A_696, %get3A_723 : vector<16xf32>
        %add3A_725 = arith.constant 21 : i32
        %add3A_726 = arith.addi %mul3A_128, %add3A_725 : i32
        %get3A_727 = arith.index_cast %add3A_726 : i32 to index
        %get3A_728 = arith.constant 48 : index
        %get3A_729 = tpu.vector_load %arg8[%get3A_727, %get3A_728] {strides = array<i32>} : memref<288x64xf32, #tpu.memory_space<vmem>>, vector<1x16xf32>,
        %get3A_730 = vector.shape_cast %get3A_729 : vector<1x16xf32> to vector<16xf32>
        %add3A_731 = arith.addf %add3A_703, %get3A_730 : vector<16xf32>
        %add3A_732 = arith.constant 22 : i32
        %add3A_733 = arith.addi %mul3A_128, %add3A_732 : i32
        %get3A_734 = arith.index_cast %add3A_733 : i32 to index
        %get3A_735 = arith.constant 0 : index
        %get3A_736 = tpu.vector_load %arg8[%get3A_734, %get3A_735] {strides = array<i32>} : memref<288x64xf32, #tpu.memory_space<vmem>>, vector<1x16xf32>,
        %get3A_737 = vector.shape_cast %get3A_736 : vector<1x16xf32> to vector<16xf32>
        %add3A_738 = arith.addf %add3A_710, %get3A_737 : vector<16xf32>
        %add3A_739 = arith.constant 22 : i32
        %add3A_740 = arith.addi %mul3A_128, %add3A_739 : i32
        %get3A_741 = arith.index_cast %add3A_740 : i32 to index
        %get3A_742 = arith.constant 16 : index
        %get3A_743 = tpu.vector_load %arg8[%get3A_741, %get3A_742] {strides = array<i32>} : memref<288x64xf32, #tpu.memory_space<vmem>>, vector<1x16xf32>,
        %get3A_744 = vector.shape_cast %get3A_743 : vector<1x16xf32> to vector<16xf32>
        %add3A_745 = arith.addf %add3A_717, %get3A_744 : vector<16xf32>
        %add3A_746 = arith.constant 22 : i32
        %add3A_747 = arith.addi %mul3A_128, %add3A_746 : i32
        %get3A_748 = arith.index_cast %add3A_747 : i32 to index
        %get3A_749 = arith.constant 32 : index
        %get3A_750 = tpu.vector_load %arg8[%get3A_748, %get3A_749] {strides = array<i32>} : memref<288x64xf32, #tpu.memory_space<vmem>>, vector<1x16xf32>,
        %get3A_751 = vector.shape_cast %get3A_750 : vector<1x16xf32> to vector<16xf32>
        %add3A_752 = arith.addf %add3A_724, %get3A_751 : vector<16xf32>
        %add3A_753 = arith.constant 22 : i32
        %add3A_754 = arith.addi %mul3A_128, %add3A_753 : i32
        %get3A_755 = arith.index_cast %add3A_754 : i32 to index
        %get3A_756 = arith.constant 48 : index
        %get3A_757 = tpu.vector_load %arg8[%get3A_755, %get3A_756] {strides = array<i32>} : memref<288x64xf32, #tpu.memory_space<vmem>>, vector<1x16xf32>,
        %get3A_758 = vector.shape_cast %get3A_757 : vector<1x16xf32> to vector<16xf32>
        %add3A_759 = arith.addf %add3A_731, %get3A_758 : vector<16xf32>
        %add3A_760 = arith.constant 23 : i32
        %add3A_761 = arith.addi %mul3A_128, %add3A_760 : i32
        %get3A_762 = arith.index_cast %add3A_761 : i32 to index
        %get3A_763 = arith.constant 0 : index
        %get3A_764 = tpu.vector_load %arg8[%get3A_762, %get3A_763] {strides = array<i32>} : memref<288x64xf32, #tpu.memory_space<vmem>>, vector<1x16xf32>,
        %get3A_765 = vector.shape_cast %get3A_764 : vector<1x16xf32> to vector<16xf32>
        %add3A_766 = arith.addf %add3A_738, %get3A_765 : vector<16xf32>
        %add3A_767 = arith.constant 23 : i32
        %add3A_768 = arith.addi %mul3A_128, %add3A_767 : i32
        %get3A_769 = arith.index_cast %add3A_768 : i32 to index
        %get3A_770 = arith.constant 16 : index
        %get3A_771 = tpu.vector_load %arg8[%get3A_769, %get3A_770] {strides = array<i32>} : memref<288x64xf32, #tpu.memory_space<vmem>>, vector<1x16xf32>,
        %get3A_772 = vector.shape_cast %get3A_771 : vector<1x16xf32> to vector<16xf32>
        %add3A_773 = arith.addf %add3A_745, %get3A_772 : vector<16xf32>
        %add3A_774 = arith.constant 23 : i32
        %add3A_775 = arith.addi %mul3A_128, %add3A_774 : i32
        %get3A_776 = arith.index_cast %add3A_775 : i32 to index
        %get3A_777 = arith.constant 32 : index
        %get3A_778 = tpu.vector_load %arg8[%get3A_776, %get3A_777] {strides = array<i32>} : memref<288x64xf32, #tpu.memory_space<vmem>>, vector<1x16xf32>,
        %get3A_779 = vector.shape_cast %get3A_778 : vector<1x16xf32> to vector<16xf32>
        %add3A_780 = arith.addf %add3A_752, %get3A_779 : vector<16xf32>
        %add3A_781 = arith.constant 23 : i32
        %add3A_782 = arith.addi %mul3A_128, %add3A_781 : i32
        %get3A_783 = arith.index_cast %add3A_782 : i32 to index
        %get3A_784 = arith.constant 48 : index
        %get3A_785 = tpu.vector_load %arg8[%get3A_783, %get3A_784] {strides = array<i32>} : memref<288x64xf32, #tpu.memory_space<vmem>>, vector<1x16xf32>,
        %get3A_786 = vector.shape_cast %get3A_785 : vector<1x16xf32> to vector<16xf32>
        %add3A_787 = arith.addf %add3A_759, %get3A_786 : vector<16xf32>
        %add3A_788 = arith.constant 24 : i32
        %add3A_789 = arith.addi %mul3A_128, %add3A_788 : i32
        %get3A_790 = arith.index_cast %add3A_789 : i32 to index
        %get3A_791 = arith.constant 0 : index
        %get3A_792 = tpu.vector_load %arg8[%get3A_790, %get3A_791] {strides = array<i32>} : memref<288x64xf32, #tpu.memory_space<vmem>>, vector<1x16xf32>,
        %get3A_793 = vector.shape_cast %get3A_792 : vector<1x16xf32> to vector<16xf32>
        %add3A_794 = arith.addf %add3A_766, %get3A_793 : vector<16xf32>
        %add3A_795 = arith.constant 24 : i32
        %add3A_796 = arith.addi %mul3A_128, %add3A_795 : i32
        %get3A_797 = arith.index_cast %add3A_796 : i32 to index
        %get3A_798 = arith.constant 16 : index
        %get3A_799 = tpu.vector_load %arg8[%get3A_797, %get3A_798] {strides = array<i32>} : memref<288x64xf32, #tpu.memory_space<vmem>>, vector<1x16xf32>,
        %get3A_800 = vector.shape_cast %get3A_799 : vector<1x16xf32> to vector<16xf32>
        %add3A_801 = arith.addf %add3A_773, %get3A_800 : vector<16xf32>
        %add3A_802 = arith.constant 24 : i32
        %add3A_803 = arith.addi %mul3A_128, %add3A_802 : i32
        %get3A_804 = arith.index_cast %add3A_803 : i32 to index
        %get3A_805 = arith.constant 32 : index
        %get3A_806 = tpu.vector_load %arg8[%get3A_804, %get3A_805] {strides = array<i32>} : memref<288x64xf32, #tpu.memory_space<vmem>>, vector<1x16xf32>,
        %get3A_807 = vector.shape_cast %get3A_806 : vector<1x16xf32> to vector<16xf32>
        %add3A_808 = arith.addf %add3A_780, %get3A_807 : vector<16xf32>
        %add3A_809 = arith.constant 24 : i32
        %add3A_810 = arith.addi %mul3A_128, %add3A_809 : i32
        %get3A_811 = arith.index_cast %add3A_810 : i32 to index
        %get3A_812 = arith.constant 48 : index
        %get3A_813 = tpu.vector_load %arg8[%get3A_811, %get3A_812] {strides = array<i32>} : memref<288x64xf32, #tpu.memory_space<vmem>>, vector<1x16xf32>,
        %get3A_814 = vector.shape_cast %get3A_813 : vector<1x16xf32> to vector<16xf32>
        %add3A_815 = arith.addf %add3A_787, %get3A_814 : vector<16xf32>
        %add3A_816 = arith.constant 25 : i32
        %add3A_817 = arith.addi %mul3A_128, %add3A_816 : i32
        %get3A_818 = arith.index_cast %add3A_817 : i32 to index
        %get3A_819 = arith.constant 0 : index
        %get3A_820 = tpu.vector_load %arg8[%get3A_818, %get3A_819] {strides = array<i32>} : memref<288x64xf32, #tpu.memory_space<vmem>>, vector<1x16xf32>,
        %get3A_821 = vector.shape_cast %get3A_820 : vector<1x16xf32> to vector<16xf32>
        %add3A_822 = arith.addf %add3A_794, %get3A_821 : vector<16xf32>
        %add3A_823 = arith.constant 25 : i32
        %add3A_824 = arith.addi %mul3A_128, %add3A_823 : i32
        %get3A_825 = arith.index_cast %add3A_824 : i32 to index
        %get3A_826 = arith.constant 16 : index
        %get3A_827 = tpu.vector_load %arg8[%get3A_825, %get3A_826] {strides = array<i32>} : memref<288x64xf32, #tpu.memory_space<vmem>>, vector<1x16xf32>,
        %get3A_828 = vector.shape_cast %get3A_827 : vector<1x16xf32> to vector<16xf32>
        %add3A_829 = arith.addf %add3A_801, %get3A_828 : vector<16xf32>
        %add3A_830 = arith.constant 25 : i32
        %add3A_831 = arith.addi %mul3A_128, %add3A_830 : i32
        %get3A_832 = arith.index_cast %add3A_831 : i32 to index
        %get3A_833 = arith.constant 32 : index
        %get3A_834 = tpu.vector_load %arg8[%get3A_832, %get3A_833] {strides = array<i32>} : memref<288x64xf32, #tpu.memory_space<vmem>>, vector<1x16xf32>,
        %get3A_835 = vector.shape_cast %get3A_834 : vector<1x16xf32> to vector<16xf32>
        %add3A_836 = arith.addf %add3A_808, %get3A_835 : vector<16xf32>
        %add3A_837 = arith.constant 25 : i32
        %add3A_838 = arith.addi %mul3A_128, %add3A_837 : i32
        %get3A_839 = arith.index_cast %add3A_838 : i32 to index
        %get3A_840 = arith.constant 48 : index
        %get3A_841 = tpu.vector_load %arg8[%get3A_839, %get3A_840] {strides = array<i32>} : memref<288x64xf32, #tpu.memory_space<vmem>>, vector<1x16xf32>,
        %get3A_842 = vector.shape_cast %get3A_841 : vector<1x16xf32> to vector<16xf32>
        %add3A_843 = arith.addf %add3A_815, %get3A_842 : vector<16xf32>
        %add3A_844 = arith.constant 26 : i32
        %add3A_845 = arith.addi %mul3A_128, %add3A_844 : i32
        %get3A_846 = arith.index_cast %add3A_845 : i32 to index
        %get3A_847 = arith.constant 0 : index
        %get3A_848 = tpu.vector_load %arg8[%get3A_846, %get3A_847] {strides = array<i32>} : memref<288x64xf32, #tpu.memory_space<vmem>>, vector<1x16xf32>,
        %get3A_849 = vector.shape_cast %get3A_848 : vector<1x16xf32> to vector<16xf32>
        %add3A_850 = arith.addf %add3A_822, %get3A_849 : vector<16xf32>
        %add3A_851 = arith.constant 26 : i32
        %add3A_852 = arith.addi %mul3A_128, %add3A_851 : i32
        %get3A_853 = arith.index_cast %add3A_852 : i32 to index
        %get3A_854 = arith.constant 16 : index
        %get3A_855 = tpu.vector_load %arg8[%get3A_853, %get3A_854] {strides = array<i32>} : memref<288x64xf32, #tpu.memory_space<vmem>>, vector<1x16xf32>,
        %get3A_856 = vector.shape_cast %get3A_855 : vector<1x16xf32> to vector<16xf32>
        %add3A_857 = arith.addf %add3A_829, %get3A_856 : vector<16xf32>
        %add3A_858 = arith.constant 26 : i32
        %add3A_859 = arith.addi %mul3A_128, %add3A_858 : i32
        %get3A_860 = arith.index_cast %add3A_859 : i32 to index
        %get3A_861 = arith.constant 32 : index
        %get3A_862 = tpu.vector_load %arg8[%get3A_860, %get3A_861] {strides = array<i32>} : memref<288x64xf32, #tpu.memory_space<vmem>>, vector<1x16xf32>,
        %get3A_863 = vector.shape_cast %get3A_862 : vector<1x16xf32> to vector<16xf32>
        %add3A_864 = arith.addf %add3A_836, %get3A_863 : vector<16xf32>
        %add3A_865 = arith.constant 26 : i32
        %add3A_866 = arith.addi %mul3A_128, %add3A_865 : i32
        %get3A_867 = arith.index_cast %add3A_866 : i32 to index
        %get3A_868 = arith.constant 48 : index
        %get3A_869 = tpu.vector_load %arg8[%get3A_867, %get3A_868] {strides = array<i32>} : memref<288x64xf32, #tpu.memory_space<vmem>>, vector<1x16xf32>,
        %get3A_870 = vector.shape_cast %get3A_869 : vector<1x16xf32> to vector<16xf32>
        %add3A_871 = arith.addf %add3A_843, %get3A_870 : vector<16xf32>
        %add3A_872 = arith.constant 27 : i32
        %add3A_873 = arith.addi %mul3A_128, %add3A_872 : i32
        %get3A_874 = arith.index_cast %add3A_873 : i32 to index
        %get3A_875 = arith.constant 0 : index
        %get3A_876 = tpu.vector_load %arg8[%get3A_874, %get3A_875] {strides = array<i32>} : memref<288x64xf32, #tpu.memory_space<vmem>>, vector<1x16xf32>,
        %get3A_877 = vector.shape_cast %get3A_876 : vector<1x16xf32> to vector<16xf32>
        %add3A_878 = arith.addf %add3A_850, %get3A_877 : vector<16xf32>
        %add3A_879 = arith.constant 27 : i32
        %add3A_880 = arith.addi %mul3A_128, %add3A_879 : i32
        %get3A_881 = arith.index_cast %add3A_880 : i32 to index
        %get3A_882 = arith.constant 16 : index
        %get3A_883 = tpu.vector_load %arg8[%get3A_881, %get3A_882] {strides = array<i32>} : memref<288x64xf32, #tpu.memory_space<vmem>>, vector<1x16xf32>,
        %get3A_884 = vector.shape_cast %get3A_883 : vector<1x16xf32> to vector<16xf32>
        %add3A_885 = arith.addf %add3A_857, %get3A_884 : vector<16xf32>
        %add3A_886 = arith.constant 27 : i32
        %add3A_887 = arith.addi %mul3A_128, %add3A_886 : i32
        %get3A_888 = arith.index_cast %add3A_887 : i32 to index
        %get3A_889 = arith.constant 32 : index
        %get3A_890 = tpu.vector_load %arg8[%get3A_888, %get3A_889] {strides = array<i32>} : memref<288x64xf32, #tpu.memory_space<vmem>>, vector<1x16xf32>,
        %get3A_891 = vector.shape_cast %get3A_890 : vector<1x16xf32> to vector<16xf32>
        %add3A_892 = arith.addf %add3A_864, %get3A_891 : vector<16xf32>
        %add3A_893 = arith.constant 27 : i32
        %add3A_894 = arith.addi %mul3A_128, %add3A_893 : i32
        %get3A_895 = arith.index_cast %add3A_894 : i32 to index
        %get3A_896 = arith.constant 48 : index
        %get3A_897 = tpu.vector_load %arg8[%get3A_895, %get3A_896] {strides = array<i32>} : memref<288x64xf32, #tpu.memory_space<vmem>>, vector<1x16xf32>,
        %get3A_898 = vector.shape_cast %get3A_897 : vector<1x16xf32> to vector<16xf32>
        %add3A_899 = arith.addf %add3A_871, %get3A_898 : vector<16xf32>
        %add3A_900 = arith.constant 28 : i32
        %add3A_901 = arith.addi %mul3A_128, %add3A_900 : i32
        %get3A_902 = arith.index_cast %add3A_901 : i32 to index
        %get3A_903 = arith.constant 0 : index
        %get3A_904 = tpu.vector_load %arg8[%get3A_902, %get3A_903] {strides = array<i32>} : memref<288x64xf32, #tpu.memory_space<vmem>>, vector<1x16xf32>,
        %get3A_905 = vector.shape_cast %get3A_904 : vector<1x16xf32> to vector<16xf32>
        %add3A_906 = arith.addf %add3A_878, %get3A_905 : vector<16xf32>
        %add3A_907 = arith.constant 28 : i32
        %add3A_908 = arith.addi %mul3A_128, %add3A_907 : i32
        %get3A_909 = arith.index_cast %add3A_908 : i32 to index
        %get3A_910 = arith.constant 16 : index
        %get3A_911 = tpu.vector_load %arg8[%get3A_909, %get3A_910] {strides = array<i32>} : memref<288x64xf32, #tpu.memory_space<vmem>>, vector<1x16xf32>,
        %get3A_912 = vector.shape_cast %get3A_911 : vector<1x16xf32> to vector<16xf32>
        %add3A_913 = arith.addf %add3A_885, %get3A_912 : vector<16xf32>
        %add3A_914 = arith.constant 28 : i32
        %add3A_915 = arith.addi %mul3A_128, %add3A_914 : i32
        %get3A_916 = arith.index_cast %add3A_915 : i32 to index
        %get3A_917 = arith.constant 32 : index
        %get3A_918 = tpu.vector_load %arg8[%get3A_916, %get3A_917] {strides = array<i32>} : memref<288x64xf32, #tpu.memory_space<vmem>>, vector<1x16xf32>,
        %get3A_919 = vector.shape_cast %get3A_918 : vector<1x16xf32> to vector<16xf32>
        %add3A_920 = arith.addf %add3A_892, %get3A_919 : vector<16xf32>
        %add3A_921 = arith.constant 28 : i32
        %add3A_922 = arith.addi %mul3A_128, %add3A_921 : i32
        %get3A_923 = arith.index_cast %add3A_922 : i32 to index
        %get3A_924 = arith.constant 48 : index
        %get3A_925 = tpu.vector_load %arg8[%get3A_923, %get3A_924] {strides = array<i32>} : memref<288x64xf32, #tpu.memory_space<vmem>>, vector<1x16xf32>,
        %get3A_926 = vector.shape_cast %get3A_925 : vector<1x16xf32> to vector<16xf32>
        %add3A_927 = arith.addf %add3A_899, %get3A_926 : vector<16xf32>
        %add3A_928 = arith.constant 29 : i32
        %add3A_929 = arith.addi %mul3A_128, %add3A_928 : i32
        %get3A_930 = arith.index_cast %add3A_929 : i32 to index
        %get3A_931 = arith.constant 0 : index
        %get3A_932 = tpu.vector_load %arg8[%get3A_930, %get3A_931] {strides = array<i32>} : memref<288x64xf32, #tpu.memory_space<vmem>>, vector<1x16xf32>,
        %get3A_933 = vector.shape_cast %get3A_932 : vector<1x16xf32> to vector<16xf32>
        %add3A_934 = arith.addf %add3A_906, %get3A_933 : vector<16xf32>
        %add3A_935 = arith.constant 29 : i32
        %add3A_936 = arith.addi %mul3A_128, %add3A_935 : i32
        %get3A_937 = arith.index_cast %add3A_936 : i32 to index
        %get3A_938 = arith.constant 16 : index
        %get3A_939 = tpu.vector_load %arg8[%get3A_937, %get3A_938] {strides = array<i32>} : memref<288x64xf32, #tpu.memory_space<vmem>>, vector<1x16xf32>,
        %get3A_940 = vector.shape_cast %get3A_939 : vector<1x16xf32> to vector<16xf32>
        %add3A_941 = arith.addf %add3A_913, %get3A_940 : vector<16xf32>
        %add3A_942 = arith.constant 29 : i32
        %add3A_943 = arith.addi %mul3A_128, %add3A_942 : i32
        %get3A_944 = arith.index_cast %add3A_943 : i32 to index
        %get3A_945 = arith.constant 32 : index
        %get3A_946 = tpu.vector_load %arg8[%get3A_944, %get3A_945] {strides = array<i32>} : memref<288x64xf32, #tpu.memory_space<vmem>>, vector<1x16xf32>,
        %get3A_947 = vector.shape_cast %get3A_946 : vector<1x16xf32> to vector<16xf32>
        %add3A_948 = arith.addf %add3A_920, %get3A_947 : vector<16xf32>
        %add3A_949 = arith.constant 29 : i32
        %add3A_950 = arith.addi %mul3A_128, %add3A_949 : i32
        %get3A_951 = arith.index_cast %add3A_950 : i32 to index
        %get3A_952 = arith.constant 48 : index
        %get3A_953 = tpu.vector_load %arg8[%get3A_951, %get3A_952] {strides = array<i32>} : memref<288x64xf32, #tpu.memory_space<vmem>>, vector<1x16xf32>,
        %get3A_954 = vector.shape_cast %get3A_953 : vector<1x16xf32> to vector<16xf32>
        %add3A_955 = arith.addf %add3A_927, %get3A_954 : vector<16xf32>
        %add3A_956 = arith.constant 30 : i32
        %add3A_957 = arith.addi %mul3A_128, %add3A_956 : i32
        %get3A_958 = arith.index_cast %add3A_957 : i32 to index
        %get3A_959 = arith.constant 0 : index
        %get3A_960 = tpu.vector_load %arg8[%get3A_958, %get3A_959] {strides = array<i32>} : memref<288x64xf32, #tpu.memory_space<vmem>>, vector<1x16xf32>,
        %get3A_961 = vector.shape_cast %get3A_960 : vector<1x16xf32> to vector<16xf32>
        %add3A_962 = arith.addf %add3A_934, %get3A_961 : vector<16xf32>
        %add3A_963 = arith.constant 30 : i32
        %add3A_964 = arith.addi %mul3A_128, %add3A_963 : i32
        %get3A_965 = arith.index_cast %add3A_964 : i32 to index
        %get3A_966 = arith.constant 16 : index
        %get3A_967 = tpu.vector_load %arg8[%get3A_965, %get3A_966] {strides = array<i32>} : memref<288x64xf32, #tpu.memory_space<vmem>>, vector<1x16xf32>,
        %get3A_968 = vector.shape_cast %get3A_967 : vector<1x16xf32> to vector<16xf32>
        %add3A_969 = arith.addf %add3A_941, %get3A_968 : vector<16xf32>
        %add3A_970 = arith.constant 30 : i32
        %add3A_971 = arith.addi %mul3A_128, %add3A_970 : i32
        %get3A_972 = arith.index_cast %add3A_971 : i32 to index
        %get3A_973 = arith.constant 32 : index
        %get3A_974 = tpu.vector_load %arg8[%get3A_972, %get3A_973] {strides = array<i32>} : memref<288x64xf32, #tpu.memory_space<vmem>>, vector<1x16xf32>,
        %get3A_975 = vector.shape_cast %get3A_974 : vector<1x16xf32> to vector<16xf32>
        %add3A_976 = arith.addf %add3A_948, %get3A_975 : vector<16xf32>
        %add3A_977 = arith.constant 30 : i32
        %add3A_978 = arith.addi %mul3A_128, %add3A_977 : i32
        %get3A_979 = arith.index_cast %add3A_978 : i32 to index
        %get3A_980 = arith.constant 48 : index
        %get3A_981 = tpu.vector_load %arg8[%get3A_979, %get3A_980] {strides = array<i32>} : memref<288x64xf32, #tpu.memory_space<vmem>>, vector<1x16xf32>,
        %get3A_982 = vector.shape_cast %get3A_981 : vector<1x16xf32> to vector<16xf32>
        %add3A_983 = arith.addf %add3A_955, %get3A_982 : vector<16xf32>
        %add3A_984 = arith.constant 31 : i32
        %add3A_985 = arith.addi %mul3A_128, %add3A_984 : i32
        %get3A_986 = arith.index_cast %add3A_985 : i32 to index
        %get3A_987 = arith.constant 0 : index
        %get3A_988 = tpu.vector_load %arg8[%get3A_986, %get3A_987] {strides = array<i32>} : memref<288x64xf32, #tpu.memory_space<vmem>>, vector<1x16xf32>,
        %get3A_989 = vector.shape_cast %get3A_988 : vector<1x16xf32> to vector<16xf32>
        %add3A_990 = arith.addf %add3A_962, %get3A_989 : vector<16xf32>
        %add3A_991 = arith.constant 31 : i32
        %add3A_992 = arith.addi %mul3A_128, %add3A_991 : i32
        %get3A_993 = arith.index_cast %add3A_992 : i32 to index
        %get3A_994 = arith.constant 16 : index
        %get3A_995 = tpu.vector_load %arg8[%get3A_993, %get3A_994] {strides = array<i32>} : memref<288x64xf32, #tpu.memory_space<vmem>>, vector<1x16xf32>,
        %get3A_996 = vector.shape_cast %get3A_995 : vector<1x16xf32> to vector<16xf32>
        %add3A_997 = arith.addf %add3A_969, %get3A_996 : vector<16xf32>
        %add3A_998 = arith.constant 31 : i32
        %add3A_999 = arith.addi %mul3A_128, %add3A_998 : i32
        %get3A_1000 = arith.index_cast %add3A_999 : i32 to index
        %get3A_1001 = arith.constant 32 : index
        %get3A_1002 = tpu.vector_load %arg8[%get3A_1000, %get3A_1001] {strides = array<i32>} : memref<288x64xf32, #tpu.memory_space<vmem>>, vector<1x16xf32>,
        %get3A_1003 = vector.shape_cast %get3A_1002 : vector<1x16xf32> to vector<16xf32>
        %add3A_1004 = arith.addf %add3A_976, %get3A_1003 : vector<16xf32>
        %add3A_1005 = arith.constant 31 : i32
        %add3A_1006 = arith.addi %mul3A_128, %add3A_1005 : i32
        %get3A_1007 = arith.index_cast %add3A_1006 : i32 to index
        %get3A_1008 = arith.constant 48 : index
        %get3A_1009 = tpu.vector_load %arg8[%get3A_1007, %get3A_1008] {strides = array<i32>} : memref<288x64xf32, #tpu.memory_space<vmem>>, vector<1x16xf32>,
        %get3A_1010 = vector.shape_cast %get3A_1009 : vector<1x16xf32> to vector<16xf32>
        %add3A_1011 = arith.addf %add3A_983, %get3A_1010 : vector<16xf32>
        %add3A_1012 = arith.constant 32 : i32
        %add3A_1013 = arith.addi %mul3A_128, %add3A_1012 : i32
        %get3A_1014 = arith.index_cast %add3A_1013 : i32 to index
        %get3A_1015 = arith.constant 0 : index
        %get3A_1016 = tpu.vector_load %arg8[%get3A_1014, %get3A_1015] {strides = array<i32>} : memref<288x64xf32, #tpu.memory_space<vmem>>, vector<1x16xf32>,
        %get3A_1017 = vector.shape_cast %get3A_1016 : vector<1x16xf32> to vector<16xf32>
        %add3A_1018 = arith.addf %add3A_990, %get3A_1017 : vector<16xf32>
        %add3A_1019 = arith.constant 32 : i32
        %add3A_1020 = arith.addi %mul3A_128, %add3A_1019 : i32
        %get3A_1021 = arith.index_cast %add3A_1020 : i32 to index
        %get3A_1022 = arith.constant 16 : index
        %get3A_1023 = tpu.vector_load %arg8[%get3A_1021, %get3A_1022] {strides = array<i32>} : memref<288x64xf32, #tpu.memory_space<vmem>>, vector<1x16xf32>,
        %get3A_1024 = vector.shape_cast %get3A_1023 : vector<1x16xf32> to vector<16xf32>
        %add3A_1025 = arith.addf %add3A_997, %get3A_1024 : vector<16xf32>
        %add3A_1026 = arith.constant 32 : i32
        %add3A_1027 = arith.addi %mul3A_128, %add3A_1026 : i32
        %get3A_1028 = arith.index_cast %add3A_1027 : i32 to index
        %get3A_1029 = arith.constant 32 : index
        %get3A_1030 = tpu.vector_load %arg8[%get3A_1028, %get3A_1029] {strides = array<i32>} : memref<288x64xf32, #tpu.memory_space<vmem>>, vector<1x16xf32>,
        %get3A_1031 = vector.shape_cast %get3A_1030 : vector<1x16xf32> to vector<16xf32>
        %add3A_1032 = arith.addf %add3A_1004, %get3A_1031 : vector<16xf32>
        %add3A_1033 = arith.constant 32 : i32
        %add3A_1034 = arith.addi %mul3A_128, %add3A_1033 : i32
        %get3A_1035 = arith.index_cast %add3A_1034 : i32 to index
        %get3A_1036 = arith.constant 48 : index
        %get3A_1037 = tpu.vector_load %arg8[%get3A_1035, %get3A_1036] {strides = array<i32>} : memref<288x64xf32, #tpu.memory_space<vmem>>, vector<1x16xf32>,
        %get3A_1038 = vector.shape_cast %get3A_1037 : vector<1x16xf32> to vector<16xf32>
        %add3A_1039 = arith.addf %add3A_1011, %get3A_1038 : vector<16xf32>
        %add3A_1040 = arith.constant 33 : i32
        %add3A_1041 = arith.addi %mul3A_128, %add3A_1040 : i32
        %get3A_1042 = arith.index_cast %add3A_1041 : i32 to index
        %get3A_1043 = arith.constant 0 : index
        %get3A_1044 = tpu.vector_load %arg8[%get3A_1042, %get3A_1043] {strides = array<i32>} : memref<288x64xf32, #tpu.memory_space<vmem>>, vector<1x16xf32>,
        %get3A_1045 = vector.shape_cast %get3A_1044 : vector<1x16xf32> to vector<16xf32>
        %add3A_1046 = arith.addf %add3A_1018, %get3A_1045 : vector<16xf32>
        %add3A_1047 = arith.constant 33 : i32
        %add3A_1048 = arith.addi %mul3A_128, %add3A_1047 : i32
        %get3A_1049 = arith.index_cast %add3A_1048 : i32 to index
        %get3A_1050 = arith.constant 16 : index
        %get3A_1051 = tpu.vector_load %arg8[%get3A_1049, %get3A_1050] {strides = array<i32>} : memref<288x64xf32, #tpu.memory_space<vmem>>, vector<1x16xf32>,
        %get3A_1052 = vector.shape_cast %get3A_1051 : vector<1x16xf32> to vector<16xf32>
        %add3A_1053 = arith.addf %add3A_1025, %get3A_1052 : vector<16xf32>
        %add3A_1054 = arith.constant 33 : i32
        %add3A_1055 = arith.addi %mul3A_128, %add3A_1054 : i32
        %get3A_1056 = arith.index_cast %add3A_1055 : i32 to index
        %get3A_1057 = arith.constant 32 : index
        %get3A_1058 = tpu.vector_load %arg8[%get3A_1056, %get3A_1057] {strides = array<i32>} : memref<288x64xf32, #tpu.memory_space<vmem>>, vector<1x16xf32>,
        %get3A_1059 = vector.shape_cast %get3A_1058 : vector<1x16xf32> to vector<16xf32>
        %add3A_1060 = arith.addf %add3A_1032, %get3A_1059 : vector<16xf32>
        %add3A_1061 = arith.constant 33 : i32
        %add3A_1062 = arith.addi %mul3A_128, %add3A_1061 : i32
        %get3A_1063 = arith.index_cast %add3A_1062 : i32 to index
        %get3A_1064 = arith.constant 48 : index
        %get3A_1065 = tpu.vector_load %arg8[%get3A_1063, %get3A_1064] {strides = array<i32>} : memref<288x64xf32, #tpu.memory_space<vmem>>, vector<1x16xf32>,
        %get3A_1066 = vector.shape_cast %get3A_1065 : vector<1x16xf32> to vector<16xf32>
        %add3A_1067 = arith.addf %add3A_1039, %get3A_1066 : vector<16xf32>
        %add3A_1068 = arith.constant 34 : i32
        %add3A_1069 = arith.addi %mul3A_128, %add3A_1068 : i32
        %get3A_1070 = arith.index_cast %add3A_1069 : i32 to index
        %get3A_1071 = arith.constant 0 : index
        %get3A_1072 = tpu.vector_load %arg8[%get3A_1070, %get3A_1071] {strides = array<i32>} : memref<288x64xf32, #tpu.memory_space<vmem>>, vector<1x16xf32>,
        %get3A_1073 = vector.shape_cast %get3A_1072 : vector<1x16xf32> to vector<16xf32>
        %add3A_1074 = arith.addf %add3A_1046, %get3A_1073 : vector<16xf32>
        %add3A_1075 = arith.constant 34 : i32
        %add3A_1076 = arith.addi %mul3A_128, %add3A_1075 : i32
        %get3A_1077 = arith.index_cast %add3A_1076 : i32 to index
        %get3A_1078 = arith.constant 16 : index
        %get3A_1079 = tpu.vector_load %arg8[%get3A_1077, %get3A_1078] {strides = array<i32>} : memref<288x64xf32, #tpu.memory_space<vmem>>, vector<1x16xf32>,
        %get3A_1080 = vector.shape_cast %get3A_1079 : vector<1x16xf32> to vector<16xf32>
        %add3A_1081 = arith.addf %add3A_1053, %get3A_1080 : vector<16xf32>
        %add3A_1082 = arith.constant 34 : i32
        %add3A_1083 = arith.addi %mul3A_128, %add3A_1082 : i32
        %get3A_1084 = arith.index_cast %add3A_1083 : i32 to index
        %get3A_1085 = arith.constant 32 : index
        %get3A_1086 = tpu.vector_load %arg8[%get3A_1084, %get3A_1085] {strides = array<i32>} : memref<288x64xf32, #tpu.memory_space<vmem>>, vector<1x16xf32>,
        %get3A_1087 = vector.shape_cast %get3A_1086 : vector<1x16xf32> to vector<16xf32>
        %add3A_1088 = arith.addf %add3A_1060, %get3A_1087 : vector<16xf32>
        %add3A_1089 = arith.constant 34 : i32
        %add3A_1090 = arith.addi %mul3A_128, %add3A_1089 : i32
        %get3A_1091 = arith.index_cast %add3A_1090 : i32 to index
        %get3A_1092 = arith.constant 48 : index
        %get3A_1093 = tpu.vector_load %arg8[%get3A_1091, %get3A_1092] {strides = array<i32>} : memref<288x64xf32, #tpu.memory_space<vmem>>, vector<1x16xf32>,
        %get3A_1094 = vector.shape_cast %get3A_1093 : vector<1x16xf32> to vector<16xf32>
        %add3A_1095 = arith.addf %add3A_1067, %get3A_1094 : vector<16xf32>
        %add3A_1096 = arith.constant 35 : i32
        %add3A_1097 = arith.addi %mul3A_128, %add3A_1096 : i32
        %get3A_1098 = arith.index_cast %add3A_1097 : i32 to index
        %get3A_1099 = arith.constant 0 : index
        %get3A_1100 = tpu.vector_load %arg8[%get3A_1098, %get3A_1099] {strides = array<i32>} : memref<288x64xf32, #tpu.memory_space<vmem>>, vector<1x16xf32>,
        %get3A_1101 = vector.shape_cast %get3A_1100 : vector<1x16xf32> to vector<16xf32>
        %add3A_1102 = arith.addf %add3A_1074, %get3A_1101 : vector<16xf32>
        %add3A_1103 = arith.constant 35 : i32
        %add3A_1104 = arith.addi %mul3A_128, %add3A_1103 : i32
        %get3A_1105 = arith.index_cast %add3A_1104 : i32 to index
        %get3A_1106 = arith.constant 16 : index
        %get3A_1107 = tpu.vector_load %arg8[%get3A_1105, %get3A_1106] {strides = array<i32>} : memref<288x64xf32, #tpu.memory_space<vmem>>, vector<1x16xf32>,
        %get3A_1108 = vector.shape_cast %get3A_1107 : vector<1x16xf32> to vector<16xf32>
        %add3A_1109 = arith.addf %add3A_1081, %get3A_1108 : vector<16xf32>
        %add3A_1110 = arith.constant 35 : i32
        %add3A_1111 = arith.addi %mul3A_128, %add3A_1110 : i32
        %get3A_1112 = arith.index_cast %add3A_1111 : i32 to index
        %get3A_1113 = arith.constant 32 : index
        %get3A_1114 = tpu.vector_load %arg8[%get3A_1112, %get3A_1113] {strides = array<i32>} : memref<288x64xf32, #tpu.memory_space<vmem>>, vector<1x16xf32>,
        %get3A_1115 = vector.shape_cast %get3A_1114 : vector<1x16xf32> to vector<16xf32>
        %add3A_1116 = arith.addf %add3A_1088, %get3A_1115 : vector<16xf32>
        %add3A_1117 = arith.constant 35 : i32
        %add3A_1118 = arith.addi %mul3A_128, %add3A_1117 : i32
        %get3A_1119 = arith.index_cast %add3A_1118 : i32 to index
        %get3A_1120 = arith.constant 48 : index
        %get3A_1121 = tpu.vector_load %arg8[%get3A_1119, %get3A_1120] {strides = array<i32>} : memref<288x64xf32, #tpu.memory_space<vmem>>, vector<1x16xf32>,
        %get3A_1122 = vector.shape_cast %get3A_1121 : vector<1x16xf32> to vector<16xf32>
        %add3A_1123 = arith.addf %add3A_1095, %get3A_1122 : vector<16xf32>
        %swap3A = arith.index_cast %scan3A_126 : i32 to index
        %swap3A_1124 = arith.constant 0 : index
        %swap3A_1125 = tpu.vector_load %arg12[%swap3A, %swap3A_1124] {strides = array<i32>} : memref<8x64xf32, #tpu.memory_space<vmem>>, vector<1x16xf32>,
        %swap3A_1126 = vector.shape_cast %swap3A_1125 : vector<1x16xf32> to vector<16xf32>
        %swap3A_1127 = vector.shape_cast %add3A_1102 : vector<16xf32> to vector<1x16xf32>
        tpu.vector_store %arg12[%swap3A, %swap3A_1124], %swap3A_1127 {strides = array<i32>} : memref<8x64xf32, #tpu.memory_space<vmem>>, vector<1x16xf32>,
        %swap3A_1128 = arith.index_cast %scan3A_126 : i32 to index
        %swap3A_1129 = arith.constant 16 : index
        %swap3A_1130 = tpu.vector_load %arg12[%swap3A_1128, %swap3A_1129] {strides = array<i32>} : memref<8x64xf32, #tpu.memory_space<vmem>>, vector<1x16xf32>,
        %swap3A_1131 = vector.shape_cast %swap3A_1130 : vector<1x16xf32> to vector<16xf32>
        %swap3A_1132 = vector.shape_cast %add3A_1109 : vector<16xf32> to vector<1x16xf32>
        tpu.vector_store %arg12[%swap3A_1128, %swap3A_1129], %swap3A_1132 {strides = array<i32>} : memref<8x64xf32, #tpu.memory_space<vmem>>, vector<1x16xf32>,
        %swap3A_1133 = arith.index_cast %scan3A_126 : i32 to index
        %swap3A_1134 = arith.constant 32 : index
        %swap3A_1135 = tpu.vector_load %arg12[%swap3A_1133, %swap3A_1134] {strides = array<i32>} : memref<8x64xf32, #tpu.memory_space<vmem>>, vector<1x16xf32>,
        %swap3A_1136 = vector.shape_cast %swap3A_1135 : vector<1x16xf32> to vector<16xf32>
        %swap3A_1137 = vector.shape_cast %add3A_1116 : vector<16xf32> to vector<1x16xf32>
        tpu.vector_store %arg12[%swap3A_1133, %swap3A_1134], %swap3A_1137 {strides = array<i32>} : memref<8x64xf32, #tpu.memory_space<vmem>>, vector<1x16xf32>,
        %swap3A_1138 = arith.index_cast %scan3A_126 : i32 to index
        %swap3A_1139 = arith.constant 48 : index
        %swap3A_1140 = tpu.vector_load %arg12[%swap3A_1138, %swap3A_1139] {strides = array<i32>} : memref<8x64xf32, #tpu.memory_space<vmem>>, vector<1x16xf32>,
        %swap3A_1141 = vector.shape_cast %swap3A_1140 : vector<1x16xf32> to vector<16xf32>
        %swap3A_1142 = vector.shape_cast %add3A_1123 : vector<16xf32> to vector<1x16xf32>
        tpu.vector_store %arg12[%swap3A_1138, %swap3A_1139], %swap3A_1142 {strides = array<i32>} : memref<8x64xf32, #tpu.memory_space<vmem>>, vector<1x16xf32>,
      }
      %scan3A_96 = arith.constant 8 : i32
      %mul3A_97 = arith.constant 8 : i32
      %mul3A_98 = arith.muli %add3A_75, %mul3A_97 : i32
      %add3A_99 = arith.addi %mul3A_2, %mul3A_98 : i32
      "tpu.region"() ({
        %run_scoped3A = tpu.sem_alloc : memref<!tpu.dma_semaphore, #tpu.memory_space<semaphore_mem>>
        %dma_start3A_126 = arith.constant 0 : i32
        %dma_start3A_127 = tpu.memref_slice %arg4[%add3A_99, %dma_start3A_126] : memref<16384x64xf32, #tpu.memory_space<hbm>> -> memref<8x64xf32, #tpu.memory_space<hbm>>
        %dma_start3A_128 = arith.constant 0 : i32
        %dma_start3A_129 = tpu.memref_slice %arg4[%add3A_99, %dma_start3A_128] : memref<16384x64xf32, #tpu.memory_space<hbm>> -> memref<8x64xf32, #tpu.memory_space<hbm>>
        tpu.enqueue_dma source(%arg12 : memref<8x64xf32, #tpu.memory_space<vmem>>) target(%dma_start3A_129 : memref<8x64xf32, #tpu.memory_space<hbm>>) target_semaphore(%run_scoped3A : memref<!tpu.dma_semaphore, #tpu.memory_space<semaphore_mem>>)
        %dma_wait3A_130 = arith.constant 0 : i32
        %dma_wait3A_131 = tpu.memref_slice %arg4[%add3A_99, %dma_wait3A_130] : memref<16384x64xf32, #tpu.memory_space<hbm>> -> memref<8x64xf32, #tpu.memory_space<hbm>>
        %dma_wait3A_132 = arith.constant 0 : i32
        %dma_wait3A_133 = tpu.memref_slice %arg4[%add3A_99, %dma_wait3A_132] : memref<16384x64xf32, #tpu.memory_space<hbm>> -> memref<8x64xf32, #tpu.memory_space<hbm>>
        tpu.wait_dma2 semaphore(%run_scoped3A : memref<!tpu.dma_semaphore, #tpu.memory_space<semaphore_mem>>) src(%arg12 : memref<8x64xf32, #tpu.memory_space<vmem>>) dst(%dma_wait3A_133 : memref<8x64xf32, #tpu.memory_space<hbm>>)
        tpu.yield
      }) : () -> ()
      %add3A_100 = arith.constant 3 : i32
      %add3A_101 = arith.addi %mul3A_26, %add3A_100 : i32
      %dma_wait3A_102 = arith.constant 0 : i32
      %dma_wait3A_103 = arith.constant 0 : i32
      %dma_wait3A_104 = tpu.memref_slice %arg4[%dma_wait3A_102, %dma_wait3A_103] : memref<16384x64xf32, #tpu.memory_space<hbm>> -> memref<288x64xf32, #tpu.memory_space<hbm>>
      %dma_wait3A_105 = arith.constant 0 : i32
      %dma_wait3A_106 = arith.constant 0 : i32
      %dma_wait3A_107 = tpu.memref_slice %arg4[%dma_wait3A_105, %dma_wait3A_106] : memref<16384x64xf32, #tpu.memory_space<hbm>> -> memref<288x64xf32, #tpu.memory_space<hbm>>
      tpu.wait_dma2 semaphore(%arg17 : memref<!tpu.dma_semaphore, #tpu.memory_space<semaphore_mem>>) src(%dma_wait3A_107 : memref<288x64xf32, #tpu.memory_space<hbm>>) dst(%arg9 : memref<288x64xf32, #tpu.memory_space<vmem>>)
      %add3A_108 = arith.constant 4 : i32
      %add3A_109 = arith.addi %add3A_101, %add3A_108 : i32
      %sub3A_110 = arith.constant 1 : i32
      %sub3A_111 = arith.subi %add3A_109, %sub3A_110 : i32
      %lt3A_112 = arith.constant 64 : i32
      %lt3A_113 = arith.cmpi slt, %sub3A_111, %lt3A_112 : i32
      %convert_element_type3A_114 = arith.extui %lt3A_113 : i1 to i32
      %cond3A_115 = arith.constant 0 : i32
      %cond3A_116 = arith.cmpi ne, %convert_element_type3A_114, %cond3A_115 : i32
      scf.if %cond3A_116 {
        %add3A_126 = arith.constant 4 : i32
        %add3A_127 = arith.addi %add3A_101, %add3A_126 : i32
        %sub3A_128 = arith.constant 1 : i32
        %sub3A_129 = arith.subi %add3A_127, %sub3A_128 : i32
        %mul3A_130 = arith.constant 8 : i32
        %mul3A_131 = arith.muli %sub3A_129, %mul3A_130 : i32
        %mul3A_132 = arith.constant 36 : i32
        %mul3A_133 = arith.muli %mul3A_131, %mul3A_132 : i32
        %dma_start3A_134 = tpu.memref_slice %arg5[%mul3A_133] : memref<18432xi32, #tpu.memory_space<vmem>> -> memref<288xi32, #tpu.memory_space<vmem>>
        %dma_start3A_135 = arith.constant 0 : i32
        %dma_start3A_136 = arith.constant 0 : i32
        %dma_start3A_137 = tpu.memref_slice %arg2[%dma_start3A_135, %dma_start3A_136] : memref<769x64xf32, #tpu.memory_space<hbm>> -> memref<769x64xf32, #tpu.memory_space<hbm>>
        tpu.enqueue_indirect_dma source(%dma_start3A_137 : memref<769x64xf32, #tpu.memory_space<hbm>>) target(%arg8 : memref<288x64xf32, #tpu.memory_space<vmem>>) offsets(%dma_start3A_134 : memref<288xi32, #tpu.memory_space<vmem>>) semaphore(%arg16 : memref<!tpu.dma_semaphore, #tpu.memory_space<semaphore_mem>>)
      } else {
      }
      %scan3A_117 = arith.constant 0 : i32
      %scan3A_118 = arith.constant 0 : i32
      %scan3A_119 = arith.constant 8 : i32
      %scan3A_120 = arith.addi %scan3A_118, %scan3A_119 : i32
      %scan3A_121 = arith.constant 1 : i32
      scf.for %scan3A_126 = %scan3A_118 to %scan3A_120 step %scan3A_121  : i32 {
        %mul3A_127 = arith.constant 36 : i32
        %mul3A_128 = arith.muli %scan3A_126, %mul3A_127 : i32
        %get3A = arith.index_cast %mul3A_128 : i32 to index
        %get3A_129 = arith.constant 0 : index
        %get3A_130 = tpu.vector_load %arg9[%get3A, %get3A_129] {strides = array<i32>} : memref<288x64xf32, #tpu.memory_space<vmem>>, vector<1x16xf32>,
        %get3A_131 = vector.shape_cast %get3A_130 : vector<1x16xf32> to vector<16xf32>
        %get3A_132 = arith.index_cast %mul3A_128 : i32 to index
        %get3A_133 = arith.constant 16 : index
        %get3A_134 = tpu.vector_load %arg9[%get3A_132, %get3A_133] {strides = array<i32>} : memref<288x64xf32, #tpu.memory_space<vmem>>, vector<1x16xf32>,
        %get3A_135 = vector.shape_cast %get3A_134 : vector<1x16xf32> to vector<16xf32>
        %get3A_136 = arith.index_cast %mul3A_128 : i32 to index
        %get3A_137 = arith.constant 32 : index
        %get3A_138 = tpu.vector_load %arg9[%get3A_136, %get3A_137] {strides = array<i32>} : memref<288x64xf32, #tpu.memory_space<vmem>>, vector<1x16xf32>,
        %get3A_139 = vector.shape_cast %get3A_138 : vector<1x16xf32> to vector<16xf32>
        %get3A_140 = arith.index_cast %mul3A_128 : i32 to index
        %get3A_141 = arith.constant 48 : index
        %get3A_142 = tpu.vector_load %arg9[%get3A_140, %get3A_141] {strides = array<i32>} : memref<288x64xf32, #tpu.memory_space<vmem>>, vector<1x16xf32>,
        %get3A_143 = vector.shape_cast %get3A_142 : vector<1x16xf32> to vector<16xf32>
        %add3A_144 = arith.constant 1 : i32
        %add3A_145 = arith.addi %mul3A_128, %add3A_144 : i32
        %get3A_146 = arith.index_cast %add3A_145 : i32 to index
        %get3A_147 = arith.constant 0 : index
        %get3A_148 = tpu.vector_load %arg9[%get3A_146, %get3A_147] {strides = array<i32>} : memref<288x64xf32, #tpu.memory_space<vmem>>, vector<1x16xf32>,
        %get3A_149 = vector.shape_cast %get3A_148 : vector<1x16xf32> to vector<16xf32>
        %add3A_150 = arith.addf %get3A_131, %get3A_149 : vector<16xf32>
        %add3A_151 = arith.constant 1 : i32
        %add3A_152 = arith.addi %mul3A_128, %add3A_151 : i32
        %get3A_153 = arith.index_cast %add3A_152 : i32 to index
        %get3A_154 = arith.constant 16 : index
        %get3A_155 = tpu.vector_load %arg9[%get3A_153, %get3A_154] {strides = array<i32>} : memref<288x64xf32, #tpu.memory_space<vmem>>, vector<1x16xf32>,
        %get3A_156 = vector.shape_cast %get3A_155 : vector<1x16xf32> to vector<16xf32>
        %add3A_157 = arith.addf %get3A_135, %get3A_156 : vector<16xf32>
        %add3A_158 = arith.constant 1 : i32
        %add3A_159 = arith.addi %mul3A_128, %add3A_158 : i32
        %get3A_160 = arith.index_cast %add3A_159 : i32 to index
        %get3A_161 = arith.constant 32 : index
        %get3A_162 = tpu.vector_load %arg9[%get3A_160, %get3A_161] {strides = array<i32>} : memref<288x64xf32, #tpu.memory_space<vmem>>, vector<1x16xf32>,
        %get3A_163 = vector.shape_cast %get3A_162 : vector<1x16xf32> to vector<16xf32>
        %add3A_164 = arith.addf %get3A_139, %get3A_163 : vector<16xf32>
        %add3A_165 = arith.constant 1 : i32
        %add3A_166 = arith.addi %mul3A_128, %add3A_165 : i32
        %get3A_167 = arith.index_cast %add3A_166 : i32 to index
        %get3A_168 = arith.constant 48 : index
        %get3A_169 = tpu.vector_load %arg9[%get3A_167, %get3A_168] {strides = array<i32>} : memref<288x64xf32, #tpu.memory_space<vmem>>, vector<1x16xf32>,
        %get3A_170 = vector.shape_cast %get3A_169 : vector<1x16xf32> to vector<16xf32>
        %add3A_171 = arith.addf %get3A_143, %get3A_170 : vector<16xf32>
        %add3A_172 = arith.constant 2 : i32
        %add3A_173 = arith.addi %mul3A_128, %add3A_172 : i32
        %get3A_174 = arith.index_cast %add3A_173 : i32 to index
        %get3A_175 = arith.constant 0 : index
        %get3A_176 = tpu.vector_load %arg9[%get3A_174, %get3A_175] {strides = array<i32>} : memref<288x64xf32, #tpu.memory_space<vmem>>, vector<1x16xf32>,
        %get3A_177 = vector.shape_cast %get3A_176 : vector<1x16xf32> to vector<16xf32>
        %add3A_178 = arith.addf %add3A_150, %get3A_177 : vector<16xf32>
        %add3A_179 = arith.constant 2 : i32
        %add3A_180 = arith.addi %mul3A_128, %add3A_179 : i32
        %get3A_181 = arith.index_cast %add3A_180 : i32 to index
        %get3A_182 = arith.constant 16 : index
        %get3A_183 = tpu.vector_load %arg9[%get3A_181, %get3A_182] {strides = array<i32>} : memref<288x64xf32, #tpu.memory_space<vmem>>, vector<1x16xf32>,
        %get3A_184 = vector.shape_cast %get3A_183 : vector<1x16xf32> to vector<16xf32>
        %add3A_185 = arith.addf %add3A_157, %get3A_184 : vector<16xf32>
        %add3A_186 = arith.constant 2 : i32
        %add3A_187 = arith.addi %mul3A_128, %add3A_186 : i32
        %get3A_188 = arith.index_cast %add3A_187 : i32 to index
        %get3A_189 = arith.constant 32 : index
        %get3A_190 = tpu.vector_load %arg9[%get3A_188, %get3A_189] {strides = array<i32>} : memref<288x64xf32, #tpu.memory_space<vmem>>, vector<1x16xf32>,
        %get3A_191 = vector.shape_cast %get3A_190 : vector<1x16xf32> to vector<16xf32>
        %add3A_192 = arith.addf %add3A_164, %get3A_191 : vector<16xf32>
        %add3A_193 = arith.constant 2 : i32
        %add3A_194 = arith.addi %mul3A_128, %add3A_193 : i32
        %get3A_195 = arith.index_cast %add3A_194 : i32 to index
        %get3A_196 = arith.constant 48 : index
        %get3A_197 = tpu.vector_load %arg9[%get3A_195, %get3A_196] {strides = array<i32>} : memref<288x64xf32, #tpu.memory_space<vmem>>, vector<1x16xf32>,
        %get3A_198 = vector.shape_cast %get3A_197 : vector<1x16xf32> to vector<16xf32>
        %add3A_199 = arith.addf %add3A_171, %get3A_198 : vector<16xf32>
        %add3A_200 = arith.constant 3 : i32
        %add3A_201 = arith.addi %mul3A_128, %add3A_200 : i32
        %get3A_202 = arith.index_cast %add3A_201 : i32 to index
        %get3A_203 = arith.constant 0 : index
        %get3A_204 = tpu.vector_load %arg9[%get3A_202, %get3A_203] {strides = array<i32>} : memref<288x64xf32, #tpu.memory_space<vmem>>, vector<1x16xf32>,
        %get3A_205 = vector.shape_cast %get3A_204 : vector<1x16xf32> to vector<16xf32>
        %add3A_206 = arith.addf %add3A_178, %get3A_205 : vector<16xf32>
        %add3A_207 = arith.constant 3 : i32
        %add3A_208 = arith.addi %mul3A_128, %add3A_207 : i32
        %get3A_209 = arith.index_cast %add3A_208 : i32 to index
        %get3A_210 = arith.constant 16 : index
        %get3A_211 = tpu.vector_load %arg9[%get3A_209, %get3A_210] {strides = array<i32>} : memref<288x64xf32, #tpu.memory_space<vmem>>, vector<1x16xf32>,
        %get3A_212 = vector.shape_cast %get3A_211 : vector<1x16xf32> to vector<16xf32>
        %add3A_213 = arith.addf %add3A_185, %get3A_212 : vector<16xf32>
        %add3A_214 = arith.constant 3 : i32
        %add3A_215 = arith.addi %mul3A_128, %add3A_214 : i32
        %get3A_216 = arith.index_cast %add3A_215 : i32 to index
        %get3A_217 = arith.constant 32 : index
        %get3A_218 = tpu.vector_load %arg9[%get3A_216, %get3A_217] {strides = array<i32>} : memref<288x64xf32, #tpu.memory_space<vmem>>, vector<1x16xf32>,
        %get3A_219 = vector.shape_cast %get3A_218 : vector<1x16xf32> to vector<16xf32>
        %add3A_220 = arith.addf %add3A_192, %get3A_219 : vector<16xf32>
        %add3A_221 = arith.constant 3 : i32
        %add3A_222 = arith.addi %mul3A_128, %add3A_221 : i32
        %get3A_223 = arith.index_cast %add3A_222 : i32 to index
        %get3A_224 = arith.constant 48 : index
        %get3A_225 = tpu.vector_load %arg9[%get3A_223, %get3A_224] {strides = array<i32>} : memref<288x64xf32, #tpu.memory_space<vmem>>, vector<1x16xf32>,
        %get3A_226 = vector.shape_cast %get3A_225 : vector<1x16xf32> to vector<16xf32>
        %add3A_227 = arith.addf %add3A_199, %get3A_226 : vector<16xf32>
        %add3A_228 = arith.constant 4 : i32
        %add3A_229 = arith.addi %mul3A_128, %add3A_228 : i32
        %get3A_230 = arith.index_cast %add3A_229 : i32 to index
        %get3A_231 = arith.constant 0 : index
        %get3A_232 = tpu.vector_load %arg9[%get3A_230, %get3A_231] {strides = array<i32>} : memref<288x64xf32, #tpu.memory_space<vmem>>, vector<1x16xf32>,
        %get3A_233 = vector.shape_cast %get3A_232 : vector<1x16xf32> to vector<16xf32>
        %add3A_234 = arith.addf %add3A_206, %get3A_233 : vector<16xf32>
        %add3A_235 = arith.constant 4 : i32
        %add3A_236 = arith.addi %mul3A_128, %add3A_235 : i32
        %get3A_237 = arith.index_cast %add3A_236 : i32 to index
        %get3A_238 = arith.constant 16 : index
        %get3A_239 = tpu.vector_load %arg9[%get3A_237, %get3A_238] {strides = array<i32>} : memref<288x64xf32, #tpu.memory_space<vmem>>, vector<1x16xf32>,
        %get3A_240 = vector.shape_cast %get3A_239 : vector<1x16xf32> to vector<16xf32>
        %add3A_241 = arith.addf %add3A_213, %get3A_240 : vector<16xf32>
        %add3A_242 = arith.constant 4 : i32
        %add3A_243 = arith.addi %mul3A_128, %add3A_242 : i32
        %get3A_244 = arith.index_cast %add3A_243 : i32 to index
        %get3A_245 = arith.constant 32 : index
        %get3A_246 = tpu.vector_load %arg9[%get3A_244, %get3A_245] {strides = array<i32>} : memref<288x64xf32, #tpu.memory_space<vmem>>, vector<1x16xf32>,
        %get3A_247 = vector.shape_cast %get3A_246 : vector<1x16xf32> to vector<16xf32>
        %add3A_248 = arith.addf %add3A_220, %get3A_247 : vector<16xf32>
        %add3A_249 = arith.constant 4 : i32
        %add3A_250 = arith.addi %mul3A_128, %add3A_249 : i32
        %get3A_251 = arith.index_cast %add3A_250 : i32 to index
        %get3A_252 = arith.constant 48 : index
        %get3A_253 = tpu.vector_load %arg9[%get3A_251, %get3A_252] {strides = array<i32>} : memref<288x64xf32, #tpu.memory_space<vmem>>, vector<1x16xf32>,
        %get3A_254 = vector.shape_cast %get3A_253 : vector<1x16xf32> to vector<16xf32>
        %add3A_255 = arith.addf %add3A_227, %get3A_254 : vector<16xf32>
        %add3A_256 = arith.constant 5 : i32
        %add3A_257 = arith.addi %mul3A_128, %add3A_256 : i32
        %get3A_258 = arith.index_cast %add3A_257 : i32 to index
        %get3A_259 = arith.constant 0 : index
        %get3A_260 = tpu.vector_load %arg9[%get3A_258, %get3A_259] {strides = array<i32>} : memref<288x64xf32, #tpu.memory_space<vmem>>, vector<1x16xf32>,
        %get3A_261 = vector.shape_cast %get3A_260 : vector<1x16xf32> to vector<16xf32>
        %add3A_262 = arith.addf %add3A_234, %get3A_261 : vector<16xf32>
        %add3A_263 = arith.constant 5 : i32
        %add3A_264 = arith.addi %mul3A_128, %add3A_263 : i32
        %get3A_265 = arith.index_cast %add3A_264 : i32 to index
        %get3A_266 = arith.constant 16 : index
        %get3A_267 = tpu.vector_load %arg9[%get3A_265, %get3A_266] {strides = array<i32>} : memref<288x64xf32, #tpu.memory_space<vmem>>, vector<1x16xf32>,
        %get3A_268 = vector.shape_cast %get3A_267 : vector<1x16xf32> to vector<16xf32>
        %add3A_269 = arith.addf %add3A_241, %get3A_268 : vector<16xf32>
        %add3A_270 = arith.constant 5 : i32
        %add3A_271 = arith.addi %mul3A_128, %add3A_270 : i32
        %get3A_272 = arith.index_cast %add3A_271 : i32 to index
        %get3A_273 = arith.constant 32 : index
        %get3A_274 = tpu.vector_load %arg9[%get3A_272, %get3A_273] {strides = array<i32>} : memref<288x64xf32, #tpu.memory_space<vmem>>, vector<1x16xf32>,
        %get3A_275 = vector.shape_cast %get3A_274 : vector<1x16xf32> to vector<16xf32>
        %add3A_276 = arith.addf %add3A_248, %get3A_275 : vector<16xf32>
        %add3A_277 = arith.constant 5 : i32
        %add3A_278 = arith.addi %mul3A_128, %add3A_277 : i32
        %get3A_279 = arith.index_cast %add3A_278 : i32 to index
        %get3A_280 = arith.constant 48 : index
        %get3A_281 = tpu.vector_load %arg9[%get3A_279, %get3A_280] {strides = array<i32>} : memref<288x64xf32, #tpu.memory_space<vmem>>, vector<1x16xf32>,
        %get3A_282 = vector.shape_cast %get3A_281 : vector<1x16xf32> to vector<16xf32>
        %add3A_283 = arith.addf %add3A_255, %get3A_282 : vector<16xf32>
        %add3A_284 = arith.constant 6 : i32
        %add3A_285 = arith.addi %mul3A_128, %add3A_284 : i32
        %get3A_286 = arith.index_cast %add3A_285 : i32 to index
        %get3A_287 = arith.constant 0 : index
        %get3A_288 = tpu.vector_load %arg9[%get3A_286, %get3A_287] {strides = array<i32>} : memref<288x64xf32, #tpu.memory_space<vmem>>, vector<1x16xf32>,
        %get3A_289 = vector.shape_cast %get3A_288 : vector<1x16xf32> to vector<16xf32>
        %add3A_290 = arith.addf %add3A_262, %get3A_289 : vector<16xf32>
        %add3A_291 = arith.constant 6 : i32
        %add3A_292 = arith.addi %mul3A_128, %add3A_291 : i32
        %get3A_293 = arith.index_cast %add3A_292 : i32 to index
        %get3A_294 = arith.constant 16 : index
        %get3A_295 = tpu.vector_load %arg9[%get3A_293, %get3A_294] {strides = array<i32>} : memref<288x64xf32, #tpu.memory_space<vmem>>, vector<1x16xf32>,
        %get3A_296 = vector.shape_cast %get3A_295 : vector<1x16xf32> to vector<16xf32>
        %add3A_297 = arith.addf %add3A_269, %get3A_296 : vector<16xf32>
        %add3A_298 = arith.constant 6 : i32
        %add3A_299 = arith.addi %mul3A_128, %add3A_298 : i32
        %get3A_300 = arith.index_cast %add3A_299 : i32 to index
        %get3A_301 = arith.constant 32 : index
        %get3A_302 = tpu.vector_load %arg9[%get3A_300, %get3A_301] {strides = array<i32>} : memref<288x64xf32, #tpu.memory_space<vmem>>, vector<1x16xf32>,
        %get3A_303 = vector.shape_cast %get3A_302 : vector<1x16xf32> to vector<16xf32>
        %add3A_304 = arith.addf %add3A_276, %get3A_303 : vector<16xf32>
        %add3A_305 = arith.constant 6 : i32
        %add3A_306 = arith.addi %mul3A_128, %add3A_305 : i32
        %get3A_307 = arith.index_cast %add3A_306 : i32 to index
        %get3A_308 = arith.constant 48 : index
        %get3A_309 = tpu.vector_load %arg9[%get3A_307, %get3A_308] {strides = array<i32>} : memref<288x64xf32, #tpu.memory_space<vmem>>, vector<1x16xf32>,
        %get3A_310 = vector.shape_cast %get3A_309 : vector<1x16xf32> to vector<16xf32>
        %add3A_311 = arith.addf %add3A_283, %get3A_310 : vector<16xf32>
        %add3A_312 = arith.constant 7 : i32
        %add3A_313 = arith.addi %mul3A_128, %add3A_312 : i32
        %get3A_314 = arith.index_cast %add3A_313 : i32 to index
        %get3A_315 = arith.constant 0 : index
        %get3A_316 = tpu.vector_load %arg9[%get3A_314, %get3A_315] {strides = array<i32>} : memref<288x64xf32, #tpu.memory_space<vmem>>, vector<1x16xf32>,
        %get3A_317 = vector.shape_cast %get3A_316 : vector<1x16xf32> to vector<16xf32>
        %add3A_318 = arith.addf %add3A_290, %get3A_317 : vector<16xf32>
        %add3A_319 = arith.constant 7 : i32
        %add3A_320 = arith.addi %mul3A_128, %add3A_319 : i32
        %get3A_321 = arith.index_cast %add3A_320 : i32 to index
        %get3A_322 = arith.constant 16 : index
        %get3A_323 = tpu.vector_load %arg9[%get3A_321, %get3A_322] {strides = array<i32>} : memref<288x64xf32, #tpu.memory_space<vmem>>, vector<1x16xf32>,
        %get3A_324 = vector.shape_cast %get3A_323 : vector<1x16xf32> to vector<16xf32>
        %add3A_325 = arith.addf %add3A_297, %get3A_324 : vector<16xf32>
        %add3A_326 = arith.constant 7 : i32
        %add3A_327 = arith.addi %mul3A_128, %add3A_326 : i32
        %get3A_328 = arith.index_cast %add3A_327 : i32 to index
        %get3A_329 = arith.constant 32 : index
        %get3A_330 = tpu.vector_load %arg9[%get3A_328, %get3A_329] {strides = array<i32>} : memref<288x64xf32, #tpu.memory_space<vmem>>, vector<1x16xf32>,
        %get3A_331 = vector.shape_cast %get3A_330 : vector<1x16xf32> to vector<16xf32>
        %add3A_332 = arith.addf %add3A_304, %get3A_331 : vector<16xf32>
        %add3A_333 = arith.constant 7 : i32
        %add3A_334 = arith.addi %mul3A_128, %add3A_333 : i32
        %get3A_335 = arith.index_cast %add3A_334 : i32 to index
        %get3A_336 = arith.constant 48 : index
        %get3A_337 = tpu.vector_load %arg9[%get3A_335, %get3A_336] {strides = array<i32>} : memref<288x64xf32, #tpu.memory_space<vmem>>, vector<1x16xf32>,
        %get3A_338 = vector.shape_cast %get3A_337 : vector<1x16xf32> to vector<16xf32>
        %add3A_339 = arith.addf %add3A_311, %get3A_338 : vector<16xf32>
        %add3A_340 = arith.constant 8 : i32
        %add3A_341 = arith.addi %mul3A_128, %add3A_340 : i32
        %get3A_342 = arith.index_cast %add3A_341 : i32 to index
        %get3A_343 = arith.constant 0 : index
        %get3A_344 = tpu.vector_load %arg9[%get3A_342, %get3A_343] {strides = array<i32>} : memref<288x64xf32, #tpu.memory_space<vmem>>, vector<1x16xf32>,
        %get3A_345 = vector.shape_cast %get3A_344 : vector<1x16xf32> to vector<16xf32>
        %add3A_346 = arith.addf %add3A_318, %get3A_345 : vector<16xf32>
        %add3A_347 = arith.constant 8 : i32
        %add3A_348 = arith.addi %mul3A_128, %add3A_347 : i32
        %get3A_349 = arith.index_cast %add3A_348 : i32 to index
        %get3A_350 = arith.constant 16 : index
        %get3A_351 = tpu.vector_load %arg9[%get3A_349, %get3A_350] {strides = array<i32>} : memref<288x64xf32, #tpu.memory_space<vmem>>, vector<1x16xf32>,
        %get3A_352 = vector.shape_cast %get3A_351 : vector<1x16xf32> to vector<16xf32>
        %add3A_353 = arith.addf %add3A_325, %get3A_352 : vector<16xf32>
        %add3A_354 = arith.constant 8 : i32
        %add3A_355 = arith.addi %mul3A_128, %add3A_354 : i32
        %get3A_356 = arith.index_cast %add3A_355 : i32 to index
        %get3A_357 = arith.constant 32 : index
        %get3A_358 = tpu.vector_load %arg9[%get3A_356, %get3A_357] {strides = array<i32>} : memref<288x64xf32, #tpu.memory_space<vmem>>, vector<1x16xf32>,
        %get3A_359 = vector.shape_cast %get3A_358 : vector<1x16xf32> to vector<16xf32>
        %add3A_360 = arith.addf %add3A_332, %get3A_359 : vector<16xf32>
        %add3A_361 = arith.constant 8 : i32
        %add3A_362 = arith.addi %mul3A_128, %add3A_361 : i32
        %get3A_363 = arith.index_cast %add3A_362 : i32 to index
        %get3A_364 = arith.constant 48 : index
        %get3A_365 = tpu.vector_load %arg9[%get3A_363, %get3A_364] {strides = array<i32>} : memref<288x64xf32, #tpu.memory_space<vmem>>, vector<1x16xf32>,
        %get3A_366 = vector.shape_cast %get3A_365 : vector<1x16xf32> to vector<16xf32>
        %add3A_367 = arith.addf %add3A_339, %get3A_366 : vector<16xf32>
        %add3A_368 = arith.constant 9 : i32
        %add3A_369 = arith.addi %mul3A_128, %add3A_368 : i32
        %get3A_370 = arith.index_cast %add3A_369 : i32 to index
        %get3A_371 = arith.constant 0 : index
        %get3A_372 = tpu.vector_load %arg9[%get3A_370, %get3A_371] {strides = array<i32>} : memref<288x64xf32, #tpu.memory_space<vmem>>, vector<1x16xf32>,
        %get3A_373 = vector.shape_cast %get3A_372 : vector<1x16xf32> to vector<16xf32>
        %add3A_374 = arith.addf %add3A_346, %get3A_373 : vector<16xf32>
        %add3A_375 = arith.constant 9 : i32
        %add3A_376 = arith.addi %mul3A_128, %add3A_375 : i32
        %get3A_377 = arith.index_cast %add3A_376 : i32 to index
        %get3A_378 = arith.constant 16 : index
        %get3A_379 = tpu.vector_load %arg9[%get3A_377, %get3A_378] {strides = array<i32>} : memref<288x64xf32, #tpu.memory_space<vmem>>, vector<1x16xf32>,
        %get3A_380 = vector.shape_cast %get3A_379 : vector<1x16xf32> to vector<16xf32>
        %add3A_381 = arith.addf %add3A_353, %get3A_380 : vector<16xf32>
        %add3A_382 = arith.constant 9 : i32
        %add3A_383 = arith.addi %mul3A_128, %add3A_382 : i32
        %get3A_384 = arith.index_cast %add3A_383 : i32 to index
        %get3A_385 = arith.constant 32 : index
        %get3A_386 = tpu.vector_load %arg9[%get3A_384, %get3A_385] {strides = array<i32>} : memref<288x64xf32, #tpu.memory_space<vmem>>, vector<1x16xf32>,
        %get3A_387 = vector.shape_cast %get3A_386 : vector<1x16xf32> to vector<16xf32>
        %add3A_388 = arith.addf %add3A_360, %get3A_387 : vector<16xf32>
        %add3A_389 = arith.constant 9 : i32
        %add3A_390 = arith.addi %mul3A_128, %add3A_389 : i32
        %get3A_391 = arith.index_cast %add3A_390 : i32 to index
        %get3A_392 = arith.constant 48 : index
        %get3A_393 = tpu.vector_load %arg9[%get3A_391, %get3A_392] {strides = array<i32>} : memref<288x64xf32, #tpu.memory_space<vmem>>, vector<1x16xf32>,
        %get3A_394 = vector.shape_cast %get3A_393 : vector<1x16xf32> to vector<16xf32>
        %add3A_395 = arith.addf %add3A_367, %get3A_394 : vector<16xf32>
        %add3A_396 = arith.constant 10 : i32
        %add3A_397 = arith.addi %mul3A_128, %add3A_396 : i32
        %get3A_398 = arith.index_cast %add3A_397 : i32 to index
        %get3A_399 = arith.constant 0 : index
        %get3A_400 = tpu.vector_load %arg9[%get3A_398, %get3A_399] {strides = array<i32>} : memref<288x64xf32, #tpu.memory_space<vmem>>, vector<1x16xf32>,
        %get3A_401 = vector.shape_cast %get3A_400 : vector<1x16xf32> to vector<16xf32>
        %add3A_402 = arith.addf %add3A_374, %get3A_401 : vector<16xf32>
        %add3A_403 = arith.constant 10 : i32
        %add3A_404 = arith.addi %mul3A_128, %add3A_403 : i32
        %get3A_405 = arith.index_cast %add3A_404 : i32 to index
        %get3A_406 = arith.constant 16 : index
        %get3A_407 = tpu.vector_load %arg9[%get3A_405, %get3A_406] {strides = array<i32>} : memref<288x64xf32, #tpu.memory_space<vmem>>, vector<1x16xf32>,
        %get3A_408 = vector.shape_cast %get3A_407 : vector<1x16xf32> to vector<16xf32>
        %add3A_409 = arith.addf %add3A_381, %get3A_408 : vector<16xf32>
        %add3A_410 = arith.constant 10 : i32
        %add3A_411 = arith.addi %mul3A_128, %add3A_410 : i32
        %get3A_412 = arith.index_cast %add3A_411 : i32 to index
        %get3A_413 = arith.constant 32 : index
        %get3A_414 = tpu.vector_load %arg9[%get3A_412, %get3A_413] {strides = array<i32>} : memref<288x64xf32, #tpu.memory_space<vmem>>, vector<1x16xf32>,
        %get3A_415 = vector.shape_cast %get3A_414 : vector<1x16xf32> to vector<16xf32>
        %add3A_416 = arith.addf %add3A_388, %get3A_415 : vector<16xf32>
        %add3A_417 = arith.constant 10 : i32
        %add3A_418 = arith.addi %mul3A_128, %add3A_417 : i32
        %get3A_419 = arith.index_cast %add3A_418 : i32 to index
        %get3A_420 = arith.constant 48 : index
        %get3A_421 = tpu.vector_load %arg9[%get3A_419, %get3A_420] {strides = array<i32>} : memref<288x64xf32, #tpu.memory_space<vmem>>, vector<1x16xf32>,
        %get3A_422 = vector.shape_cast %get3A_421 : vector<1x16xf32> to vector<16xf32>
        %add3A_423 = arith.addf %add3A_395, %get3A_422 : vector<16xf32>
        %add3A_424 = arith.constant 11 : i32
        %add3A_425 = arith.addi %mul3A_128, %add3A_424 : i32
        %get3A_426 = arith.index_cast %add3A_425 : i32 to index
        %get3A_427 = arith.constant 0 : index
        %get3A_428 = tpu.vector_load %arg9[%get3A_426, %get3A_427] {strides = array<i32>} : memref<288x64xf32, #tpu.memory_space<vmem>>, vector<1x16xf32>,
        %get3A_429 = vector.shape_cast %get3A_428 : vector<1x16xf32> to vector<16xf32>
        %add3A_430 = arith.addf %add3A_402, %get3A_429 : vector<16xf32>
        %add3A_431 = arith.constant 11 : i32
        %add3A_432 = arith.addi %mul3A_128, %add3A_431 : i32
        %get3A_433 = arith.index_cast %add3A_432 : i32 to index
        %get3A_434 = arith.constant 16 : index
        %get3A_435 = tpu.vector_load %arg9[%get3A_433, %get3A_434] {strides = array<i32>} : memref<288x64xf32, #tpu.memory_space<vmem>>, vector<1x16xf32>,
        %get3A_436 = vector.shape_cast %get3A_435 : vector<1x16xf32> to vector<16xf32>
        %add3A_437 = arith.addf %add3A_409, %get3A_436 : vector<16xf32>
        %add3A_438 = arith.constant 11 : i32
        %add3A_439 = arith.addi %mul3A_128, %add3A_438 : i32
        %get3A_440 = arith.index_cast %add3A_439 : i32 to index
        %get3A_441 = arith.constant 32 : index
        %get3A_442 = tpu.vector_load %arg9[%get3A_440, %get3A_441] {strides = array<i32>} : memref<288x64xf32, #tpu.memory_space<vmem>>, vector<1x16xf32>,
        %get3A_443 = vector.shape_cast %get3A_442 : vector<1x16xf32> to vector<16xf32>
        %add3A_444 = arith.addf %add3A_416, %get3A_443 : vector<16xf32>
        %add3A_445 = arith.constant 11 : i32
        %add3A_446 = arith.addi %mul3A_128, %add3A_445 : i32
        %get3A_447 = arith.index_cast %add3A_446 : i32 to index
        %get3A_448 = arith.constant 48 : index
        %get3A_449 = tpu.vector_load %arg9[%get3A_447, %get3A_448] {strides = array<i32>} : memref<288x64xf32, #tpu.memory_space<vmem>>, vector<1x16xf32>,
        %get3A_450 = vector.shape_cast %get3A_449 : vector<1x16xf32> to vector<16xf32>
        %add3A_451 = arith.addf %add3A_423, %get3A_450 : vector<16xf32>
        %add3A_452 = arith.constant 12 : i32
        %add3A_453 = arith.addi %mul3A_128, %add3A_452 : i32
        %get3A_454 = arith.index_cast %add3A_453 : i32 to index
        %get3A_455 = arith.constant 0 : index
        %get3A_456 = tpu.vector_load %arg9[%get3A_454, %get3A_455] {strides = array<i32>} : memref<288x64xf32, #tpu.memory_space<vmem>>, vector<1x16xf32>,
        %get3A_457 = vector.shape_cast %get3A_456 : vector<1x16xf32> to vector<16xf32>
        %add3A_458 = arith.addf %add3A_430, %get3A_457 : vector<16xf32>
        %add3A_459 = arith.constant 12 : i32
        %add3A_460 = arith.addi %mul3A_128, %add3A_459 : i32
        %get3A_461 = arith.index_cast %add3A_460 : i32 to index
        %get3A_462 = arith.constant 16 : index
        %get3A_463 = tpu.vector_load %arg9[%get3A_461, %get3A_462] {strides = array<i32>} : memref<288x64xf32, #tpu.memory_space<vmem>>, vector<1x16xf32>,
        %get3A_464 = vector.shape_cast %get3A_463 : vector<1x16xf32> to vector<16xf32>
        %add3A_465 = arith.addf %add3A_437, %get3A_464 : vector<16xf32>
        %add3A_466 = arith.constant 12 : i32
        %add3A_467 = arith.addi %mul3A_128, %add3A_466 : i32
        %get3A_468 = arith.index_cast %add3A_467 : i32 to index
        %get3A_469 = arith.constant 32 : index
        %get3A_470 = tpu.vector_load %arg9[%get3A_468, %get3A_469] {strides = array<i32>} : memref<288x64xf32, #tpu.memory_space<vmem>>, vector<1x16xf32>,
        %get3A_471 = vector.shape_cast %get3A_470 : vector<1x16xf32> to vector<16xf32>
        %add3A_472 = arith.addf %add3A_444, %get3A_471 : vector<16xf32>
        %add3A_473 = arith.constant 12 : i32
        %add3A_474 = arith.addi %mul3A_128, %add3A_473 : i32
        %get3A_475 = arith.index_cast %add3A_474 : i32 to index
        %get3A_476 = arith.constant 48 : index
        %get3A_477 = tpu.vector_load %arg9[%get3A_475, %get3A_476] {strides = array<i32>} : memref<288x64xf32, #tpu.memory_space<vmem>>, vector<1x16xf32>,
        %get3A_478 = vector.shape_cast %get3A_477 : vector<1x16xf32> to vector<16xf32>
        %add3A_479 = arith.addf %add3A_451, %get3A_478 : vector<16xf32>
        %add3A_480 = arith.constant 13 : i32
        %add3A_481 = arith.addi %mul3A_128, %add3A_480 : i32
        %get3A_482 = arith.index_cast %add3A_481 : i32 to index
        %get3A_483 = arith.constant 0 : index
        %get3A_484 = tpu.vector_load %arg9[%get3A_482, %get3A_483] {strides = array<i32>} : memref<288x64xf32, #tpu.memory_space<vmem>>, vector<1x16xf32>,
        %get3A_485 = vector.shape_cast %get3A_484 : vector<1x16xf32> to vector<16xf32>
        %add3A_486 = arith.addf %add3A_458, %get3A_485 : vector<16xf32>
        %add3A_487 = arith.constant 13 : i32
        %add3A_488 = arith.addi %mul3A_128, %add3A_487 : i32
        %get3A_489 = arith.index_cast %add3A_488 : i32 to index
        %get3A_490 = arith.constant 16 : index
        %get3A_491 = tpu.vector_load %arg9[%get3A_489, %get3A_490] {strides = array<i32>} : memref<288x64xf32, #tpu.memory_space<vmem>>, vector<1x16xf32>,
        %get3A_492 = vector.shape_cast %get3A_491 : vector<1x16xf32> to vector<16xf32>
        %add3A_493 = arith.addf %add3A_465, %get3A_492 : vector<16xf32>
        %add3A_494 = arith.constant 13 : i32
        %add3A_495 = arith.addi %mul3A_128, %add3A_494 : i32
        %get3A_496 = arith.index_cast %add3A_495 : i32 to index
        %get3A_497 = arith.constant 32 : index
        %get3A_498 = tpu.vector_load %arg9[%get3A_496, %get3A_497] {strides = array<i32>} : memref<288x64xf32, #tpu.memory_space<vmem>>, vector<1x16xf32>,
        %get3A_499 = vector.shape_cast %get3A_498 : vector<1x16xf32> to vector<16xf32>
        %add3A_500 = arith.addf %add3A_472, %get3A_499 : vector<16xf32>
        %add3A_501 = arith.constant 13 : i32
        %add3A_502 = arith.addi %mul3A_128, %add3A_501 : i32
        %get3A_503 = arith.index_cast %add3A_502 : i32 to index
        %get3A_504 = arith.constant 48 : index
        %get3A_505 = tpu.vector_load %arg9[%get3A_503, %get3A_504] {strides = array<i32>} : memref<288x64xf32, #tpu.memory_space<vmem>>, vector<1x16xf32>,
        %get3A_506 = vector.shape_cast %get3A_505 : vector<1x16xf32> to vector<16xf32>
        %add3A_507 = arith.addf %add3A_479, %get3A_506 : vector<16xf32>
        %add3A_508 = arith.constant 14 : i32
        %add3A_509 = arith.addi %mul3A_128, %add3A_508 : i32
        %get3A_510 = arith.index_cast %add3A_509 : i32 to index
        %get3A_511 = arith.constant 0 : index
        %get3A_512 = tpu.vector_load %arg9[%get3A_510, %get3A_511] {strides = array<i32>} : memref<288x64xf32, #tpu.memory_space<vmem>>, vector<1x16xf32>,
        %get3A_513 = vector.shape_cast %get3A_512 : vector<1x16xf32> to vector<16xf32>
        %add3A_514 = arith.addf %add3A_486, %get3A_513 : vector<16xf32>
        %add3A_515 = arith.constant 14 : i32
        %add3A_516 = arith.addi %mul3A_128, %add3A_515 : i32
        %get3A_517 = arith.index_cast %add3A_516 : i32 to index
        %get3A_518 = arith.constant 16 : index
        %get3A_519 = tpu.vector_load %arg9[%get3A_517, %get3A_518] {strides = array<i32>} : memref<288x64xf32, #tpu.memory_space<vmem>>, vector<1x16xf32>,
        %get3A_520 = vector.shape_cast %get3A_519 : vector<1x16xf32> to vector<16xf32>
        %add3A_521 = arith.addf %add3A_493, %get3A_520 : vector<16xf32>
        %add3A_522 = arith.constant 14 : i32
        %add3A_523 = arith.addi %mul3A_128, %add3A_522 : i32
        %get3A_524 = arith.index_cast %add3A_523 : i32 to index
        %get3A_525 = arith.constant 32 : index
        %get3A_526 = tpu.vector_load %arg9[%get3A_524, %get3A_525] {strides = array<i32>} : memref<288x64xf32, #tpu.memory_space<vmem>>, vector<1x16xf32>,
        %get3A_527 = vector.shape_cast %get3A_526 : vector<1x16xf32> to vector<16xf32>
        %add3A_528 = arith.addf %add3A_500, %get3A_527 : vector<16xf32>
        %add3A_529 = arith.constant 14 : i32
        %add3A_530 = arith.addi %mul3A_128, %add3A_529 : i32
        %get3A_531 = arith.index_cast %add3A_530 : i32 to index
        %get3A_532 = arith.constant 48 : index
        %get3A_533 = tpu.vector_load %arg9[%get3A_531, %get3A_532] {strides = array<i32>} : memref<288x64xf32, #tpu.memory_space<vmem>>, vector<1x16xf32>,
        %get3A_534 = vector.shape_cast %get3A_533 : vector<1x16xf32> to vector<16xf32>
        %add3A_535 = arith.addf %add3A_507, %get3A_534 : vector<16xf32>
        %add3A_536 = arith.constant 15 : i32
        %add3A_537 = arith.addi %mul3A_128, %add3A_536 : i32
        %get3A_538 = arith.index_cast %add3A_537 : i32 to index
        %get3A_539 = arith.constant 0 : index
        %get3A_540 = tpu.vector_load %arg9[%get3A_538, %get3A_539] {strides = array<i32>} : memref<288x64xf32, #tpu.memory_space<vmem>>, vector<1x16xf32>,
        %get3A_541 = vector.shape_cast %get3A_540 : vector<1x16xf32> to vector<16xf32>
        %add3A_542 = arith.addf %add3A_514, %get3A_541 : vector<16xf32>
        %add3A_543 = arith.constant 15 : i32
        %add3A_544 = arith.addi %mul3A_128, %add3A_543 : i32
        %get3A_545 = arith.index_cast %add3A_544 : i32 to index
        %get3A_546 = arith.constant 16 : index
        %get3A_547 = tpu.vector_load %arg9[%get3A_545, %get3A_546] {strides = array<i32>} : memref<288x64xf32, #tpu.memory_space<vmem>>, vector<1x16xf32>,
        %get3A_548 = vector.shape_cast %get3A_547 : vector<1x16xf32> to vector<16xf32>
        %add3A_549 = arith.addf %add3A_521, %get3A_548 : vector<16xf32>
        %add3A_550 = arith.constant 15 : i32
        %add3A_551 = arith.addi %mul3A_128, %add3A_550 : i32
        %get3A_552 = arith.index_cast %add3A_551 : i32 to index
        %get3A_553 = arith.constant 32 : index
        %get3A_554 = tpu.vector_load %arg9[%get3A_552, %get3A_553] {strides = array<i32>} : memref<288x64xf32, #tpu.memory_space<vmem>>, vector<1x16xf32>,
        %get3A_555 = vector.shape_cast %get3A_554 : vector<1x16xf32> to vector<16xf32>
        %add3A_556 = arith.addf %add3A_528, %get3A_555 : vector<16xf32>
        %add3A_557 = arith.constant 15 : i32
        %add3A_558 = arith.addi %mul3A_128, %add3A_557 : i32
        %get3A_559 = arith.index_cast %add3A_558 : i32 to index
        %get3A_560 = arith.constant 48 : index
        %get3A_561 = tpu.vector_load %arg9[%get3A_559, %get3A_560] {strides = array<i32>} : memref<288x64xf32, #tpu.memory_space<vmem>>, vector<1x16xf32>,
        %get3A_562 = vector.shape_cast %get3A_561 : vector<1x16xf32> to vector<16xf32>
        %add3A_563 = arith.addf %add3A_535, %get3A_562 : vector<16xf32>
        %add3A_564 = arith.constant 16 : i32
        %add3A_565 = arith.addi %mul3A_128, %add3A_564 : i32
        %get3A_566 = arith.index_cast %add3A_565 : i32 to index
        %get3A_567 = arith.constant 0 : index
        %get3A_568 = tpu.vector_load %arg9[%get3A_566, %get3A_567] {strides = array<i32>} : memref<288x64xf32, #tpu.memory_space<vmem>>, vector<1x16xf32>,
        %get3A_569 = vector.shape_cast %get3A_568 : vector<1x16xf32> to vector<16xf32>
        %add3A_570 = arith.addf %add3A_542, %get3A_569 : vector<16xf32>
        %add3A_571 = arith.constant 16 : i32
        %add3A_572 = arith.addi %mul3A_128, %add3A_571 : i32
        %get3A_573 = arith.index_cast %add3A_572 : i32 to index
        %get3A_574 = arith.constant 16 : index
        %get3A_575 = tpu.vector_load %arg9[%get3A_573, %get3A_574] {strides = array<i32>} : memref<288x64xf32, #tpu.memory_space<vmem>>, vector<1x16xf32>,
        %get3A_576 = vector.shape_cast %get3A_575 : vector<1x16xf32> to vector<16xf32>
        %add3A_577 = arith.addf %add3A_549, %get3A_576 : vector<16xf32>
        %add3A_578 = arith.constant 16 : i32
        %add3A_579 = arith.addi %mul3A_128, %add3A_578 : i32
        %get3A_580 = arith.index_cast %add3A_579 : i32 to index
        %get3A_581 = arith.constant 32 : index
        %get3A_582 = tpu.vector_load %arg9[%get3A_580, %get3A_581] {strides = array<i32>} : memref<288x64xf32, #tpu.memory_space<vmem>>, vector<1x16xf32>,
        %get3A_583 = vector.shape_cast %get3A_582 : vector<1x16xf32> to vector<16xf32>
        %add3A_584 = arith.addf %add3A_556, %get3A_583 : vector<16xf32>
        %add3A_585 = arith.constant 16 : i32
        %add3A_586 = arith.addi %mul3A_128, %add3A_585 : i32
        %get3A_587 = arith.index_cast %add3A_586 : i32 to index
        %get3A_588 = arith.constant 48 : index
        %get3A_589 = tpu.vector_load %arg9[%get3A_587, %get3A_588] {strides = array<i32>} : memref<288x64xf32, #tpu.memory_space<vmem>>, vector<1x16xf32>,
        %get3A_590 = vector.shape_cast %get3A_589 : vector<1x16xf32> to vector<16xf32>
        %add3A_591 = arith.addf %add3A_563, %get3A_590 : vector<16xf32>
        %add3A_592 = arith.constant 17 : i32
        %add3A_593 = arith.addi %mul3A_128, %add3A_592 : i32
        %get3A_594 = arith.index_cast %add3A_593 : i32 to index
        %get3A_595 = arith.constant 0 : index
        %get3A_596 = tpu.vector_load %arg9[%get3A_594, %get3A_595] {strides = array<i32>} : memref<288x64xf32, #tpu.memory_space<vmem>>, vector<1x16xf32>,
        %get3A_597 = vector.shape_cast %get3A_596 : vector<1x16xf32> to vector<16xf32>
        %add3A_598 = arith.addf %add3A_570, %get3A_597 : vector<16xf32>
        %add3A_599 = arith.constant 17 : i32
        %add3A_600 = arith.addi %mul3A_128, %add3A_599 : i32
        %get3A_601 = arith.index_cast %add3A_600 : i32 to index
        %get3A_602 = arith.constant 16 : index
        %get3A_603 = tpu.vector_load %arg9[%get3A_601, %get3A_602] {strides = array<i32>} : memref<288x64xf32, #tpu.memory_space<vmem>>, vector<1x16xf32>,
        %get3A_604 = vector.shape_cast %get3A_603 : vector<1x16xf32> to vector<16xf32>
        %add3A_605 = arith.addf %add3A_577, %get3A_604 : vector<16xf32>
        %add3A_606 = arith.constant 17 : i32
        %add3A_607 = arith.addi %mul3A_128, %add3A_606 : i32
        %get3A_608 = arith.index_cast %add3A_607 : i32 to index
        %get3A_609 = arith.constant 32 : index
        %get3A_610 = tpu.vector_load %arg9[%get3A_608, %get3A_609] {strides = array<i32>} : memref<288x64xf32, #tpu.memory_space<vmem>>, vector<1x16xf32>,
        %get3A_611 = vector.shape_cast %get3A_610 : vector<1x16xf32> to vector<16xf32>
        %add3A_612 = arith.addf %add3A_584, %get3A_611 : vector<16xf32>
        %add3A_613 = arith.constant 17 : i32
        %add3A_614 = arith.addi %mul3A_128, %add3A_613 : i32
        %get3A_615 = arith.index_cast %add3A_614 : i32 to index
        %get3A_616 = arith.constant 48 : index
        %get3A_617 = tpu.vector_load %arg9[%get3A_615, %get3A_616] {strides = array<i32>} : memref<288x64xf32, #tpu.memory_space<vmem>>, vector<1x16xf32>,
        %get3A_618 = vector.shape_cast %get3A_617 : vector<1x16xf32> to vector<16xf32>
        %add3A_619 = arith.addf %add3A_591, %get3A_618 : vector<16xf32>
        %add3A_620 = arith.constant 18 : i32
        %add3A_621 = arith.addi %mul3A_128, %add3A_620 : i32
        %get3A_622 = arith.index_cast %add3A_621 : i32 to index
        %get3A_623 = arith.constant 0 : index
        %get3A_624 = tpu.vector_load %arg9[%get3A_622, %get3A_623] {strides = array<i32>} : memref<288x64xf32, #tpu.memory_space<vmem>>, vector<1x16xf32>,
        %get3A_625 = vector.shape_cast %get3A_624 : vector<1x16xf32> to vector<16xf32>
        %add3A_626 = arith.addf %add3A_598, %get3A_625 : vector<16xf32>
        %add3A_627 = arith.constant 18 : i32
        %add3A_628 = arith.addi %mul3A_128, %add3A_627 : i32
        %get3A_629 = arith.index_cast %add3A_628 : i32 to index
        %get3A_630 = arith.constant 16 : index
        %get3A_631 = tpu.vector_load %arg9[%get3A_629, %get3A_630] {strides = array<i32>} : memref<288x64xf32, #tpu.memory_space<vmem>>, vector<1x16xf32>,
        %get3A_632 = vector.shape_cast %get3A_631 : vector<1x16xf32> to vector<16xf32>
        %add3A_633 = arith.addf %add3A_605, %get3A_632 : vector<16xf32>
        %add3A_634 = arith.constant 18 : i32
        %add3A_635 = arith.addi %mul3A_128, %add3A_634 : i32
        %get3A_636 = arith.index_cast %add3A_635 : i32 to index
        %get3A_637 = arith.constant 32 : index
        %get3A_638 = tpu.vector_load %arg9[%get3A_636, %get3A_637] {strides = array<i32>} : memref<288x64xf32, #tpu.memory_space<vmem>>, vector<1x16xf32>,
        %get3A_639 = vector.shape_cast %get3A_638 : vector<1x16xf32> to vector<16xf32>
        %add3A_640 = arith.addf %add3A_612, %get3A_639 : vector<16xf32>
        %add3A_641 = arith.constant 18 : i32
        %add3A_642 = arith.addi %mul3A_128, %add3A_641 : i32
        %get3A_643 = arith.index_cast %add3A_642 : i32 to index
        %get3A_644 = arith.constant 48 : index
        %get3A_645 = tpu.vector_load %arg9[%get3A_643, %get3A_644] {strides = array<i32>} : memref<288x64xf32, #tpu.memory_space<vmem>>, vector<1x16xf32>,
        %get3A_646 = vector.shape_cast %get3A_645 : vector<1x16xf32> to vector<16xf32>
        %add3A_647 = arith.addf %add3A_619, %get3A_646 : vector<16xf32>
        %add3A_648 = arith.constant 19 : i32
        %add3A_649 = arith.addi %mul3A_128, %add3A_648 : i32
        %get3A_650 = arith.index_cast %add3A_649 : i32 to index
        %get3A_651 = arith.constant 0 : index
        %get3A_652 = tpu.vector_load %arg9[%get3A_650, %get3A_651] {strides = array<i32>} : memref<288x64xf32, #tpu.memory_space<vmem>>, vector<1x16xf32>,
        %get3A_653 = vector.shape_cast %get3A_652 : vector<1x16xf32> to vector<16xf32>
        %add3A_654 = arith.addf %add3A_626, %get3A_653 : vector<16xf32>
        %add3A_655 = arith.constant 19 : i32
        %add3A_656 = arith.addi %mul3A_128, %add3A_655 : i32
        %get3A_657 = arith.index_cast %add3A_656 : i32 to index
        %get3A_658 = arith.constant 16 : index
        %get3A_659 = tpu.vector_load %arg9[%get3A_657, %get3A_658] {strides = array<i32>} : memref<288x64xf32, #tpu.memory_space<vmem>>, vector<1x16xf32>,
        %get3A_660 = vector.shape_cast %get3A_659 : vector<1x16xf32> to vector<16xf32>
        %add3A_661 = arith.addf %add3A_633, %get3A_660 : vector<16xf32>
        %add3A_662 = arith.constant 19 : i32
        %add3A_663 = arith.addi %mul3A_128, %add3A_662 : i32
        %get3A_664 = arith.index_cast %add3A_663 : i32 to index
        %get3A_665 = arith.constant 32 : index
        %get3A_666 = tpu.vector_load %arg9[%get3A_664, %get3A_665] {strides = array<i32>} : memref<288x64xf32, #tpu.memory_space<vmem>>, vector<1x16xf32>,
        %get3A_667 = vector.shape_cast %get3A_666 : vector<1x16xf32> to vector<16xf32>
        %add3A_668 = arith.addf %add3A_640, %get3A_667 : vector<16xf32>
        %add3A_669 = arith.constant 19 : i32
        %add3A_670 = arith.addi %mul3A_128, %add3A_669 : i32
        %get3A_671 = arith.index_cast %add3A_670 : i32 to index
        %get3A_672 = arith.constant 48 : index
        %get3A_673 = tpu.vector_load %arg9[%get3A_671, %get3A_672] {strides = array<i32>} : memref<288x64xf32, #tpu.memory_space<vmem>>, vector<1x16xf32>,
        %get3A_674 = vector.shape_cast %get3A_673 : vector<1x16xf32> to vector<16xf32>
        %add3A_675 = arith.addf %add3A_647, %get3A_674 : vector<16xf32>
        %add3A_676 = arith.constant 20 : i32
        %add3A_677 = arith.addi %mul3A_128, %add3A_676 : i32
        %get3A_678 = arith.index_cast %add3A_677 : i32 to index
        %get3A_679 = arith.constant 0 : index
        %get3A_680 = tpu.vector_load %arg9[%get3A_678, %get3A_679] {strides = array<i32>} : memref<288x64xf32, #tpu.memory_space<vmem>>, vector<1x16xf32>,
        %get3A_681 = vector.shape_cast %get3A_680 : vector<1x16xf32> to vector<16xf32>
        %add3A_682 = arith.addf %add3A_654, %get3A_681 : vector<16xf32>
        %add3A_683 = arith.constant 20 : i32
        %add3A_684 = arith.addi %mul3A_128, %add3A_683 : i32
        %get3A_685 = arith.index_cast %add3A_684 : i32 to index
        %get3A_686 = arith.constant 16 : index
        %get3A_687 = tpu.vector_load %arg9[%get3A_685, %get3A_686] {strides = array<i32>} : memref<288x64xf32, #tpu.memory_space<vmem>>, vector<1x16xf32>,
        %get3A_688 = vector.shape_cast %get3A_687 : vector<1x16xf32> to vector<16xf32>
        %add3A_689 = arith.addf %add3A_661, %get3A_688 : vector<16xf32>
        %add3A_690 = arith.constant 20 : i32
        %add3A_691 = arith.addi %mul3A_128, %add3A_690 : i32
        %get3A_692 = arith.index_cast %add3A_691 : i32 to index
        %get3A_693 = arith.constant 32 : index
        %get3A_694 = tpu.vector_load %arg9[%get3A_692, %get3A_693] {strides = array<i32>} : memref<288x64xf32, #tpu.memory_space<vmem>>, vector<1x16xf32>,
        %get3A_695 = vector.shape_cast %get3A_694 : vector<1x16xf32> to vector<16xf32>
        %add3A_696 = arith.addf %add3A_668, %get3A_695 : vector<16xf32>
        %add3A_697 = arith.constant 20 : i32
        %add3A_698 = arith.addi %mul3A_128, %add3A_697 : i32
        %get3A_699 = arith.index_cast %add3A_698 : i32 to index
        %get3A_700 = arith.constant 48 : index
        %get3A_701 = tpu.vector_load %arg9[%get3A_699, %get3A_700] {strides = array<i32>} : memref<288x64xf32, #tpu.memory_space<vmem>>, vector<1x16xf32>,
        %get3A_702 = vector.shape_cast %get3A_701 : vector<1x16xf32> to vector<16xf32>
        %add3A_703 = arith.addf %add3A_675, %get3A_702 : vector<16xf32>
        %add3A_704 = arith.constant 21 : i32
        %add3A_705 = arith.addi %mul3A_128, %add3A_704 : i32
        %get3A_706 = arith.index_cast %add3A_705 : i32 to index
        %get3A_707 = arith.constant 0 : index
        %get3A_708 = tpu.vector_load %arg9[%get3A_706, %get3A_707] {strides = array<i32>} : memref<288x64xf32, #tpu.memory_space<vmem>>, vector<1x16xf32>,
        %get3A_709 = vector.shape_cast %get3A_708 : vector<1x16xf32> to vector<16xf32>
        %add3A_710 = arith.addf %add3A_682, %get3A_709 : vector<16xf32>
        %add3A_711 = arith.constant 21 : i32
        %add3A_712 = arith.addi %mul3A_128, %add3A_711 : i32
        %get3A_713 = arith.index_cast %add3A_712 : i32 to index
        %get3A_714 = arith.constant 16 : index
        %get3A_715 = tpu.vector_load %arg9[%get3A_713, %get3A_714] {strides = array<i32>} : memref<288x64xf32, #tpu.memory_space<vmem>>, vector<1x16xf32>,
        %get3A_716 = vector.shape_cast %get3A_715 : vector<1x16xf32> to vector<16xf32>
        %add3A_717 = arith.addf %add3A_689, %get3A_716 : vector<16xf32>
        %add3A_718 = arith.constant 21 : i32
        %add3A_719 = arith.addi %mul3A_128, %add3A_718 : i32
        %get3A_720 = arith.index_cast %add3A_719 : i32 to index
        %get3A_721 = arith.constant 32 : index
        %get3A_722 = tpu.vector_load %arg9[%get3A_720, %get3A_721] {strides = array<i32>} : memref<288x64xf32, #tpu.memory_space<vmem>>, vector<1x16xf32>,
        %get3A_723 = vector.shape_cast %get3A_722 : vector<1x16xf32> to vector<16xf32>
        %add3A_724 = arith.addf %add3A_696, %get3A_723 : vector<16xf32>
        %add3A_725 = arith.constant 21 : i32
        %add3A_726 = arith.addi %mul3A_128, %add3A_725 : i32
        %get3A_727 = arith.index_cast %add3A_726 : i32 to index
        %get3A_728 = arith.constant 48 : index
        %get3A_729 = tpu.vector_load %arg9[%get3A_727, %get3A_728] {strides = array<i32>} : memref<288x64xf32, #tpu.memory_space<vmem>>, vector<1x16xf32>,
        %get3A_730 = vector.shape_cast %get3A_729 : vector<1x16xf32> to vector<16xf32>
        %add3A_731 = arith.addf %add3A_703, %get3A_730 : vector<16xf32>
        %add3A_732 = arith.constant 22 : i32
        %add3A_733 = arith.addi %mul3A_128, %add3A_732 : i32
        %get3A_734 = arith.index_cast %add3A_733 : i32 to index
        %get3A_735 = arith.constant 0 : index
        %get3A_736 = tpu.vector_load %arg9[%get3A_734, %get3A_735] {strides = array<i32>} : memref<288x64xf32, #tpu.memory_space<vmem>>, vector<1x16xf32>,
        %get3A_737 = vector.shape_cast %get3A_736 : vector<1x16xf32> to vector<16xf32>
        %add3A_738 = arith.addf %add3A_710, %get3A_737 : vector<16xf32>
        %add3A_739 = arith.constant 22 : i32
        %add3A_740 = arith.addi %mul3A_128, %add3A_739 : i32
        %get3A_741 = arith.index_cast %add3A_740 : i32 to index
        %get3A_742 = arith.constant 16 : index
        %get3A_743 = tpu.vector_load %arg9[%get3A_741, %get3A_742] {strides = array<i32>} : memref<288x64xf32, #tpu.memory_space<vmem>>, vector<1x16xf32>,
        %get3A_744 = vector.shape_cast %get3A_743 : vector<1x16xf32> to vector<16xf32>
        %add3A_745 = arith.addf %add3A_717, %get3A_744 : vector<16xf32>
        %add3A_746 = arith.constant 22 : i32
        %add3A_747 = arith.addi %mul3A_128, %add3A_746 : i32
        %get3A_748 = arith.index_cast %add3A_747 : i32 to index
        %get3A_749 = arith.constant 32 : index
        %get3A_750 = tpu.vector_load %arg9[%get3A_748, %get3A_749] {strides = array<i32>} : memref<288x64xf32, #tpu.memory_space<vmem>>, vector<1x16xf32>,
        %get3A_751 = vector.shape_cast %get3A_750 : vector<1x16xf32> to vector<16xf32>
        %add3A_752 = arith.addf %add3A_724, %get3A_751 : vector<16xf32>
        %add3A_753 = arith.constant 22 : i32
        %add3A_754 = arith.addi %mul3A_128, %add3A_753 : i32
        %get3A_755 = arith.index_cast %add3A_754 : i32 to index
        %get3A_756 = arith.constant 48 : index
        %get3A_757 = tpu.vector_load %arg9[%get3A_755, %get3A_756] {strides = array<i32>} : memref<288x64xf32, #tpu.memory_space<vmem>>, vector<1x16xf32>,
        %get3A_758 = vector.shape_cast %get3A_757 : vector<1x16xf32> to vector<16xf32>
        %add3A_759 = arith.addf %add3A_731, %get3A_758 : vector<16xf32>
        %add3A_760 = arith.constant 23 : i32
        %add3A_761 = arith.addi %mul3A_128, %add3A_760 : i32
        %get3A_762 = arith.index_cast %add3A_761 : i32 to index
        %get3A_763 = arith.constant 0 : index
        %get3A_764 = tpu.vector_load %arg9[%get3A_762, %get3A_763] {strides = array<i32>} : memref<288x64xf32, #tpu.memory_space<vmem>>, vector<1x16xf32>,
        %get3A_765 = vector.shape_cast %get3A_764 : vector<1x16xf32> to vector<16xf32>
        %add3A_766 = arith.addf %add3A_738, %get3A_765 : vector<16xf32>
        %add3A_767 = arith.constant 23 : i32
        %add3A_768 = arith.addi %mul3A_128, %add3A_767 : i32
        %get3A_769 = arith.index_cast %add3A_768 : i32 to index
        %get3A_770 = arith.constant 16 : index
        %get3A_771 = tpu.vector_load %arg9[%get3A_769, %get3A_770] {strides = array<i32>} : memref<288x64xf32, #tpu.memory_space<vmem>>, vector<1x16xf32>,
        %get3A_772 = vector.shape_cast %get3A_771 : vector<1x16xf32> to vector<16xf32>
        %add3A_773 = arith.addf %add3A_745, %get3A_772 : vector<16xf32>
        %add3A_774 = arith.constant 23 : i32
        %add3A_775 = arith.addi %mul3A_128, %add3A_774 : i32
        %get3A_776 = arith.index_cast %add3A_775 : i32 to index
        %get3A_777 = arith.constant 32 : index
        %get3A_778 = tpu.vector_load %arg9[%get3A_776, %get3A_777] {strides = array<i32>} : memref<288x64xf32, #tpu.memory_space<vmem>>, vector<1x16xf32>,
        %get3A_779 = vector.shape_cast %get3A_778 : vector<1x16xf32> to vector<16xf32>
        %add3A_780 = arith.addf %add3A_752, %get3A_779 : vector<16xf32>
        %add3A_781 = arith.constant 23 : i32
        %add3A_782 = arith.addi %mul3A_128, %add3A_781 : i32
        %get3A_783 = arith.index_cast %add3A_782 : i32 to index
        %get3A_784 = arith.constant 48 : index
        %get3A_785 = tpu.vector_load %arg9[%get3A_783, %get3A_784] {strides = array<i32>} : memref<288x64xf32, #tpu.memory_space<vmem>>, vector<1x16xf32>,
        %get3A_786 = vector.shape_cast %get3A_785 : vector<1x16xf32> to vector<16xf32>
        %add3A_787 = arith.addf %add3A_759, %get3A_786 : vector<16xf32>
        %add3A_788 = arith.constant 24 : i32
        %add3A_789 = arith.addi %mul3A_128, %add3A_788 : i32
        %get3A_790 = arith.index_cast %add3A_789 : i32 to index
        %get3A_791 = arith.constant 0 : index
        %get3A_792 = tpu.vector_load %arg9[%get3A_790, %get3A_791] {strides = array<i32>} : memref<288x64xf32, #tpu.memory_space<vmem>>, vector<1x16xf32>,
        %get3A_793 = vector.shape_cast %get3A_792 : vector<1x16xf32> to vector<16xf32>
        %add3A_794 = arith.addf %add3A_766, %get3A_793 : vector<16xf32>
        %add3A_795 = arith.constant 24 : i32
        %add3A_796 = arith.addi %mul3A_128, %add3A_795 : i32
        %get3A_797 = arith.index_cast %add3A_796 : i32 to index
        %get3A_798 = arith.constant 16 : index
        %get3A_799 = tpu.vector_load %arg9[%get3A_797, %get3A_798] {strides = array<i32>} : memref<288x64xf32, #tpu.memory_space<vmem>>, vector<1x16xf32>,
        %get3A_800 = vector.shape_cast %get3A_799 : vector<1x16xf32> to vector<16xf32>
        %add3A_801 = arith.addf %add3A_773, %get3A_800 : vector<16xf32>
        %add3A_802 = arith.constant 24 : i32
        %add3A_803 = arith.addi %mul3A_128, %add3A_802 : i32
        %get3A_804 = arith.index_cast %add3A_803 : i32 to index
        %get3A_805 = arith.constant 32 : index
        %get3A_806 = tpu.vector_load %arg9[%get3A_804, %get3A_805] {strides = array<i32>} : memref<288x64xf32, #tpu.memory_space<vmem>>, vector<1x16xf32>,
        %get3A_807 = vector.shape_cast %get3A_806 : vector<1x16xf32> to vector<16xf32>
        %add3A_808 = arith.addf %add3A_780, %get3A_807 : vector<16xf32>
        %add3A_809 = arith.constant 24 : i32
        %add3A_810 = arith.addi %mul3A_128, %add3A_809 : i32
        %get3A_811 = arith.index_cast %add3A_810 : i32 to index
        %get3A_812 = arith.constant 48 : index
        %get3A_813 = tpu.vector_load %arg9[%get3A_811, %get3A_812] {strides = array<i32>} : memref<288x64xf32, #tpu.memory_space<vmem>>, vector<1x16xf32>,
        %get3A_814 = vector.shape_cast %get3A_813 : vector<1x16xf32> to vector<16xf32>
        %add3A_815 = arith.addf %add3A_787, %get3A_814 : vector<16xf32>
        %add3A_816 = arith.constant 25 : i32
        %add3A_817 = arith.addi %mul3A_128, %add3A_816 : i32
        %get3A_818 = arith.index_cast %add3A_817 : i32 to index
        %get3A_819 = arith.constant 0 : index
        %get3A_820 = tpu.vector_load %arg9[%get3A_818, %get3A_819] {strides = array<i32>} : memref<288x64xf32, #tpu.memory_space<vmem>>, vector<1x16xf32>,
        %get3A_821 = vector.shape_cast %get3A_820 : vector<1x16xf32> to vector<16xf32>
        %add3A_822 = arith.addf %add3A_794, %get3A_821 : vector<16xf32>
        %add3A_823 = arith.constant 25 : i32
        %add3A_824 = arith.addi %mul3A_128, %add3A_823 : i32
        %get3A_825 = arith.index_cast %add3A_824 : i32 to index
        %get3A_826 = arith.constant 16 : index
        %get3A_827 = tpu.vector_load %arg9[%get3A_825, %get3A_826] {strides = array<i32>} : memref<288x64xf32, #tpu.memory_space<vmem>>, vector<1x16xf32>,
        %get3A_828 = vector.shape_cast %get3A_827 : vector<1x16xf32> to vector<16xf32>
        %add3A_829 = arith.addf %add3A_801, %get3A_828 : vector<16xf32>
        %add3A_830 = arith.constant 25 : i32
        %add3A_831 = arith.addi %mul3A_128, %add3A_830 : i32
        %get3A_832 = arith.index_cast %add3A_831 : i32 to index
        %get3A_833 = arith.constant 32 : index
        %get3A_834 = tpu.vector_load %arg9[%get3A_832, %get3A_833] {strides = array<i32>} : memref<288x64xf32, #tpu.memory_space<vmem>>, vector<1x16xf32>,
        %get3A_835 = vector.shape_cast %get3A_834 : vector<1x16xf32> to vector<16xf32>
        %add3A_836 = arith.addf %add3A_808, %get3A_835 : vector<16xf32>
        %add3A_837 = arith.constant 25 : i32
        %add3A_838 = arith.addi %mul3A_128, %add3A_837 : i32
        %get3A_839 = arith.index_cast %add3A_838 : i32 to index
        %get3A_840 = arith.constant 48 : index
        %get3A_841 = tpu.vector_load %arg9[%get3A_839, %get3A_840] {strides = array<i32>} : memref<288x64xf32, #tpu.memory_space<vmem>>, vector<1x16xf32>,
        %get3A_842 = vector.shape_cast %get3A_841 : vector<1x16xf32> to vector<16xf32>
        %add3A_843 = arith.addf %add3A_815, %get3A_842 : vector<16xf32>
        %add3A_844 = arith.constant 26 : i32
        %add3A_845 = arith.addi %mul3A_128, %add3A_844 : i32
        %get3A_846 = arith.index_cast %add3A_845 : i32 to index
        %get3A_847 = arith.constant 0 : index
        %get3A_848 = tpu.vector_load %arg9[%get3A_846, %get3A_847] {strides = array<i32>} : memref<288x64xf32, #tpu.memory_space<vmem>>, vector<1x16xf32>,
        %get3A_849 = vector.shape_cast %get3A_848 : vector<1x16xf32> to vector<16xf32>
        %add3A_850 = arith.addf %add3A_822, %get3A_849 : vector<16xf32>
        %add3A_851 = arith.constant 26 : i32
        %add3A_852 = arith.addi %mul3A_128, %add3A_851 : i32
        %get3A_853 = arith.index_cast %add3A_852 : i32 to index
        %get3A_854 = arith.constant 16 : index
        %get3A_855 = tpu.vector_load %arg9[%get3A_853, %get3A_854] {strides = array<i32>} : memref<288x64xf32, #tpu.memory_space<vmem>>, vector<1x16xf32>,
        %get3A_856 = vector.shape_cast %get3A_855 : vector<1x16xf32> to vector<16xf32>
        %add3A_857 = arith.addf %add3A_829, %get3A_856 : vector<16xf32>
        %add3A_858 = arith.constant 26 : i32
        %add3A_859 = arith.addi %mul3A_128, %add3A_858 : i32
        %get3A_860 = arith.index_cast %add3A_859 : i32 to index
        %get3A_861 = arith.constant 32 : index
        %get3A_862 = tpu.vector_load %arg9[%get3A_860, %get3A_861] {strides = array<i32>} : memref<288x64xf32, #tpu.memory_space<vmem>>, vector<1x16xf32>,
        %get3A_863 = vector.shape_cast %get3A_862 : vector<1x16xf32> to vector<16xf32>
        %add3A_864 = arith.addf %add3A_836, %get3A_863 : vector<16xf32>
        %add3A_865 = arith.constant 26 : i32
        %add3A_866 = arith.addi %mul3A_128, %add3A_865 : i32
        %get3A_867 = arith.index_cast %add3A_866 : i32 to index
        %get3A_868 = arith.constant 48 : index
        %get3A_869 = tpu.vector_load %arg9[%get3A_867, %get3A_868] {strides = array<i32>} : memref<288x64xf32, #tpu.memory_space<vmem>>, vector<1x16xf32>,
        %get3A_870 = vector.shape_cast %get3A_869 : vector<1x16xf32> to vector<16xf32>
        %add3A_871 = arith.addf %add3A_843, %get3A_870 : vector<16xf32>
        %add3A_872 = arith.constant 27 : i32
        %add3A_873 = arith.addi %mul3A_128, %add3A_872 : i32
        %get3A_874 = arith.index_cast %add3A_873 : i32 to index
        %get3A_875 = arith.constant 0 : index
        %get3A_876 = tpu.vector_load %arg9[%get3A_874, %get3A_875] {strides = array<i32>} : memref<288x64xf32, #tpu.memory_space<vmem>>, vector<1x16xf32>,
        %get3A_877 = vector.shape_cast %get3A_876 : vector<1x16xf32> to vector<16xf32>
        %add3A_878 = arith.addf %add3A_850, %get3A_877 : vector<16xf32>
        %add3A_879 = arith.constant 27 : i32
        %add3A_880 = arith.addi %mul3A_128, %add3A_879 : i32
        %get3A_881 = arith.index_cast %add3A_880 : i32 to index
        %get3A_882 = arith.constant 16 : index
        %get3A_883 = tpu.vector_load %arg9[%get3A_881, %get3A_882] {strides = array<i32>} : memref<288x64xf32, #tpu.memory_space<vmem>>, vector<1x16xf32>,
        %get3A_884 = vector.shape_cast %get3A_883 : vector<1x16xf32> to vector<16xf32>
        %add3A_885 = arith.addf %add3A_857, %get3A_884 : vector<16xf32>
        %add3A_886 = arith.constant 27 : i32
        %add3A_887 = arith.addi %mul3A_128, %add3A_886 : i32
        %get3A_888 = arith.index_cast %add3A_887 : i32 to index
        %get3A_889 = arith.constant 32 : index
        %get3A_890 = tpu.vector_load %arg9[%get3A_888, %get3A_889] {strides = array<i32>} : memref<288x64xf32, #tpu.memory_space<vmem>>, vector<1x16xf32>,
        %get3A_891 = vector.shape_cast %get3A_890 : vector<1x16xf32> to vector<16xf32>
        %add3A_892 = arith.addf %add3A_864, %get3A_891 : vector<16xf32>
        %add3A_893 = arith.constant 27 : i32
        %add3A_894 = arith.addi %mul3A_128, %add3A_893 : i32
        %get3A_895 = arith.index_cast %add3A_894 : i32 to index
        %get3A_896 = arith.constant 48 : index
        %get3A_897 = tpu.vector_load %arg9[%get3A_895, %get3A_896] {strides = array<i32>} : memref<288x64xf32, #tpu.memory_space<vmem>>, vector<1x16xf32>,
        %get3A_898 = vector.shape_cast %get3A_897 : vector<1x16xf32> to vector<16xf32>
        %add3A_899 = arith.addf %add3A_871, %get3A_898 : vector<16xf32>
        %add3A_900 = arith.constant 28 : i32
        %add3A_901 = arith.addi %mul3A_128, %add3A_900 : i32
        %get3A_902 = arith.index_cast %add3A_901 : i32 to index
        %get3A_903 = arith.constant 0 : index
        %get3A_904 = tpu.vector_load %arg9[%get3A_902, %get3A_903] {strides = array<i32>} : memref<288x64xf32, #tpu.memory_space<vmem>>, vector<1x16xf32>,
        %get3A_905 = vector.shape_cast %get3A_904 : vector<1x16xf32> to vector<16xf32>
        %add3A_906 = arith.addf %add3A_878, %get3A_905 : vector<16xf32>
        %add3A_907 = arith.constant 28 : i32
        %add3A_908 = arith.addi %mul3A_128, %add3A_907 : i32
        %get3A_909 = arith.index_cast %add3A_908 : i32 to index
        %get3A_910 = arith.constant 16 : index
        %get3A_911 = tpu.vector_load %arg9[%get3A_909, %get3A_910] {strides = array<i32>} : memref<288x64xf32, #tpu.memory_space<vmem>>, vector<1x16xf32>,
        %get3A_912 = vector.shape_cast %get3A_911 : vector<1x16xf32> to vector<16xf32>
        %add3A_913 = arith.addf %add3A_885, %get3A_912 : vector<16xf32>
        %add3A_914 = arith.constant 28 : i32
        %add3A_915 = arith.addi %mul3A_128, %add3A_914 : i32
        %get3A_916 = arith.index_cast %add3A_915 : i32 to index
        %get3A_917 = arith.constant 32 : index
        %get3A_918 = tpu.vector_load %arg9[%get3A_916, %get3A_917] {strides = array<i32>} : memref<288x64xf32, #tpu.memory_space<vmem>>, vector<1x16xf32>,
        %get3A_919 = vector.shape_cast %get3A_918 : vector<1x16xf32> to vector<16xf32>
        %add3A_920 = arith.addf %add3A_892, %get3A_919 : vector<16xf32>
        %add3A_921 = arith.constant 28 : i32
        %add3A_922 = arith.addi %mul3A_128, %add3A_921 : i32
        %get3A_923 = arith.index_cast %add3A_922 : i32 to index
        %get3A_924 = arith.constant 48 : index
        %get3A_925 = tpu.vector_load %arg9[%get3A_923, %get3A_924] {strides = array<i32>} : memref<288x64xf32, #tpu.memory_space<vmem>>, vector<1x16xf32>,
        %get3A_926 = vector.shape_cast %get3A_925 : vector<1x16xf32> to vector<16xf32>
        %add3A_927 = arith.addf %add3A_899, %get3A_926 : vector<16xf32>
        %add3A_928 = arith.constant 29 : i32
        %add3A_929 = arith.addi %mul3A_128, %add3A_928 : i32
        %get3A_930 = arith.index_cast %add3A_929 : i32 to index
        %get3A_931 = arith.constant 0 : index
        %get3A_932 = tpu.vector_load %arg9[%get3A_930, %get3A_931] {strides = array<i32>} : memref<288x64xf32, #tpu.memory_space<vmem>>, vector<1x16xf32>,
        %get3A_933 = vector.shape_cast %get3A_932 : vector<1x16xf32> to vector<16xf32>
        %add3A_934 = arith.addf %add3A_906, %get3A_933 : vector<16xf32>
        %add3A_935 = arith.constant 29 : i32
        %add3A_936 = arith.addi %mul3A_128, %add3A_935 : i32
        %get3A_937 = arith.index_cast %add3A_936 : i32 to index
        %get3A_938 = arith.constant 16 : index
        %get3A_939 = tpu.vector_load %arg9[%get3A_937, %get3A_938] {strides = array<i32>} : memref<288x64xf32, #tpu.memory_space<vmem>>, vector<1x16xf32>,
        %get3A_940 = vector.shape_cast %get3A_939 : vector<1x16xf32> to vector<16xf32>
        %add3A_941 = arith.addf %add3A_913, %get3A_940 : vector<16xf32>
        %add3A_942 = arith.constant 29 : i32
        %add3A_943 = arith.addi %mul3A_128, %add3A_942 : i32
        %get3A_944 = arith.index_cast %add3A_943 : i32 to index
        %get3A_945 = arith.constant 32 : index
        %get3A_946 = tpu.vector_load %arg9[%get3A_944, %get3A_945] {strides = array<i32>} : memref<288x64xf32, #tpu.memory_space<vmem>>, vector<1x16xf32>,
        %get3A_947 = vector.shape_cast %get3A_946 : vector<1x16xf32> to vector<16xf32>
        %add3A_948 = arith.addf %add3A_920, %get3A_947 : vector<16xf32>
        %add3A_949 = arith.constant 29 : i32
        %add3A_950 = arith.addi %mul3A_128, %add3A_949 : i32
        %get3A_951 = arith.index_cast %add3A_950 : i32 to index
        %get3A_952 = arith.constant 48 : index
        %get3A_953 = tpu.vector_load %arg9[%get3A_951, %get3A_952] {strides = array<i32>} : memref<288x64xf32, #tpu.memory_space<vmem>>, vector<1x16xf32>,
        %get3A_954 = vector.shape_cast %get3A_953 : vector<1x16xf32> to vector<16xf32>
        %add3A_955 = arith.addf %add3A_927, %get3A_954 : vector<16xf32>
        %add3A_956 = arith.constant 30 : i32
        %add3A_957 = arith.addi %mul3A_128, %add3A_956 : i32
        %get3A_958 = arith.index_cast %add3A_957 : i32 to index
        %get3A_959 = arith.constant 0 : index
        %get3A_960 = tpu.vector_load %arg9[%get3A_958, %get3A_959] {strides = array<i32>} : memref<288x64xf32, #tpu.memory_space<vmem>>, vector<1x16xf32>,
        %get3A_961 = vector.shape_cast %get3A_960 : vector<1x16xf32> to vector<16xf32>
        %add3A_962 = arith.addf %add3A_934, %get3A_961 : vector<16xf32>
        %add3A_963 = arith.constant 30 : i32
        %add3A_964 = arith.addi %mul3A_128, %add3A_963 : i32
        %get3A_965 = arith.index_cast %add3A_964 : i32 to index
        %get3A_966 = arith.constant 16 : index
        %get3A_967 = tpu.vector_load %arg9[%get3A_965, %get3A_966] {strides = array<i32>} : memref<288x64xf32, #tpu.memory_space<vmem>>, vector<1x16xf32>,
        %get3A_968 = vector.shape_cast %get3A_967 : vector<1x16xf32> to vector<16xf32>
        %add3A_969 = arith.addf %add3A_941, %get3A_968 : vector<16xf32>
        %add3A_970 = arith.constant 30 : i32
        %add3A_971 = arith.addi %mul3A_128, %add3A_970 : i32
        %get3A_972 = arith.index_cast %add3A_971 : i32 to index
        %get3A_973 = arith.constant 32 : index
        %get3A_974 = tpu.vector_load %arg9[%get3A_972, %get3A_973] {strides = array<i32>} : memref<288x64xf32, #tpu.memory_space<vmem>>, vector<1x16xf32>,
        %get3A_975 = vector.shape_cast %get3A_974 : vector<1x16xf32> to vector<16xf32>
        %add3A_976 = arith.addf %add3A_948, %get3A_975 : vector<16xf32>
        %add3A_977 = arith.constant 30 : i32
        %add3A_978 = arith.addi %mul3A_128, %add3A_977 : i32
        %get3A_979 = arith.index_cast %add3A_978 : i32 to index
        %get3A_980 = arith.constant 48 : index
        %get3A_981 = tpu.vector_load %arg9[%get3A_979, %get3A_980] {strides = array<i32>} : memref<288x64xf32, #tpu.memory_space<vmem>>, vector<1x16xf32>,
        %get3A_982 = vector.shape_cast %get3A_981 : vector<1x16xf32> to vector<16xf32>
        %add3A_983 = arith.addf %add3A_955, %get3A_982 : vector<16xf32>
        %add3A_984 = arith.constant 31 : i32
        %add3A_985 = arith.addi %mul3A_128, %add3A_984 : i32
        %get3A_986 = arith.index_cast %add3A_985 : i32 to index
        %get3A_987 = arith.constant 0 : index
        %get3A_988 = tpu.vector_load %arg9[%get3A_986, %get3A_987] {strides = array<i32>} : memref<288x64xf32, #tpu.memory_space<vmem>>, vector<1x16xf32>,
        %get3A_989 = vector.shape_cast %get3A_988 : vector<1x16xf32> to vector<16xf32>
        %add3A_990 = arith.addf %add3A_962, %get3A_989 : vector<16xf32>
        %add3A_991 = arith.constant 31 : i32
        %add3A_992 = arith.addi %mul3A_128, %add3A_991 : i32
        %get3A_993 = arith.index_cast %add3A_992 : i32 to index
        %get3A_994 = arith.constant 16 : index
        %get3A_995 = tpu.vector_load %arg9[%get3A_993, %get3A_994] {strides = array<i32>} : memref<288x64xf32, #tpu.memory_space<vmem>>, vector<1x16xf32>,
        %get3A_996 = vector.shape_cast %get3A_995 : vector<1x16xf32> to vector<16xf32>
        %add3A_997 = arith.addf %add3A_969, %get3A_996 : vector<16xf32>
        %add3A_998 = arith.constant 31 : i32
        %add3A_999 = arith.addi %mul3A_128, %add3A_998 : i32
        %get3A_1000 = arith.index_cast %add3A_999 : i32 to index
        %get3A_1001 = arith.constant 32 : index
        %get3A_1002 = tpu.vector_load %arg9[%get3A_1000, %get3A_1001] {strides = array<i32>} : memref<288x64xf32, #tpu.memory_space<vmem>>, vector<1x16xf32>,
        %get3A_1003 = vector.shape_cast %get3A_1002 : vector<1x16xf32> to vector<16xf32>
        %add3A_1004 = arith.addf %add3A_976, %get3A_1003 : vector<16xf32>
        %add3A_1005 = arith.constant 31 : i32
        %add3A_1006 = arith.addi %mul3A_128, %add3A_1005 : i32
        %get3A_1007 = arith.index_cast %add3A_1006 : i32 to index
        %get3A_1008 = arith.constant 48 : index
        %get3A_1009 = tpu.vector_load %arg9[%get3A_1007, %get3A_1008] {strides = array<i32>} : memref<288x64xf32, #tpu.memory_space<vmem>>, vector<1x16xf32>,
        %get3A_1010 = vector.shape_cast %get3A_1009 : vector<1x16xf32> to vector<16xf32>
        %add3A_1011 = arith.addf %add3A_983, %get3A_1010 : vector<16xf32>
        %add3A_1012 = arith.constant 32 : i32
        %add3A_1013 = arith.addi %mul3A_128, %add3A_1012 : i32
        %get3A_1014 = arith.index_cast %add3A_1013 : i32 to index
        %get3A_1015 = arith.constant 0 : index
        %get3A_1016 = tpu.vector_load %arg9[%get3A_1014, %get3A_1015] {strides = array<i32>} : memref<288x64xf32, #tpu.memory_space<vmem>>, vector<1x16xf32>,
        %get3A_1017 = vector.shape_cast %get3A_1016 : vector<1x16xf32> to vector<16xf32>
        %add3A_1018 = arith.addf %add3A_990, %get3A_1017 : vector<16xf32>
        %add3A_1019 = arith.constant 32 : i32
        %add3A_1020 = arith.addi %mul3A_128, %add3A_1019 : i32
        %get3A_1021 = arith.index_cast %add3A_1020 : i32 to index
        %get3A_1022 = arith.constant 16 : index
        %get3A_1023 = tpu.vector_load %arg9[%get3A_1021, %get3A_1022] {strides = array<i32>} : memref<288x64xf32, #tpu.memory_space<vmem>>, vector<1x16xf32>,
        %get3A_1024 = vector.shape_cast %get3A_1023 : vector<1x16xf32> to vector<16xf32>
        %add3A_1025 = arith.addf %add3A_997, %get3A_1024 : vector<16xf32>
        %add3A_1026 = arith.constant 32 : i32
        %add3A_1027 = arith.addi %mul3A_128, %add3A_1026 : i32
        %get3A_1028 = arith.index_cast %add3A_1027 : i32 to index
        %get3A_1029 = arith.constant 32 : index
        %get3A_1030 = tpu.vector_load %arg9[%get3A_1028, %get3A_1029] {strides = array<i32>} : memref<288x64xf32, #tpu.memory_space<vmem>>, vector<1x16xf32>,
        %get3A_1031 = vector.shape_cast %get3A_1030 : vector<1x16xf32> to vector<16xf32>
        %add3A_1032 = arith.addf %add3A_1004, %get3A_1031 : vector<16xf32>
        %add3A_1033 = arith.constant 32 : i32
        %add3A_1034 = arith.addi %mul3A_128, %add3A_1033 : i32
        %get3A_1035 = arith.index_cast %add3A_1034 : i32 to index
        %get3A_1036 = arith.constant 48 : index
        %get3A_1037 = tpu.vector_load %arg9[%get3A_1035, %get3A_1036] {strides = array<i32>} : memref<288x64xf32, #tpu.memory_space<vmem>>, vector<1x16xf32>,
        %get3A_1038 = vector.shape_cast %get3A_1037 : vector<1x16xf32> to vector<16xf32>
        %add3A_1039 = arith.addf %add3A_1011, %get3A_1038 : vector<16xf32>
        %add3A_1040 = arith.constant 33 : i32
        %add3A_1041 = arith.addi %mul3A_128, %add3A_1040 : i32
        %get3A_1042 = arith.index_cast %add3A_1041 : i32 to index
        %get3A_1043 = arith.constant 0 : index
        %get3A_1044 = tpu.vector_load %arg9[%get3A_1042, %get3A_1043] {strides = array<i32>} : memref<288x64xf32, #tpu.memory_space<vmem>>, vector<1x16xf32>,
        %get3A_1045 = vector.shape_cast %get3A_1044 : vector<1x16xf32> to vector<16xf32>
        %add3A_1046 = arith.addf %add3A_1018, %get3A_1045 : vector<16xf32>
        %add3A_1047 = arith.constant 33 : i32
        %add3A_1048 = arith.addi %mul3A_128, %add3A_1047 : i32
        %get3A_1049 = arith.index_cast %add3A_1048 : i32 to index
        %get3A_1050 = arith.constant 16 : index
        %get3A_1051 = tpu.vector_load %arg9[%get3A_1049, %get3A_1050] {strides = array<i32>} : memref<288x64xf32, #tpu.memory_space<vmem>>, vector<1x16xf32>,
        %get3A_1052 = vector.shape_cast %get3A_1051 : vector<1x16xf32> to vector<16xf32>
        %add3A_1053 = arith.addf %add3A_1025, %get3A_1052 : vector<16xf32>
        %add3A_1054 = arith.constant 33 : i32
        %add3A_1055 = arith.addi %mul3A_128, %add3A_1054 : i32
        %get3A_1056 = arith.index_cast %add3A_1055 : i32 to index
        %get3A_1057 = arith.constant 32 : index
        %get3A_1058 = tpu.vector_load %arg9[%get3A_1056, %get3A_1057] {strides = array<i32>} : memref<288x64xf32, #tpu.memory_space<vmem>>, vector<1x16xf32>,
        %get3A_1059 = vector.shape_cast %get3A_1058 : vector<1x16xf32> to vector<16xf32>
        %add3A_1060 = arith.addf %add3A_1032, %get3A_1059 : vector<16xf32>
        %add3A_1061 = arith.constant 33 : i32
        %add3A_1062 = arith.addi %mul3A_128, %add3A_1061 : i32
        %get3A_1063 = arith.index_cast %add3A_1062 : i32 to index
        %get3A_1064 = arith.constant 48 : index
        %get3A_1065 = tpu.vector_load %arg9[%get3A_1063, %get3A_1064] {strides = array<i32>} : memref<288x64xf32, #tpu.memory_space<vmem>>, vector<1x16xf32>,
        %get3A_1066 = vector.shape_cast %get3A_1065 : vector<1x16xf32> to vector<16xf32>
        %add3A_1067 = arith.addf %add3A_1039, %get3A_1066 : vector<16xf32>
        %add3A_1068 = arith.constant 34 : i32
        %add3A_1069 = arith.addi %mul3A_128, %add3A_1068 : i32
        %get3A_1070 = arith.index_cast %add3A_1069 : i32 to index
        %get3A_1071 = arith.constant 0 : index
        %get3A_1072 = tpu.vector_load %arg9[%get3A_1070, %get3A_1071] {strides = array<i32>} : memref<288x64xf32, #tpu.memory_space<vmem>>, vector<1x16xf32>,
        %get3A_1073 = vector.shape_cast %get3A_1072 : vector<1x16xf32> to vector<16xf32>
        %add3A_1074 = arith.addf %add3A_1046, %get3A_1073 : vector<16xf32>
        %add3A_1075 = arith.constant 34 : i32
        %add3A_1076 = arith.addi %mul3A_128, %add3A_1075 : i32
        %get3A_1077 = arith.index_cast %add3A_1076 : i32 to index
        %get3A_1078 = arith.constant 16 : index
        %get3A_1079 = tpu.vector_load %arg9[%get3A_1077, %get3A_1078] {strides = array<i32>} : memref<288x64xf32, #tpu.memory_space<vmem>>, vector<1x16xf32>,
        %get3A_1080 = vector.shape_cast %get3A_1079 : vector<1x16xf32> to vector<16xf32>
        %add3A_1081 = arith.addf %add3A_1053, %get3A_1080 : vector<16xf32>
        %add3A_1082 = arith.constant 34 : i32
        %add3A_1083 = arith.addi %mul3A_128, %add3A_1082 : i32
        %get3A_1084 = arith.index_cast %add3A_1083 : i32 to index
        %get3A_1085 = arith.constant 32 : index
        %get3A_1086 = tpu.vector_load %arg9[%get3A_1084, %get3A_1085] {strides = array<i32>} : memref<288x64xf32, #tpu.memory_space<vmem>>, vector<1x16xf32>,
        %get3A_1087 = vector.shape_cast %get3A_1086 : vector<1x16xf32> to vector<16xf32>
        %add3A_1088 = arith.addf %add3A_1060, %get3A_1087 : vector<16xf32>
        %add3A_1089 = arith.constant 34 : i32
        %add3A_1090 = arith.addi %mul3A_128, %add3A_1089 : i32
        %get3A_1091 = arith.index_cast %add3A_1090 : i32 to index
        %get3A_1092 = arith.constant 48 : index
        %get3A_1093 = tpu.vector_load %arg9[%get3A_1091, %get3A_1092] {strides = array<i32>} : memref<288x64xf32, #tpu.memory_space<vmem>>, vector<1x16xf32>,
        %get3A_1094 = vector.shape_cast %get3A_1093 : vector<1x16xf32> to vector<16xf32>
        %add3A_1095 = arith.addf %add3A_1067, %get3A_1094 : vector<16xf32>
        %add3A_1096 = arith.constant 35 : i32
        %add3A_1097 = arith.addi %mul3A_128, %add3A_1096 : i32
        %get3A_1098 = arith.index_cast %add3A_1097 : i32 to index
        %get3A_1099 = arith.constant 0 : index
        %get3A_1100 = tpu.vector_load %arg9[%get3A_1098, %get3A_1099] {strides = array<i32>} : memref<288x64xf32, #tpu.memory_space<vmem>>, vector<1x16xf32>,
        %get3A_1101 = vector.shape_cast %get3A_1100 : vector<1x16xf32> to vector<16xf32>
        %add3A_1102 = arith.addf %add3A_1074, %get3A_1101 : vector<16xf32>
        %add3A_1103 = arith.constant 35 : i32
        %add3A_1104 = arith.addi %mul3A_128, %add3A_1103 : i32
        %get3A_1105 = arith.index_cast %add3A_1104 : i32 to index
        %get3A_1106 = arith.constant 16 : index
        %get3A_1107 = tpu.vector_load %arg9[%get3A_1105, %get3A_1106] {strides = array<i32>} : memref<288x64xf32, #tpu.memory_space<vmem>>, vector<1x16xf32>,
        %get3A_1108 = vector.shape_cast %get3A_1107 : vector<1x16xf32> to vector<16xf32>
        %add3A_1109 = arith.addf %add3A_1081, %get3A_1108 : vector<16xf32>
        %add3A_1110 = arith.constant 35 : i32
        %add3A_1111 = arith.addi %mul3A_128, %add3A_1110 : i32
        %get3A_1112 = arith.index_cast %add3A_1111 : i32 to index
        %get3A_1113 = arith.constant 32 : index
        %get3A_1114 = tpu.vector_load %arg9[%get3A_1112, %get3A_1113] {strides = array<i32>} : memref<288x64xf32, #tpu.memory_space<vmem>>, vector<1x16xf32>,
        %get3A_1115 = vector.shape_cast %get3A_1114 : vector<1x16xf32> to vector<16xf32>
        %add3A_1116 = arith.addf %add3A_1088, %get3A_1115 : vector<16xf32>
        %add3A_1117 = arith.constant 35 : i32
        %add3A_1118 = arith.addi %mul3A_128, %add3A_1117 : i32
        %get3A_1119 = arith.index_cast %add3A_1118 : i32 to index
        %get3A_1120 = arith.constant 48 : index
        %get3A_1121 = tpu.vector_load %arg9[%get3A_1119, %get3A_1120] {strides = array<i32>} : memref<288x64xf32, #tpu.memory_space<vmem>>, vector<1x16xf32>,
        %get3A_1122 = vector.shape_cast %get3A_1121 : vector<1x16xf32> to vector<16xf32>
        %add3A_1123 = arith.addf %add3A_1095, %get3A_1122 : vector<16xf32>
        %swap3A = arith.index_cast %scan3A_126 : i32 to index
        %swap3A_1124 = arith.constant 0 : index
        %swap3A_1125 = tpu.vector_load %arg13[%swap3A, %swap3A_1124] {strides = array<i32>} : memref<8x64xf32, #tpu.memory_space<vmem>>, vector<1x16xf32>,
        %swap3A_1126 = vector.shape_cast %swap3A_1125 : vector<1x16xf32> to vector<16xf32>
        %swap3A_1127 = vector.shape_cast %add3A_1102 : vector<16xf32> to vector<1x16xf32>
        tpu.vector_store %arg13[%swap3A, %swap3A_1124], %swap3A_1127 {strides = array<i32>} : memref<8x64xf32, #tpu.memory_space<vmem>>, vector<1x16xf32>,
        %swap3A_1128 = arith.index_cast %scan3A_126 : i32 to index
        %swap3A_1129 = arith.constant 16 : index
        %swap3A_1130 = tpu.vector_load %arg13[%swap3A_1128, %swap3A_1129] {strides = array<i32>} : memref<8x64xf32, #tpu.memory_space<vmem>>, vector<1x16xf32>,
        %swap3A_1131 = vector.shape_cast %swap3A_1130 : vector<1x16xf32> to vector<16xf32>
        %swap3A_1132 = vector.shape_cast %add3A_1109 : vector<16xf32> to vector<1x16xf32>
        tpu.vector_store %arg13[%swap3A_1128, %swap3A_1129], %swap3A_1132 {strides = array<i32>} : memref<8x64xf32, #tpu.memory_space<vmem>>, vector<1x16xf32>,
        %swap3A_1133 = arith.index_cast %scan3A_126 : i32 to index
        %swap3A_1134 = arith.constant 32 : index
        %swap3A_1135 = tpu.vector_load %arg13[%swap3A_1133, %swap3A_1134] {strides = array<i32>} : memref<8x64xf32, #tpu.memory_space<vmem>>, vector<1x16xf32>,
        %swap3A_1136 = vector.shape_cast %swap3A_1135 : vector<1x16xf32> to vector<16xf32>
        %swap3A_1137 = vector.shape_cast %add3A_1116 : vector<16xf32> to vector<1x16xf32>
        tpu.vector_store %arg13[%swap3A_1133, %swap3A_1134], %swap3A_1137 {strides = array<i32>} : memref<8x64xf32, #tpu.memory_space<vmem>>, vector<1x16xf32>,
        %swap3A_1138 = arith.index_cast %scan3A_126 : i32 to index
        %swap3A_1139 = arith.constant 48 : index
        %swap3A_1140 = tpu.vector_load %arg13[%swap3A_1138, %swap3A_1139] {strides = array<i32>} : memref<8x64xf32, #tpu.memory_space<vmem>>, vector<1x16xf32>,
        %swap3A_1141 = vector.shape_cast %swap3A_1140 : vector<1x16xf32> to vector<16xf32>
        %swap3A_1142 = vector.shape_cast %add3A_1123 : vector<16xf32> to vector<1x16xf32>
        tpu.vector_store %arg13[%swap3A_1138, %swap3A_1139], %swap3A_1142 {strides = array<i32>} : memref<8x64xf32, #tpu.memory_space<vmem>>, vector<1x16xf32>,
      }
      %scan3A_122 = arith.constant 8 : i32
      %mul3A_123 = arith.constant 8 : i32
      %mul3A_124 = arith.muli %add3A_101, %mul3A_123 : i32
      %add3A_125 = arith.addi %mul3A_2, %mul3A_124 : i32
      "tpu.region"() ({
        %run_scoped3A = tpu.sem_alloc : memref<!tpu.dma_semaphore, #tpu.memory_space<semaphore_mem>>
        %dma_start3A_126 = arith.constant 0 : i32
        %dma_start3A_127 = tpu.memref_slice %arg4[%add3A_125, %dma_start3A_126] : memref<16384x64xf32, #tpu.memory_space<hbm>> -> memref<8x64xf32, #tpu.memory_space<hbm>>
        %dma_start3A_128 = arith.constant 0 : i32
        %dma_start3A_129 = tpu.memref_slice %arg4[%add3A_125, %dma_start3A_128] : memref<16384x64xf32, #tpu.memory_space<hbm>> -> memref<8x64xf32, #tpu.memory_space<hbm>>
        tpu.enqueue_dma source(%arg13 : memref<8x64xf32, #tpu.memory_space<vmem>>) target(%dma_start3A_129 : memref<8x64xf32, #tpu.memory_space<hbm>>) target_semaphore(%run_scoped3A : memref<!tpu.dma_semaphore, #tpu.memory_space<semaphore_mem>>)
        %dma_wait3A_130 = arith.constant 0 : i32
        %dma_wait3A_131 = tpu.memref_slice %arg4[%add3A_125, %dma_wait3A_130] : memref<16384x64xf32, #tpu.memory_space<hbm>> -> memref<8x64xf32, #tpu.memory_space<hbm>>
        %dma_wait3A_132 = arith.constant 0 : i32
        %dma_wait3A_133 = tpu.memref_slice %arg4[%add3A_125, %dma_wait3A_132] : memref<16384x64xf32, #tpu.memory_space<hbm>> -> memref<8x64xf32, #tpu.memory_space<hbm>>
        tpu.wait_dma2 semaphore(%run_scoped3A : memref<!tpu.dma_semaphore, #tpu.memory_space<semaphore_mem>>) src(%arg13 : memref<8x64xf32, #tpu.memory_space<vmem>>) dst(%dma_wait3A_133 : memref<8x64xf32, #tpu.memory_space<hbm>>)
        tpu.yield
      }) : () -> ()
    }
    %scan3A_23 = arith.constant 16 : i32
    return
  }
}

module attributes {stable_mosaic.version = 14 : i64} {
  func.func @_table_body(%arg0: memref<12x8x8x64xf32, #tpu.memory_space<vmem>>, %arg1: memref<1x8x8x64xf32, #tpu.memory_space<vmem>>, %arg2: memref<12x1x1x64xf32, #tpu.memory_space<vmem>>, %arg3: memref<1x8x1x64xf32, #tpu.memory_space<vmem>>, %arg4: memref<1x1x8x64xf32, #tpu.memory_space<vmem>>, %arg5: memref<1x1x1x64xf32, #tpu.memory_space<vmem>>, %arg6: memref<12x8x8x64xf32, #tpu.memory_space<vmem>>) attributes {dimension_semantics = [], scalar_prefetch = 0 : i64, scratch_operands = 0 : i64, tpu.core_type = #tpu.core_type<tc>} {
    %iota3A = tpu.iota {dimensions = array<i32: 0>} : vector<12x8x8x64xi32>
    %iota3A_0 = tpu.iota {dimensions = array<i32: 1>} : vector<12x8x8x64xi32>
    %iota3A_1 = tpu.iota {dimensions = array<i32: 2>} : vector<12x8x8x64xi32>
    %jit3A = arith.constant 6 : i32
    %eq3A = arith.constant 0 : i32
    %eq3A_2 = arith.cmpi eq, %jit3A, %eq3A : i32
    %jit3A_3 = arith.constant 1 : i32
    %select_n3A = arith.select %eq3A_2, %jit3A_3, %jit3A : i32
    %rem3A = vector.broadcast %select_n3A : i32 to vector<12x8x8x64xi32>
    %rem3A_4 = arith.remsi %iota3A, %rem3A : vector<12x8x8x64xi32>
    %ne3A = arith.constant 0 : i32
    %ne3A_5 = vector.broadcast %ne3A : i32 to vector<12x8x8x64xi32>
    %ne3A_6 = arith.cmpi ne, %rem3A_4, %ne3A_5 : vector<12x8x8x64xi32>
    %lt3A = arith.constant 0 : i32
    %lt3A_7 = vector.broadcast %lt3A : i32 to vector<12x8x8x64xi32>
    %lt3A_8 = arith.cmpi slt, %rem3A_4, %lt3A_7 : vector<12x8x8x64xi32>
    %lt3A_9 = arith.constant 0 : i32
    %lt3A_10 = arith.cmpi slt, %select_n3A, %lt3A_9 : i32
    %ne3A_11 = vector.broadcast %lt3A_10 : i1 to vector<12x8x8x64xi1>
    %ne3A_12 = vector.broadcast %ne3A_11 : vector<12x8x8x64xi1> to vector<12x8x8x64xi1>
    %ne3A_13 = arith.xori %lt3A_8, %ne3A_12 : vector<12x8x8x64xi1>
    %and3A = arith.andi %ne3A_13, %ne3A_6 : vector<12x8x8x64xi1>
    %add3A = vector.broadcast %select_n3A : i32 to vector<12x8x8x64xi32>
    %add3A_14 = arith.addi %rem3A_4, %add3A : vector<12x8x8x64xi32>
    %select_n3A_15 = arith.select %and3A, %add3A_14, %rem3A_4 : vector<12x8x8x64xi1>, vector<12x8x8x64xi32>
    %eq3A_16 = arith.constant 0 : i32
    %eq3A_17 = vector.broadcast %eq3A_16 : i32 to vector<12x8x8x64xi32>
    %eq3A_18 = arith.cmpi eq, %select_n3A_15, %eq3A_17 : vector<12x8x8x64xi32>
    %eq3A_19 = arith.constant 0 : i32
    %eq3A_20 = vector.broadcast %eq3A_19 : i32 to vector<12x8x8x64xi32>
    %eq3A_21 = arith.cmpi eq, %iota3A_0, %eq3A_20 : vector<12x8x8x64xi32>
    %eq3A_22 = arith.constant 7 : i32
    %eq3A_23 = vector.broadcast %eq3A_22 : i32 to vector<12x8x8x64xi32>
    %eq3A_24 = arith.cmpi eq, %iota3A_0, %eq3A_23 : vector<12x8x8x64xi32>
    %or3A = arith.ori %eq3A_21, %eq3A_24 : vector<12x8x8x64xi1>
    %and3A_25 = arith.andi %eq3A_18, %or3A : vector<12x8x8x64xi1>
    %add3A_26 = arith.addi %iota3A_0, %iota3A_1 : vector<12x8x8x64xi32>
    %jit3A_27 = arith.constant 2 : i32
    %eq3A_28 = arith.constant 0 : i32
    %eq3A_29 = arith.cmpi eq, %jit3A_27, %eq3A_28 : i32
    %jit3A_30 = arith.constant 1 : i32
    %select_n3A_31 = arith.select %eq3A_29, %jit3A_30, %jit3A_27 : i32
    %rem3A_32 = vector.broadcast %select_n3A_31 : i32 to vector<12x8x8x64xi32>
    %rem3A_33 = arith.remsi %add3A_26, %rem3A_32 : vector<12x8x8x64xi32>
    %ne3A_34 = arith.constant 0 : i32
    %ne3A_35 = vector.broadcast %ne3A_34 : i32 to vector<12x8x8x64xi32>
    %ne3A_36 = arith.cmpi ne, %rem3A_33, %ne3A_35 : vector<12x8x8x64xi32>
    %lt3A_37 = arith.constant 0 : i32
    %lt3A_38 = vector.broadcast %lt3A_37 : i32 to vector<12x8x8x64xi32>
    %lt3A_39 = arith.cmpi slt, %rem3A_33, %lt3A_38 : vector<12x8x8x64xi32>
    %lt3A_40 = arith.constant 0 : i32
    %lt3A_41 = arith.cmpi slt, %select_n3A_31, %lt3A_40 : i32
    %ne3A_42 = vector.broadcast %lt3A_41 : i1 to vector<12x8x8x64xi1>
    %ne3A_43 = vector.broadcast %ne3A_42 : vector<12x8x8x64xi1> to vector<12x8x8x64xi1>
    %ne3A_44 = arith.xori %lt3A_39, %ne3A_43 : vector<12x8x8x64xi1>
    %and3A_45 = arith.andi %ne3A_44, %ne3A_36 : vector<12x8x8x64xi1>
    %add3A_46 = vector.broadcast %select_n3A_31 : i32 to vector<12x8x8x64xi32>
    %add3A_47 = arith.addi %rem3A_33, %add3A_46 : vector<12x8x8x64xi32>
    %select_n3A_48 = arith.select %and3A_45, %add3A_47, %rem3A_33 : vector<12x8x8x64xi1>, vector<12x8x8x64xi32>
    %eq3A_49 = arith.constant 0 : i32
    %eq3A_50 = vector.broadcast %eq3A_49 : i32 to vector<12x8x8x64xi32>
    %eq3A_51 = arith.cmpi eq, %select_n3A_48, %eq3A_50 : vector<12x8x8x64xi32>
    %get3A = arith.constant 0 : index
    %get3A_52 = arith.constant 0 : index
    %get3A_53 = arith.constant 0 : index
    %get3A_54 = arith.constant 0 : index
    %get3A_55 = vector.load %arg1[%get3A, %get3A_52, %get3A_53, %get3A_54] : memref<1x8x8x64xf32, #tpu.memory_space<vmem>>, vector<1x8x8x64xf32>
    %get3A_56 = arith.constant 0 : index
    %get3A_57 = arith.constant 0 : index
    %get3A_58 = arith.constant 0 : index
    %get3A_59 = arith.constant 0 : index
    %get3A_60 = vector.load %arg2[%get3A_56, %get3A_57, %get3A_58, %get3A_59] : memref<12x1x1x64xf32, #tpu.memory_space<vmem>>, vector<12x1x1x64xf32>
    %add3A_61 = vector.broadcast %get3A_55 : vector<1x8x8x64xf32> to vector<12x8x8x64xf32>
    %add3A_62 = vector.broadcast %get3A_60 : vector<12x1x1x64xf32> to vector<12x8x8x64xf32>
    %add3A_63 = arith.addf %add3A_61, %add3A_62 : vector<12x8x8x64xf32>
    %get3A_64 = arith.constant 0 : index
    %get3A_65 = arith.constant 0 : index
    %get3A_66 = arith.constant 0 : index
    %get3A_67 = arith.constant 0 : index
    %get3A_68 = vector.load %arg3[%get3A_64, %get3A_65, %get3A_66, %get3A_67] : memref<1x8x1x64xf32, #tpu.memory_space<vmem>>, vector<1x8x1x64xf32>
    %add3A_69 = vector.broadcast %get3A_68 : vector<1x8x1x64xf32> to vector<12x8x8x64xf32>
    %add3A_70 = arith.addf %add3A_63, %add3A_69 : vector<12x8x8x64xf32>
    %get3A_71 = arith.constant 0 : index
    %get3A_72 = arith.constant 0 : index
    %get3A_73 = arith.constant 0 : index
    %get3A_74 = arith.constant 0 : index
    %get3A_75 = vector.load %arg4[%get3A_71, %get3A_72, %get3A_73, %get3A_74] : memref<1x1x8x64xf32, #tpu.memory_space<vmem>>, vector<1x1x8x64xf32>
    %add3A_76 = vector.broadcast %get3A_75 : vector<1x1x8x64xf32> to vector<12x8x8x64xf32>
    %add3A_77 = arith.addf %add3A_70, %add3A_76 : vector<12x8x8x64xf32>
    %get3A_78 = arith.constant 0 : index
    %get3A_79 = arith.constant 0 : index
    %get3A_80 = arith.constant 0 : index
    %get3A_81 = arith.constant 0 : index
    %get3A_82 = vector.load %arg5[%get3A_78, %get3A_79, %get3A_80, %get3A_81] : memref<1x1x1x64xf32, #tpu.memory_space<vmem>>, vector<1x1x1x64xf32>
    %jit3A_83 = arith.constant 0.000000e+00 : f32
    %broadcast_in_dim3A = vector.shape_cast %get3A_82 : vector<1x1x1x64xf32> to vector<1x1x1x64xf32>
    %broadcast_in_dim3A_84 = vector.broadcast %broadcast_in_dim3A : vector<1x1x1x64xf32> to vector<12x8x8x64xf32>
    %broadcast_in_dim3A_85 = vector.broadcast %jit3A_83 : f32 to vector<12x8x8x64xf32>
    %select_n3A_86 = arith.select %eq3A_51, %broadcast_in_dim3A_84, %broadcast_in_dim3A_85 : vector<12x8x8x64xi1>, vector<12x8x8x64xf32>
    %add3A_87 = arith.addf %add3A_77, %select_n3A_86 : vector<12x8x8x64xf32>
    %jit3A_88 = arith.constant 0.000000e+00 : f32
    %broadcast_in_dim3A_89 = vector.broadcast %jit3A_88 : f32 to vector<12x8x8x64xf32>
    %select_n3A_90 = arith.select %and3A_25, %broadcast_in_dim3A_89, %add3A_87 : vector<12x8x8x64xi1>, vector<12x8x8x64xf32>
    %get3A_91 = arith.constant 0 : index
    %get3A_92 = arith.constant 0 : index
    %get3A_93 = arith.constant 0 : index
    %get3A_94 = arith.constant 0 : index
    %get3A_95 = vector.load %arg0[%get3A_91, %get3A_92, %get3A_93, %get3A_94] : memref<12x8x8x64xf32, #tpu.memory_space<vmem>>, vector<12x8x8x64xf32>
    %add3A_96 = arith.addf %select_n3A_90, %get3A_95 : vector<12x8x8x64xf32>
    %swap3A = arith.constant 0 : index
    %swap3A_97 = arith.constant 0 : index
    %swap3A_98 = arith.constant 0 : index
    %swap3A_99 = arith.constant 0 : index
    %swap3A_100 = vector.load %arg6[%swap3A, %swap3A_97, %swap3A_98, %swap3A_99] : memref<12x8x8x64xf32, #tpu.memory_space<vmem>>, vector<12x8x8x64xf32>
    tpu.vector_store %arg6[%swap3A, %swap3A_97, %swap3A_98, %swap3A_99], %add3A_96 {strides = array<i32>} : memref<12x8x8x64xf32, #tpu.memory_space<vmem>>, vector<12x8x8x64xf32>,
    return
  }
}

</mosaic_0001>

<sc_bundles>
// kernel: kernel.4.cloned.1.call-start
scs
__scs_entry_jumppad:
0x0: {  	(pc) =	sbr.rel $0x88, $3  }
0x1: {  	(tag) =	ssettag $0x0;
	lr =	simm.s32 $0x1  }
0x2: {  	[smem:$0x3F9A] =	sst lr;
	_ =	strace $0xD0000000  }
0x3: {  	_ = 	snop  }
0x4: {  	_ = 	snop  }
0x5: {  	_ = 	snop  }
0x6: {  	_ = 	snop  }
0x7: {  	_ = 	snop  }
__scs_overlays_trampoline_lowered:
0x8: {  	[smem:$0x3FA9] =	sst s0  }
0x9: {  	[smem:$0x3FAA] =	sst s1  }
0xa: {  	[smem:$0x3FAB] =	sst s2  }
0xb: {  	[smem:$0x3FAC] =	sst s3  }
0xc: {  	[smem:$0x3FAD] =	sst s4  }
0xd: {  	[smem:$0x3FAE] =	sst s5  }
0xe: {  	[smem:$0x3FAF] =	sst s6  }
0xf: {  	[smem:$0x3FB0] =	sst s7  }
0x10: {  	[smem:$0x3FB1] =	sst s8  }
0x11: {  	[smem:$0x3FB2] =	sst s9;
	s0 =	simm.s32 @!p0 $0x0  }
0x12: {  	s1 =	sld [smem:$0x3F98];
	s0 =	simm.s32 @p0 $0x1  }
0x13: {  	[smem:$0x3FB3] =	sst s0;
	s0 =	simm.s32 @!p1 $0x0  }
0x14: {  	s2 =	sld [smem:$0x3F97];
	s0 =	simm.s32 @p1 $0x1  }
0x15: {  	[smem:$0x3FB4] =	sst s0;
	s0 =	simm.s32 @!p2 $0x0  }
0x16: {  	s3 =	sld [smem:$0x3FDB];
	s0 =	simm.s32 @p2 $0x1  }
0x17: {  	s4 =	simm.s32 $0x1BF5;
	[smem:$0x3FB6] =	sst s0  }
0x18: {  	s0 =	sld [smem:$0x3F99];
	_ =	swait.ge [sflag:s4], $0x0  }
0x19: {  	s7 =	sld [smem:$0x3F9A]  }
0x1a: {  	s8 =	sadd.s32 $0xFFFFE003, lr  }
0x1b: {  	s9 =	sadd.s32 $0xFFFFFEF7, lr;
	s5 =	simm.s32 $0xFFFFFFFF;
	p2 =	slt.u32 s8, $0xFFFFF086  }
0x1c: {  	p1 =	slt.u32 s9, $0xF7A;
	s5 =	simm.s32 @!p2 $0x0  }
0x1d: {  	s5 =	simm.s32 @p1 $0x1;
	p0 =	seq.s32 s7, s2  }
0x1e: {  	s7 =	smul.u32 @!p0 $0xF7A, s2;
	p2 =	seq.s32 @!p0 s5, $0x0  }
0x1f: {  	s9 =	smul.u32 $0xF7A, s1;
	s8 =	simm.s32 @!p0 $0x1BF5;
	p2 =	por !p2, p0  }
0x20: {  	[sflag:s8] =	ssyncset.s32 @!p0 $0xFFFFF086;
	s6 =	sadd.s32 @!p0 s3, s7;
	s7 =	simm.s32 @!p0 $0x108  }
0x21: {  	s3 =	sadd.s32 s3, s9;
	s6 =	sadd.s32 @!p0 $0x88, s6;
	s7 =	simm.s32 @p2 $0x1082  }
0x22: {  	[simem:s7], [sflag:s8] =	dma.local @!p0 [hbm:s6], $0xF7A  }
0x23: {  	s9 =	sor.u32 $0xD0000000, s2;
	s6 =	simm.s32 $0x108;
	_ =	swait.ge @!p0 [sflag:s8], $0x0  }
0x24: {  	s3 =	sadd.s32 $0x88, s3;
	s6 =	simm.s32 @!p1 $0x1082;
	[sflag:s4] =	ssyncset.s32 $0xFFFFF086  }
0x25: {  	[simem:s6], [sflag:s4] =	dma.local [hbm:s3], $0xF7A  }
0x26: {  	[smem:$0x3F9A] =	sst s1;
	(tag) =	ssettag s2;
	_ =	strace s9  }
0x27: {  	s1 =	sld [smem:$0x3FAA]  }
0x28: {  	s2 =	sld [smem:$0x3FAB]  }
0x29: {  	s4 =	sld [smem:$0x3FAD]  }
0x2a: {  	p0 =	seq.s32 s5, $0x0;
	s5 =	sld [smem:$0x3FAE]  }
0x2b: {  	s6 =	sld [smem:$0x3FAF]  }
0x2c: {  	s7 =	sld [smem:$0x3FB0]  }
0x2d: {  	s3 =	simm.s32 $0x108;
	s8 =	sld [smem:$0x3FB1]  }
0x2e: {  	s3 =	simm.s32 @!p0 $0x1082;
	s9 =	sld [smem:$0x3FB2]  }
0x2f: {  	lr =	sadd.s32 s0, s3;
	s0 =	sld [smem:$0x3FA9]  }
0x30: {  	s3 =	sld [smem:$0x3FAC]  }
0x31: {  	[smem:$0x3FB5] =	sst s10  }
0x32: {  	s10 =	sld [smem:$0x3FB3];
	_ =	sdelay $0x3  }
0x33: {  	p0 =	seq.s32 s10, $0x1;
	s10 =	sld [smem:$0x3FB5];
	_ =	sdelay $0x3  }
0x34: {  	[smem:$0x3FB5] =	sst s10  }
0x35: {  	s10 =	sld [smem:$0x3FB4];
	_ =	sdelay $0x3  }
0x36: {  	p1 =	seq.s32 s10, $0x1;
	s10 =	sld [smem:$0x3FB5];
	_ =	sdelay $0x3  }
0x37: {  	[smem:$0x3FB5] =	sst s10  }
0x38: {  	s10 =	sld [smem:$0x3FB6]  }
0x39: {  	_ = 	snop;
	(pc) =	sbr.ind lr, $3  }
0x3a: {  	_ = 	snop  }
0x3b: {  	_ = 	snop  }
0x3c: {  	p2 =	seq.s32 s10, $0x1;
	s10 =	sld [smem:$0x3FB5]  }
0x3d: {  	_ =	shalt  }
0x3e: {  	_ =	shalt  }
0x3f: {  	_ =	shalt  }
0x40: {  	_ =	shalt  }
0x41: {  	_ =	shalt  }
0x42: {  	_ =	shalt  }
0x43: {  	_ =	shalt  }
0x44: {  	_ =	shalt  }
0x45: {  	_ =	shalt  }
0x46: {  	_ =	shalt  }
0x47: {  	_ =	shalt  }
0x48: {  	_ =	shalt  }
0x49: {  	_ =	shalt  }
0x4a: {  	_ =	shalt  }
0x4b: {  	_ =	shalt  }
0x4c: {  	_ =	shalt  }
0x4d: {  	_ =	shalt  }
0x4e: {  	_ =	shalt  }
0x4f: {  	_ =	shalt  }
0x50: {  	_ =	shalt  }
0x51: {  	_ =	shalt  }
0x52: {  	_ =	shalt  }
0x53: {  	_ =	shalt  }
0x54: {  	_ =	shalt  }
0x55: {  	_ =	shalt  }
0x56: {  	_ =	shalt  }
0x57: {  	_ =	shalt  }
0x58: {  	_ =	shalt  }
0x59: {  	_ =	shalt  }
0x5a: {  	_ =	shalt  }
0x5b: {  	_ =	shalt  }
0x5c: {  	_ =	shalt  }
0x5d: {  	_ =	shalt  }
0x5e: {  	_ =	shalt  }
0x5f: {  	_ =	shalt  }
0x60: {  	_ =	shalt  }
0x61: {  	_ =	shalt  }
0x62: {  	_ =	shalt  }
0x63: {  	_ =	shalt  }
0x64: {  	_ =	shalt  }
0x65: {  	_ =	shalt  }
0x66: {  	_ =	shalt  }
0x67: {  	_ =	shalt  }
0x68: {  	_ =	shalt  }
0x69: {  	_ =	shalt  }
0x6a: {  	_ =	shalt  }
0x6b: {  	_ =	shalt  }
0x6c: {  	_ =	shalt  }
0x6d: {  	_ =	shalt  }
0x6e: {  	_ =	shalt  }
0x6f: {  	_ =	shalt  }
0x70: {  	_ =	shalt  }
0x71: {  	_ =	shalt  }
0x72: {  	_ =	shalt  }
0x73: {  	_ =	shalt  }
0x74: {  	_ =	shalt  }
0x75: {  	_ =	shalt  }
0x76: {  	_ =	shalt  }
0x77: {  	_ =	shalt  }
0x78: {  	_ =	shalt  }
0x79: {  	_ =	shalt  }
0x7a: {  	_ =	shalt  }
0x7b: {  	_ =	shalt  }
0x7c: {  	_ =	shalt  }
0x7d: {  	_ =	shalt  }
0x7e: {  	_ =	shalt  }
0x7f: {  	_ =	shalt  }
0x80: {  	_ =	shalt  }
0x81: {  	_ =	shalt  }
0x82: {  	_ =	shalt  }
0x83: {  	_ =	shalt  }
0x84: {  	_ =	shalt  }
0x85: {  	_ =	shalt  }
0x86: {  	_ =	shalt  }
0x87: {  	_ =	shalt  }
.Lfunc_end0:
.L_simem_size_0:
called_computation_lowered:
.L_overlay_start_0:
0x88: {  	s2 =	sld [smem:$0x3FD9]  }
0x89: {  	s3 =	sld [smem:$0x3FFE];
	_ =	sdelay $0x1  }
0x8a: {  	s1 =	srdreg.scid  }
0x8b: {  	s0 =	sand.u32 $0x1, s1  }
0x8c: {  	s17 =	sshll.u32 s0, $0xA;
	s2 =	sadd.s32 s3, s2  }
0x8d: {  	s2 =	sadd.s32 s2, s17  }
0x8e: {  	[smem:$0x3FC1] =	sst s2  }
0x8f: {  	_ = 	snop  }
0x90: {  	s2 =	sld [smem:$0x3FD0];
	(tm) =	ssettm $0x1  }
0x91: {  	s18 =	sld [smem:$0x3FFB];
	_ =	sdelay $0x3  }
0x92: {  	_ =	strace s18  }
0x93: {  	s3 =	sld [smem:$0x3FFC];
	_ =	sdelay $0x3  }
0x94: {  	_ =	strace s3  }
0x95: {  	s3 =	sld [smem:$0x3FFD];
	_ =	sdelay $0x3  }
0x96: {  	_ =	strace s3  }
0x97: {  	_ =	strace $0x8FFFFFFF  }
0x98: {  	s19 =	sld [smem:$0x3FDB];
	_ =	sdelay $0x1  }
0x99: {  	s4 =	simm.s32 $_scs_section_size  }
0x9a: {  	s5 =	simm.s32 $_size__tile_overlayer_lowered;
	s6 =	simm.s32 $_tile_overlayer_lowered  }
0x9b: {  	s22 =	simm.s32 $0x1BFF;
	s21 =	sshll.u32 s6, $0x1;
	s3 =	sadd.s32 s4, s19  }
0x9c: {  	s7 =	simm.s32 $0x0;
	s20 =	sshll.u32 s5, $0x1;
	s5 =	sadd.s32 s21, s3  }
0x9d: {  	[timem:s7], [sflag:s22] =	dma.local [hbm:s5], s20  }
0x9e: {  	_ =	swait.ge [sflag:s22], s20  }
0x9f: {  	s4 =	ssub.s32 $0x0, s20;
	[sflag:s22] =	ssyncset.done $0x0  }
0xa0: {  	[sflag:s22] =	ssyncadd.s32 s4;
	_ =	sdelay $0x1  }
0xa1: {  	s23 =	simm.s32 $0x1B8B  }
0xa2: {  	_ =	swait.ge [sflag:s23], $0x1  }
0xa3: {  	[sflag:s23] =	ssyncset.done $0x0  }
0xa4: {  	s25 =	simm.s32 $0x1B8E;
	s24 =	sld [smem:$0x3FFE];
	[sflag:s23] =	ssyncadd.s32 $0xFFFFFFFF  }
0xa5: {  	s26 =	simm.s32 $execute0_lowered;
	[smem:$0x3FD2] =	sst s25  }
0xa6: {  	s5 =	sshll.u32 s26, $0x1;
	_ =	strace $0x80000046;
	[dreg:$0x1] =	wrdreg $0xFFFFFFFF  }
0xa7: {  	s28 =	simm.s32 $_size_execute0_lowered;
	s3 =	sadd.s32 s3, s5;
	[dreg:$0x0] =	wrdreg $0x0  }
0xa8: {  	s5 =	sshll.u32 s28, $0x1;
	[dreg:$0x2] =	wrdreg s3  }
0xa9: {  	[dreg:$0x3] =	wrdreg s5  }
0xaa: {  	[dreg:$0x4] =	wrdreg $0xC0  }
0xab: {  	_ =	task [dreg:s7], $0x5FFFF  }
0xac: {  	[dreg:$0x1] =	wrdreg $0xFFFFFFFF  }
0xad: {  	[dreg:$0x0] =	wrdreg $0x60  }
0xae: {  	[dreg:$0x2] =	wrdreg s24  }
0xaf: {  	[dreg:$0x3] =	wrdreg s2  }
0xb0: {  	[dreg:$0x4] =	wrdreg $0x9  }
0xb1: {  	_ =	task.clear_ibuf [dreg:s7], $0x5FFFF;
	_ =	strace $0x90000046  }
0xb2: {  	s29 =	simm.s32 $0x9;
	_ =	strace $0x80000048  }
0xb3: {  	_ =	swait.ge [sflag:s29], $0x1  }
0xb4: {  	[sflag:s29] =	ssyncadd.s32 $0xFFFFFFFF  }
0xb5: {  	_ =	strace $0x90000048  }
0xb6: {  	_ =	sfence  }
0xb7: {  	s30 =	sld [smem:$0x0];
	_ =	sdelay $0x2  }
0xb8: {  	s31 =	sshll.u32 s1, $0xD;
	s1 =	sshrl.u32 s1, $0x2  }
0xb9: {  	s3 =	sand.u32 $0x4000, s31;
	s1 =	sadd.s32 s1, s30  }
0xba: {  	s0 =	sor.u32 s3, s0;
	s1 =	sshll.u32 s1, $0x11  }
0xbb: {  	s0 =	sor.u32 s1, s0  }
0xbc: {  	s0 =	sadd.s32 $0x8F2B, s0  }
0xbd: {  	[sflag:s0] =	ssyncadd.remote.s32 $0x1  }
0xbe: {  	_ =	sfence.sel $0xFFFF  }
0xbf: {  	[dreg:$0x0] =	wrdreg $0xFFFFFFFF;
	(pc) =	sbr.abs _section_cstart, $3  }
0xc0: {  	[dreg:$0x1] =	wrdreg $0xFFFFFFFF  }
0xc1: {  	_ =	task.clear_ibuf [dreg:s7], $0x2FFFF;
	_ =	strace $0x9FFFFFFF  }
0xc2: {  	(tm) =	ssettm $0x7FFFFFFF  }
0xc3: {  	_ =	shalt  }
tec
execute0_lowered:
.L_overlay_start_1:
0x0: {  	(tag) =	ssettag $0x1  }
0x1: {  	s0 =	rddreg [dreg:$0x0];
	s1 =	srdreg.scid  }
0x2: {  	s3 =	stileid.u32;
	s2 =	rddreg [dreg:$0x1]  }
0x3: {  	s9 =	simm.s32 $0x5;
	s10 =	simm.s32 $0x120;
	s11 =	simm.s32 $0x4800  }
0x4: {  	s12 =	simm.s32 $0x9000;
	s13 =	simm.s32 $0x240;
	s14 =	simm.s32 $0xD800  }
0x5: {  	s15 =	simm.s32 $0x1;
	s16 =	simm.s32 $0x12000;
	s17 =	simm.s32 $0x16800  }
0x6: {  	s18 =	simm.s32 $0x2;
	s19 =	simm.s32 $0x16A00;
	s20 =	simm.s32 $0x3  }
0x7: {  	s21 =	simm.s32 $0x16C00;
	s22 =	simm.s32 $0x4;
	s23 =	simm.s32 $0x16E00  }
0x8: {  	s1 =	sand.u32 $0x1, s1;
	s4 =	sshll.u32 s3, $0x1;
	s3 =	simm.s32 $0x0  }
0x9: {  	s24 =	simm.s32 $0x0;
	s7 =	sor.u32 s1, s4;
	[smem:$0x7FF] =	sst s3  }
0xa: {  	s1 =	ssub.s32 $0x2, s1;
	s4 =	sadd.s32 $0x1000, s0;
	s5 =	smul.u32 $0x900, s7  }
0xb: {  	_ =	strace $0x80000047;
	s6 =	sshrl.u32 s1, $0x1;
	s31 =	sshll.u32 s7, $0xC  }
0xc: {  	s1 =	ssub.s32 s1, s6;
	s0 =	sadd.s32 s5, s0;
	s5 =	sshll.u32 s7, $0x9  }
0xd: {  	s7 =	sadd.s32 s2, s31;
	s8 =	smax.u32 s1, $0x1;
	s6 =	sadd.s32 $0x2A00, s0  }
.LBB2_1:
0xe: {  	[tilespmem:s3], [sflag:$0x5] =	stream.linear.gather [hbm4b:s6+s3], $0x4800, $0x38;
	[tilespmem:$0x17000] =	vst v63  }
0xf: {  	_ =	swait.ge [sflag:s9], $0x4800  }
0x10: {  	[sflag:s9] =	ssyncset.done $0x0  }
0x11: {  	[sflag:s9] =	ssyncadd.s32 $0xFFFFB800  }
0x12: {  	[tilespmem:s11], [sflag:$0x1] =	stream.indirect.gather [hbm4b:s4+s10], $0x40, s3, s10, $0xb8;
	[tilespmem:$0x17000] =	vst v63  }
0x13: {  	_ = 	snop  }
0x14: {  	[tilespmem:s12], [sflag:$0x2] =	stream.indirect.gather [hbm4b:s4+s10], $0x40, s10, s10, $0xb8;
	[tilespmem:$0x17000] =	vst v63  }
0x15: {  	s25 =	simm.s32 $0x0  }
0x16: {  	[tilespmem:s14], [sflag:$0x3] =	stream.indirect.gather [hbm4b:s4+s10], $0x40, s13, s10, $0xb8;
	[tilespmem:$0x17000] =	vst v63  }
.LBB2_2:
0x17: {  	s26 =	sshllo.u32 s25, $0x2  }
0x18: {  	_ =	swait.ge [sflag:s15], $0x4800;
	s0 =	smul.u32 $0x480, s26  }
0x19: {  	[sflag:s15] =	ssyncset.done $0x0  }
0x1a: {  	s28 =	simm.s32 $0x4C80;
	[sflag:s15] =	ssyncadd.s32 $0xFFFFB800;
	s0 =	sshra.s32 s0, $0x2  }
0x1b: {  	[tilespmem:s16], [sflag:$0x4] =	stream.indirect.gather [hbm4b:s4+s10], $0x40, s0, s10, $0xb8;
	[tilespmem:$0x17000] =	vst v63  }
0x1c: {  	v32 =	vld [tilespmem:s28+$0xFFFFFBC0]  }
0x1d: {  	v33 =	vld [tilespmem:s28+$0xFFFFFBD0]  }
0x1e: {  	v34 =	vld [tilespmem:s28+$0xFFFFFBE0]  }
0x1f: {  	v35 =	vld [tilespmem:s28+$0xFFFFFBF0]  }
0x20: {  	v36 =	vld [tilespmem:s28+$0xFFFFFB80]  }
0x21: {  	v37 =	vld [tilespmem:s28+$0xFFFFFC00]  }
0x22: {  	v38 =	vld [tilespmem:s28+$0xFFFFFC10]  }
0x23: {  	v39 =	vld [tilespmem:s28+$0xFFFFFC20]  }
0x24: {  	v40 =	vld [tilespmem:s28+$0xFFFFFC30]  }
0x25: {  	v41 =	vld [tilespmem:s28+$0xFFFFFC40]  }
0x26: {  	v42 =	vld [tilespmem:s28+$0xFFFFFC50]  }
0x27: {  	v43 =	vld [tilespmem:s28+$0xFFFFFC60]  }
0x28: {  	v44 =	vld [tilespmem:s28+$0xFFFFFC70]  }
0x29: {  	v45 =	vld [tilespmem:s28+$0xFFFFFC80]  }
0x2a: {  	v0 =	vld [tilespmem:s28+$0x450]  }
0x2b: {  	v46 =	vld [tilespmem:s28+$0xFFFFFC90]  }
0x2c: {  	v47 =	vld [tilespmem:s28+$0xFFFFFCA0]  }
0x2d: {  	v48 =	vld [tilespmem:s28+$0xFFFFFCB0]  }
0x2e: {  	v49 =	vld [tilespmem:s28+$0xFFFFFCC0]  }
0x2f: {  	[tilespmem:$0x1FFF0] =	vst v0;
	v0 =	vld [tilespmem:s28+$0x410]  }
0x30: {  	v50 =	vld [tilespmem:s28+$0xFFFFFCD0]  }
0x31: {  	v51 =	vld [tilespmem:s28+$0xFFFFFCE0]  }
0x32: {  	v52 =	vld [tilespmem:s28+$0xFFFFFCF0]  }
0x33: {  	v53 =	vld [tilespmem:s28+$0xFFFFFD00]  }
0x34: {  	[tilespmem:$0x1FFE0] =	vst v0;
	v0 =	vld [tilespmem:s28+$0x460]  }
0x35: {  	v54 =	vld [tilespmem:s28+$0xFFFFFD10]  }
0x36: {  	v55 =	vld [tilespmem:s28+$0xFFFFFD20]  }
0x37: {  	v56 =	vld [tilespmem:s28+$0xFFFFFD30]  }
0x38: {  	v57 =	vld [tilespmem:s28+$0xFFFFFD40]  }
0x39: {  	[tilespmem:$0x1FFD0] =	vst v0;
	v0 =	vld [tilespmem:s28+$0x3D0]  }
0x3a: {  	v58 =	vld [tilespmem:s28+$0xFFFFFD50]  }
0x3b: {  	v59 =	vld [tilespmem:s28+$0xFFFFFD60]  }
0x3c: {  	v14 =	vld [tilespmem:s28+$0x2E0]  }
0x3d: {  	v15 =	vld [tilespmem:s28+$0x250]  }
0x3e: {  	[tilespmem:$0x1FFC0] =	vst v0;
	v0 =	vld [tilespmem:s28+$0x420]  }
0x3f: {  	v16 =	vld [tilespmem:s28+$0x2A0]  }
0x40: {  	v17 =	vld [tilespmem:s28+$0x210]  }
0x41: {  	v18 =	vld [tilespmem:s28+$0x260]  }
0x42: {  	v19 =	vld [tilespmem:s28+$0x1D0]  }
0x43: {  	[tilespmem:$0x1FFB0] =	vst v0;
	v0 =	vld [tilespmem:s28+$0x390]  }
0x44: {  	v20 =	vld [tilespmem:s28+$0x220]  }
0x45: {  	v21 =	vld [tilespmem:s28+$0x190]  }
0x46: {  	v22 =	vld [tilespmem:s28+$0x1E0]  }
0x47: {  	v23 =	vld [tilespmem:s28+$0x150]  }
0x48: {  	[tilespmem:$0x1FFA0] =	vst v0;
	v0 =	vld [tilespmem:s28+$0x3E0]  }
0x49: {  	v24 =	vld [tilespmem:s28+$0x1A0]  }
0x4a: {  	v25 =	vld [tilespmem:s28+$0x110]  }
0x4b: {  	v26 =	vld [tilespmem:s28+$0x160]  }
0x4c: {  	v27 =	vld [tilespmem:s28+$0xD0]  }
0x4d: {  	[tilespmem:$0x1FF90] =	vst v0;
	v0 =	vld [tilespmem:s28+$0x350]  }
0x4e: {  	v28 =	vld [tilespmem:s28+$0x120]  }
0x4f: {  	v29 =	vld [tilespmem:s28+$0x90]  }
0x50: {  	v30 =	vld [tilespmem:s28+$0xE0]  }
0x51: {  	v31 =	vld [tilespmem:s28+$0x50]  }
0x52: {  	[tilespmem:$0x1FF80] =	vst v0;
	v0 =	vld [tilespmem:s28+$0x3A0]  }
0x53: {  	v60 =	vld [tilespmem:s28+$0xA0]  }
0x54: {  	v61 =	vld [tilespmem:s28+$0x10]  }
0x55: {  	v62 =	vld [tilespmem:s28+$0x60]  }
0x56: {  	v63 =	vld [tilespmem:s28+$0xFFFFFFD0]  }
0x57: {  	[tilespmem:$0x1FF70] =	vst v0;
	v0 =	vld [tilespmem:s28+$0x310]  }
0x58: {  	v2 =	vld [tilespmem:s28+$0xFFFFFBB0]  }
0x59: {  	v1 =	vld [tilespmem:s28+$0xFFFFFBA0]  }
0x5a: {  	v13 =	vld [tilespmem:s28+$0xFFFFFFB0]  }
0x5b: {  	v12 =	vld [tilespmem:s28+$0xFFFFFF90]  }
0x5c: {  	[tilespmem:$0x1FF60] =	vst v0;
	v0 =	vld [tilespmem:s28+$0x360]  }
0x5d: {  	v11 =	vld [tilespmem:s28+$0xFFFFFF70]  }
0x5e: {  	v10 =	vld [tilespmem:s28+$0xFFFFFF50]  }
0x5f: {  	v9 =	vld [tilespmem:s28+$0xFFFFFF30]  }
0x60: {  	v8 =	vld [tilespmem:s28+$0xFFFFFF10]  }
0x61: {  	[tilespmem:$0x1FF50] =	vst v0;
	v0 =	vld [tilespmem:s28+$0x2D0]  }
0x62: {  	v7 =	vld [tilespmem:s28+$0xFFFFFEF0]  }
0x63: {  	v6 =	vld [tilespmem:s28+$0xFFFFFED0]  }
0x64: {  	v4 =	vld [tilespmem:s28+$0xFFFFFEE0]  }
0x65: {  	v5 =	vld [tilespmem:s28+$0xFFFFFEB0]  }
0x66: {  	[tilespmem:$0x1FF40] =	vst v0;
	v0 =	vld [tilespmem:s28+$0x320]  }
0x67: {  	v3 =	vld [tilespmem:s28+$0xFFFFFE50]  }
0x68: {  	v1 =	vadd.f32 v34, v1;
	v34 =	vld [tilespmem:s28+$0xFFFFFE70]  }
0x69: {  	v32 =	vadd.f32 v32, v36;
	v36 =	vld [tilespmem:s28+$0xFFFFFE30];
	v2 =	vadd.f32 v35, v2  }
0x6a: {  	v35 =	vld [tilespmem:s28+$0xFFFFFE20]  }
0x6b: {  	v2 =	vadd.f32 v40, v2;
	[tilespmem:$0x1FF30] =	vst v0;
	v0 =	vld [tilespmem:s28+$0x290]  }
0x6c: {  	v32 =	vadd.f32 v37, v32;
	v37 =	vld [tilespmem:s28+$0xFFFFFDF0]  }
0x6d: {  	v1 =	vadd.f32 v39, v1;
	v39 =	vld [tilespmem:s28+$0xFFFFFDB0];
	v2 =	vadd.f32 v44, v2  }
0x6e: {  	v40 =	vld [tilespmem:s28+$0xFFFFFDA0]  }
0x6f: {  	v2 =	vadd.f32 v48, v2;
	v48 =	vld [tilespmem:s28+$0xFFFFFD70]  }
0x70: {  	v32 =	vadd.f32 v41, v32;
	[tilespmem:$0x1FF20] =	vst v0;
	v0 =	vld [tilespmem:s28+$0xFFFFFB90]  }
0x71: {  	v1 =	vadd.f32 v43, v1;
	v43 =	vld [tilespmem:s28+$0xFFFFFEC0];
	v2 =	vadd.f32 v52, v2  }
0x72: {  	v44 =	vld [tilespmem:s28+$0xFFFFFF60];
	v32 =	vadd.f32 v45, v32  }
0x73: {  	v41 =	vld [tilespmem:s28+$0x330];
	v2 =	vadd.f32 v56, v2  }
0x74: {  	v1 =	vadd.f32 v47, v1;
	v47 =	vld [tilespmem:s28+$0xFFFFFF40];
	v32 =	vadd.f32 v49, v32  }
0x75: {  	v49 =	vld [tilespmem:s28+$0xFFFFFD90];
	v2 =	vadd.f32 v48, v2;
	v0 =	vadd.f32 v33, v0  }
0x76: {  	v1 =	vadd.f32 v51, v1;
	v51 =	vld [tilespmem:s28+$0xFFFFFDD0]  }
0x77: {  	v52 =	vld [tilespmem:s28+$0xFFFFFDC0];
	v2 =	vadd.f32 v39, v2;
	v0 =	vadd.f32 v38, v0  }
0x78: {  	v1 =	vadd.f32 v55, v1;
	v32 =	vadd.f32 v53, v32;
	v53 =	vld [tilespmem:s28+$0xFFFFFE60]  }
0x79: {  	v55 =	vld [tilespmem:s28+$0xFFFFFEA0];
	v2 =	vadd.f32 v37, v2;
	v0 =	vadd.f32 v42, v0  }
0x7a: {  	v56 =	vld [tilespmem:s28+$0xFFFFFE40];
	v32 =	vadd.f32 v57, v32  }
0x7b: {  	v57 =	vld [tilespmem:s28+$0xFFFFFE90];
	v2 =	vadd.f32 v36, v2;
	v0 =	vadd.f32 v46, v0  }
0x7c: {  	v38 =	vld [tilespmem:s28+$0xFFFFFDE0]  }
0x7d: {  	v2 =	vadd.f32 v34, v2;
	v0 =	vadd.f32 v50, v0;
	v50 =	vld [tilespmem:s28+$0xFFFFFD80]  }
0x7e: {  	v1 =	vadd.f32 v59, v1;
	v59 =	vld [tilespmem:s28+$0xFFFFFF20]  }
0x7f: {  	v48 =	vld [tilespmem:s28+$0xFFFFFFE0];
	v2 =	vadd.f32 v5, v2;
	v0 =	vadd.f32 v54, v0  }
0x80: {  	v1 =	vadd.f32 v40, v1;
	v39 =	vld [tilespmem:s28+$0x2F0]  }
0x81: {  	v2 =	vadd.f32 v7, v2;
	v54 =	vld [tilespmem:s28+$0xFFFFFE00];
	v0 =	vadd.f32 v58, v0  }
0x82: {  	v33 =	vld [tilespmem:s28+$0xFFFFFE10];
	v1 =	vadd.f32 v38, v1;
	v32 =	vadd.f32 v50, v32  }
0x83: {  	v40 =	vld [tilespmem:s28+$0x300];
	v2 =	vadd.f32 v9, v2;
	v0 =	vadd.f32 v49, v0  }
0x84: {  	v37 =	vld [tilespmem:s28+$0x2B0];
	v1 =	vadd.f32 v35, v1;
	v32 =	vadd.f32 v52, v32  }
0x85: {  	v2 =	vadd.f32 v11, v2;
	v58 =	vld [tilespmem:s28+$0xFFFFFE80];
	v0 =	vadd.f32 v51, v0  }
0x86: {  	v36 =	vld [tilespmem:s28+$0x280];
	v1 =	vadd.f32 v53, v1;
	v32 =	vadd.f32 v54, v32  }
0x87: {  	v34 =	vld [tilespmem:s28+$0x240];
	v2 =	vadd.f32 v13, v2;
	v0 =	vadd.f32 v33, v0  }
0x88: {  	v13 =	vld [tilespmem:s28+$0x170];
	v1 =	vadd.f32 v55, v1;
	v32 =	vadd.f32 v56, v32  }
0x89: {  	v0 =	vadd.f32 v3, v0;
	v3 =	vld [tilespmem:s28+$0xFFFFFF00]  }
0x8a: {  	v42 =	vld [tilespmem:$0x1FF20];
	v1 =	vadd.f32 v4, v1;
	v45 =	vadd.f32 v58, v32  }
0x8b: {  	v46 =	vld [tilespmem:s28+$0xFFFFFFA0]  }
0x8c: {  	v38 =	vld [tilespmem:s28+$0x2C0];
	v1 =	vadd.f32 v59, v1;
	v4 =	vadd.f32 v43, v45  }
0x8d: {  	v49 =	vld [tilespmem:s28+$0xFFFFFF80]  }
0x8e: {  	v50 =	vld [tilespmem:s28+$0x20];
	v1 =	vadd.f32 v44, v1;
	v3 =	vadd.f32 v3, v4  }
0x8f: {  	v51 =	vld [tilespmem:s28+$0xFFFFFFC0];
	v0 =	vadd.f32 v57, v0  }
0x90: {  	v35 =	vld [tilespmem:s28+$0x270];
	v1 =	vadd.f32 v46, v1;
	v3 =	vadd.f32 v47, v3  }
0x91: {  	v53 =	vld [tilespmem:s28+$0x0];
	v0 =	vadd.f32 v6, v0  }
0x92: {  	v55 =	vld [tilespmem:s28+$0x40];
	v1 =	vadd.f32 v48, v1;
	v3 =	vadd.f32 v49, v3  }
0x93: {  	v52 =	vld [tilespmem:s28+$0xFFFFFFF0];
	v0 =	vadd.f32 v8, v0  }
0x94: {  	v54 =	vld [tilespmem:s28+$0x30];
	v1 =	vadd.f32 v50, v1;
	v3 =	vadd.f32 v51, v3  }
0x95: {  	v57 =	vld [tilespmem:s28+$0x80];
	v0 =	vadd.f32 v10, v0  }
0x96: {  	v59 =	vld [tilespmem:s28+$0xC0];
	v1 =	vadd.f32 v62, v1;
	v3 =	vadd.f32 v53, v3  }
0x97: {  	v33 =	vld [tilespmem:s28+$0x230];
	v0 =	vadd.f32 v12, v0  }
0x98: {  	v56 =	vld [tilespmem:s28+$0x70];
	v1 =	vadd.f32 v60, v1;
	v3 =	vadd.f32 v55, v3  }
0x99: {  	v2 =	vadd.f32 v52, v2;
	v62 =	vld [tilespmem:s28+$0x100];
	v0 =	vadd.f32 v63, v0  }
0x9a: {  	v58 =	vld [tilespmem:s28+$0xB0];
	v1 =	vadd.f32 v30, v1;
	v3 =	vadd.f32 v57, v3  }
0x9b: {  	v2 =	vadd.f32 v54, v2;
	v12 =	vld [tilespmem:s28+$0x140];
	v0 =	vadd.f32 v61, v0  }
0x9c: {  	v1 =	vadd.f32 v28, v1;
	v61 =	vld [tilespmem:s28+$0xF0];
	v3 =	vadd.f32 v59, v3  }
0x9d: {  	v2 =	vadd.f32 v56, v2;
	v28 =	vld [tilespmem:s28+$0x180];
	v0 =	vadd.f32 v31, v0  }
0x9e: {  	v63 =	vld [tilespmem:s28+$0x130];
	v1 =	vadd.f32 v26, v1;
	v3 =	vadd.f32 v62, v3  }
0x9f: {  	v2 =	vadd.f32 v58, v2;
	v30 =	vld [tilespmem:s28+$0x1C0];
	v0 =	vadd.f32 v29, v0  }
0xa0: {  	v44 =	vld [tilespmem:$0x1FF30];
	v1 =	vadd.f32 v24, v1;
	v3 =	vadd.f32 v12, v3  }
0xa1: {  	v32 =	vld [tilespmem:s28+$0x200];
	v2 =	vadd.f32 v61, v2;
	v0 =	vadd.f32 v27, v0  }
0xa2: {  	v29 =	vld [tilespmem:s28+$0x1B0];
	v1 =	vadd.f32 v22, v1;
	v3 =	vadd.f32 v28, v3  }
0xa3: {  	v52 =	vld [tilespmem:$0x1FF70];
	v2 =	vadd.f32 v63, v2;
	v0 =	vadd.f32 v25, v0  }
0xa4: {  	v31 =	vld [tilespmem:s28+$0x1F0];
	v1 =	vadd.f32 v20, v1;
	v3 =	vadd.f32 v30, v3  }
0xa5: {  	v46 =	vld [tilespmem:$0x1FF40];
	v2 =	vadd.f32 v13, v2;
	v0 =	vadd.f32 v23, v0  }
0xa6: {  	v54 =	vld [tilespmem:$0x1FF80];
	v1 =	vadd.f32 v18, v1;
	v3 =	vadd.f32 v32, v3  }
0xa7: {  	v43 =	vld [tilespmem:s28+$0x340];
	v2 =	vadd.f32 v29, v2;
	v0 =	vadd.f32 v21, v0  }
0xa8: {  	v45 =	vld [tilespmem:s28+$0x370];
	v1 =	vadd.f32 v16, v1;
	v3 =	vadd.f32 v34, v3  }
0xa9: {  	v48 =	vld [tilespmem:$0x1FF50];
	v2 =	vadd.f32 v31, v2;
	v0 =	vadd.f32 v19, v0  }
0xaa: {  	v56 =	vld [tilespmem:$0x1FF90];
	v1 =	vadd.f32 v14, v1;
	v3 =	vadd.f32 v36, v3  }
0xab: {  	v50 =	vld [tilespmem:$0x1FF60];
	v2 =	vadd.f32 v33, v2;
	v0 =	vadd.f32 v17, v0  }
0xac: {  	v58 =	vld [tilespmem:$0x1FFA0];
	v1 =	vadd.f32 v44, v1;
	v3 =	vadd.f32 v38, v3  }
0xad: {  	v47 =	vld [tilespmem:s28+$0x380];
	v2 =	vadd.f32 v35, v2;
	v0 =	vadd.f32 v15, v0  }
0xae: {  	v60 =	vld [tilespmem:$0x1FFB0];
	v1 =	vadd.f32 v48, v1;
	v3 =	vadd.f32 v40, v3  }
0xaf: {  	v51 =	vld [tilespmem:s28+$0x3C0];
	v2 =	vadd.f32 v37, v2;
	v0 =	vadd.f32 v42, v0  }
0xb0: {  	v55 =	vld [tilespmem:s28+$0x400];
	v1 =	vadd.f32 v52, v1;
	v3 =	vadd.f32 v43, v3  }
0xb1: {  	v63 =	vld [tilespmem:$0x1FFD0];
	v2 =	vadd.f32 v39, v2;
	v0 =	vadd.f32 v46, v0  }
0xb2: {  	v49 =	vld [tilespmem:s28+$0x3B0];
	v1 =	vadd.f32 v56, v1;
	v3 =	vadd.f32 v47, v3  }
0xb3: {  	v53 =	vld [tilespmem:s28+$0x3F0];
	v2 =	vadd.f32 v41, v2;
	v0 =	vadd.f32 v50, v0  }
0xb4: {  	v62 =	vld [tilespmem:$0x1FFC0];
	v1 =	vadd.f32 v60, v1;
	v3 =	vadd.f32 v51, v3  }
0xb5: {  	v57 =	vld [tilespmem:s28+$0x430];
	v2 =	vadd.f32 v45, v2;
	v0 =	vadd.f32 v54, v0  }
0xb6: {  	v6 =	vadd.f32 v63, v1;
	v1 =	vadd.f32 v55, v3;
	v3 =	vld [tilespmem:$0x1FFE0]  }
0xb7: {  	v2 =	vadd.f32 v49, v2;
	v0 =	vadd.f32 v58, v0;
	_ =	sdelay $0x1  }
0xb8: {  	v59 =	vld [tilespmem:s28+$0x440];
	v2 =	vadd.f32 v53, v2;
	v0 =	vadd.f32 v62, v0  }
0xb9: {  	v61 =	vld [tilespmem:s28+$0x470]  }
0xba: {  	v0 =	vadd.f32 v3, v0;
	v3 =	vadd.f32 v57, v2;
	v2 =	vld [tilespmem:$0x1FFF0];
	_ =	sdelay $0x3  }
0xbb: {  	s0 =	simm.s32 $0x0;
	v1 =	vadd.f32 v59, v1  }
0xbc: {  	s29 =	simm.s32 $0x100;
	[tilespmem:s0+$0x16820] =	vst v6;
	v2 =	vadd.f32 v2, v0;
	v0 =	vadd.f32 v61, v3  }
.LBB2_3:
0xbd: {  	[tilespmem:s0+$0x16800] =	vst v1  }
0xbe: {  	[tilespmem:s0+$0x16810] =	vst v2  }
0xbf: {  	s28 =	sadd.s32 $0x900, s28;
	[tilespmem:s0+$0x16830] =	vst v0  }
0xc0: {  	v0 =	vld [tilespmem:s28+$0xFFFFFBC0]  }
0xc1: {  	v34 =	vld [tilespmem:s28+$0xFFFFFBD0]  }
0xc2: {  	v54 =	vld [tilespmem:s28+$0xFFFFFBE0]  }
0xc3: {  	v57 =	vld [tilespmem:s28+$0xFFFFFBF0]  }
0xc4: {  	v1 =	vld [tilespmem:s28+$0xFFFFFB80]  }
0xc5: {  	v2 =	vld [tilespmem:s28+$0xFFFFFC00]  }
0xc6: {  	v36 =	vld [tilespmem:s28+$0xFFFFFC10]  }
0xc7: {  	v56 =	vld [tilespmem:s28+$0xFFFFFC20]  }
0xc8: {  	v59 =	vld [tilespmem:s28+$0xFFFFFC30]  }
0xc9: {  	v39 =	vld [tilespmem:s28+$0xFFFFFC40]  }
0xca: {  	v38 =	vld [tilespmem:s28+$0xFFFFFC50]  }
0xcb: {  	v58 =	vld [tilespmem:s28+$0xFFFFFC60]  }
0xcc: {  	v61 =	vld [tilespmem:s28+$0xFFFFFC70]  }
0xcd: {  	v42 =	vld [tilespmem:s28+$0xFFFFFC80]  }
0xce: {  	v40 =	vld [tilespmem:s28+$0xFFFFFC90]  }
0xcf: {  	v60 =	vld [tilespmem:s28+$0xFFFFFCA0]  }
0xd0: {  	v62 =	vld [tilespmem:s28+$0xFFFFFCB0]  }
0xd1: {  	v45 =	vld [tilespmem:s28+$0xFFFFFCC0]  }
0xd2: {  	v41 =	vld [tilespmem:s28+$0xFFFFFCD0]  }
0xd3: {  	v50 =	vld [tilespmem:s28+$0xFFFFFCE0]  }
0xd4: {  	v63 =	vld [tilespmem:s28+$0xFFFFFCF0]  }
0xd5: {  	v47 =	vld [tilespmem:s28+$0xFFFFFD00]  }
0xd6: {  	v43 =	vld [tilespmem:s28+$0xFFFFFD10]  }
0xd7: {  	v52 =	vld [tilespmem:s28+$0xFFFFFD20]  }
0xd8: {  	v3 =	vld [tilespmem:s28+$0xFFFFFD30]  }
0xd9: {  	v48 =	vld [tilespmem:s28+$0xFFFFFD40]  }
0xda: {  	v46 =	vld [tilespmem:s28+$0xFFFFFD50]  }
0xdb: {  	v53 =	vld [tilespmem:s28+$0xFFFFFD60]  }
0xdc: {  	v4 =	vld [tilespmem:s28+$0x420]  }
0xdd: {  	v5 =	vld [tilespmem:s28+$0x390]  }
0xde: {  	v6 =	vld [tilespmem:s28+$0x3E0]  }
0xdf: {  	v7 =	vld [tilespmem:s28+$0x350]  }
0xe0: {  	v8 =	vld [tilespmem:s28+$0x3A0]  }
0xe1: {  	v9 =	vld [tilespmem:s28+$0x310]  }
0xe2: {  	v10 =	vld [tilespmem:s28+$0x360]  }
0xe3: {  	v11 =	vld [tilespmem:s28+$0x2D0]  }
0xe4: {  	v12 =	vld [tilespmem:s28+$0x320]  }
0xe5: {  	v13 =	vld [tilespmem:s28+$0x290]  }
0xe6: {  	v14 =	vld [tilespmem:s28+$0x2E0]  }
0xe7: {  	v15 =	vld [tilespmem:s28+$0x250]  }
0xe8: {  	v16 =	vld [tilespmem:s28+$0x2A0]  }
0xe9: {  	v17 =	vld [tilespmem:s28+$0x210]  }
0xea: {  	v18 =	vld [tilespmem:s28+$0x260]  }
0xeb: {  	v19 =	vld [tilespmem:s28+$0x1D0]  }
0xec: {  	v20 =	vld [tilespmem:s28+$0x220]  }
0xed: {  	v21 =	vld [tilespmem:s28+$0x190]  }
0xee: {  	v22 =	vld [tilespmem:s28+$0x1E0]  }
0xef: {  	v23 =	vld [tilespmem:s28+$0x150]  }
0xf0: {  	v24 =	vld [tilespmem:s28+$0x1A0]  }
0xf1: {  	v25 =	vld [tilespmem:s28+$0x110]  }
0xf2: {  	v26 =	vld [tilespmem:s28+$0x160]  }
0xf3: {  	v27 =	vld [tilespmem:s28+$0xD0]  }
0xf4: {  	v28 =	vld [tilespmem:s28+$0x120]  }
0xf5: {  	v29 =	vld [tilespmem:s28+$0x90];
	v0 =	vadd.f32 v0, v1  }
0xf6: {  	v30 =	vld [tilespmem:s28+$0xE0]  }
0xf7: {  	v44 =	vadd.f32 v2, v0;
	v0 =	vld [tilespmem:s28+$0x450]  }
0xf8: {  	v31 =	vld [tilespmem:s28+$0x50]  }
0xf9: {  	v32 =	vld [tilespmem:s28+$0xA0]  }
0xfa: {  	v33 =	vld [tilespmem:s28+$0x10]  }
0xfb: {  	v35 =	vld [tilespmem:s28+$0x60]  }
0xfc: {  	[tilespmem:$0x1FF10] =	vst v0;
	v0 =	vld [tilespmem:s28+$0x410]  }
0xfd: {  	v37 =	vld [tilespmem:s28+$0xFFFFFFD0]  }
0xfe: {  	v49 =	vld [tilespmem:s28+$0xFFFFFFB0]  }
0xff: {  	v51 =	vld [tilespmem:s28+$0xFFFFFF90]  }
0x100: {  	v1 =	vld [tilespmem:s28+$0xFFFFFBA0]  }
0x101: {  	[tilespmem:$0x1FF00] =	vst v0;
	v0 =	vld [tilespmem:s28+$0x460]  }
0x102: {  	v55 =	vld [tilespmem:s28+$0xFFFFFF70]  }
0x103: {  	v2 =	vld [tilespmem:s28+$0xFFFFFB90]  }
0x104: {  	v39 =	vadd.f32 v39, v44;
	v44 =	vld [tilespmem:s28+$0xFFFFFDF0]  }
0x105: {  	v1 =	vadd.f32 v54, v1;
	v54 =	vld [tilespmem:s28+$0xFFFFFF30]  }
0x106: {  	[tilespmem:$0x1FEF0] =	vst v0;
	v0 =	vld [tilespmem:s28+$0x3D0]  }
0x107: {  	v39 =	vadd.f32 v42, v39;
	v42 =	vld [tilespmem:s28+$0xFFFFFDB0]  }
0x108: {  	v1 =	vadd.f32 v56, v1;
	v56 =	vld [tilespmem:s28+$0xFFFFFEF0]  }
0x109: {  	v2 =	vadd.f32 v34, v2;
	v34 =	vld [tilespmem:s28+$0xFFFFFE10]  }
0x10a: {  	v39 =	vadd.f32 v45, v39;
	v45 =	vld [tilespmem:s28+$0xFFFFFD70]  }
0x10b: {  	v1 =	vadd.f32 v58, v1;
	[tilespmem:$0x1FEE0] =	vst v0;
	v0 =	vld [tilespmem:s28+$0xFFFFFBB0]  }
0x10c: {  	v58 =	vld [tilespmem:s28+$0xFFFFFEE0];
	v2 =	vadd.f32 v36, v2  }
0x10d: {  	v36 =	vld [tilespmem:s28+$0xFFFFFE20];
	v1 =	vadd.f32 v60, v1  }
0x10e: {  	v39 =	vadd.f32 v47, v39;
	v47 =	vld [tilespmem:s28+$0xFFFFFD80];
	v2 =	vadd.f32 v38, v2  }
0x10f: {  	v60 =	vld [tilespmem:s28+$0xFFFFFEB0];
	v1 =	vadd.f32 v50, v1  }
0x110: {  	v2 =	vadd.f32 v40, v2;
	v40 =	vld [tilespmem:s28+$0xFFFFFDA0];
	v0 =	vadd.f32 v57, v0  }
0x111: {  	v38 =	vld [tilespmem:s28+$0xFFFFFDE0];
	v39 =	vadd.f32 v48, v39;
	v1 =	vadd.f32 v52, v1  }
0x112: {  	v48 =	vld [tilespmem:s28+$0xFFFFFE40];
	v2 =	vadd.f32 v41, v2;
	v0 =	vadd.f32 v59, v0  }
0x113: {  	v41 =	vld [tilespmem:s28+$0xFFFFFD90];
	v1 =	vadd.f32 v53, v1  }
0x114: {  	v52 =	vld [tilespmem:s28+$0xFFFFFDC0];
	v2 =	vadd.f32 v43, v2;
	v0 =	vadd.f32 v61, v0  }
0x115: {  	v50 =	vld [tilespmem:s28+$0xFFFFFDD0];
	v1 =	vadd.f32 v40, v1  }
0x116: {  	v2 =	vadd.f32 v46, v2;
	v46 =	vld [tilespmem:s28+$0xFFFFFE00];
	v0 =	vadd.f32 v62, v0  }
0x117: {  	v39 =	vadd.f32 v47, v39;
	v53 =	vld [tilespmem:s28+$0xFFFFFE60];
	v1 =	vadd.f32 v38, v1  }
0x118: {  	v47 =	vld [tilespmem:s28+$0xFFFFFEA0];
	v2 =	vadd.f32 v41, v2;
	v0 =	vadd.f32 v63, v0  }
0x119: {  	v39 =	vadd.f32 v52, v39;
	v52 =	vld [tilespmem:s28+$0xFFFFFE80];
	v1 =	vadd.f32 v36, v1  }
0x11a: {  	v2 =	vadd.f32 v50, v2;
	v50 =	vld [tilespmem:s28+$0xFFFFFE90];
	v0 =	vadd.f32 v3, v0  }
0x11b: {  	v38 =	vadd.f32 v46, v39;
	v46 =	vld [tilespmem:s28+$0xFFFFFFA0]  }
0x11c: {  	v1 =	vadd.f32 v53, v1;
	v53 =	vld [tilespmem:s28+$0xFFFFFF20];
	v0 =	vadd.f32 v45, v0  }
0x11d: {  	v3 =	vld [tilespmem:s28+$0xFFFFFE30]  }
0x11e: {  	v36 =	vadd.f32 v48, v38;
	v48 =	vld [tilespmem:s28+$0xFFFFFFE0];
	v0 =	vadd.f32 v42, v0  }
0x11f: {  	v62 =	vld [tilespmem:s28+$0xFFFFFE70]  }
0x120: {  	v57 =	vld [tilespmem:s28+$0xFFFFFF50];
	v0 =	vadd.f32 v44, v0  }
0x121: {  	v63 =	vld [tilespmem:s28+$0xFFFFFE50]  }
0x122: {  	v0 =	vadd.f32 v3, v0;
	v3 =	vld [tilespmem:s28+$0xFFFFFEC0]  }
0x123: {  	v1 =	vadd.f32 v47, v1;
	v45 =	vld [tilespmem:s28+$0xFFFFFF00]  }
0x124: {  	v2 =	vadd.f32 v34, v2;
	v44 =	vld [tilespmem:s28+$0xFFFFFF60];
	v0 =	vadd.f32 v62, v0  }
0x125: {  	v36 =	vadd.f32 v52, v36;
	v1 =	vadd.f32 v58, v1;
	v61 =	vld [tilespmem:s28+$0xFFFFFED0]  }
0x126: {  	v47 =	vld [tilespmem:s28+$0xFFFFFF40];
	v2 =	vadd.f32 v63, v2;
	v0 =	vadd.f32 v60, v0  }
0x127: {  	v59 =	vld [tilespmem:s28+$0xFFFFFF10];
	v1 =	vadd.f32 v53, v1;
	v3 =	vadd.f32 v3, v36  }
0x128: {  	v2 =	vadd.f32 v50, v2;
	v50 =	vld [tilespmem:s28+$0xFFFFFF80];
	v0 =	vadd.f32 v56, v0  }
0x129: {  	v52 =	vld [tilespmem:s28+$0x20];
	v1 =	vadd.f32 v44, v1;
	v3 =	vadd.f32 v45, v3  }
0x12a: {  	v53 =	vld [tilespmem:s28+$0xFFFFFFC0];
	v2 =	vadd.f32 v61, v2;
	v0 =	vadd.f32 v54, v0  }
0x12b: {  	v43 =	vld [tilespmem:s28+$0x240];
	v1 =	vadd.f32 v46, v1;
	v3 =	vadd.f32 v47, v3  }
0x12c: {  	v2 =	vadd.f32 v59, v2;
	v0 =	vadd.f32 v55, v0;
	v55 =	vld [tilespmem:s28+$0x0]  }
0x12d: {  	v40 =	vld [tilespmem:s28+$0x1F0];
	v1 =	vadd.f32 v48, v1;
	v3 =	vadd.f32 v50, v3  }
0x12e: {  	v2 =	vadd.f32 v57, v2;
	v57 =	vld [tilespmem:s28+$0x40]  }
0x12f: {  	v54 =	vld [tilespmem:s28+$0xFFFFFFF0];
	v1 =	vadd.f32 v52, v1;
	v3 =	vadd.f32 v53, v3  }
0x130: {  	v59 =	vld [tilespmem:s28+$0x80]  }
0x131: {  	v56 =	vld [tilespmem:s28+$0x30];
	v1 =	vadd.f32 v35, v1;
	v3 =	vadd.f32 v55, v3  }
0x132: {  	v61 =	vld [tilespmem:s28+$0xC0];
	v2 =	vadd.f32 v51, v2;
	v0 =	vadd.f32 v49, v0  }
0x133: {  	v58 =	vld [tilespmem:s28+$0x70];
	v1 =	vadd.f32 v32, v1;
	v3 =	vadd.f32 v57, v3  }
0x134: {  	v63 =	vld [tilespmem:s28+$0x100];
	v2 =	vadd.f32 v37, v2;
	v0 =	vadd.f32 v54, v0  }
0x135: {  	v60 =	vld [tilespmem:s28+$0xB0];
	v1 =	vadd.f32 v30, v1;
	v3 =	vadd.f32 v59, v3  }
0x136: {  	v2 =	vadd.f32 v33, v2;
	v35 =	vld [tilespmem:s28+$0x140];
	v0 =	vadd.f32 v56, v0  }
0x137: {  	v62 =	vld [tilespmem:s28+$0xF0];
	v1 =	vadd.f32 v28, v1;
	v3 =	vadd.f32 v61, v3  }
0x138: {  	v37 =	vld [tilespmem:s28+$0x180];
	v2 =	vadd.f32 v31, v2;
	v0 =	vadd.f32 v58, v0  }
0x139: {  	v34 =	vld [tilespmem:s28+$0x130];
	v1 =	vadd.f32 v26, v1;
	v3 =	vadd.f32 v63, v3  }
0x13a: {  	v39 =	vld [tilespmem:s28+$0x1C0];
	v2 =	vadd.f32 v29, v2;
	v0 =	vadd.f32 v60, v0  }
0x13b: {  	v36 =	vld [tilespmem:s28+$0x170];
	v1 =	vadd.f32 v24, v1;
	v3 =	vadd.f32 v35, v3  }
0x13c: {  	v41 =	vld [tilespmem:s28+$0x200];
	v2 =	vadd.f32 v27, v2;
	v0 =	vadd.f32 v62, v0  }
0x13d: {  	v38 =	vld [tilespmem:s28+$0x1B0];
	v1 =	vadd.f32 v22, v1;
	v3 =	vadd.f32 v37, v3  }
0x13e: {  	v42 =	vld [tilespmem:s28+$0x230];
	v2 =	vadd.f32 v25, v2;
	v0 =	vadd.f32 v34, v0  }
0x13f: {  	v44 =	vld [tilespmem:s28+$0x270];
	v1 =	vadd.f32 v20, v1;
	v3 =	vadd.f32 v39, v3  }
0x140: {  	v45 =	vld [tilespmem:s28+$0x280];
	v2 =	vadd.f32 v23, v2;
	v0 =	vadd.f32 v36, v0  }
0x141: {  	v46 =	vld [tilespmem:s28+$0x2B0];
	v1 =	vadd.f32 v18, v1;
	v3 =	vadd.f32 v41, v3  }
0x142: {  	v47 =	vld [tilespmem:s28+$0x2C0];
	v2 =	vadd.f32 v21, v2;
	v0 =	vadd.f32 v38, v0  }
0x143: {  	v51 =	vld [tilespmem:s28+$0x340];
	v1 =	vadd.f32 v16, v1;
	v3 =	vadd.f32 v43, v3  }
0x144: {  	v49 =	vld [tilespmem:s28+$0x300];
	v2 =	vadd.f32 v19, v2;
	v0 =	vadd.f32 v40, v0  }
0x145: {  	v48 =	vld [tilespmem:s28+$0x2F0];
	v1 =	vadd.f32 v14, v1;
	v3 =	vadd.f32 v45, v3  }
0x146: {  	v52 =	vld [tilespmem:s28+$0x370];
	v2 =	vadd.f32 v17, v2;
	v0 =	vadd.f32 v42, v0  }
0x147: {  	v50 =	vld [tilespmem:s28+$0x330];
	v1 =	vadd.f32 v12, v1;
	v3 =	vadd.f32 v47, v3  }
0x148: {  	v53 =	vld [tilespmem:s28+$0x380];
	v2 =	vadd.f32 v15, v2;
	v0 =	vadd.f32 v44, v0  }
0x149: {  	v54 =	vld [tilespmem:s28+$0x3B0];
	v1 =	vadd.f32 v10, v1;
	v3 =	vadd.f32 v49, v3  }
0x14a: {  	v55 =	vld [tilespmem:s28+$0x3C0];
	v2 =	vadd.f32 v13, v2;
	v0 =	vadd.f32 v46, v0  }
0x14b: {  	v57 =	vld [tilespmem:s28+$0x400];
	v1 =	vadd.f32 v8, v1;
	v3 =	vadd.f32 v51, v3  }
0x14c: {  	v62 =	vld [tilespmem:$0x1FEF0];
	v2 =	vadd.f32 v11, v2;
	v0 =	vadd.f32 v48, v0  }
0x14d: {  	v56 =	vld [tilespmem:s28+$0x3F0];
	v1 =	vadd.f32 v6, v1;
	v3 =	vadd.f32 v53, v3  }
0x14e: {  	v59 =	vld [tilespmem:s28+$0x440];
	v2 =	vadd.f32 v9, v2;
	v0 =	vadd.f32 v50, v0  }
0x14f: {  	v60 =	vld [tilespmem:$0x1FEE0];
	v1 =	vadd.f32 v4, v1;
	v3 =	vadd.f32 v55, v3  }
0x150: {  	v58 =	vld [tilespmem:s28+$0x430];
	v2 =	vadd.f32 v7, v2;
	v0 =	vadd.f32 v52, v0  }
0x151: {  	s30 =	smov.u32 s29;
	v63 =	vld [tilespmem:$0x1FF00];
	v1 =	vadd.f32 v62, v1;
	v3 =	vadd.f32 v57, v3  }
0x152: {  	s0 =	sshra.s32 s30, $0x2;
	v61 =	vld [tilespmem:s28+$0x470];
	v2 =	vadd.f32 v5, v2;
	v0 =	vadd.f32 v54, v0  }
0x153: {  	p0 =	sne.s32 s29, $0x700;
	[tilespmem:s0+$0x16820] =	vst v1;
	v1 =	vadd.f32 v59, v3;
	v3 =	vld [tilespmem:$0x1FF10]  }
.Ltmp0:
0x154: {  	v2 =	vadd.f32 v60, v2;
	v0 =	vadd.f32 v56, v0;
	(pc) =	sbr.rel @p0 .LBB2_3-.Ltmp0, $3  }
0x155: {  	_ = 	snop  }
0x156: {  	v2 =	vadd.f32 v63, v2;
	v0 =	vadd.f32 v58, v0;
	_ =	sdelay $0x1  }
0x157: {  	s29 =	sadd.s32 $0x100, s29;
	v0 =	vadd.f32 v61, v0;
	v2 =	vadd.f32 v3, v2  }
0x158: {  	[tilespmem:s0+$0x16800] =	vst v1  }
0x159: {  	s1 =	sshll.u32 s25, $0x8;
	[tilespmem:s0+$0x16810] =	vst v2  }
0x15a: {  	[tilespmem:s0+$0x16830] =	vst v0;
	s31 =	sadd.s32 s1, s7  }
0x15b: {  	[hbm4b:s31+s3] =	stream.linear.scatter [tilespmem:s17], [sflag:$0x5], $0x200, $0x38;
	[tilespmem:$0x17000] =	vst v63  }
0x15c: {  	_ =	swait.ge [sflag:s9], $0x200  }
0x15d: {  	p0 =	seq.s32 s25, $0xF;
	[sflag:s9] =	ssyncset.done $0x0  }
0x15e: {  	s0 =	smul.u32 @!p0 $0x1200, s25;
	[sflag:s9] =	ssyncadd.s32 $0xFFFFFE00  }
0x15f: {  	_ =	swait.ge [sflag:s18], $0x4800  }
0x160: {  	s1 =	simm.s32 @!p0 $0x120;
	s28 =	sshra.s32 @!p0 s0, $0x2;
	[sflag:s18] =	ssyncset.done $0x0  }
0x161: {  	s29 =	simm.s32 @!p0 $0x4800;
	s0 =	sadd.s32 @!p0 $0x480, s28;
	[sflag:s18] =	ssyncadd.s32 $0xFFFFB800  }
0x162: {  	[tilespmem:s29], [sflag:$0x1] =	stream.indirect.gather @!p0 [hbm4b:s4+s1], $0x40, s0, s1, $0xb8;
	[tilespmem:$0x17000] =	vst v63  }
0x163: {  	s29 =	simm.s32 $0x9480  }
0x164: {  	v32 =	vld [tilespmem:s29+$0xFFFFFBC0]  }
0x165: {  	v33 =	vld [tilespmem:s29+$0xFFFFFBD0]  }
0x166: {  	v34 =	vld [tilespmem:s29+$0xFFFFFBE0]  }
0x167: {  	v35 =	vld [tilespmem:s29+$0xFFFFFBF0]  }
0x168: {  	v36 =	vld [tilespmem:s29+$0xFFFFFB80]  }
0x169: {  	v37 =	vld [tilespmem:s29+$0xFFFFFC00]  }
0x16a: {  	v38 =	vld [tilespmem:s29+$0xFFFFFC10]  }
0x16b: {  	v39 =	vld [tilespmem:s29+$0xFFFFFC20]  }
0x16c: {  	v40 =	vld [tilespmem:s29+$0xFFFFFC30]  }
0x16d: {  	v41 =	vld [tilespmem:s29+$0xFFFFFC40]  }
0x16e: {  	v42 =	vld [tilespmem:s29+$0xFFFFFC50]  }
0x16f: {  	v43 =	vld [tilespmem:s29+$0xFFFFFC60]  }
0x170: {  	v44 =	vld [tilespmem:s29+$0xFFFFFC70]  }
0x171: {  	v45 =	vld [tilespmem:s29+$0xFFFFFC80]  }
0x172: {  	v0 =	vld [tilespmem:s29+$0x450]  }
0x173: {  	v46 =	vld [tilespmem:s29+$0xFFFFFC90]  }
0x174: {  	v47 =	vld [tilespmem:s29+$0xFFFFFCA0]  }
0x175: {  	v48 =	vld [tilespmem:s29+$0xFFFFFCB0]  }
0x176: {  	v49 =	vld [tilespmem:s29+$0xFFFFFCC0]  }
0x177: {  	[tilespmem:$0x1FED0] =	vst v0;
	v0 =	vld [tilespmem:s29+$0x410]  }
0x178: {  	v50 =	vld [tilespmem:s29+$0xFFFFFCD0]  }
0x179: {  	v51 =	vld [tilespmem:s29+$0xFFFFFCE0]  }
0x17a: {  	v52 =	vld [tilespmem:s29+$0xFFFFFCF0]  }
0x17b: {  	v53 =	vld [tilespmem:s29+$0xFFFFFD00]  }
0x17c: {  	[tilespmem:$0x1FEC0] =	vst v0;
	v0 =	vld [tilespmem:s29+$0x460]  }
0x17d: {  	v54 =	vld [tilespmem:s29+$0xFFFFFD10]  }
0x17e: {  	v55 =	vld [tilespmem:s29+$0xFFFFFD20]  }
0x17f: {  	v56 =	vld [tilespmem:s29+$0xFFFFFD30]  }
0x180: {  	v57 =	vld [tilespmem:s29+$0xFFFFFD40]  }
0x181: {  	[tilespmem:$0x1FEB0] =	vst v0;
	v0 =	vld [tilespmem:s29+$0x3D0]  }
0x182: {  	v58 =	vld [tilespmem:s29+$0xFFFFFD50]  }
0x183: {  	v59 =	vld [tilespmem:s29+$0xFFFFFD60]  }
0x184: {  	v14 =	vld [tilespmem:s29+$0x2E0]  }
0x185: {  	v15 =	vld [tilespmem:s29+$0x250]  }
0x186: {  	[tilespmem:$0x1FEA0] =	vst v0;
	v0 =	vld [tilespmem:s29+$0x420]  }
0x187: {  	v16 =	vld [tilespmem:s29+$0x2A0]  }
0x188: {  	v17 =	vld [tilespmem:s29+$0x210]  }
0x189: {  	v18 =	vld [tilespmem:s29+$0x260]  }
0x18a: {  	v19 =	vld [tilespmem:s29+$0x1D0]  }
0x18b: {  	[tilespmem:$0x1FE90] =	vst v0;
	v0 =	vld [tilespmem:s29+$0x390]  }
0x18c: {  	v20 =	vld [tilespmem:s29+$0x220]  }
0x18d: {  	v21 =	vld [tilespmem:s29+$0x190]  }
0x18e: {  	v22 =	vld [tilespmem:s29+$0x1E0]  }
0x18f: {  	v23 =	vld [tilespmem:s29+$0x150]  }
0x190: {  	[tilespmem:$0x1FE80] =	vst v0;
	v0 =	vld [tilespmem:s29+$0x3E0]  }
0x191: {  	v24 =	vld [tilespmem:s29+$0x1A0]  }
0x192: {  	v25 =	vld [tilespmem:s29+$0x110]  }
0x193: {  	v26 =	vld [tilespmem:s29+$0x160]  }
0x194: {  	v27 =	vld [tilespmem:s29+$0xD0]  }
0x195: {  	[tilespmem:$0x1FE70] =	vst v0;
	v0 =	vld [tilespmem:s29+$0x350]  }
0x196: {  	v28 =	vld [tilespmem:s29+$0x120]  }
0x197: {  	v29 =	vld [tilespmem:s29+$0x90]  }
0x198: {  	v30 =	vld [tilespmem:s29+$0xE0]  }
0x199: {  	v31 =	vld [tilespmem:s29+$0x50]  }
0x19a: {  	[tilespmem:$0x1FE60] =	vst v0;
	v0 =	vld [tilespmem:s29+$0x3A0]  }
0x19b: {  	v60 =	vld [tilespmem:s29+$0xA0]  }
0x19c: {  	v61 =	vld [tilespmem:s29+$0x10]  }
0x19d: {  	v62 =	vld [tilespmem:s29+$0x60]  }
0x19e: {  	v63 =	vld [tilespmem:s29+$0xFFFFFFD0]  }
0x19f: {  	[tilespmem:$0x1FE50] =	vst v0;
	v0 =	vld [tilespmem:s29+$0x310]  }
0x1a0: {  	v2 =	vld [tilespmem:s29+$0xFFFFFBB0]  }
0x1a1: {  	v1 =	vld [tilespmem:s29+$0xFFFFFBA0]  }
0x1a2: {  	v13 =	vld [tilespmem:s29+$0xFFFFFFB0]  }
0x1a3: {  	v12 =	vld [tilespmem:s29+$0xFFFFFF90]  }
0x1a4: {  	[tilespmem:$0x1FE40] =	vst v0;
	v0 =	vld [tilespmem:s29+$0x360]  }
0x1a5: {  	v11 =	vld [tilespmem:s29+$0xFFFFFF70]  }
0x1a6: {  	v10 =	vld [tilespmem:s29+$0xFFFFFF50]  }
0x1a7: {  	v9 =	vld [tilespmem:s29+$0xFFFFFF30]  }
0x1a8: {  	v8 =	vld [tilespmem:s29+$0xFFFFFF10]  }
0x1a9: {  	[tilespmem:$0x1FE30] =	vst v0;
	v0 =	vld [tilespmem:s29+$0x2D0]  }
0x1aa: {  	v7 =	vld [tilespmem:s29+$0xFFFFFEF0]  }
0x1ab: {  	v6 =	vld [tilespmem:s29+$0xFFFFFED0]  }
0x1ac: {  	v4 =	vld [tilespmem:s29+$0xFFFFFEE0]  }
0x1ad: {  	v5 =	vld [tilespmem:s29+$0xFFFFFEB0]  }
0x1ae: {  	[tilespmem:$0x1FE20] =	vst v0;
	v0 =	vld [tilespmem:s29+$0x320]  }
0x1af: {  	v3 =	vld [tilespmem:s29+$0xFFFFFE50]  }
0x1b0: {  	v1 =	vadd.f32 v34, v1;
	v34 =	vld [tilespmem:s29+$0xFFFFFE70]  }
0x1b1: {  	v32 =	vadd.f32 v32, v36;
	v36 =	vld [tilespmem:s29+$0xFFFFFE30];
	v2 =	vadd.f32 v35, v2  }
0x1b2: {  	v35 =	vld [tilespmem:s29+$0xFFFFFE20]  }
0x1b3: {  	v2 =	vadd.f32 v40, v2;
	[tilespmem:$0x1FE10] =	vst v0;
	v0 =	vld [tilespmem:s29+$0x290]  }
0x1b4: {  	v32 =	vadd.f32 v37, v32;
	v37 =	vld [tilespmem:s29+$0xFFFFFDF0]  }
0x1b5: {  	v1 =	vadd.f32 v39, v1;
	v39 =	vld [tilespmem:s29+$0xFFFFFDB0];
	v2 =	vadd.f32 v44, v2  }
0x1b6: {  	v40 =	vld [tilespmem:s29+$0xFFFFFDA0]  }
0x1b7: {  	v2 =	vadd.f32 v48, v2;
	v48 =	vld [tilespmem:s29+$0xFFFFFD70]  }
0x1b8: {  	v32 =	vadd.f32 v41, v32;
	[tilespmem:$0x1FE00] =	vst v0;
	v0 =	vld [tilespmem:s29+$0xFFFFFB90]  }
0x1b9: {  	v1 =	vadd.f32 v43, v1;
	v43 =	vld [tilespmem:s29+$0xFFFFFEC0];
	v2 =	vadd.f32 v52, v2  }
0x1ba: {  	v44 =	vld [tilespmem:s29+$0xFFFFFF60];
	v32 =	vadd.f32 v45, v32  }
0x1bb: {  	v41 =	vld [tilespmem:s29+$0x330];
	v2 =	vadd.f32 v56, v2  }
0x1bc: {  	v1 =	vadd.f32 v47, v1;
	v47 =	vld [tilespmem:s29+$0xFFFFFF40];
	v32 =	vadd.f32 v49, v32  }
0x1bd: {  	v49 =	vld [tilespmem:s29+$0xFFFFFD90];
	v2 =	vadd.f32 v48, v2;
	v0 =	vadd.f32 v33, v0  }
0x1be: {  	v1 =	vadd.f32 v51, v1;
	v51 =	vld [tilespmem:s29+$0xFFFFFDD0]  }
0x1bf: {  	v52 =	vld [tilespmem:s29+$0xFFFFFDC0];
	v2 =	vadd.f32 v39, v2;
	v0 =	vadd.f32 v38, v0  }
0x1c0: {  	v1 =	vadd.f32 v55, v1;
	v32 =	vadd.f32 v53, v32;
	v53 =	vld [tilespmem:s29+$0xFFFFFE60]  }
0x1c1: {  	v55 =	vld [tilespmem:s29+$0xFFFFFEA0];
	v2 =	vadd.f32 v37, v2;
	v0 =	vadd.f32 v42, v0  }
0x1c2: {  	v56 =	vld [tilespmem:s29+$0xFFFFFE40];
	v32 =	vadd.f32 v57, v32  }
0x1c3: {  	v57 =	vld [tilespmem:s29+$0xFFFFFE90];
	v2 =	vadd.f32 v36, v2;
	v0 =	vadd.f32 v46, v0  }
0x1c4: {  	v38 =	vld [tilespmem:s29+$0xFFFFFDE0]  }
0x1c5: {  	v2 =	vadd.f32 v34, v2;
	v0 =	vadd.f32 v50, v0;
	v50 =	vld [tilespmem:s29+$0xFFFFFD80]  }
0x1c6: {  	v1 =	vadd.f32 v59, v1;
	v59 =	vld [tilespmem:s29+$0xFFFFFF20]  }
0x1c7: {  	v48 =	vld [tilespmem:s29+$0xFFFFFFE0];
	v2 =	vadd.f32 v5, v2;
	v0 =	vadd.f32 v54, v0  }
0x1c8: {  	v1 =	vadd.f32 v40, v1;
	v39 =	vld [tilespmem:s29+$0x2F0]  }
0x1c9: {  	v2 =	vadd.f32 v7, v2;
	v54 =	vld [tilespmem:s29+$0xFFFFFE00];
	v0 =	vadd.f32 v58, v0  }
0x1ca: {  	v33 =	vld [tilespmem:s29+$0xFFFFFE10];
	v1 =	vadd.f32 v38, v1;
	v32 =	vadd.f32 v50, v32  }
0x1cb: {  	v40 =	vld [tilespmem:s29+$0x300];
	v2 =	vadd.f32 v9, v2;
	v0 =	vadd.f32 v49, v0  }
0x1cc: {  	v37 =	vld [tilespmem:s29+$0x2B0];
	v1 =	vadd.f32 v35, v1;
	v32 =	vadd.f32 v52, v32  }
0x1cd: {  	v2 =	vadd.f32 v11, v2;
	v58 =	vld [tilespmem:s29+$0xFFFFFE80];
	v0 =	vadd.f32 v51, v0  }
0x1ce: {  	v36 =	vld [tilespmem:s29+$0x280];
	v1 =	vadd.f32 v53, v1;
	v32 =	vadd.f32 v54, v32  }
0x1cf: {  	v34 =	vld [tilespmem:s29+$0x240];
	v2 =	vadd.f32 v13, v2;
	v0 =	vadd.f32 v33, v0  }
0x1d0: {  	v13 =	vld [tilespmem:s29+$0x170];
	v1 =	vadd.f32 v55, v1;
	v32 =	vadd.f32 v56, v32  }
0x1d1: {  	v0 =	vadd.f32 v3, v0;
	v3 =	vld [tilespmem:s29+$0xFFFFFF00]  }
0x1d2: {  	v42 =	vld [tilespmem:$0x1FE00];
	v1 =	vadd.f32 v4, v1;
	v45 =	vadd.f32 v58, v32  }
0x1d3: {  	v46 =	vld [tilespmem:s29+$0xFFFFFFA0]  }
0x1d4: {  	v38 =	vld [tilespmem:s29+$0x2C0];
	v1 =	vadd.f32 v59, v1;
	v4 =	vadd.f32 v43, v45  }
0x1d5: {  	v49 =	vld [tilespmem:s29+$0xFFFFFF80]  }
0x1d6: {  	v50 =	vld [tilespmem:s29+$0x20];
	v1 =	vadd.f32 v44, v1;
	v3 =	vadd.f32 v3, v4  }
0x1d7: {  	v51 =	vld [tilespmem:s29+$0xFFFFFFC0];
	v0 =	vadd.f32 v57, v0  }
0x1d8: {  	v35 =	vld [tilespmem:s29+$0x270];
	v1 =	vadd.f32 v46, v1;
	v3 =	vadd.f32 v47, v3  }
0x1d9: {  	v53 =	vld [tilespmem:s29+$0x0];
	v0 =	vadd.f32 v6, v0  }
0x1da: {  	v55 =	vld [tilespmem:s29+$0x40];
	v1 =	vadd.f32 v48, v1;
	v3 =	vadd.f32 v49, v3  }
0x1db: {  	v52 =	vld [tilespmem:s29+$0xFFFFFFF0];
	v0 =	vadd.f32 v8, v0  }
0x1dc: {  	v54 =	vld [tilespmem:s29+$0x30];
	v1 =	vadd.f32 v50, v1;
	v3 =	vadd.f32 v51, v3  }
0x1dd: {  	v57 =	vld [tilespmem:s29+$0x80];
	v0 =	vadd.f32 v10, v0  }
0x1de: {  	v59 =	vld [tilespmem:s29+$0xC0];
	v1 =	vadd.f32 v62, v1;
	v3 =	vadd.f32 v53, v3  }
0x1df: {  	v33 =	vld [tilespmem:s29+$0x230];
	v0 =	vadd.f32 v12, v0  }
0x1e0: {  	v56 =	vld [tilespmem:s29+$0x70];
	v1 =	vadd.f32 v60, v1;
	v3 =	vadd.f32 v55, v3  }
0x1e1: {  	v2 =	vadd.f32 v52, v2;
	v62 =	vld [tilespmem:s29+$0x100];
	v0 =	vadd.f32 v63, v0  }
0x1e2: {  	v58 =	vld [tilespmem:s29+$0xB0];
	v1 =	vadd.f32 v30, v1;
	v3 =	vadd.f32 v57, v3  }
0x1e3: {  	v2 =	vadd.f32 v54, v2;
	v12 =	vld [tilespmem:s29+$0x140];
	v0 =	vadd.f32 v61, v0  }
0x1e4: {  	v1 =	vadd.f32 v28, v1;
	v61 =	vld [tilespmem:s29+$0xF0];
	v3 =	vadd.f32 v59, v3  }
0x1e5: {  	v2 =	vadd.f32 v56, v2;
	v28 =	vld [tilespmem:s29+$0x180];
	v0 =	vadd.f32 v31, v0  }
0x1e6: {  	v63 =	vld [tilespmem:s29+$0x130];
	v1 =	vadd.f32 v26, v1;
	v3 =	vadd.f32 v62, v3  }
0x1e7: {  	v2 =	vadd.f32 v58, v2;
	v30 =	vld [tilespmem:s29+$0x1C0];
	v0 =	vadd.f32 v29, v0  }
0x1e8: {  	v44 =	vld [tilespmem:$0x1FE10];
	v1 =	vadd.f32 v24, v1;
	v3 =	vadd.f32 v12, v3  }
0x1e9: {  	v32 =	vld [tilespmem:s29+$0x200];
	v2 =	vadd.f32 v61, v2;
	v0 =	vadd.f32 v27, v0  }
0x1ea: {  	v29 =	vld [tilespmem:s29+$0x1B0];
	v1 =	vadd.f32 v22, v1;
	v3 =	vadd.f32 v28, v3  }
0x1eb: {  	v52 =	vld [tilespmem:$0x1FE50];
	v2 =	vadd.f32 v63, v2;
	v0 =	vadd.f32 v25, v0  }
0x1ec: {  	v31 =	vld [tilespmem:s29+$0x1F0];
	v1 =	vadd.f32 v20, v1;
	v3 =	vadd.f32 v30, v3  }
0x1ed: {  	v46 =	vld [tilespmem:$0x1FE20];
	v2 =	vadd.f32 v13, v2;
	v0 =	vadd.f32 v23, v0  }
0x1ee: {  	v54 =	vld [tilespmem:$0x1FE60];
	v1 =	vadd.f32 v18, v1;
	v3 =	vadd.f32 v32, v3  }
0x1ef: {  	v43 =	vld [tilespmem:s29+$0x340];
	v2 =	vadd.f32 v29, v2;
	v0 =	vadd.f32 v21, v0  }
0x1f0: {  	v45 =	vld [tilespmem:s29+$0x370];
	v1 =	vadd.f32 v16, v1;
	v3 =	vadd.f32 v34, v3  }
0x1f1: {  	v48 =	vld [tilespmem:$0x1FE30];
	v2 =	vadd.f32 v31, v2;
	v0 =	vadd.f32 v19, v0  }
0x1f2: {  	v56 =	vld [tilespmem:$0x1FE70];
	v1 =	vadd.f32 v14, v1;
	v3 =	vadd.f32 v36, v3  }
0x1f3: {  	v50 =	vld [tilespmem:$0x1FE40];
	v2 =	vadd.f32 v33, v2;
	v0 =	vadd.f32 v17, v0  }
0x1f4: {  	v58 =	vld [tilespmem:$0x1FE80];
	v1 =	vadd.f32 v44, v1;
	v3 =	vadd.f32 v38, v3  }
0x1f5: {  	v47 =	vld [tilespmem:s29+$0x380];
	v2 =	vadd.f32 v35, v2;
	v0 =	vadd.f32 v15, v0  }
0x1f6: {  	v60 =	vld [tilespmem:$0x1FE90];
	v1 =	vadd.f32 v48, v1;
	v3 =	vadd.f32 v40, v3  }
0x1f7: {  	v51 =	vld [tilespmem:s29+$0x3C0];
	v2 =	vadd.f32 v37, v2;
	v0 =	vadd.f32 v42, v0  }
0x1f8: {  	v55 =	vld [tilespmem:s29+$0x400];
	v1 =	vadd.f32 v52, v1;
	v3 =	vadd.f32 v43, v3  }
0x1f9: {  	v63 =	vld [tilespmem:$0x1FEB0];
	v2 =	vadd.f32 v39, v2;
	v0 =	vadd.f32 v46, v0  }
0x1fa: {  	v49 =	vld [tilespmem:s29+$0x3B0];
	v1 =	vadd.f32 v56, v1;
	v3 =	vadd.f32 v47, v3  }
0x1fb: {  	v53 =	vld [tilespmem:s29+$0x3F0];
	v2 =	vadd.f32 v41, v2;
	v0 =	vadd.f32 v50, v0  }
0x1fc: {  	v62 =	vld [tilespmem:$0x1FEA0];
	v1 =	vadd.f32 v60, v1;
	v3 =	vadd.f32 v51, v3  }
0x1fd: {  	v57 =	vld [tilespmem:s29+$0x430];
	v2 =	vadd.f32 v45, v2;
	v0 =	vadd.f32 v54, v0  }
0x1fe: {  	v6 =	vadd.f32 v63, v1;
	v1 =	vadd.f32 v55, v3;
	v3 =	vld [tilespmem:$0x1FEC0]  }
0x1ff: {  	v2 =	vadd.f32 v49, v2;
	v0 =	vadd.f32 v58, v0;
	_ =	sdelay $0x1  }
0x200: {  	v59 =	vld [tilespmem:s29+$0x440];
	v2 =	vadd.f32 v53, v2;
	v0 =	vadd.f32 v62, v0  }
0x201: {  	v61 =	vld [tilespmem:s29+$0x470]  }
0x202: {  	v0 =	vadd.f32 v3, v0;
	v3 =	vadd.f32 v57, v2;
	v2 =	vld [tilespmem:$0x1FED0];
	_ =	sdelay $0x3  }
0x203: {  	s1 =	simm.s32 $0x0;
	v1 =	vadd.f32 v59, v1  }
0x204: {  	s30 =	simm.s32 $0x100;
	[tilespmem:s1+$0x16A20] =	vst v6;
	v2 =	vadd.f32 v2, v0;
	v0 =	vadd.f32 v61, v3  }
.LBB2_5:
0x205: {  	[tilespmem:s1+$0x16A00] =	vst v1  }
0x206: {  	[tilespmem:s1+$0x16A10] =	vst v2  }
0x207: {  	s29 =	sadd.s32 $0x900, s29;
	[tilespmem:s1+$0x16A30] =	vst v0  }
0x208: {  	v0 =	vld [tilespmem:s29+$0xFFFFFBC0]  }
0x209: {  	v34 =	vld [tilespmem:s29+$0xFFFFFBD0]  }
0x20a: {  	v54 =	vld [tilespmem:s29+$0xFFFFFBE0]  }
0x20b: {  	v57 =	vld [tilespmem:s29+$0xFFFFFBF0]  }
0x20c: {  	v1 =	vld [tilespmem:s29+$0xFFFFFB80]  }
0x20d: {  	v2 =	vld [tilespmem:s29+$0xFFFFFC00]  }
0x20e: {  	v36 =	vld [tilespmem:s29+$0xFFFFFC10]  }
0x20f: {  	v56 =	vld [tilespmem:s29+$0xFFFFFC20]  }
0x210: {  	v59 =	vld [tilespmem:s29+$0xFFFFFC30]  }
0x211: {  	v39 =	vld [tilespmem:s29+$0xFFFFFC40]  }
0x212: {  	v38 =	vld [tilespmem:s29+$0xFFFFFC50]  }
0x213: {  	v58 =	vld [tilespmem:s29+$0xFFFFFC60]  }
0x214: {  	v61 =	vld [tilespmem:s29+$0xFFFFFC70]  }
0x215: {  	v42 =	vld [tilespmem:s29+$0xFFFFFC80]  }
0x216: {  	v40 =	vld [tilespmem:s29+$0xFFFFFC90]  }
0x217: {  	v60 =	vld [tilespmem:s29+$0xFFFFFCA0]  }
0x218: {  	v62 =	vld [tilespmem:s29+$0xFFFFFCB0]  }
0x219: {  	v45 =	vld [tilespmem:s29+$0xFFFFFCC0]  }
0x21a: {  	v41 =	vld [tilespmem:s29+$0xFFFFFCD0]  }
0x21b: {  	v50 =	vld [tilespmem:s29+$0xFFFFFCE0]  }
0x21c: {  	v63 =	vld [tilespmem:s29+$0xFFFFFCF0]  }
0x21d: {  	v47 =	vld [tilespmem:s29+$0xFFFFFD00]  }
0x21e: {  	v43 =	vld [tilespmem:s29+$0xFFFFFD10]  }
0x21f: {  	v52 =	vld [tilespmem:s29+$0xFFFFFD20]  }
0x220: {  	v3 =	vld [tilespmem:s29+$0xFFFFFD30]  }
0x221: {  	v48 =	vld [tilespmem:s29+$0xFFFFFD40]  }
0x222: {  	v46 =	vld [tilespmem:s29+$0xFFFFFD50]  }
0x223: {  	v53 =	vld [tilespmem:s29+$0xFFFFFD60]  }
0x224: {  	v4 =	vld [tilespmem:s29+$0x420]  }
0x225: {  	v5 =	vld [tilespmem:s29+$0x390]  }
0x226: {  	v6 =	vld [tilespmem:s29+$0x3E0]  }
0x227: {  	v7 =	vld [tilespmem:s29+$0x350]  }
0x228: {  	v8 =	vld [tilespmem:s29+$0x3A0]  }
0x229: {  	v9 =	vld [tilespmem:s29+$0x310]  }
0x22a: {  	v10 =	vld [tilespmem:s29+$0x360]  }
0x22b: {  	v11 =	vld [tilespmem:s29+$0x2D0]  }
0x22c: {  	v12 =	vld [tilespmem:s29+$0x320]  }
0x22d: {  	v13 =	vld [tilespmem:s29+$0x290]  }
0x22e: {  	v14 =	vld [tilespmem:s29+$0x2E0]  }
0x22f: {  	v15 =	vld [tilespmem:s29+$0x250]  }
0x230: {  	v16 =	vld [tilespmem:s29+$0x2A0]  }
0x231: {  	v17 =	vld [tilespmem:s29+$0x210]  }
0x232: {  	v18 =	vld [tilespmem:s29+$0x260]  }
0x233: {  	v19 =	vld [tilespmem:s29+$0x1D0]  }
0x234: {  	v20 =	vld [tilespmem:s29+$0x220]  }
0x235: {  	v21 =	vld [tilespmem:s29+$0x190]  }
0x236: {  	v22 =	vld [tilespmem:s29+$0x1E0]  }
0x237: {  	v23 =	vld [tilespmem:s29+$0x150]  }
0x238: {  	v24 =	vld [tilespmem:s29+$0x1A0]  }
0x239: {  	v25 =	vld [tilespmem:s29+$0x110]  }
0x23a: {  	v26 =	vld [tilespmem:s29+$0x160]  }
0x23b: {  	v27 =	vld [tilespmem:s29+$0xD0]  }
0x23c: {  	v28 =	vld [tilespmem:s29+$0x120]  }
0x23d: {  	v29 =	vld [tilespmem:s29+$0x90];
	v0 =	vadd.f32 v0, v1  }
0x23e: {  	v30 =	vld [tilespmem:s29+$0xE0]  }
0x23f: {  	v44 =	vadd.f32 v2, v0;
	v0 =	vld [tilespmem:s29+$0x450]  }
0x240: {  	v31 =	vld [tilespmem:s29+$0x50]  }
0x241: {  	v32 =	vld [tilespmem:s29+$0xA0]  }
0x242: {  	v33 =	vld [tilespmem:s29+$0x10]  }
0x243: {  	v35 =	vld [tilespmem:s29+$0x60]  }
0x244: {  	[tilespmem:$0x1FDF0] =	vst v0;
	v0 =	vld [tilespmem:s29+$0x410]  }
0x245: {  	v37 =	vld [tilespmem:s29+$0xFFFFFFD0]  }
0x246: {  	v49 =	vld [tilespmem:s29+$0xFFFFFFB0]  }
0x247: {  	v51 =	vld [tilespmem:s29+$0xFFFFFF90]  }
0x248: {  	v1 =	vld [tilespmem:s29+$0xFFFFFBA0]  }
0x249: {  	[tilespmem:$0x1FDE0] =	vst v0;
	v0 =	vld [tilespmem:s29+$0x460]  }
0x24a: {  	v55 =	vld [tilespmem:s29+$0xFFFFFF70]  }
0x24b: {  	v2 =	vld [tilespmem:s29+$0xFFFFFB90]  }
0x24c: {  	v39 =	vadd.f32 v39, v44;
	v44 =	vld [tilespmem:s29+$0xFFFFFDF0]  }
0x24d: {  	v1 =	vadd.f32 v54, v1;
	v54 =	vld [tilespmem:s29+$0xFFFFFF30]  }
0x24e: {  	[tilespmem:$0x1FDD0] =	vst v0;
	v0 =	vld [tilespmem:s29+$0x3D0]  }
0x24f: {  	v39 =	vadd.f32 v42, v39;
	v42 =	vld [tilespmem:s29+$0xFFFFFDB0]  }
0x250: {  	v1 =	vadd.f32 v56, v1;
	v56 =	vld [tilespmem:s29+$0xFFFFFEF0]  }
0x251: {  	v2 =	vadd.f32 v34, v2;
	v34 =	vld [tilespmem:s29+$0xFFFFFE10]  }
0x252: {  	v39 =	vadd.f32 v45, v39;
	v45 =	vld [tilespmem:s29+$0xFFFFFD70]  }
0x253: {  	v1 =	vadd.f32 v58, v1;
	[tilespmem:$0x1FDC0] =	vst v0;
	v0 =	vld [tilespmem:s29+$0xFFFFFBB0]  }
0x254: {  	v58 =	vld [tilespmem:s29+$0xFFFFFEE0];
	v2 =	vadd.f32 v36, v2  }
0x255: {  	v36 =	vld [tilespmem:s29+$0xFFFFFE20];
	v1 =	vadd.f32 v60, v1  }
0x256: {  	v39 =	vadd.f32 v47, v39;
	v47 =	vld [tilespmem:s29+$0xFFFFFD80];
	v2 =	vadd.f32 v38, v2  }
0x257: {  	v60 =	vld [tilespmem:s29+$0xFFFFFEB0];
	v1 =	vadd.f32 v50, v1  }
0x258: {  	v2 =	vadd.f32 v40, v2;
	v40 =	vld [tilespmem:s29+$0xFFFFFDA0];
	v0 =	vadd.f32 v57, v0  }
0x259: {  	v38 =	vld [tilespmem:s29+$0xFFFFFDE0];
	v39 =	vadd.f32 v48, v39;
	v1 =	vadd.f32 v52, v1  }
0x25a: {  	v48 =	vld [tilespmem:s29+$0xFFFFFE40];
	v2 =	vadd.f32 v41, v2;
	v0 =	vadd.f32 v59, v0  }
0x25b: {  	v41 =	vld [tilespmem:s29+$0xFFFFFD90];
	v1 =	vadd.f32 v53, v1  }
0x25c: {  	v52 =	vld [tilespmem:s29+$0xFFFFFDC0];
	v2 =	vadd.f32 v43, v2;
	v0 =	vadd.f32 v61, v0  }
0x25d: {  	v50 =	vld [tilespmem:s29+$0xFFFFFDD0];
	v1 =	vadd.f32 v40, v1  }
0x25e: {  	v2 =	vadd.f32 v46, v2;
	v46 =	vld [tilespmem:s29+$0xFFFFFE00];
	v0 =	vadd.f32 v62, v0  }
0x25f: {  	v39 =	vadd.f32 v47, v39;
	v53 =	vld [tilespmem:s29+$0xFFFFFE60];
	v1 =	vadd.f32 v38, v1  }
0x260: {  	v47 =	vld [tilespmem:s29+$0xFFFFFEA0];
	v2 =	vadd.f32 v41, v2;
	v0 =	vadd.f32 v63, v0  }
0x261: {  	v39 =	vadd.f32 v52, v39;
	v52 =	vld [tilespmem:s29+$0xFFFFFE80];
	v1 =	vadd.f32 v36, v1  }
0x262: {  	v2 =	vadd.f32 v50, v2;
	v50 =	vld [tilespmem:s29+$0xFFFFFE90];
	v0 =	vadd.f32 v3, v0  }
0x263: {  	v38 =	vadd.f32 v46, v39;
	v46 =	vld [tilespmem:s29+$0xFFFFFFA0]  }
0x264: {  	v1 =	vadd.f32 v53, v1;
	v53 =	vld [tilespmem:s29+$0xFFFFFF20];
	v0 =	vadd.f32 v45, v0  }
0x265: {  	v3 =	vld [tilespmem:s29+$0xFFFFFE30]  }
0x266: {  	v36 =	vadd.f32 v48, v38;
	v48 =	vld [tilespmem:s29+$0xFFFFFFE0];
	v0 =	vadd.f32 v42, v0  }
0x267: {  	v62 =	vld [tilespmem:s29+$0xFFFFFE70]  }
0x268: {  	v57 =	vld [tilespmem:s29+$0xFFFFFF50];
	v0 =	vadd.f32 v44, v0  }
0x269: {  	v63 =	vld [tilespmem:s29+$0xFFFFFE50]  }
0x26a: {  	v0 =	vadd.f32 v3, v0;
	v3 =	vld [tilespmem:s29+$0xFFFFFEC0]  }
0x26b: {  	v1 =	vadd.f32 v47, v1;
	v45 =	vld [tilespmem:s29+$0xFFFFFF00]  }
0x26c: {  	v2 =	vadd.f32 v34, v2;
	v44 =	vld [tilespmem:s29+$0xFFFFFF60];
	v0 =	vadd.f32 v62, v0  }
0x26d: {  	v36 =	vadd.f32 v52, v36;
	v1 =	vadd.f32 v58, v1;
	v61 =	vld [tilespmem:s29+$0xFFFFFED0]  }
0x26e: {  	v47 =	vld [tilespmem:s29+$0xFFFFFF40];
	v2 =	vadd.f32 v63, v2;
	v0 =	vadd.f32 v60, v0  }
0x26f: {  	v59 =	vld [tilespmem:s29+$0xFFFFFF10];
	v1 =	vadd.f32 v53, v1;
	v3 =	vadd.f32 v3, v36  }
0x270: {  	v2 =	vadd.f32 v50, v2;
	v50 =	vld [tilespmem:s29+$0xFFFFFF80];
	v0 =	vadd.f32 v56, v0  }
0x271: {  	v52 =	vld [tilespmem:s29+$0x20];
	v1 =	vadd.f32 v44, v1;
	v3 =	vadd.f32 v45, v3  }
0x272: {  	v53 =	vld [tilespmem:s29+$0xFFFFFFC0];
	v2 =	vadd.f32 v61, v2;
	v0 =	vadd.f32 v54, v0  }
0x273: {  	v43 =	vld [tilespmem:s29+$0x240];
	v1 =	vadd.f32 v46, v1;
	v3 =	vadd.f32 v47, v3  }
0x274: {  	v2 =	vadd.f32 v59, v2;
	v0 =	vadd.f32 v55, v0;
	v55 =	vld [tilespmem:s29+$0x0]  }
0x275: {  	v40 =	vld [tilespmem:s29+$0x1F0];
	v1 =	vadd.f32 v48, v1;
	v3 =	vadd.f32 v50, v3  }
0x276: {  	v2 =	vadd.f32 v57, v2;
	v57 =	vld [tilespmem:s29+$0x40]  }
0x277: {  	v54 =	vld [tilespmem:s29+$0xFFFFFFF0];
	v1 =	vadd.f32 v52, v1;
	v3 =	vadd.f32 v53, v3  }
0x278: {  	v59 =	vld [tilespmem:s29+$0x80]  }
0x279: {  	v56 =	vld [tilespmem:s29+$0x30];
	v1 =	vadd.f32 v35, v1;
	v3 =	vadd.f32 v55, v3  }
0x27a: {  	v61 =	vld [tilespmem:s29+$0xC0];
	v2 =	vadd.f32 v51, v2;
	v0 =	vadd.f32 v49, v0  }
0x27b: {  	v58 =	vld [tilespmem:s29+$0x70];
	v1 =	vadd.f32 v32, v1;
	v3 =	vadd.f32 v57, v3  }
0x27c: {  	v63 =	vld [tilespmem:s29+$0x100];
	v2 =	vadd.f32 v37, v2;
	v0 =	vadd.f32 v54, v0  }
0x27d: {  	v60 =	vld [tilespmem:s29+$0xB0];
	v1 =	vadd.f32 v30, v1;
	v3 =	vadd.f32 v59, v3  }
0x27e: {  	v2 =	vadd.f32 v33, v2;
	v35 =	vld [tilespmem:s29+$0x140];
	v0 =	vadd.f32 v56, v0  }
0x27f: {  	v62 =	vld [tilespmem:s29+$0xF0];
	v1 =	vadd.f32 v28, v1;
	v3 =	vadd.f32 v61, v3  }
0x280: {  	v37 =	vld [tilespmem:s29+$0x180];
	v2 =	vadd.f32 v31, v2;
	v0 =	vadd.f32 v58, v0  }
0x281: {  	v34 =	vld [tilespmem:s29+$0x130];
	v1 =	vadd.f32 v26, v1;
	v3 =	vadd.f32 v63, v3  }
0x282: {  	v39 =	vld [tilespmem:s29+$0x1C0];
	v2 =	vadd.f32 v29, v2;
	v0 =	vadd.f32 v60, v0  }
0x283: {  	v36 =	vld [tilespmem:s29+$0x170];
	v1 =	vadd.f32 v24, v1;
	v3 =	vadd.f32 v35, v3  }
0x284: {  	v41 =	vld [tilespmem:s29+$0x200];
	v2 =	vadd.f32 v27, v2;
	v0 =	vadd.f32 v62, v0  }
0x285: {  	v38 =	vld [tilespmem:s29+$0x1B0];
	v1 =	vadd.f32 v22, v1;
	v3 =	vadd.f32 v37, v3  }
0x286: {  	v42 =	vld [tilespmem:s29+$0x230];
	v2 =	vadd.f32 v25, v2;
	v0 =	vadd.f32 v34, v0  }
0x287: {  	v44 =	vld [tilespmem:s29+$0x270];
	v1 =	vadd.f32 v20, v1;
	v3 =	vadd.f32 v39, v3  }
0x288: {  	v45 =	vld [tilespmem:s29+$0x280];
	v2 =	vadd.f32 v23, v2;
	v0 =	vadd.f32 v36, v0  }
0x289: {  	v46 =	vld [tilespmem:s29+$0x2B0];
	v1 =	vadd.f32 v18, v1;
	v3 =	vadd.f32 v41, v3  }
0x28a: {  	v47 =	vld [tilespmem:s29+$0x2C0];
	v2 =	vadd.f32 v21, v2;
	v0 =	vadd.f32 v38, v0  }
0x28b: {  	v51 =	vld [tilespmem:s29+$0x340];
	v1 =	vadd.f32 v16, v1;
	v3 =	vadd.f32 v43, v3  }
0x28c: {  	v49 =	vld [tilespmem:s29+$0x300];
	v2 =	vadd.f32 v19, v2;
	v0 =	vadd.f32 v40, v0  }
0x28d: {  	v48 =	vld [tilespmem:s29+$0x2F0];
	v1 =	vadd.f32 v14, v1;
	v3 =	vadd.f32 v45, v3  }
0x28e: {  	v52 =	vld [tilespmem:s29+$0x370];
	v2 =	vadd.f32 v17, v2;
	v0 =	vadd.f32 v42, v0  }
0x28f: {  	v50 =	vld [tilespmem:s29+$0x330];
	v1 =	vadd.f32 v12, v1;
	v3 =	vadd.f32 v47, v3  }
0x290: {  	v53 =	vld [tilespmem:s29+$0x380];
	v2 =	vadd.f32 v15, v2;
	v0 =	vadd.f32 v44, v0  }
0x291: {  	v54 =	vld [tilespmem:s29+$0x3B0];
	v1 =	vadd.f32 v10, v1;
	v3 =	vadd.f32 v49, v3  }
0x292: {  	v55 =	vld [tilespmem:s29+$0x3C0];
	v2 =	vadd.f32 v13, v2;
	v0 =	vadd.f32 v46, v0  }
0x293: {  	v57 =	vld [tilespmem:s29+$0x400];
	v1 =	vadd.f32 v8, v1;
	v3 =	vadd.f32 v51, v3  }
0x294: {  	v62 =	vld [tilespmem:$0x1FDD0];
	v2 =	vadd.f32 v11, v2;
	v0 =	vadd.f32 v48, v0  }
0x295: {  	v56 =	vld [tilespmem:s29+$0x3F0];
	v1 =	vadd.f32 v6, v1;
	v3 =	vadd.f32 v53, v3  }
0x296: {  	v59 =	vld [tilespmem:s29+$0x440];
	v2 =	vadd.f32 v9, v2;
	v0 =	vadd.f32 v50, v0  }
0x297: {  	v60 =	vld [tilespmem:$0x1FDC0];
	v1 =	vadd.f32 v4, v1;
	v3 =	vadd.f32 v55, v3  }
0x298: {  	v58 =	vld [tilespmem:s29+$0x430];
	v2 =	vadd.f32 v7, v2;
	v0 =	vadd.f32 v52, v0  }
0x299: {  	s31 =	smov.u32 s30;
	v63 =	vld [tilespmem:$0x1FDE0];
	v1 =	vadd.f32 v62, v1;
	v3 =	vadd.f32 v57, v3  }
0x29a: {  	s1 =	sshra.s32 s31, $0x2;
	v61 =	vld [tilespmem:s29+$0x470];
	v2 =	vadd.f32 v5, v2;
	v0 =	vadd.f32 v54, v0  }
0x29b: {  	p1 =	sne.s32 s30, $0x700;
	[tilespmem:s1+$0x16A20] =	vst v1;
	v1 =	vadd.f32 v59, v3;
	v3 =	vld [tilespmem:$0x1FDF0]  }
.Ltmp1:
0x29c: {  	v2 =	vadd.f32 v60, v2;
	v0 =	vadd.f32 v56, v0;
	(pc) =	sbr.rel @p1 .LBB2_5-.Ltmp1, $3  }
0x29d: {  	_ = 	snop  }
0x29e: {  	v2 =	vadd.f32 v63, v2;
	v0 =	vadd.f32 v58, v0;
	_ =	sdelay $0x1  }
0x29f: {  	s30 =	sadd.s32 $0x100, s30;
	v0 =	vadd.f32 v61, v0;
	v2 =	vadd.f32 v3, v2  }
0x2a0: {  	s0 =	sshll.u32 s25, $0x5  }
0x2a1: {  	s0 =	sadd.s32 s0, s5  }
0x2a2: {  	s29 =	sshll.u32 s0, $0x3  }
0x2a3: {  	[tilespmem:s1+$0x16A00] =	vst v1;
	s0 =	sadd.s32 $0x40, s29  }
0x2a4: {  	[tilespmem:s1+$0x16A10] =	vst v2;
	s0 =	sand.u32 $0x1FFFFF40, s0  }
0x2a5: {  	[tilespmem:s1+$0x16A30] =	vst v0;
	s0 =	sadd.s32 s2, s0  }
0x2a6: {  	[hbm4b:s0+s3] =	stream.linear.scatter [tilespmem:s19], [sflag:$0x5], $0x200, $0x38;
	[tilespmem:$0x17000] =	vst v63  }
0x2a7: {  	_ =	swait.ge [sflag:s9], $0x200  }
0x2a8: {  	[sflag:s9] =	ssyncset.done $0x0  }
0x2a9: {  	[sflag:s9] =	ssyncadd.s32 $0xFFFFFE00  }
0x2aa: {  	_ =	swait.ge [sflag:s20], $0x4800  }
0x2ab: {  	s30 =	simm.s32 @!p0 $0x9000;
	[sflag:s20] =	ssyncset.done $0x0  }
0x2ac: {  	s1 =	simm.s32 @!p0 $0x120;
	s0 =	sadd.s32 @!p0 $0x5A0, s28;
	[sflag:s20] =	ssyncadd.s32 $0xFFFFB800  }
0x2ad: {  	[tilespmem:s30], [sflag:$0x2] =	stream.indirect.gather @!p0 [hbm4b:s4+s1], $0x40, s0, s1, $0xb8;
	[tilespmem:$0x17000] =	vst v63  }
0x2ae: {  	s30 =	simm.s32 $0xDC80  }
0x2af: {  	v32 =	vld [tilespmem:s30+$0xFFFFFBC0]  }
0x2b0: {  	v33 =	vld [tilespmem:s30+$0xFFFFFBD0]  }
0x2b1: {  	v34 =	vld [tilespmem:s30+$0xFFFFFBE0]  }
0x2b2: {  	v35 =	vld [tilespmem:s30+$0xFFFFFBF0]  }
0x2b3: {  	v36 =	vld [tilespmem:s30+$0xFFFFFB80]  }
0x2b4: {  	v37 =	vld [tilespmem:s30+$0xFFFFFC00]  }
0x2b5: {  	v38 =	vld [tilespmem:s30+$0xFFFFFC10]  }
0x2b6: {  	v39 =	vld [tilespmem:s30+$0xFFFFFC20]  }
0x2b7: {  	v40 =	vld [tilespmem:s30+$0xFFFFFC30]  }
0x2b8: {  	v41 =	vld [tilespmem:s30+$0xFFFFFC40]  }
0x2b9: {  	v42 =	vld [tilespmem:s30+$0xFFFFFC50]  }
0x2ba: {  	v43 =	vld [tilespmem:s30+$0xFFFFFC60]  }
0x2bb: {  	v44 =	vld [tilespmem:s30+$0xFFFFFC70]  }
0x2bc: {  	v45 =	vld [tilespmem:s30+$0xFFFFFC80]  }
0x2bd: {  	v0 =	vld [tilespmem:s30+$0x450]  }
0x2be: {  	v46 =	vld [tilespmem:s30+$0xFFFFFC90]  }
0x2bf: {  	v47 =	vld [tilespmem:s30+$0xFFFFFCA0]  }
0x2c0: {  	v48 =	vld [tilespmem:s30+$0xFFFFFCB0]  }
0x2c1: {  	v49 =	vld [tilespmem:s30+$0xFFFFFCC0]  }
0x2c2: {  	[tilespmem:$0x1FDB0] =	vst v0;
	v0 =	vld [tilespmem:s30+$0x410]  }
0x2c3: {  	v50 =	vld [tilespmem:s30+$0xFFFFFCD0]  }
0x2c4: {  	v51 =	vld [tilespmem:s30+$0xFFFFFCE0]  }
0x2c5: {  	v52 =	vld [tilespmem:s30+$0xFFFFFCF0]  }
0x2c6: {  	v53 =	vld [tilespmem:s30+$0xFFFFFD00]  }
0x2c7: {  	[tilespmem:$0x1FDA0] =	vst v0;
	v0 =	vld [tilespmem:s30+$0x460]  }
0x2c8: {  	v54 =	vld [tilespmem:s30+$0xFFFFFD10]  }
0x2c9: {  	v55 =	vld [tilespmem:s30+$0xFFFFFD20]  }
0x2ca: {  	v56 =	vld [tilespmem:s30+$0xFFFFFD30]  }
0x2cb: {  	v57 =	vld [tilespmem:s30+$0xFFFFFD40]  }
0x2cc: {  	[tilespmem:$0x1FD90] =	vst v0;
	v0 =	vld [tilespmem:s30+$0x3D0]  }
0x2cd: {  	v58 =	vld [tilespmem:s30+$0xFFFFFD50]  }
0x2ce: {  	v59 =	vld [tilespmem:s30+$0xFFFFFD60]  }
0x2cf: {  	v14 =	vld [tilespmem:s30+$0x2E0]  }
0x2d0: {  	v15 =	vld [tilespmem:s30+$0x250]  }
0x2d1: {  	[tilespmem:$0x1FD80] =	vst v0;
	v0 =	vld [tilespmem:s30+$0x420]  }
0x2d2: {  	v16 =	vld [tilespmem:s30+$0x2A0]  }
0x2d3: {  	v17 =	vld [tilespmem:s30+$0x210]  }
0x2d4: {  	v18 =	vld [tilespmem:s30+$0x260]  }
0x2d5: {  	v19 =	vld [tilespmem:s30+$0x1D0]  }
0x2d6: {  	[tilespmem:$0x1FD70] =	vst v0;
	v0 =	vld [tilespmem:s30+$0x390]  }
0x2d7: {  	v20 =	vld [tilespmem:s30+$0x220]  }
0x2d8: {  	v21 =	vld [tilespmem:s30+$0x190]  }
0x2d9: {  	v22 =	vld [tilespmem:s30+$0x1E0]  }
0x2da: {  	v23 =	vld [tilespmem:s30+$0x150]  }
0x2db: {  	[tilespmem:$0x1FD60] =	vst v0;
	v0 =	vld [tilespmem:s30+$0x3E0]  }
0x2dc: {  	v24 =	vld [tilespmem:s30+$0x1A0]  }
0x2dd: {  	v25 =	vld [tilespmem:s30+$0x110]  }
0x2de: {  	v26 =	vld [tilespmem:s30+$0x160]  }
0x2df: {  	v27 =	vld [tilespmem:s30+$0xD0]  }
0x2e0: {  	[tilespmem:$0x1FD50] =	vst v0;
	v0 =	vld [tilespmem:s30+$0x350]  }
0x2e1: {  	v28 =	vld [tilespmem:s30+$0x120]  }
0x2e2: {  	v29 =	vld [tilespmem:s30+$0x90]  }
0x2e3: {  	v30 =	vld [tilespmem:s30+$0xE0]  }
0x2e4: {  	v31 =	vld [tilespmem:s30+$0x50]  }
0x2e5: {  	[tilespmem:$0x1FD40] =	vst v0;
	v0 =	vld [tilespmem:s30+$0x3A0]  }
0x2e6: {  	v60 =	vld [tilespmem:s30+$0xA0]  }
0x2e7: {  	v61 =	vld [tilespmem:s30+$0x10]  }
0x2e8: {  	v62 =	vld [tilespmem:s30+$0x60]  }
0x2e9: {  	v63 =	vld [tilespmem:s30+$0xFFFFFFD0]  }
0x2ea: {  	[tilespmem:$0x1FD30] =	vst v0;
	v0 =	vld [tilespmem:s30+$0x310]  }
0x2eb: {  	v2 =	vld [tilespmem:s30+$0xFFFFFBB0]  }
0x2ec: {  	v1 =	vld [tilespmem:s30+$0xFFFFFBA0]  }
0x2ed: {  	v13 =	vld [tilespmem:s30+$0xFFFFFFB0]  }
0x2ee: {  	v12 =	vld [tilespmem:s30+$0xFFFFFF90]  }
0x2ef: {  	[tilespmem:$0x1FD20] =	vst v0;
	v0 =	vld [tilespmem:s30+$0x360]  }
0x2f0: {  	v11 =	vld [tilespmem:s30+$0xFFFFFF70]  }
0x2f1: {  	v10 =	vld [tilespmem:s30+$0xFFFFFF50]  }
0x2f2: {  	v9 =	vld [tilespmem:s30+$0xFFFFFF30]  }
0x2f3: {  	v8 =	vld [tilespmem:s30+$0xFFFFFF10]  }
0x2f4: {  	[tilespmem:$0x1FD10] =	vst v0;
	v0 =	vld [tilespmem:s30+$0x2D0]  }
0x2f5: {  	v7 =	vld [tilespmem:s30+$0xFFFFFEF0]  }
0x2f6: {  	v6 =	vld [tilespmem:s30+$0xFFFFFED0]  }
0x2f7: {  	v4 =	vld [tilespmem:s30+$0xFFFFFEE0]  }
0x2f8: {  	v5 =	vld [tilespmem:s30+$0xFFFFFEB0]  }
0x2f9: {  	[tilespmem:$0x1FD00] =	vst v0;
	v0 =	vld [tilespmem:s30+$0x320]  }
0x2fa: {  	v3 =	vld [tilespmem:s30+$0xFFFFFE50]  }
0x2fb: {  	v1 =	vadd.f32 v34, v1;
	v34 =	vld [tilespmem:s30+$0xFFFFFE70]  }
0x2fc: {  	v32 =	vadd.f32 v32, v36;
	v36 =	vld [tilespmem:s30+$0xFFFFFE30];
	v2 =	vadd.f32 v35, v2  }
0x2fd: {  	v35 =	vld [tilespmem:s30+$0xFFFFFE20]  }
0x2fe: {  	v2 =	vadd.f32 v40, v2;
	[tilespmem:$0x1FCF0] =	vst v0;
	v0 =	vld [tilespmem:s30+$0x290]  }
0x2ff: {  	v32 =	vadd.f32 v37, v32;
	v37 =	vld [tilespmem:s30+$0xFFFFFDF0]  }
0x300: {  	v1 =	vadd.f32 v39, v1;
	v39 =	vld [tilespmem:s30+$0xFFFFFDB0];
	v2 =	vadd.f32 v44, v2  }
0x301: {  	v40 =	vld [tilespmem:s30+$0xFFFFFDA0]  }
0x302: {  	v2 =	vadd.f32 v48, v2;
	v48 =	vld [tilespmem:s30+$0xFFFFFD70]  }
0x303: {  	v32 =	vadd.f32 v41, v32;
	[tilespmem:$0x1FCE0] =	vst v0;
	v0 =	vld [tilespmem:s30+$0xFFFFFB90]  }
0x304: {  	v1 =	vadd.f32 v43, v1;
	v43 =	vld [tilespmem:s30+$0xFFFFFEC0];
	v2 =	vadd.f32 v52, v2  }
0x305: {  	v44 =	vld [tilespmem:s30+$0xFFFFFF60];
	v32 =	vadd.f32 v45, v32  }
0x306: {  	v41 =	vld [tilespmem:s30+$0x330];
	v2 =	vadd.f32 v56, v2  }
0x307: {  	v1 =	vadd.f32 v47, v1;
	v47 =	vld [tilespmem:s30+$0xFFFFFF40];
	v32 =	vadd.f32 v49, v32  }
0x308: {  	v49 =	vld [tilespmem:s30+$0xFFFFFD90];
	v2 =	vadd.f32 v48, v2;
	v0 =	vadd.f32 v33, v0  }
0x309: {  	v1 =	vadd.f32 v51, v1;
	v51 =	vld [tilespmem:s30+$0xFFFFFDD0]  }
0x30a: {  	v52 =	vld [tilespmem:s30+$0xFFFFFDC0];
	v2 =	vadd.f32 v39, v2;
	v0 =	vadd.f32 v38, v0  }
0x30b: {  	v1 =	vadd.f32 v55, v1;
	v32 =	vadd.f32 v53, v32;
	v53 =	vld [tilespmem:s30+$0xFFFFFE60]  }
0x30c: {  	v55 =	vld [tilespmem:s30+$0xFFFFFEA0];
	v2 =	vadd.f32 v37, v2;
	v0 =	vadd.f32 v42, v0  }
0x30d: {  	v56 =	vld [tilespmem:s30+$0xFFFFFE40];
	v32 =	vadd.f32 v57, v32  }
0x30e: {  	v57 =	vld [tilespmem:s30+$0xFFFFFE90];
	v2 =	vadd.f32 v36, v2;
	v0 =	vadd.f32 v46, v0  }
0x30f: {  	v38 =	vld [tilespmem:s30+$0xFFFFFDE0]  }
0x310: {  	v2 =	vadd.f32 v34, v2;
	v0 =	vadd.f32 v50, v0;
	v50 =	vld [tilespmem:s30+$0xFFFFFD80]  }
0x311: {  	v1 =	vadd.f32 v59, v1;
	v59 =	vld [tilespmem:s30+$0xFFFFFF20]  }
0x312: {  	v48 =	vld [tilespmem:s30+$0xFFFFFFE0];
	v2 =	vadd.f32 v5, v2;
	v0 =	vadd.f32 v54, v0  }
0x313: {  	v1 =	vadd.f32 v40, v1;
	v39 =	vld [tilespmem:s30+$0x2F0]  }
0x314: {  	v2 =	vadd.f32 v7, v2;
	v54 =	vld [tilespmem:s30+$0xFFFFFE00];
	v0 =	vadd.f32 v58, v0  }
0x315: {  	v33 =	vld [tilespmem:s30+$0xFFFFFE10];
	v1 =	vadd.f32 v38, v1;
	v32 =	vadd.f32 v50, v32  }
0x316: {  	v40 =	vld [tilespmem:s30+$0x300];
	v2 =	vadd.f32 v9, v2;
	v0 =	vadd.f32 v49, v0  }
0x317: {  	v37 =	vld [tilespmem:s30+$0x2B0];
	v1 =	vadd.f32 v35, v1;
	v32 =	vadd.f32 v52, v32  }
0x318: {  	v2 =	vadd.f32 v11, v2;
	v58 =	vld [tilespmem:s30+$0xFFFFFE80];
	v0 =	vadd.f32 v51, v0  }
0x319: {  	v36 =	vld [tilespmem:s30+$0x280];
	v1 =	vadd.f32 v53, v1;
	v32 =	vadd.f32 v54, v32  }
0x31a: {  	v34 =	vld [tilespmem:s30+$0x240];
	v2 =	vadd.f32 v13, v2;
	v0 =	vadd.f32 v33, v0  }
0x31b: {  	v13 =	vld [tilespmem:s30+$0x170];
	v1 =	vadd.f32 v55, v1;
	v32 =	vadd.f32 v56, v32  }
0x31c: {  	v0 =	vadd.f32 v3, v0;
	v3 =	vld [tilespmem:s30+$0xFFFFFF00]  }
0x31d: {  	v42 =	vld [tilespmem:$0x1FCE0];
	v1 =	vadd.f32 v4, v1;
	v45 =	vadd.f32 v58, v32  }
0x31e: {  	v46 =	vld [tilespmem:s30+$0xFFFFFFA0]  }
0x31f: {  	v38 =	vld [tilespmem:s30+$0x2C0];
	v1 =	vadd.f32 v59, v1;
	v4 =	vadd.f32 v43, v45  }
0x320: {  	v49 =	vld [tilespmem:s30+$0xFFFFFF80]  }
0x321: {  	v50 =	vld [tilespmem:s30+$0x20];
	v1 =	vadd.f32 v44, v1;
	v3 =	vadd.f32 v3, v4  }
0x322: {  	v51 =	vld [tilespmem:s30+$0xFFFFFFC0];
	v0 =	vadd.f32 v57, v0  }
0x323: {  	v35 =	vld [tilespmem:s30+$0x270];
	v1 =	vadd.f32 v46, v1;
	v3 =	vadd.f32 v47, v3  }
0x324: {  	v53 =	vld [tilespmem:s30+$0x0];
	v0 =	vadd.f32 v6, v0  }
0x325: {  	v55 =	vld [tilespmem:s30+$0x40];
	v1 =	vadd.f32 v48, v1;
	v3 =	vadd.f32 v49, v3  }
0x326: {  	v52 =	vld [tilespmem:s30+$0xFFFFFFF0];
	v0 =	vadd.f32 v8, v0  }
0x327: {  	v54 =	vld [tilespmem:s30+$0x30];
	v1 =	vadd.f32 v50, v1;
	v3 =	vadd.f32 v51, v3  }
0x328: {  	v57 =	vld [tilespmem:s30+$0x80];
	v0 =	vadd.f32 v10, v0  }
0x329: {  	v59 =	vld [tilespmem:s30+$0xC0];
	v1 =	vadd.f32 v62, v1;
	v3 =	vadd.f32 v53, v3  }
0x32a: {  	v33 =	vld [tilespmem:s30+$0x230];
	v0 =	vadd.f32 v12, v0  }
0x32b: {  	v56 =	vld [tilespmem:s30+$0x70];
	v1 =	vadd.f32 v60, v1;
	v3 =	vadd.f32 v55, v3  }
0x32c: {  	v2 =	vadd.f32 v52, v2;
	v62 =	vld [tilespmem:s30+$0x100];
	v0 =	vadd.f32 v63, v0  }
0x32d: {  	v58 =	vld [tilespmem:s30+$0xB0];
	v1 =	vadd.f32 v30, v1;
	v3 =	vadd.f32 v57, v3  }
0x32e: {  	v2 =	vadd.f32 v54, v2;
	v12 =	vld [tilespmem:s30+$0x140];
	v0 =	vadd.f32 v61, v0  }
0x32f: {  	v1 =	vadd.f32 v28, v1;
	v61 =	vld [tilespmem:s30+$0xF0];
	v3 =	vadd.f32 v59, v3  }
0x330: {  	v2 =	vadd.f32 v56, v2;
	v28 =	vld [tilespmem:s30+$0x180];
	v0 =	vadd.f32 v31, v0  }
0x331: {  	v63 =	vld [tilespmem:s30+$0x130];
	v1 =	vadd.f32 v26, v1;
	v3 =	vadd.f32 v62, v3  }
0x332: {  	v2 =	vadd.f32 v58, v2;
	v30 =	vld [tilespmem:s30+$0x1C0];
	v0 =	vadd.f32 v29, v0  }
0x333: {  	v44 =	vld [tilespmem:$0x1FCF0];
	v1 =	vadd.f32 v24, v1;
	v3 =	vadd.f32 v12, v3  }
0x334: {  	v32 =	vld [tilespmem:s30+$0x200];
	v2 =	vadd.f32 v61, v2;
	v0 =	vadd.f32 v27, v0  }
0x335: {  	v29 =	vld [tilespmem:s30+$0x1B0];
	v1 =	vadd.f32 v22, v1;
	v3 =	vadd.f32 v28, v3  }
0x336: {  	v52 =	vld [tilespmem:$0x1FD30];
	v2 =	vadd.f32 v63, v2;
	v0 =	vadd.f32 v25, v0  }
0x337: {  	v31 =	vld [tilespmem:s30+$0x1F0];
	v1 =	vadd.f32 v20, v1;
	v3 =	vadd.f32 v30, v3  }
0x338: {  	v46 =	vld [tilespmem:$0x1FD00];
	v2 =	vadd.f32 v13, v2;
	v0 =	vadd.f32 v23, v0  }
0x339: {  	v54 =	vld [tilespmem:$0x1FD40];
	v1 =	vadd.f32 v18, v1;
	v3 =	vadd.f32 v32, v3  }
0x33a: {  	v43 =	vld [tilespmem:s30+$0x340];
	v2 =	vadd.f32 v29, v2;
	v0 =	vadd.f32 v21, v0  }
0x33b: {  	v45 =	vld [tilespmem:s30+$0x370];
	v1 =	vadd.f32 v16, v1;
	v3 =	vadd.f32 v34, v3  }
0x33c: {  	v48 =	vld [tilespmem:$0x1FD10];
	v2 =	vadd.f32 v31, v2;
	v0 =	vadd.f32 v19, v0  }
0x33d: {  	v56 =	vld [tilespmem:$0x1FD50];
	v1 =	vadd.f32 v14, v1;
	v3 =	vadd.f32 v36, v3  }
0x33e: {  	v50 =	vld [tilespmem:$0x1FD20];
	v2 =	vadd.f32 v33, v2;
	v0 =	vadd.f32 v17, v0  }
0x33f: {  	v58 =	vld [tilespmem:$0x1FD60];
	v1 =	vadd.f32 v44, v1;
	v3 =	vadd.f32 v38, v3  }
0x340: {  	v47 =	vld [tilespmem:s30+$0x380];
	v2 =	vadd.f32 v35, v2;
	v0 =	vadd.f32 v15, v0  }
0x341: {  	v60 =	vld [tilespmem:$0x1FD70];
	v1 =	vadd.f32 v48, v1;
	v3 =	vadd.f32 v40, v3  }
0x342: {  	v51 =	vld [tilespmem:s30+$0x3C0];
	v2 =	vadd.f32 v37, v2;
	v0 =	vadd.f32 v42, v0  }
0x343: {  	v55 =	vld [tilespmem:s30+$0x400];
	v1 =	vadd.f32 v52, v1;
	v3 =	vadd.f32 v43, v3  }
0x344: {  	v63 =	vld [tilespmem:$0x1FD90];
	v2 =	vadd.f32 v39, v2;
	v0 =	vadd.f32 v46, v0  }
0x345: {  	v49 =	vld [tilespmem:s30+$0x3B0];
	v1 =	vadd.f32 v56, v1;
	v3 =	vadd.f32 v47, v3  }
0x346: {  	v53 =	vld [tilespmem:s30+$0x3F0];
	v2 =	vadd.f32 v41, v2;
	v0 =	vadd.f32 v50, v0  }
0x347: {  	v62 =	vld [tilespmem:$0x1FD80];
	v1 =	vadd.f32 v60, v1;
	v3 =	vadd.f32 v51, v3  }
0x348: {  	v57 =	vld [tilespmem:s30+$0x430];
	v2 =	vadd.f32 v45, v2;
	v0 =	vadd.f32 v54, v0  }
0x349: {  	v6 =	vadd.f32 v63, v1;
	v1 =	vadd.f32 v55, v3;
	v3 =	vld [tilespmem:$0x1FDA0]  }
0x34a: {  	v2 =	vadd.f32 v49, v2;
	v0 =	vadd.f32 v58, v0;
	_ =	sdelay $0x1  }
0x34b: {  	v59 =	vld [tilespmem:s30+$0x440];
	v2 =	vadd.f32 v53, v2;
	v0 =	vadd.f32 v62, v0  }
0x34c: {  	v61 =	vld [tilespmem:s30+$0x470]  }
0x34d: {  	v0 =	vadd.f32 v3, v0;
	v3 =	vadd.f32 v57, v2;
	v2 =	vld [tilespmem:$0x1FDB0];
	_ =	sdelay $0x3  }
0x34e: {  	s0 =	simm.s32 $0x0;
	v1 =	vadd.f32 v59, v1  }
0x34f: {  	s31 =	simm.s32 $0x100;
	[tilespmem:s0+$0x16C20] =	vst v6;
	v2 =	vadd.f32 v2, v0;
	v0 =	vadd.f32 v61, v3  }
.LBB2_7:
0x350: {  	[tilespmem:s0+$0x16C00] =	vst v1  }
0x351: {  	[tilespmem:s0+$0x16C10] =	vst v2  }
0x352: {  	s30 =	sadd.s32 $0x900, s30;
	[tilespmem:s0+$0x16C30] =	vst v0  }
0x353: {  	v0 =	vld [tilespmem:s30+$0xFFFFFBC0]  }
0x354: {  	v34 =	vld [tilespmem:s30+$0xFFFFFBD0]  }
0x355: {  	v54 =	vld [tilespmem:s30+$0xFFFFFBE0]  }
0x356: {  	v57 =	vld [tilespmem:s30+$0xFFFFFBF0]  }
0x357: {  	v1 =	vld [tilespmem:s30+$0xFFFFFB80]  }
0x358: {  	v2 =	vld [tilespmem:s30+$0xFFFFFC00]  }
0x359: {  	v36 =	vld [tilespmem:s30+$0xFFFFFC10]  }
0x35a: {  	v56 =	vld [tilespmem:s30+$0xFFFFFC20]  }
0x35b: {  	v59 =	vld [tilespmem:s30+$0xFFFFFC30]  }
0x35c: {  	v39 =	vld [tilespmem:s30+$0xFFFFFC40]  }
0x35d: {  	v38 =	vld [tilespmem:s30+$0xFFFFFC50]  }
0x35e: {  	v58 =	vld [tilespmem:s30+$0xFFFFFC60]  }
0x35f: {  	v61 =	vld [tilespmem:s30+$0xFFFFFC70]  }
0x360: {  	v42 =	vld [tilespmem:s30+$0xFFFFFC80]  }
0x361: {  	v40 =	vld [tilespmem:s30+$0xFFFFFC90]  }
0x362: {  	v60 =	vld [tilespmem:s30+$0xFFFFFCA0]  }
0x363: {  	v62 =	vld [tilespmem:s30+$0xFFFFFCB0]  }
0x364: {  	v45 =	vld [tilespmem:s30+$0xFFFFFCC0]  }
0x365: {  	v41 =	vld [tilespmem:s30+$0xFFFFFCD0]  }
0x366: {  	v50 =	vld [tilespmem:s30+$0xFFFFFCE0]  }
0x367: {  	v63 =	vld [tilespmem:s30+$0xFFFFFCF0]  }
0x368: {  	v47 =	vld [tilespmem:s30+$0xFFFFFD00]  }
0x369: {  	v43 =	vld [tilespmem:s30+$0xFFFFFD10]  }
0x36a: {  	v52 =	vld [tilespmem:s30+$0xFFFFFD20]  }
0x36b: {  	v3 =	vld [tilespmem:s30+$0xFFFFFD30]  }
0x36c: {  	v48 =	vld [tilespmem:s30+$0xFFFFFD40]  }
0x36d: {  	v46 =	vld [tilespmem:s30+$0xFFFFFD50]  }
0x36e: {  	v53 =	vld [tilespmem:s30+$0xFFFFFD60]  }
0x36f: {  	v4 =	vld [tilespmem:s30+$0x420]  }
0x370: {  	v5 =	vld [tilespmem:s30+$0x390]  }
0x371: {  	v6 =	vld [tilespmem:s30+$0x3E0]  }
0x372: {  	v7 =	vld [tilespmem:s30+$0x350]  }
0x373: {  	v8 =	vld [tilespmem:s30+$0x3A0]  }
0x374: {  	v9 =	vld [tilespmem:s30+$0x310]  }
0x375: {  	v10 =	vld [tilespmem:s30+$0x360]  }
0x376: {  	v11 =	vld [tilespmem:s30+$0x2D0]  }
0x377: {  	v12 =	vld [tilespmem:s30+$0x320]  }
0x378: {  	v13 =	vld [tilespmem:s30+$0x290]  }
0x379: {  	v14 =	vld [tilespmem:s30+$0x2E0]  }
0x37a: {  	v15 =	vld [tilespmem:s30+$0x250]  }
0x37b: {  	v16 =	vld [tilespmem:s30+$0x2A0]  }
0x37c: {  	v17 =	vld [tilespmem:s30+$0x210]  }
0x37d: {  	v18 =	vld [tilespmem:s30+$0x260]  }
0x37e: {  	v19 =	vld [tilespmem:s30+$0x1D0]  }
0x37f: {  	v20 =	vld [tilespmem:s30+$0x220]  }
0x380: {  	v21 =	vld [tilespmem:s30+$0x190]  }
0x381: {  	v22 =	vld [tilespmem:s30+$0x1E0]  }
0x382: {  	v23 =	vld [tilespmem:s30+$0x150]  }
0x383: {  	v24 =	vld [tilespmem:s30+$0x1A0]  }
0x384: {  	v25 =	vld [tilespmem:s30+$0x110]  }
0x385: {  	v26 =	vld [tilespmem:s30+$0x160]  }
0x386: {  	v27 =	vld [tilespmem:s30+$0xD0]  }
0x387: {  	v28 =	vld [tilespmem:s30+$0x120]  }
0x388: {  	v29 =	vld [tilespmem:s30+$0x90];
	v0 =	vadd.f32 v0, v1  }
0x389: {  	v30 =	vld [tilespmem:s30+$0xE0]  }
0x38a: {  	v44 =	vadd.f32 v2, v0;
	v0 =	vld [tilespmem:s30+$0x450]  }
0x38b: {  	v31 =	vld [tilespmem:s30+$0x50]  }
0x38c: {  	v32 =	vld [tilespmem:s30+$0xA0]  }
0x38d: {  	v33 =	vld [tilespmem:s30+$0x10]  }
0x38e: {  	v35 =	vld [tilespmem:s30+$0x60]  }
0x38f: {  	[tilespmem:$0x1FCD0] =	vst v0;
	v0 =	vld [tilespmem:s30+$0x410]  }
0x390: {  	v37 =	vld [tilespmem:s30+$0xFFFFFFD0]  }
0x391: {  	v49 =	vld [tilespmem:s30+$0xFFFFFFB0]  }
0x392: {  	v51 =	vld [tilespmem:s30+$0xFFFFFF90]  }
0x393: {  	v1 =	vld [tilespmem:s30+$0xFFFFFBA0]  }
0x394: {  	[tilespmem:$0x1FCC0] =	vst v0;
	v0 =	vld [tilespmem:s30+$0x460]  }
0x395: {  	v55 =	vld [tilespmem:s30+$0xFFFFFF70]  }
0x396: {  	v2 =	vld [tilespmem:s30+$0xFFFFFB90]  }
0x397: {  	v39 =	vadd.f32 v39, v44;
	v44 =	vld [tilespmem:s30+$0xFFFFFDF0]  }
0x398: {  	v1 =	vadd.f32 v54, v1;
	v54 =	vld [tilespmem:s30+$0xFFFFFF30]  }
0x399: {  	[tilespmem:$0x1FCB0] =	vst v0;
	v0 =	vld [tilespmem:s30+$0x3D0]  }
0x39a: {  	v39 =	vadd.f32 v42, v39;
	v42 =	vld [tilespmem:s30+$0xFFFFFDB0]  }
0x39b: {  	v1 =	vadd.f32 v56, v1;
	v56 =	vld [tilespmem:s30+$0xFFFFFEF0]  }
0x39c: {  	v2 =	vadd.f32 v34, v2;
	v34 =	vld [tilespmem:s30+$0xFFFFFE10]  }
0x39d: {  	v39 =	vadd.f32 v45, v39;
	v45 =	vld [tilespmem:s30+$0xFFFFFD70]  }
0x39e: {  	v1 =	vadd.f32 v58, v1;
	[tilespmem:$0x1FCA0] =	vst v0;
	v0 =	vld [tilespmem:s30+$0xFFFFFBB0]  }
0x39f: {  	v58 =	vld [tilespmem:s30+$0xFFFFFEE0];
	v2 =	vadd.f32 v36, v2  }
0x3a0: {  	v36 =	vld [tilespmem:s30+$0xFFFFFE20];
	v1 =	vadd.f32 v60, v1  }
0x3a1: {  	v39 =	vadd.f32 v47, v39;
	v47 =	vld [tilespmem:s30+$0xFFFFFD80];
	v2 =	vadd.f32 v38, v2  }
0x3a2: {  	v60 =	vld [tilespmem:s30+$0xFFFFFEB0];
	v1 =	vadd.f32 v50, v1  }
0x3a3: {  	v2 =	vadd.f32 v40, v2;
	v40 =	vld [tilespmem:s30+$0xFFFFFDA0];
	v0 =	vadd.f32 v57, v0  }
0x3a4: {  	v38 =	vld [tilespmem:s30+$0xFFFFFDE0];
	v39 =	vadd.f32 v48, v39;
	v1 =	vadd.f32 v52, v1  }
0x3a5: {  	v48 =	vld [tilespmem:s30+$0xFFFFFE40];
	v2 =	vadd.f32 v41, v2;
	v0 =	vadd.f32 v59, v0  }
0x3a6: {  	v41 =	vld [tilespmem:s30+$0xFFFFFD90];
	v1 =	vadd.f32 v53, v1  }
0x3a7: {  	v52 =	vld [tilespmem:s30+$0xFFFFFDC0];
	v2 =	vadd.f32 v43, v2;
	v0 =	vadd.f32 v61, v0  }
0x3a8: {  	v50 =	vld [tilespmem:s30+$0xFFFFFDD0];
	v1 =	vadd.f32 v40, v1  }
0x3a9: {  	v2 =	vadd.f32 v46, v2;
	v46 =	vld [tilespmem:s30+$0xFFFFFE00];
	v0 =	vadd.f32 v62, v0  }
0x3aa: {  	v39 =	vadd.f32 v47, v39;
	v53 =	vld [tilespmem:s30+$0xFFFFFE60];
	v1 =	vadd.f32 v38, v1  }
0x3ab: {  	v47 =	vld [tilespmem:s30+$0xFFFFFEA0];
	v2 =	vadd.f32 v41, v2;
	v0 =	vadd.f32 v63, v0  }
0x3ac: {  	v39 =	vadd.f32 v52, v39;
	v52 =	vld [tilespmem:s30+$0xFFFFFE80];
	v1 =	vadd.f32 v36, v1  }
0x3ad: {  	v2 =	vadd.f32 v50, v2;
	v50 =	vld [tilespmem:s30+$0xFFFFFE90];
	v0 =	vadd.f32 v3, v0  }
0x3ae: {  	v38 =	vadd.f32 v46, v39;
	v46 =	vld [tilespmem:s30+$0xFFFFFFA0]  }
0x3af: {  	v1 =	vadd.f32 v53, v1;
	v53 =	vld [tilespmem:s30+$0xFFFFFF20];
	v0 =	vadd.f32 v45, v0  }
0x3b0: {  	v3 =	vld [tilespmem:s30+$0xFFFFFE30]  }
0x3b1: {  	v36 =	vadd.f32 v48, v38;
	v48 =	vld [tilespmem:s30+$0xFFFFFFE0];
	v0 =	vadd.f32 v42, v0  }
0x3b2: {  	v62 =	vld [tilespmem:s30+$0xFFFFFE70]  }
0x3b3: {  	v57 =	vld [tilespmem:s30+$0xFFFFFF50];
	v0 =	vadd.f32 v44, v0  }
0x3b4: {  	v63 =	vld [tilespmem:s30+$0xFFFFFE50]  }
0x3b5: {  	v0 =	vadd.f32 v3, v0;
	v3 =	vld [tilespmem:s30+$0xFFFFFEC0]  }
0x3b6: {  	v1 =	vadd.f32 v47, v1;
	v45 =	vld [tilespmem:s30+$0xFFFFFF00]  }
0x3b7: {  	v2 =	vadd.f32 v34, v2;
	v44 =	vld [tilespmem:s30+$0xFFFFFF60];
	v0 =	vadd.f32 v62, v0  }
0x3b8: {  	v36 =	vadd.f32 v52, v36;
	v1 =	vadd.f32 v58, v1;
	v61 =	vld [tilespmem:s30+$0xFFFFFED0]  }
0x3b9: {  	v47 =	vld [tilespmem:s30+$0xFFFFFF40];
	v2 =	vadd.f32 v63, v2;
	v0 =	vadd.f32 v60, v0  }
0x3ba: {  	v59 =	vld [tilespmem:s30+$0xFFFFFF10];
	v1 =	vadd.f32 v53, v1;
	v3 =	vadd.f32 v3, v36  }
0x3bb: {  	v2 =	vadd.f32 v50, v2;
	v50 =	vld [tilespmem:s30+$0xFFFFFF80];
	v0 =	vadd.f32 v56, v0  }
0x3bc: {  	v52 =	vld [tilespmem:s30+$0x20];
	v1 =	vadd.f32 v44, v1;
	v3 =	vadd.f32 v45, v3  }
0x3bd: {  	v53 =	vld [tilespmem:s30+$0xFFFFFFC0];
	v2 =	vadd.f32 v61, v2;
	v0 =	vadd.f32 v54, v0  }
0x3be: {  	v43 =	vld [tilespmem:s30+$0x240];
	v1 =	vadd.f32 v46, v1;
	v3 =	vadd.f32 v47, v3  }
0x3bf: {  	v2 =	vadd.f32 v59, v2;
	v0 =	vadd.f32 v55, v0;
	v55 =	vld [tilespmem:s30+$0x0]  }
0x3c0: {  	v40 =	vld [tilespmem:s30+$0x1F0];
	v1 =	vadd.f32 v48, v1;
	v3 =	vadd.f32 v50, v3  }
0x3c1: {  	v2 =	vadd.f32 v57, v2;
	v57 =	vld [tilespmem:s30+$0x40]  }
0x3c2: {  	v54 =	vld [tilespmem:s30+$0xFFFFFFF0];
	v1 =	vadd.f32 v52, v1;
	v3 =	vadd.f32 v53, v3  }
0x3c3: {  	v59 =	vld [tilespmem:s30+$0x80]  }
0x3c4: {  	v56 =	vld [tilespmem:s30+$0x30];
	v1 =	vadd.f32 v35, v1;
	v3 =	vadd.f32 v55, v3  }
0x3c5: {  	v61 =	vld [tilespmem:s30+$0xC0];
	v2 =	vadd.f32 v51, v2;
	v0 =	vadd.f32 v49, v0  }
0x3c6: {  	v58 =	vld [tilespmem:s30+$0x70];
	v1 =	vadd.f32 v32, v1;
	v3 =	vadd.f32 v57, v3  }
0x3c7: {  	v63 =	vld [tilespmem:s30+$0x100];
	v2 =	vadd.f32 v37, v2;
	v0 =	vadd.f32 v54, v0  }
0x3c8: {  	v60 =	vld [tilespmem:s30+$0xB0];
	v1 =	vadd.f32 v30, v1;
	v3 =	vadd.f32 v59, v3  }
0x3c9: {  	v2 =	vadd.f32 v33, v2;
	v35 =	vld [tilespmem:s30+$0x140];
	v0 =	vadd.f32 v56, v0  }
0x3ca: {  	v62 =	vld [tilespmem:s30+$0xF0];
	v1 =	vadd.f32 v28, v1;
	v3 =	vadd.f32 v61, v3  }
0x3cb: {  	v37 =	vld [tilespmem:s30+$0x180];
	v2 =	vadd.f32 v31, v2;
	v0 =	vadd.f32 v58, v0  }
0x3cc: {  	v34 =	vld [tilespmem:s30+$0x130];
	v1 =	vadd.f32 v26, v1;
	v3 =	vadd.f32 v63, v3  }
0x3cd: {  	v39 =	vld [tilespmem:s30+$0x1C0];
	v2 =	vadd.f32 v29, v2;
	v0 =	vadd.f32 v60, v0  }
0x3ce: {  	v36 =	vld [tilespmem:s30+$0x170];
	v1 =	vadd.f32 v24, v1;
	v3 =	vadd.f32 v35, v3  }
0x3cf: {  	v41 =	vld [tilespmem:s30+$0x200];
	v2 =	vadd.f32 v27, v2;
	v0 =	vadd.f32 v62, v0  }
0x3d0: {  	v38 =	vld [tilespmem:s30+$0x1B0];
	v1 =	vadd.f32 v22, v1;
	v3 =	vadd.f32 v37, v3  }
0x3d1: {  	v42 =	vld [tilespmem:s30+$0x230];
	v2 =	vadd.f32 v25, v2;
	v0 =	vadd.f32 v34, v0  }
0x3d2: {  	v44 =	vld [tilespmem:s30+$0x270];
	v1 =	vadd.f32 v20, v1;
	v3 =	vadd.f32 v39, v3  }
0x3d3: {  	v45 =	vld [tilespmem:s30+$0x280];
	v2 =	vadd.f32 v23, v2;
	v0 =	vadd.f32 v36, v0  }
0x3d4: {  	v46 =	vld [tilespmem:s30+$0x2B0];
	v1 =	vadd.f32 v18, v1;
	v3 =	vadd.f32 v41, v3  }
0x3d5: {  	v47 =	vld [tilespmem:s30+$0x2C0];
	v2 =	vadd.f32 v21, v2;
	v0 =	vadd.f32 v38, v0  }
0x3d6: {  	v51 =	vld [tilespmem:s30+$0x340];
	v1 =	vadd.f32 v16, v1;
	v3 =	vadd.f32 v43, v3  }
0x3d7: {  	v49 =	vld [tilespmem:s30+$0x300];
	v2 =	vadd.f32 v19, v2;
	v0 =	vadd.f32 v40, v0  }
0x3d8: {  	v48 =	vld [tilespmem:s30+$0x2F0];
	v1 =	vadd.f32 v14, v1;
	v3 =	vadd.f32 v45, v3  }
0x3d9: {  	v52 =	vld [tilespmem:s30+$0x370];
	v2 =	vadd.f32 v17, v2;
	v0 =	vadd.f32 v42, v0  }
0x3da: {  	v50 =	vld [tilespmem:s30+$0x330];
	v1 =	vadd.f32 v12, v1;
	v3 =	vadd.f32 v47, v3  }
0x3db: {  	v53 =	vld [tilespmem:s30+$0x380];
	v2 =	vadd.f32 v15, v2;
	v0 =	vadd.f32 v44, v0  }
0x3dc: {  	v54 =	vld [tilespmem:s30+$0x3B0];
	v1 =	vadd.f32 v10, v1;
	v3 =	vadd.f32 v49, v3  }
0x3dd: {  	v55 =	vld [tilespmem:s30+$0x3C0];
	v2 =	vadd.f32 v13, v2;
	v0 =	vadd.f32 v46, v0  }
0x3de: {  	v57 =	vld [tilespmem:s30+$0x400];
	v1 =	vadd.f32 v8, v1;
	v3 =	vadd.f32 v51, v3  }
0x3df: {  	v62 =	vld [tilespmem:$0x1FCB0];
	v2 =	vadd.f32 v11, v2;
	v0 =	vadd.f32 v48, v0  }
0x3e0: {  	v56 =	vld [tilespmem:s30+$0x3F0];
	v1 =	vadd.f32 v6, v1;
	v3 =	vadd.f32 v53, v3  }
0x3e1: {  	v59 =	vld [tilespmem:s30+$0x440];
	v2 =	vadd.f32 v9, v2;
	v0 =	vadd.f32 v50, v0  }
0x3e2: {  	v60 =	vld [tilespmem:$0x1FCA0];
	v1 =	vadd.f32 v4, v1;
	v3 =	vadd.f32 v55, v3  }
0x3e3: {  	v58 =	vld [tilespmem:s30+$0x430];
	v2 =	vadd.f32 v7, v2;
	v0 =	vadd.f32 v52, v0  }
0x3e4: {  	s1 =	smov.u32 s31;
	v63 =	vld [tilespmem:$0x1FCC0];
	v1 =	vadd.f32 v62, v1;
	v3 =	vadd.f32 v57, v3  }
0x3e5: {  	s0 =	sshra.s32 s1, $0x2;
	v61 =	vld [tilespmem:s30+$0x470];
	v2 =	vadd.f32 v5, v2;
	v0 =	vadd.f32 v54, v0  }
0x3e6: {  	p1 =	sne.s32 s31, $0x700;
	[tilespmem:s0+$0x16C20] =	vst v1;
	v1 =	vadd.f32 v59, v3;
	v3 =	vld [tilespmem:$0x1FCD0]  }
.Ltmp2:
0x3e7: {  	v2 =	vadd.f32 v60, v2;
	v0 =	vadd.f32 v56, v0;
	(pc) =	sbr.rel @p1 .LBB2_7-.Ltmp2, $3  }
0x3e8: {  	_ = 	snop  }
0x3e9: {  	v2 =	vadd.f32 v63, v2;
	v0 =	vadd.f32 v58, v0;
	_ =	sdelay $0x1  }
0x3ea: {  	s31 =	sadd.s32 $0x100, s31;
	v0 =	vadd.f32 v61, v0;
	v2 =	vadd.f32 v3, v2  }
0x3eb: {  	s1 =	sadd.s32 $0x80, s29;
	[tilespmem:s0+$0x16C00] =	vst v1  }
0x3ec: {  	[tilespmem:s0+$0x16C10] =	vst v2;
	s1 =	sand.u32 $0x1FFFFF80, s1  }
0x3ed: {  	[tilespmem:s0+$0x16C30] =	vst v0;
	s31 =	sadd.s32 s2, s1  }
0x3ee: {  	[hbm4b:s31+s3] =	stream.linear.scatter [tilespmem:s21], [sflag:$0x5], $0x200, $0x38;
	[tilespmem:$0x17000] =	vst v63  }
0x3ef: {  	_ =	swait.ge [sflag:s9], $0x200  }
0x3f0: {  	[sflag:s9] =	ssyncset.done $0x0  }
0x3f1: {  	[sflag:s9] =	ssyncadd.s32 $0xFFFFFE00  }
0x3f2: {  	_ =	swait.ge [sflag:s22], $0x4800  }
0x3f3: {  	s0 =	sadd.s32 @!p0 $0x6C0, s28;
	[sflag:s22] =	ssyncset.done $0x0  }
0x3f4: {  	s28 =	simm.s32 @!p0 $0xD800;
	s1 =	simm.s32 @!p0 $0x120;
	[sflag:s22] =	ssyncadd.s32 $0xFFFFB800  }
0x3f5: {  	[tilespmem:s28], [sflag:$0x3] =	stream.indirect.gather @!p0 [hbm4b:s4+s1], $0x40, s0, s1, $0xb8;
	[tilespmem:$0x17000] =	vst v63  }
0x3f6: {  	s28 =	simm.s32 $0x12480  }
0x3f7: {  	v32 =	vld [tilespmem:s28+$0xFFFFFBC0]  }
0x3f8: {  	v33 =	vld [tilespmem:s28+$0xFFFFFBD0]  }
0x3f9: {  	v34 =	vld [tilespmem:s28+$0xFFFFFBE0]  }
0x3fa: {  	v35 =	vld [tilespmem:s28+$0xFFFFFBF0]  }
0x3fb: {  	v36 =	vld [tilespmem:s28+$0xFFFFFB80]  }
0x3fc: {  	v37 =	vld [tilespmem:s28+$0xFFFFFC00]  }
0x3fd: {  	v38 =	vld [tilespmem:s28+$0xFFFFFC10]  }
0x3fe: {  	v39 =	vld [tilespmem:s28+$0xFFFFFC20]  }
0x3ff: {  	v40 =	vld [tilespmem:s28+$0xFFFFFC30]  }
0x400: {  	v41 =	vld [tilespmem:s28+$0xFFFFFC40]  }
0x401: {  	v42 =	vld [tilespmem:s28+$0xFFFFFC50]  }
0x402: {  	v43 =	vld [tilespmem:s28+$0xFFFFFC60]  }
0x403: {  	v44 =	vld [tilespmem:s28+$0xFFFFFC70]  }
0x404: {  	v45 =	vld [tilespmem:s28+$0xFFFFFC80]  }
0x405: {  	v0 =	vld [tilespmem:s28+$0x450]  }
0x406: {  	v46 =	vld [tilespmem:s28+$0xFFFFFC90]  }
0x407: {  	v47 =	vld [tilespmem:s28+$0xFFFFFCA0]  }
0x408: {  	v48 =	vld [tilespmem:s28+$0xFFFFFCB0]  }
0x409: {  	v49 =	vld [tilespmem:s28+$0xFFFFFCC0]  }
0x40a: {  	[tilespmem:$0x1FC90] =	vst v0;
	v0 =	vld [tilespmem:s28+$0x410]  }
0x40b: {  	v50 =	vld [tilespmem:s28+$0xFFFFFCD0]  }
0x40c: {  	v51 =	vld [tilespmem:s28+$0xFFFFFCE0]  }
0x40d: {  	v52 =	vld [tilespmem:s28+$0xFFFFFCF0]  }
0x40e: {  	v53 =	vld [tilespmem:s28+$0xFFFFFD00]  }
0x40f: {  	[tilespmem:$0x1FC80] =	vst v0;
	v0 =	vld [tilespmem:s28+$0x460]  }
0x410: {  	v54 =	vld [tilespmem:s28+$0xFFFFFD10]  }
0x411: {  	v55 =	vld [tilespmem:s28+$0xFFFFFD20]  }
0x412: {  	v56 =	vld [tilespmem:s28+$0xFFFFFD30]  }
0x413: {  	v57 =	vld [tilespmem:s28+$0xFFFFFD40]  }
0x414: {  	[tilespmem:$0x1FC70] =	vst v0;
	v0 =	vld [tilespmem:s28+$0x3D0]  }
0x415: {  	v58 =	vld [tilespmem:s28+$0xFFFFFD50]  }
0x416: {  	v59 =	vld [tilespmem:s28+$0xFFFFFD60]  }
0x417: {  	v14 =	vld [tilespmem:s28+$0x2E0]  }
0x418: {  	v15 =	vld [tilespmem:s28+$0x250]  }
0x419: {  	[tilespmem:$0x1FC60] =	vst v0;
	v0 =	vld [tilespmem:s28+$0x420]  }
0x41a: {  	v16 =	vld [tilespmem:s28+$0x2A0]  }
0x41b: {  	v17 =	vld [tilespmem:s28+$0x210]  }
0x41c: {  	v18 =	vld [tilespmem:s28+$0x260]  }
0x41d: {  	v19 =	vld [tilespmem:s28+$0x1D0]  }
0x41e: {  	[tilespmem:$0x1FC50] =	vst v0;
	v0 =	vld [tilespmem:s28+$0x390]  }
0x41f: {  	v20 =	vld [tilespmem:s28+$0x220]  }
0x420: {  	v21 =	vld [tilespmem:s28+$0x190]  }
0x421: {  	v22 =	vld [tilespmem:s28+$0x1E0]  }
0x422: {  	v23 =	vld [tilespmem:s28+$0x150]  }
0x423: {  	[tilespmem:$0x1FC40] =	vst v0;
	v0 =	vld [tilespmem:s28+$0x3E0]  }
0x424: {  	v24 =	vld [tilespmem:s28+$0x1A0]  }
0x425: {  	v25 =	vld [tilespmem:s28+$0x110]  }
0x426: {  	v26 =	vld [tilespmem:s28+$0x160]  }
0x427: {  	v27 =	vld [tilespmem:s28+$0xD0]  }
0x428: {  	[tilespmem:$0x1FC30] =	vst v0;
	v0 =	vld [tilespmem:s28+$0x350]  }
0x429: {  	v28 =	vld [tilespmem:s28+$0x120]  }
0x42a: {  	v29 =	vld [tilespmem:s28+$0x90]  }
0x42b: {  	v30 =	vld [tilespmem:s28+$0xE0]  }
0x42c: {  	v31 =	vld [tilespmem:s28+$0x50]  }
0x42d: {  	[tilespmem:$0x1FC20] =	vst v0;
	v0 =	vld [tilespmem:s28+$0x3A0]  }
0x42e: {  	v60 =	vld [tilespmem:s28+$0xA0]  }
0x42f: {  	v61 =	vld [tilespmem:s28+$0x10]  }
0x430: {  	v62 =	vld [tilespmem:s28+$0x60]  }
0x431: {  	v63 =	vld [tilespmem:s28+$0xFFFFFFD0]  }
0x432: {  	[tilespmem:$0x1FC10] =	vst v0;
	v0 =	vld [tilespmem:s28+$0x310]  }
0x433: {  	v2 =	vld [tilespmem:s28+$0xFFFFFBB0]  }
0x434: {  	v1 =	vld [tilespmem:s28+$0xFFFFFBA0]  }
0x435: {  	v13 =	vld [tilespmem:s28+$0xFFFFFFB0]  }
0x436: {  	v12 =	vld [tilespmem:s28+$0xFFFFFF90]  }
0x437: {  	[tilespmem:$0x1FC00] =	vst v0;
	v0 =	vld [tilespmem:s28+$0x360]  }
0x438: {  	v11 =	vld [tilespmem:s28+$0xFFFFFF70]  }
0x439: {  	v10 =	vld [tilespmem:s28+$0xFFFFFF50]  }
0x43a: {  	v9 =	vld [tilespmem:s28+$0xFFFFFF30]  }
0x43b: {  	v8 =	vld [tilespmem:s28+$0xFFFFFF10]  }
0x43c: {  	[tilespmem:$0x1FBF0] =	vst v0;
	v0 =	vld [tilespmem:s28+$0x2D0]  }
0x43d: {  	v7 =	vld [tilespmem:s28+$0xFFFFFEF0]  }
0x43e: {  	v6 =	vld [tilespmem:s28+$0xFFFFFED0]  }
0x43f: {  	v4 =	vld [tilespmem:s28+$0xFFFFFEE0]  }
0x440: {  	v5 =	vld [tilespmem:s28+$0xFFFFFEB0]  }
0x441: {  	[tilespmem:$0x1FBE0] =	vst v0;
	v0 =	vld [tilespmem:s28+$0x320]  }
0x442: {  	v3 =	vld [tilespmem:s28+$0xFFFFFE50]  }
0x443: {  	v1 =	vadd.f32 v34, v1;
	v34 =	vld [tilespmem:s28+$0xFFFFFE70]  }
0x444: {  	v32 =	vadd.f32 v32, v36;
	v36 =	vld [tilespmem:s28+$0xFFFFFE30];
	v2 =	vadd.f32 v35, v2  }
0x445: {  	v35 =	vld [tilespmem:s28+$0xFFFFFE20]  }
0x446: {  	v2 =	vadd.f32 v40, v2;
	[tilespmem:$0x1FBD0] =	vst v0;
	v0 =	vld [tilespmem:s28+$0x290]  }
0x447: {  	v32 =	vadd.f32 v37, v32;
	v37 =	vld [tilespmem:s28+$0xFFFFFDF0]  }
0x448: {  	v1 =	vadd.f32 v39, v1;
	v39 =	vld [tilespmem:s28+$0xFFFFFDB0];
	v2 =	vadd.f32 v44, v2  }
0x449: {  	v40 =	vld [tilespmem:s28+$0xFFFFFDA0]  }
0x44a: {  	v2 =	vadd.f32 v48, v2;
	v48 =	vld [tilespmem:s28+$0xFFFFFD70]  }
0x44b: {  	v32 =	vadd.f32 v41, v32;
	[tilespmem:$0x1FBC0] =	vst v0;
	v0 =	vld [tilespmem:s28+$0xFFFFFB90]  }
0x44c: {  	v1 =	vadd.f32 v43, v1;
	v43 =	vld [tilespmem:s28+$0xFFFFFEC0];
	v2 =	vadd.f32 v52, v2  }
0x44d: {  	v44 =	vld [tilespmem:s28+$0xFFFFFF60];
	v32 =	vadd.f32 v45, v32  }
0x44e: {  	v41 =	vld [tilespmem:s28+$0x330];
	v2 =	vadd.f32 v56, v2  }
0x44f: {  	v1 =	vadd.f32 v47, v1;
	v47 =	vld [tilespmem:s28+$0xFFFFFF40];
	v32 =	vadd.f32 v49, v32  }
0x450: {  	v49 =	vld [tilespmem:s28+$0xFFFFFD90];
	v2 =	vadd.f32 v48, v2;
	v0 =	vadd.f32 v33, v0  }
0x451: {  	v1 =	vadd.f32 v51, v1;
	v51 =	vld [tilespmem:s28+$0xFFFFFDD0]  }
0x452: {  	v52 =	vld [tilespmem:s28+$0xFFFFFDC0];
	v2 =	vadd.f32 v39, v2;
	v0 =	vadd.f32 v38, v0  }
0x453: {  	v1 =	vadd.f32 v55, v1;
	v32 =	vadd.f32 v53, v32;
	v53 =	vld [tilespmem:s28+$0xFFFFFE60]  }
0x454: {  	v55 =	vld [tilespmem:s28+$0xFFFFFEA0];
	v2 =	vadd.f32 v37, v2;
	v0 =	vadd.f32 v42, v0  }
0x455: {  	v56 =	vld [tilespmem:s28+$0xFFFFFE40];
	v32 =	vadd.f32 v57, v32  }
0x456: {  	v57 =	vld [tilespmem:s28+$0xFFFFFE90];
	v2 =	vadd.f32 v36, v2;
	v0 =	vadd.f32 v46, v0  }
0x457: {  	v38 =	vld [tilespmem:s28+$0xFFFFFDE0]  }
0x458: {  	v2 =	vadd.f32 v34, v2;
	v0 =	vadd.f32 v50, v0;
	v50 =	vld [tilespmem:s28+$0xFFFFFD80]  }
0x459: {  	v1 =	vadd.f32 v59, v1;
	v59 =	vld [tilespmem:s28+$0xFFFFFF20]  }
0x45a: {  	v48 =	vld [tilespmem:s28+$0xFFFFFFE0];
	v2 =	vadd.f32 v5, v2;
	v0 =	vadd.f32 v54, v0  }
0x45b: {  	v1 =	vadd.f32 v40, v1;
	v39 =	vld [tilespmem:s28+$0x2F0]  }
0x45c: {  	v2 =	vadd.f32 v7, v2;
	v54 =	vld [tilespmem:s28+$0xFFFFFE00];
	v0 =	vadd.f32 v58, v0  }
0x45d: {  	v33 =	vld [tilespmem:s28+$0xFFFFFE10];
	v1 =	vadd.f32 v38, v1;
	v32 =	vadd.f32 v50, v32  }
0x45e: {  	v40 =	vld [tilespmem:s28+$0x300];
	v2 =	vadd.f32 v9, v2;
	v0 =	vadd.f32 v49, v0  }
0x45f: {  	v37 =	vld [tilespmem:s28+$0x2B0];
	v1 =	vadd.f32 v35, v1;
	v32 =	vadd.f32 v52, v32  }
0x460: {  	v2 =	vadd.f32 v11, v2;
	v58 =	vld [tilespmem:s28+$0xFFFFFE80];
	v0 =	vadd.f32 v51, v0  }
0x461: {  	v36 =	vld [tilespmem:s28+$0x280];
	v1 =	vadd.f32 v53, v1;
	v32 =	vadd.f32 v54, v32  }
0x462: {  	v34 =	vld [tilespmem:s28+$0x240];
	v2 =	vadd.f32 v13, v2;
	v0 =	vadd.f32 v33, v0  }
0x463: {  	v13 =	vld [tilespmem:s28+$0x170];
	v1 =	vadd.f32 v55, v1;
	v32 =	vadd.f32 v56, v32  }
0x464: {  	v0 =	vadd.f32 v3, v0;
	v3 =	vld [tilespmem:s28+$0xFFFFFF00]  }
0x465: {  	v42 =	vld [tilespmem:$0x1FBC0];
	v1 =	vadd.f32 v4, v1;
	v45 =	vadd.f32 v58, v32  }
0x466: {  	v46 =	vld [tilespmem:s28+$0xFFFFFFA0]  }
0x467: {  	v38 =	vld [tilespmem:s28+$0x2C0];
	v1 =	vadd.f32 v59, v1;
	v4 =	vadd.f32 v43, v45  }
0x468: {  	v49 =	vld [tilespmem:s28+$0xFFFFFF80]  }
0x469: {  	v50 =	vld [tilespmem:s28+$0x20];
	v1 =	vadd.f32 v44, v1;
	v3 =	vadd.f32 v3, v4  }
0x46a: {  	v51 =	vld [tilespmem:s28+$0xFFFFFFC0];
	v0 =	vadd.f32 v57, v0  }
0x46b: {  	v35 =	vld [tilespmem:s28+$0x270];
	v1 =	vadd.f32 v46, v1;
	v3 =	vadd.f32 v47, v3  }
0x46c: {  	v53 =	vld [tilespmem:s28+$0x0];
	v0 =	vadd.f32 v6, v0  }
0x46d: {  	v55 =	vld [tilespmem:s28+$0x40];
	v1 =	vadd.f32 v48, v1;
	v3 =	vadd.f32 v49, v3  }
0x46e: {  	v52 =	vld [tilespmem:s28+$0xFFFFFFF0];
	v0 =	vadd.f32 v8, v0  }
0x46f: {  	v54 =	vld [tilespmem:s28+$0x30];
	v1 =	vadd.f32 v50, v1;
	v3 =	vadd.f32 v51, v3  }
0x470: {  	v57 =	vld [tilespmem:s28+$0x80];
	v0 =	vadd.f32 v10, v0  }
0x471: {  	v59 =	vld [tilespmem:s28+$0xC0];
	v1 =	vadd.f32 v62, v1;
	v3 =	vadd.f32 v53, v3  }
0x472: {  	v33 =	vld [tilespmem:s28+$0x230];
	v0 =	vadd.f32 v12, v0  }
0x473: {  	v56 =	vld [tilespmem:s28+$0x70];
	v1 =	vadd.f32 v60, v1;
	v3 =	vadd.f32 v55, v3  }
0x474: {  	v2 =	vadd.f32 v52, v2;
	v62 =	vld [tilespmem:s28+$0x100];
	v0 =	vadd.f32 v63, v0  }
0x475: {  	v58 =	vld [tilespmem:s28+$0xB0];
	v1 =	vadd.f32 v30, v1;
	v3 =	vadd.f32 v57, v3  }
0x476: {  	v2 =	vadd.f32 v54, v2;
	v12 =	vld [tilespmem:s28+$0x140];
	v0 =	vadd.f32 v61, v0  }
0x477: {  	v1 =	vadd.f32 v28, v1;
	v61 =	vld [tilespmem:s28+$0xF0];
	v3 =	vadd.f32 v59, v3  }
0x478: {  	v2 =	vadd.f32 v56, v2;
	v28 =	vld [tilespmem:s28+$0x180];
	v0 =	vadd.f32 v31, v0  }
0x479: {  	v63 =	vld [tilespmem:s28+$0x130];
	v1 =	vadd.f32 v26, v1;
	v3 =	vadd.f32 v62, v3  }
0x47a: {  	v2 =	vadd.f32 v58, v2;
	v30 =	vld [tilespmem:s28+$0x1C0];
	v0 =	vadd.f32 v29, v0  }
0x47b: {  	v44 =	vld [tilespmem:$0x1FBD0];
	v1 =	vadd.f32 v24, v1;
	v3 =	vadd.f32 v12, v3  }
0x47c: {  	v32 =	vld [tilespmem:s28+$0x200];
	v2 =	vadd.f32 v61, v2;
	v0 =	vadd.f32 v27, v0  }
0x47d: {  	v29 =	vld [tilespmem:s28+$0x1B0];
	v1 =	vadd.f32 v22, v1;
	v3 =	vadd.f32 v28, v3  }
0x47e: {  	v52 =	vld [tilespmem:$0x1FC10];
	v2 =	vadd.f32 v63, v2;
	v0 =	vadd.f32 v25, v0  }
0x47f: {  	v31 =	vld [tilespmem:s28+$0x1F0];
	v1 =	vadd.f32 v20, v1;
	v3 =	vadd.f32 v30, v3  }
0x480: {  	v46 =	vld [tilespmem:$0x1FBE0];
	v2 =	vadd.f32 v13, v2;
	v0 =	vadd.f32 v23, v0  }
0x481: {  	v54 =	vld [tilespmem:$0x1FC20];
	v1 =	vadd.f32 v18, v1;
	v3 =	vadd.f32 v32, v3  }
0x482: {  	v43 =	vld [tilespmem:s28+$0x340];
	v2 =	vadd.f32 v29, v2;
	v0 =	vadd.f32 v21, v0  }
0x483: {  	v45 =	vld [tilespmem:s28+$0x370];
	v1 =	vadd.f32 v16, v1;
	v3 =	vadd.f32 v34, v3  }
0x484: {  	v48 =	vld [tilespmem:$0x1FBF0];
	v2 =	vadd.f32 v31, v2;
	v0 =	vadd.f32 v19, v0  }
0x485: {  	v56 =	vld [tilespmem:$0x1FC30];
	v1 =	vadd.f32 v14, v1;
	v3 =	vadd.f32 v36, v3  }
0x486: {  	v50 =	vld [tilespmem:$0x1FC00];
	v2 =	vadd.f32 v33, v2;
	v0 =	vadd.f32 v17, v0  }
0x487: {  	v58 =	vld [tilespmem:$0x1FC40];
	v1 =	vadd.f32 v44, v1;
	v3 =	vadd.f32 v38, v3  }
0x488: {  	v47 =	vld [tilespmem:s28+$0x380];
	v2 =	vadd.f32 v35, v2;
	v0 =	vadd.f32 v15, v0  }
0x489: {  	v60 =	vld [tilespmem:$0x1FC50];
	v1 =	vadd.f32 v48, v1;
	v3 =	vadd.f32 v40, v3  }
0x48a: {  	v51 =	vld [tilespmem:s28+$0x3C0];
	v2 =	vadd.f32 v37, v2;
	v0 =	vadd.f32 v42, v0  }
0x48b: {  	v55 =	vld [tilespmem:s28+$0x400];
	v1 =	vadd.f32 v52, v1;
	v3 =	vadd.f32 v43, v3  }
0x48c: {  	v63 =	vld [tilespmem:$0x1FC70];
	v2 =	vadd.f32 v39, v2;
	v0 =	vadd.f32 v46, v0  }
0x48d: {  	v49 =	vld [tilespmem:s28+$0x3B0];
	v1 =	vadd.f32 v56, v1;
	v3 =	vadd.f32 v47, v3  }
0x48e: {  	v53 =	vld [tilespmem:s28+$0x3F0];
	v2 =	vadd.f32 v41, v2;
	v0 =	vadd.f32 v50, v0  }
0x48f: {  	v62 =	vld [tilespmem:$0x1FC60];
	v1 =	vadd.f32 v60, v1;
	v3 =	vadd.f32 v51, v3  }
0x490: {  	v57 =	vld [tilespmem:s28+$0x430];
	v2 =	vadd.f32 v45, v2;
	v0 =	vadd.f32 v54, v0  }
0x491: {  	v6 =	vadd.f32 v63, v1;
	v1 =	vadd.f32 v55, v3;
	v3 =	vld [tilespmem:$0x1FC80]  }
0x492: {  	v2 =	vadd.f32 v49, v2;
	v0 =	vadd.f32 v58, v0;
	_ =	sdelay $0x1  }
0x493: {  	v59 =	vld [tilespmem:s28+$0x440];
	v2 =	vadd.f32 v53, v2;
	v0 =	vadd.f32 v62, v0  }
0x494: {  	v61 =	vld [tilespmem:s28+$0x470]  }
0x495: {  	v0 =	vadd.f32 v3, v0;
	v3 =	vadd.f32 v57, v2;
	v2 =	vld [tilespmem:$0x1FC90];
	_ =	sdelay $0x3  }
0x496: {  	s0 =	simm.s32 $0x0;
	v1 =	vadd.f32 v59, v1  }
0x497: {  	s29 =	simm.s32 $0x100;
	[tilespmem:s0+$0x16E20] =	vst v6;
	v2 =	vadd.f32 v2, v0;
	v0 =	vadd.f32 v61, v3  }
.LBB2_9:
0x498: {  	[tilespmem:s0+$0x16E00] =	vst v1  }
0x499: {  	[tilespmem:s0+$0x16E10] =	vst v2  }
0x49a: {  	s28 =	sadd.s32 $0x900, s28;
	[tilespmem:s0+$0x16E30] =	vst v0  }
0x49b: {  	v0 =	vld [tilespmem:s28+$0xFFFFFBC0]  }
0x49c: {  	v34 =	vld [tilespmem:s28+$0xFFFFFBD0]  }
0x49d: {  	v54 =	vld [tilespmem:s28+$0xFFFFFBE0]  }
0x49e: {  	v57 =	vld [tilespmem:s28+$0xFFFFFBF0]  }
0x49f: {  	v1 =	vld [tilespmem:s28+$0xFFFFFB80]  }
0x4a0: {  	v2 =	vld [tilespmem:s28+$0xFFFFFC00]  }
0x4a1: {  	v36 =	vld [tilespmem:s28+$0xFFFFFC10]  }
0x4a2: {  	v56 =	vld [tilespmem:s28+$0xFFFFFC20]  }
0x4a3: {  	v59 =	vld [tilespmem:s28+$0xFFFFFC30]  }
0x4a4: {  	v39 =	vld [tilespmem:s28+$0xFFFFFC40]  }
0x4a5: {  	v38 =	vld [tilespmem:s28+$0xFFFFFC50]  }
0x4a6: {  	v58 =	vld [tilespmem:s28+$0xFFFFFC60]  }
0x4a7: {  	v61 =	vld [tilespmem:s28+$0xFFFFFC70]  }
0x4a8: {  	v42 =	vld [tilespmem:s28+$0xFFFFFC80]  }
0x4a9: {  	v40 =	vld [tilespmem:s28+$0xFFFFFC90]  }
0x4aa: {  	v60 =	vld [tilespmem:s28+$0xFFFFFCA0]  }
0x4ab: {  	v62 =	vld [tilespmem:s28+$0xFFFFFCB0]  }
0x4ac: {  	v45 =	vld [tilespmem:s28+$0xFFFFFCC0]  }
0x4ad: {  	v41 =	vld [tilespmem:s28+$0xFFFFFCD0]  }
0x4ae: {  	v50 =	vld [tilespmem:s28+$0xFFFFFCE0]  }
0x4af: {  	v63 =	vld [tilespmem:s28+$0xFFFFFCF0]  }
0x4b0: {  	v47 =	vld [tilespmem:s28+$0xFFFFFD00]  }
0x4b1: {  	v43 =	vld [tilespmem:s28+$0xFFFFFD10]  }
0x4b2: {  	v52 =	vld [tilespmem:s28+$0xFFFFFD20]  }
0x4b3: {  	v3 =	vld [tilespmem:s28+$0xFFFFFD30]  }
0x4b4: {  	v48 =	vld [tilespmem:s28+$0xFFFFFD40]  }
0x4b5: {  	v46 =	vld [tilespmem:s28+$0xFFFFFD50]  }
0x4b6: {  	v53 =	vld [tilespmem:s28+$0xFFFFFD60]  }
0x4b7: {  	v4 =	vld [tilespmem:s28+$0x420]  }
0x4b8: {  	v5 =	vld [tilespmem:s28+$0x390]  }
0x4b9: {  	v6 =	vld [tilespmem:s28+$0x3E0]  }
0x4ba: {  	v7 =	vld [tilespmem:s28+$0x350]  }
0x4bb: {  	v8 =	vld [tilespmem:s28+$0x3A0]  }
0x4bc: {  	v9 =	vld [tilespmem:s28+$0x310]  }
0x4bd: {  	v10 =	vld [tilespmem:s28+$0x360]  }
0x4be: {  	v11 =	vld [tilespmem:s28+$0x2D0]  }
0x4bf: {  	v12 =	vld [tilespmem:s28+$0x320]  }
0x4c0: {  	v13 =	vld [tilespmem:s28+$0x290]  }
0x4c1: {  	v14 =	vld [tilespmem:s28+$0x2E0]  }
0x4c2: {  	v15 =	vld [tilespmem:s28+$0x250]  }
0x4c3: {  	v16 =	vld [tilespmem:s28+$0x2A0]  }
0x4c4: {  	v17 =	vld [tilespmem:s28+$0x210]  }
0x4c5: {  	v18 =	vld [tilespmem:s28+$0x260]  }
0x4c6: {  	v19 =	vld [tilespmem:s28+$0x1D0]  }
0x4c7: {  	v20 =	vld [tilespmem:s28+$0x220]  }
0x4c8: {  	v21 =	vld [tilespmem:s28+$0x190]  }
0x4c9: {  	v22 =	vld [tilespmem:s28+$0x1E0]  }
0x4ca: {  	v23 =	vld [tilespmem:s28+$0x150]  }
0x4cb: {  	v24 =	vld [tilespmem:s28+$0x1A0]  }
0x4cc: {  	v25 =	vld [tilespmem:s28+$0x110]  }
0x4cd: {  	v26 =	vld [tilespmem:s28+$0x160]  }
0x4ce: {  	v27 =	vld [tilespmem:s28+$0xD0]  }
0x4cf: {  	v28 =	vld [tilespmem:s28+$0x120]  }
0x4d0: {  	v29 =	vld [tilespmem:s28+$0x90];
	v0 =	vadd.f32 v0, v1  }
0x4d1: {  	v30 =	vld [tilespmem:s28+$0xE0]  }
0x4d2: {  	v44 =	vadd.f32 v2, v0;
	v0 =	vld [tilespmem:s28+$0x450]  }
0x4d3: {  	v31 =	vld [tilespmem:s28+$0x50]  }
0x4d4: {  	v32 =	vld [tilespmem:s28+$0xA0]  }
0x4d5: {  	v33 =	vld [tilespmem:s28+$0x10]  }
0x4d6: {  	v35 =	vld [tilespmem:s28+$0x60]  }
0x4d7: {  	[tilespmem:$0x1FBB0] =	vst v0;
	v0 =	vld [tilespmem:s28+$0x410]  }
0x4d8: {  	v37 =	vld [tilespmem:s28+$0xFFFFFFD0]  }
0x4d9: {  	v49 =	vld [tilespmem:s28+$0xFFFFFFB0]  }
0x4da: {  	v51 =	vld [tilespmem:s28+$0xFFFFFF90]  }
0x4db: {  	v1 =	vld [tilespmem:s28+$0xFFFFFBA0]  }
0x4dc: {  	[tilespmem:$0x1FBA0] =	vst v0;
	v0 =	vld [tilespmem:s28+$0x460]  }
0x4dd: {  	v55 =	vld [tilespmem:s28+$0xFFFFFF70]  }
0x4de: {  	v2 =	vld [tilespmem:s28+$0xFFFFFB90]  }
0x4df: {  	v39 =	vadd.f32 v39, v44;
	v44 =	vld [tilespmem:s28+$0xFFFFFDF0]  }
0x4e0: {  	v1 =	vadd.f32 v54, v1;
	v54 =	vld [tilespmem:s28+$0xFFFFFF30]  }
0x4e1: {  	[tilespmem:$0x1FB90] =	vst v0;
	v0 =	vld [tilespmem:s28+$0x3D0]  }
0x4e2: {  	v39 =	vadd.f32 v42, v39;
	v42 =	vld [tilespmem:s28+$0xFFFFFDB0]  }
0x4e3: {  	v1 =	vadd.f32 v56, v1;
	v56 =	vld [tilespmem:s28+$0xFFFFFEF0]  }
0x4e4: {  	v2 =	vadd.f32 v34, v2;
	v34 =	vld [tilespmem:s28+$0xFFFFFE10]  }
0x4e5: {  	v39 =	vadd.f32 v45, v39;
	v45 =	vld [tilespmem:s28+$0xFFFFFD70]  }
0x4e6: {  	v1 =	vadd.f32 v58, v1;
	[tilespmem:$0x1FB80] =	vst v0;
	v0 =	vld [tilespmem:s28+$0xFFFFFBB0]  }
0x4e7: {  	v58 =	vld [tilespmem:s28+$0xFFFFFEE0];
	v2 =	vadd.f32 v36, v2  }
0x4e8: {  	v36 =	vld [tilespmem:s28+$0xFFFFFE20];
	v1 =	vadd.f32 v60, v1  }
0x4e9: {  	v39 =	vadd.f32 v47, v39;
	v47 =	vld [tilespmem:s28+$0xFFFFFD80];
	v2 =	vadd.f32 v38, v2  }
0x4ea: {  	v60 =	vld [tilespmem:s28+$0xFFFFFEB0];
	v1 =	vadd.f32 v50, v1  }
0x4eb: {  	v2 =	vadd.f32 v40, v2;
	v40 =	vld [tilespmem:s28+$0xFFFFFDA0];
	v0 =	vadd.f32 v57, v0  }
0x4ec: {  	v38 =	vld [tilespmem:s28+$0xFFFFFDE0];
	v39 =	vadd.f32 v48, v39;
	v1 =	vadd.f32 v52, v1  }
0x4ed: {  	v48 =	vld [tilespmem:s28+$0xFFFFFE40];
	v2 =	vadd.f32 v41, v2;
	v0 =	vadd.f32 v59, v0  }
0x4ee: {  	v41 =	vld [tilespmem:s28+$0xFFFFFD90];
	v1 =	vadd.f32 v53, v1  }
0x4ef: {  	v52 =	vld [tilespmem:s28+$0xFFFFFDC0];
	v2 =	vadd.f32 v43, v2;
	v0 =	vadd.f32 v61, v0  }
0x4f0: {  	v50 =	vld [tilespmem:s28+$0xFFFFFDD0];
	v1 =	vadd.f32 v40, v1  }
0x4f1: {  	v2 =	vadd.f32 v46, v2;
	v46 =	vld [tilespmem:s28+$0xFFFFFE00];
	v0 =	vadd.f32 v62, v0  }
0x4f2: {  	v39 =	vadd.f32 v47, v39;
	v53 =	vld [tilespmem:s28+$0xFFFFFE60];
	v1 =	vadd.f32 v38, v1  }
0x4f3: {  	v47 =	vld [tilespmem:s28+$0xFFFFFEA0];
	v2 =	vadd.f32 v41, v2;
	v0 =	vadd.f32 v63, v0  }
0x4f4: {  	v39 =	vadd.f32 v52, v39;
	v52 =	vld [tilespmem:s28+$0xFFFFFE80];
	v1 =	vadd.f32 v36, v1  }
0x4f5: {  	v2 =	vadd.f32 v50, v2;
	v50 =	vld [tilespmem:s28+$0xFFFFFE90];
	v0 =	vadd.f32 v3, v0  }
0x4f6: {  	v38 =	vadd.f32 v46, v39;
	v46 =	vld [tilespmem:s28+$0xFFFFFFA0]  }
0x4f7: {  	v1 =	vadd.f32 v53, v1;
	v53 =	vld [tilespmem:s28+$0xFFFFFF20];
	v0 =	vadd.f32 v45, v0  }
0x4f8: {  	v3 =	vld [tilespmem:s28+$0xFFFFFE30]  }
0x4f9: {  	v36 =	vadd.f32 v48, v38;
	v48 =	vld [tilespmem:s28+$0xFFFFFFE0];
	v0 =	vadd.f32 v42, v0  }
0x4fa: {  	v62 =	vld [tilespmem:s28+$0xFFFFFE70]  }
0x4fb: {  	v57 =	vld [tilespmem:s28+$0xFFFFFF50];
	v0 =	vadd.f32 v44, v0  }
0x4fc: {  	v63 =	vld [tilespmem:s28+$0xFFFFFE50]  }
0x4fd: {  	v0 =	vadd.f32 v3, v0;
	v3 =	vld [tilespmem:s28+$0xFFFFFEC0]  }
0x4fe: {  	v1 =	vadd.f32 v47, v1;
	v45 =	vld [tilespmem:s28+$0xFFFFFF00]  }
0x4ff: {  	v2 =	vadd.f32 v34, v2;
	v44 =	vld [tilespmem:s28+$0xFFFFFF60];
	v0 =	vadd.f32 v62, v0  }
0x500: {  	v36 =	vadd.f32 v52, v36;
	v1 =	vadd.f32 v58, v1;
	v61 =	vld [tilespmem:s28+$0xFFFFFED0]  }
0x501: {  	v47 =	vld [tilespmem:s28+$0xFFFFFF40];
	v2 =	vadd.f32 v63, v2;
	v0 =	vadd.f32 v60, v0  }
0x502: {  	v59 =	vld [tilespmem:s28+$0xFFFFFF10];
	v1 =	vadd.f32 v53, v1;
	v3 =	vadd.f32 v3, v36  }
0x503: {  	v2 =	vadd.f32 v50, v2;
	v50 =	vld [tilespmem:s28+$0xFFFFFF80];
	v0 =	vadd.f32 v56, v0  }
0x504: {  	v52 =	vld [tilespmem:s28+$0x20];
	v1 =	vadd.f32 v44, v1;
	v3 =	vadd.f32 v45, v3  }
0x505: {  	v53 =	vld [tilespmem:s28+$0xFFFFFFC0];
	v2 =	vadd.f32 v61, v2;
	v0 =	vadd.f32 v54, v0  }
0x506: {  	v43 =	vld [tilespmem:s28+$0x240];
	v1 =	vadd.f32 v46, v1;
	v3 =	vadd.f32 v47, v3  }
0x507: {  	v2 =	vadd.f32 v59, v2;
	v0 =	vadd.f32 v55, v0;
	v55 =	vld [tilespmem:s28+$0x0]  }
0x508: {  	v40 =	vld [tilespmem:s28+$0x1F0];
	v1 =	vadd.f32 v48, v1;
	v3 =	vadd.f32 v50, v3  }
0x509: {  	v2 =	vadd.f32 v57, v2;
	v57 =	vld [tilespmem:s28+$0x40]  }
0x50a: {  	v54 =	vld [tilespmem:s28+$0xFFFFFFF0];
	v1 =	vadd.f32 v52, v1;
	v3 =	vadd.f32 v53, v3  }
0x50b: {  	v59 =	vld [tilespmem:s28+$0x80]  }
0x50c: {  	v56 =	vld [tilespmem:s28+$0x30];
	v1 =	vadd.f32 v35, v1;
	v3 =	vadd.f32 v55, v3  }
0x50d: {  	v61 =	vld [tilespmem:s28+$0xC0];
	v2 =	vadd.f32 v51, v2;
	v0 =	vadd.f32 v49, v0  }
0x50e: {  	v58 =	vld [tilespmem:s28+$0x70];
	v1 =	vadd.f32 v32, v1;
	v3 =	vadd.f32 v57, v3  }
0x50f: {  	v63 =	vld [tilespmem:s28+$0x100];
	v2 =	vadd.f32 v37, v2;
	v0 =	vadd.f32 v54, v0  }
0x510: {  	v60 =	vld [tilespmem:s28+$0xB0];
	v1 =	vadd.f32 v30, v1;
	v3 =	vadd.f32 v59, v3  }
0x511: {  	v2 =	vadd.f32 v33, v2;
	v35 =	vld [tilespmem:s28+$0x140];
	v0 =	vadd.f32 v56, v0  }
0x512: {  	v62 =	vld [tilespmem:s28+$0xF0];
	v1 =	vadd.f32 v28, v1;
	v3 =	vadd.f32 v61, v3  }
0x513: {  	v37 =	vld [tilespmem:s28+$0x180];
	v2 =	vadd.f32 v31, v2;
	v0 =	vadd.f32 v58, v0  }
0x514: {  	v34 =	vld [tilespmem:s28+$0x130];
	v1 =	vadd.f32 v26, v1;
	v3 =	vadd.f32 v63, v3  }
0x515: {  	v39 =	vld [tilespmem:s28+$0x1C0];
	v2 =	vadd.f32 v29, v2;
	v0 =	vadd.f32 v60, v0  }
0x516: {  	v36 =	vld [tilespmem:s28+$0x170];
	v1 =	vadd.f32 v24, v1;
	v3 =	vadd.f32 v35, v3  }
0x517: {  	v41 =	vld [tilespmem:s28+$0x200];
	v2 =	vadd.f32 v27, v2;
	v0 =	vadd.f32 v62, v0  }
0x518: {  	v38 =	vld [tilespmem:s28+$0x1B0];
	v1 =	vadd.f32 v22, v1;
	v3 =	vadd.f32 v37, v3  }
0x519: {  	v42 =	vld [tilespmem:s28+$0x230];
	v2 =	vadd.f32 v25, v2;
	v0 =	vadd.f32 v34, v0  }
0x51a: {  	v44 =	vld [tilespmem:s28+$0x270];
	v1 =	vadd.f32 v20, v1;
	v3 =	vadd.f32 v39, v3  }
0x51b: {  	v45 =	vld [tilespmem:s28+$0x280];
	v2 =	vadd.f32 v23, v2;
	v0 =	vadd.f32 v36, v0  }
0x51c: {  	v46 =	vld [tilespmem:s28+$0x2B0];
	v1 =	vadd.f32 v18, v1;
	v3 =	vadd.f32 v41, v3  }
0x51d: {  	v47 =	vld [tilespmem:s28+$0x2C0];
	v2 =	vadd.f32 v21, v2;
	v0 =	vadd.f32 v38, v0  }
0x51e: {  	v51 =	vld [tilespmem:s28+$0x340];
	v1 =	vadd.f32 v16, v1;
	v3 =	vadd.f32 v43, v3  }
0x51f: {  	v49 =	vld [tilespmem:s28+$0x300];
	v2 =	vadd.f32 v19, v2;
	v0 =	vadd.f32 v40, v0  }
0x520: {  	v48 =	vld [tilespmem:s28+$0x2F0];
	v1 =	vadd.f32 v14, v1;
	v3 =	vadd.f32 v45, v3  }
0x521: {  	v52 =	vld [tilespmem:s28+$0x370];
	v2 =	vadd.f32 v17, v2;
	v0 =	vadd.f32 v42, v0  }
0x522: {  	v50 =	vld [tilespmem:s28+$0x330];
	v1 =	vadd.f32 v12, v1;
	v3 =	vadd.f32 v47, v3  }
0x523: {  	v53 =	vld [tilespmem:s28+$0x380];
	v2 =	vadd.f32 v15, v2;
	v0 =	vadd.f32 v44, v0  }
0x524: {  	v54 =	vld [tilespmem:s28+$0x3B0];
	v1 =	vadd.f32 v10, v1;
	v3 =	vadd.f32 v49, v3  }
0x525: {  	v55 =	vld [tilespmem:s28+$0x3C0];
	v2 =	vadd.f32 v13, v2;
	v0 =	vadd.f32 v46, v0  }
0x526: {  	v57 =	vld [tilespmem:s28+$0x400];
	v1 =	vadd.f32 v8, v1;
	v3 =	vadd.f32 v51, v3  }
0x527: {  	v62 =	vld [tilespmem:$0x1FB90];
	v2 =	vadd.f32 v11, v2;
	v0 =	vadd.f32 v48, v0  }
0x528: {  	v56 =	vld [tilespmem:s28+$0x3F0];
	v1 =	vadd.f32 v6, v1;
	v3 =	vadd.f32 v53, v3  }
0x529: {  	v59 =	vld [tilespmem:s28+$0x440];
	v2 =	vadd.f32 v9, v2;
	v0 =	vadd.f32 v50, v0  }
0x52a: {  	v60 =	vld [tilespmem:$0x1FB80];
	v1 =	vadd.f32 v4, v1;
	v3 =	vadd.f32 v55, v3  }
0x52b: {  	v58 =	vld [tilespmem:s28+$0x430];
	v2 =	vadd.f32 v7, v2;
	v0 =	vadd.f32 v52, v0  }
0x52c: {  	s1 =	smov.u32 s29;
	v63 =	vld [tilespmem:$0x1FBA0];
	v1 =	vadd.f32 v62, v1;
	v3 =	vadd.f32 v57, v3  }
0x52d: {  	s0 =	sshra.s32 s1, $0x2;
	v61 =	vld [tilespmem:s28+$0x470];
	v2 =	vadd.f32 v5, v2;
	v0 =	vadd.f32 v54, v0  }
0x52e: {  	p0 =	sne.s32 s29, $0x700;
	[tilespmem:s0+$0x16E20] =	vst v1;
	v1 =	vadd.f32 v59, v3;
	v3 =	vld [tilespmem:$0x1FBB0]  }
.Ltmp3:
0x52f: {  	v2 =	vadd.f32 v60, v2;
	v0 =	vadd.f32 v56, v0;
	(pc) =	sbr.rel @p0 .LBB2_9-.Ltmp3, $3  }
0x530: {  	_ = 	snop  }
0x531: {  	v2 =	vadd.f32 v63, v2;
	v0 =	vadd.f32 v58, v0;
	_ =	sdelay $0x1  }
0x532: {  	s29 =	sadd.s32 $0x100, s29;
	v0 =	vadd.f32 v61, v0;
	v2 =	vadd.f32 v3, v2  }
0x533: {  	[tilespmem:s0+$0x16E00] =	vst v1;
	s25 =	sadd.s32 $0x1, s25  }
0x534: {  	s1 =	sshll.u32 s26, $0x6;
	[tilespmem:s0+$0x16E10] =	vst v2;
	p0 =	sne.s32 s25, $0x10  }
.Ltmp4:
0x535: {  	[tilespmem:s0+$0x16E30] =	vst v0;
	s31 =	sadd.s32 s1, s7;
	(pc) =	sbr.rel @p0 .LBB2_2-.Ltmp4, $4  }
0x536: {  	[hbm4b:s31+s3] =	stream.linear.scatter [tilespmem:s23], [sflag:$0x5], $0x200, $0x38;
	[tilespmem:$0x17000] =	vst v63  }
0x537: {  	_ =	swait.ge [sflag:s9], $0x200  }
0x538: {  	[sflag:s9] =	ssyncset.done $0x0  }
0x539: {  	[sflag:s9] =	ssyncadd.s32 $0xFFFFFE00  }
0x53a: {  	s24 =	sadd.s32 $0x1, s24  }
0x53b: {  	p0 =	sne.s32 s24, s8  }
.Ltmp5:
0x53c: {  	_ = 	snop;
	(pc) =	sbr.rel @p0 .LBB2_1-.Ltmp5, $1  }
0x53d: {  	_ =	sdelay $0x3  }
0x53e: {  	_ =	sfence.sel $0x180000  }
0x53f: {  	[bflag:$0x0] =	sbarrier.arrive $0xFFFF  }
0x540: {  	_ =	strace $0x90000047  }
0x541: {  	s0 =	stileid.u32;
	[bflag:$0x2] =	sbarrier.arrive $0xFFFF  }
0x542: {  	p0 =	sne.s32 s0, $0x0;
	s0 =	rddreg [dreg:$0x2]  }
0x543: {  	s0 =	sadd.s32 @!p0 $0x100000, s0  }
0x544: {  	[sflag:s0] =	ssyncadd.tile.s32 @!p0 $0x1;
	_ =	shalt  }
.Lfunc_end2:
_tile_overlayer_lowered:
.L_overlay_start_2:
0x545: {  	(tag) =	ssettag $0x2  }
0x546: {  	s0 =	rddreg [dreg:$0x0];
	s2 =	stileid.u32  }
0x547: {  	s1 =	rddreg [dreg:$0x1];
	p0 =	sne.s32 s2, $0x0  }
0x548: {  	s3 =	rddreg [dreg:$0x2];
	[bflag:$0x3] =	sbarrier.arrive $0xFFFF;
	s2 =	simm.s32 @!p0 $0x1C05  }
0x549: {  	[timem:s3], [sflag:s2] =	dma.local @!p0 [hbm:s0], s1  }
0x54a: {  	s0 =	simm.s32 @!p0 $0x5  }
0x54b: {  	_ =	swait.ge @!p0 [sflag:s0], s1  }
0x54c: {  	s1 =	ssub.s32 @!p0 $0x0, s1;
	[sflag:s0] =	ssyncset.done @!p0 $0x0  }
0x54d: {  	[sflag:s0] =	ssyncadd.s32 @!p0 s1  }
0x54e: {  	[bflag:$0x3] =	sbarrier.arrive $0xFFFF  }
0x54f: {  	_ =	shalt  }

</sc_bundles>
